<compile_context>
chip_gen: v7x
topology: tpu7x:2x2x1
jax: 0.10.2.dev20260603
libtpu: 0.0.44.dev20260713+nightly
codegen_flags: <defaults>
</compile_context>

<pallas_src>
import functools

import jax
import jax.numpy as jnp
from jax import lax
from jax.experimental import pallas as pl
from jax.experimental.pallas import tpu as pltpu
from jax.experimental.pallas import tpu_sc as plsc

N = 10000
E = 160000
D = 256
HALF = D // 2

NC = 2
NS = 16
ET = E // NS
CB = 80
ETP = 10000
CK = ETP // CB
NP = 10000
NRA = 632
NRB = NP - (NS - 1) * NRA

@functools.cache
def _get_segsum_call():
    mesh = plsc.VectorSubcoreMesh(core_axis_name="c", subcore_axis_name="s",
                                  num_cores=NC, num_subcores=NS)
    return pl.kernel(
        _segsum_body,
        out_type=jax.ShapeDtypeStruct((NC, NP, HALF), jnp.float32),
        mesh=mesh,
        scratch_types=[
            pltpu.VMEM((ETP,), jnp.int32),
            pltpu.VMEM((ETP,), jnp.int32),
            pltpu.VMEM((3, CB, HALF), jnp.float32),
            pltpu.VMEM_SHARED((NP, HALF), jnp.float32),
            pltpu.SemaphoreType.DMA((3,)),
        ],
    )


def _segsum_body(x2_hbm, idx2_hbm, dst_hbm, out_hbm,
                 idx_v, dst_v, rows_v, acc, sems):
    c = lax.axis_index("c")
    s = lax.axis_index("s")

    pltpu.sync_copy(idx2_hbm.at[c, s], idx_v)
    pltpu.sync_copy(dst_hbm.at[s], dst_v)

    nrs = jnp.where(s < NS - 1, NRA, NRB)
    start = s * NRA

    def _zero_row(i, carry):
        for j in range(HALF // 16):
            rows_v[0, i, 16 * j:16 * (j + 1)] = jnp.zeros((16,), jnp.float32)
        return carry
    lax.fori_loop(0, CB, _zero_row, 0)

    def _ranged_copy(body):
        for off in range(0, NRA, CB):
            @pl.when(off + CB <= nrs)
            def _():
                body(off, CB)
        @pl.when(s < NS - 1)
        def _():
            body((NRA // CB) * CB, NRA % CB)
        @pl.when(s == NS - 1)
        def _():
            body((NRB // CB) * CB, NRB % CB)

    _ranged_copy(lambda off, n: pltpu.sync_copy(
        rows_v.at[0, pl.ds(0, n)], acc.at[pl.ds(start + off, n)]))
    plsc.subcore_barrier()

    for p in range(2):
        pltpu.async_copy(x2_hbm.at[idx_v.at[pl.ds(p * CB, CB)]],
                         rows_v.at[p], sems.at[p])

    def _chunk(k, carry):
        @pl.when(k + 2 < CK)
        def _():
            pltpu.async_copy(x2_hbm.at[idx_v.at[pl.ds((k + 2) * CB, CB)]],
                             rows_v.at[(k + 2) % 3], sems.at[(k + 2) % 3])

        pltpu.make_async_copy(x2_hbm.at[idx_v.at[pl.ds(k * CB, CB)]],
                              rows_v.at[k % 3], sems.at[k % 3]).wait()
        pltpu.sync_copy(rows_v.at[k % 3], acc.at[dst_v.at[pl.ds(k * CB, CB)]],
                        add=True)
        return carry

    lax.fori_loop(0, CK, _chunk, 0)
    plsc.subcore_barrier()

    _ranged_copy(lambda off, n: pltpu.sync_copy(
        acc.at[pl.ds(start + off, n)], out_hbm.at[c, pl.ds(start + off, n)]))


def _mlp_body(add_residual, fuse_head, x_ref, agg_ref, Wa_ref, ba_ref,
              Wb_ref, bb_ref, g_ref, be_ref, *rest):
    if fuse_head:
        Wh1_ref, bh1_ref, Wh2_ref, bh2_ref, out_ref = rest
    else:
        (out_ref,) = rest
    xb = x_ref[...]
    h0 = xb + jnp.concatenate([agg_ref[0], agg_ref[1]], axis=-1)
    h = jnp.dot(h0, Wa_ref[...], preferred_element_type=jnp.float32)
    h = jnp.maximum(h + ba_ref[...], 0.0)
    h = jnp.dot(h, Wb_ref[...], preferred_element_type=jnp.float32) + bb_ref[...]
    mu = jnp.mean(h, axis=-1, keepdims=True)
    var = jnp.mean((h - mu) ** 2, axis=-1, keepdims=True)
    h = (h - mu) / jnp.sqrt(var + 1e-5) * g_ref[...] + be_ref[...]
    h = jnp.maximum(h, 0.0)
    if add_residual:
        h = h + xb
    if fuse_head:
        h = jnp.maximum(
            jnp.dot(h, Wh1_ref[...], preferred_element_type=jnp.float32)
            + bh1_ref[...], 0.0)
        h = jnp.dot(h, Wh2_ref[...], preferred_element_type=jnp.float32) \
            + bh2_ref[...]
    out_ref[...] = h


_TILE = 1000


def _mlp_call(x, agg, weights, add_residual, fuse_head):
    w_specs = []
    for w in weights:
        if w.ndim == 1:
            w = w.reshape(1, -1)
        w_specs.append((w, pl.BlockSpec(w.shape, lambda i: (0, 0))))
    return pl.pallas_call(
        functools.partial(_mlp_body, add_residual, fuse_head),
        grid=(N // _TILE,),
        in_specs=[
            pl.BlockSpec((_TILE, D), lambda i: (i, 0)),
            pl.BlockSpec((NC, _TILE, HALF), lambda i: (0, i, 0)),
        ] + [spec for _, spec in w_specs],
        out_specs=pl.BlockSpec((_TILE, D), lambda i: (i, 0)),
        out_shape=jax.ShapeDtypeStruct((N, D), jnp.float32),
    )(x, agg, *[w for w, _ in w_specs])


def kernel(x, edge_index, W0a, b0a, W0b, b0b, g0, be0, W1a, b1a, W1b, b1b,
           g1, be1, W2a, b2a, W2b, b2b, g2, be2, Wh1, bh1, Wh2, bh2):
    src = edge_index[0]
    dst = edge_index[1]
    idx2 = jnp.stack([src * 2, src * 2 + 1]).reshape(NC, NS, ET)
    dstr = dst.reshape(NS, ET)

    def seg(h):
        return _get_segsum_call()(h.reshape(2 * N, HALF), idx2, dstr)

    h = _mlp_call(x, seg(x), (W0a, b0a, W0b, b0b, g0, be0), False, False)
    h = _mlp_call(h, seg(h), (W1a, b1a, W1b, b1b, g1, be1), True, False)
    out = _mlp_call(h, seg(h),
                    (W2a, b2a, W2b, b2b, g2, be2, Wh1, bh1, Wh2, bh2),
                    True, True)
    return out

# --- scband reference (transcript-rebuilt; emitter-appended) ---
"""Pipeline reference for scband-gin-21964462751760 (READ-ONLY COPY).

The authoritative reference and input builder live on the scoring server;
editing this copy changes nothing except your own understanding.
"""

import jax, jax.numpy as jnp
import numpy as np

N = 10000
E = 160000
D = 256
H = 256
O = 256


def _init_linear(key, fan_in, fan_out):
    k1, k2 = jax.random.split(key)
    bound = 1.0 / np.sqrt(fan_in)
    W = jax.random.uniform(k1, (fan_in, fan_out), jnp.float32, -bound, bound)
    b = jax.random.uniform(k2, (fan_out,), jnp.float32, -bound, bound)
    return W, b


def setup_inputs(seed: int = 0):
    key = jax.random.key(seed)
    ks = jax.random.split(key, 16)
    inp = {}
    inp['x'] = jax.random.normal(ks[0], (N, D), dtype=jnp.float32)
    inp['edge_index'] = jax.random.randint(ks[1], (2, E), 0, N, dtype=jnp.int32)
    dims = [(D, H), (H, H), (H, H)]
    for i, (di, do) in enumerate(dims):
        Wa, ba = _init_linear(ks[2 + 4 * i], di, do)
        Wb, bb = _init_linear(ks[3 + 4 * i], do, do)
        inp['W%da' % i] = Wa
        inp['b%da' % i] = ba
        inp['W%db' % i] = Wb
        inp['b%db' % i] = bb
        inp['g%d' % i] = jnp.ones((do,), jnp.float32)
        inp['be%d' % i] = jnp.zeros((do,), jnp.float32)
    Wh1, bh1 = _init_linear(ks[14], H, H)
    Wh2, bh2 = _init_linear(ks[15], H, O)
    inp['Wh1'] = Wh1
    inp['bh1'] = bh1
    inp['Wh2'] = Wh2
    inp['bh2'] = bh2
    return inp


def _ln(h, g, b):
    mu = jnp.mean(h, axis=-1, keepdims=True)
    var = jnp.var(h, axis=-1, keepdims=True)
    return (h - mu) / jnp.sqrt(var + 1e-5) * g + b


def _gin_forward(x, edge_index, params, head):
    src = edge_index[0]
    dst = edge_index[1]
    for i, (Wa, ba, Wb, bb, g, b) in enumerate(params):
        h_prev = x
        # GINConv with eps=0: h = MLP((1+eps)*x + sum_{j in N(i)} x_j)
        agg = jax.ops.segment_sum(x[src], dst, num_segments=x.shape[0])
        h = x + agg
        h = jnp.maximum(h @ Wa + ba, 0.0) @ Wb + bb
        h = _ln(h, g, b)
        h = jnp.maximum(h, 0.0)
        # dropout p=0.0 -> identity
        if i > 0:
            h = h + h_prev
        x = h
    Wh1, bh1, Wh2, bh2 = head
    return jnp.maximum(x @ Wh1 + bh1, 0.0) @ Wh2 + bh2


def reference(x, edge_index, W0a, b0a, W0b, b0b, g0, be0, W1a, b1a, W1b, b1b, g1, be1, W2a, b2a, W2b, b2b, g2, be2, Wh1, bh1, Wh2, bh2):
    params = [(W0a, b0a, W0b, b0b, g0, be0),
              (W1a, b1a, W1b, b1b, g1, be1),
              (W2a, b2a, W2b, b2b, g2, be2)]
    return _gin_forward(x, edge_index, params, (Wh1, bh1, Wh2, bh2))

if __name__ == "__main__":
    import jax
    _d = setup_inputs()
    print(jax.jit(kernel)(*tuple(_d.values())))

</pallas_src>

<mosaic_0001>
#map = affine_map<(d0, d1) -> (0, 0)>
#map1 = affine_map<(d0, d1) -> (0, 0, 0)>
module attributes {stable_mosaic.version = 14 : i64} {
  func.func @_segsum_body(%arg0: i32, %arg1: i32, %arg2: memref<20000x128xf32, #tpu.memory_space<hbm>>, %arg3: memref<2x16x10000xi32, #tpu.memory_space<hbm>>, %arg4: memref<16x10000xi32, #tpu.memory_space<hbm>>, %arg5: memref<2x10000x128xf32, #tpu.memory_space<hbm>>, %arg6: memref<10000xi32, #tpu.memory_space<vmem>>, %arg7: memref<10000xi32, #tpu.memory_space<vmem>>, %arg8: memref<3x80x128xf32, #tpu.memory_space<vmem>>, %arg9: memref<10000x128xf32, #tpu.memory_space<vmem_shared>>, %arg10: memref<3x!tpu.dma_semaphore, #tpu.memory_space<semaphore_mem>>) attributes {dimension_semantics = [#tpu.dimension_semantics<core_parallel>, #tpu.dimension_semantics<subcore_parallel>], iteration_bounds = array<i64: 2, 16>, scalar_prefetch = 0 : i64, scratch_operands = 5 : i64, tpu.core_type = #tpu.core_type<sc_vector_subcore>, window_params = [{transform_indices = #map}, {transform_indices = #map1}, {transform_indices = #map}, {transform_indices = #map1}]} {
    "tpu.region"() ({
      %run_scoped3A = tpu.sem_alloc : memref<!tpu.dma_semaphore, #tpu.memory_space<semaphore_mem>>
      %dma_start3A_136 = arith.constant 0 : i32
      %dma_start3A_137 = tpu.memref_slice %arg3[%arg0, %arg1, %dma_start3A_136] : memref<2x16x10000xi32, #tpu.memory_space<hbm>> -> memref<1x1x10000xi32, #tpu.memory_space<hbm>>
      %dma_start3A_138 = tpu.memref_squeeze %dma_start3A_137 : memref<1x1x10000xi32, #tpu.memory_space<hbm>> -> memref<10000xi32, #tpu.memory_space<hbm>>
      %dma_start3A_139 = arith.constant 0 : i32
      %dma_start3A_140 = tpu.memref_slice %arg3[%arg0, %arg1, %dma_start3A_139] : memref<2x16x10000xi32, #tpu.memory_space<hbm>> -> memref<1x1x10000xi32, #tpu.memory_space<hbm>>
      %dma_start3A_141 = tpu.memref_squeeze %dma_start3A_140 : memref<1x1x10000xi32, #tpu.memory_space<hbm>> -> memref<10000xi32, #tpu.memory_space<hbm>>
      tpu.enqueue_dma source(%dma_start3A_141 : memref<10000xi32, #tpu.memory_space<hbm>>) target(%arg6 : memref<10000xi32, #tpu.memory_space<vmem>>) target_semaphore(%run_scoped3A : memref<!tpu.dma_semaphore, #tpu.memory_space<semaphore_mem>>)
      %dma_wait3A = arith.constant 0 : i32
      %dma_wait3A_142 = tpu.memref_slice %arg3[%arg0, %arg1, %dma_wait3A] : memref<2x16x10000xi32, #tpu.memory_space<hbm>> -> memref<1x1x10000xi32, #tpu.memory_space<hbm>>
      %dma_wait3A_143 = tpu.memref_squeeze %dma_wait3A_142 : memref<1x1x10000xi32, #tpu.memory_space<hbm>> -> memref<10000xi32, #tpu.memory_space<hbm>>
      %dma_wait3A_144 = arith.constant 0 : i32
      %dma_wait3A_145 = tpu.memref_slice %arg3[%arg0, %arg1, %dma_wait3A_144] : memref<2x16x10000xi32, #tpu.memory_space<hbm>> -> memref<1x1x10000xi32, #tpu.memory_space<hbm>>
      %dma_wait3A_146 = tpu.memref_squeeze %dma_wait3A_145 : memref<1x1x10000xi32, #tpu.memory_space<hbm>> -> memref<10000xi32, #tpu.memory_space<hbm>>
      tpu.wait_dma2 semaphore(%run_scoped3A : memref<!tpu.dma_semaphore, #tpu.memory_space<semaphore_mem>>) src(%dma_wait3A_146 : memref<10000xi32, #tpu.memory_space<hbm>>) dst(%arg6 : memref<10000xi32, #tpu.memory_space<vmem>>)
      tpu.yield
    }) : () -> ()
    "tpu.region"() ({
      %run_scoped3A = tpu.sem_alloc : memref<!tpu.dma_semaphore, #tpu.memory_space<semaphore_mem>>
      %dma_start3A_136 = arith.constant 0 : i32
      %dma_start3A_137 = tpu.memref_slice %arg4[%arg1, %dma_start3A_136] : memref<16x10000xi32, #tpu.memory_space<hbm>> -> memref<1x10000xi32, #tpu.memory_space<hbm>>
      %dma_start3A_138 = tpu.memref_squeeze %dma_start3A_137 : memref<1x10000xi32, #tpu.memory_space<hbm>> -> memref<10000xi32, #tpu.memory_space<hbm>>
      %dma_start3A_139 = arith.constant 0 : i32
      %dma_start3A_140 = tpu.memref_slice %arg4[%arg1, %dma_start3A_139] : memref<16x10000xi32, #tpu.memory_space<hbm>> -> memref<1x10000xi32, #tpu.memory_space<hbm>>
      %dma_start3A_141 = tpu.memref_squeeze %dma_start3A_140 : memref<1x10000xi32, #tpu.memory_space<hbm>> -> memref<10000xi32, #tpu.memory_space<hbm>>
      tpu.enqueue_dma source(%dma_start3A_141 : memref<10000xi32, #tpu.memory_space<hbm>>) target(%arg7 : memref<10000xi32, #tpu.memory_space<vmem>>) target_semaphore(%run_scoped3A : memref<!tpu.dma_semaphore, #tpu.memory_space<semaphore_mem>>)
      %dma_wait3A = arith.constant 0 : i32
      %dma_wait3A_142 = tpu.memref_slice %arg4[%arg1, %dma_wait3A] : memref<16x10000xi32, #tpu.memory_space<hbm>> -> memref<1x10000xi32, #tpu.memory_space<hbm>>
      %dma_wait3A_143 = tpu.memref_squeeze %dma_wait3A_142 : memref<1x10000xi32, #tpu.memory_space<hbm>> -> memref<10000xi32, #tpu.memory_space<hbm>>
      %dma_wait3A_144 = arith.constant 0 : i32
      %dma_wait3A_145 = tpu.memref_slice %arg4[%arg1, %dma_wait3A_144] : memref<16x10000xi32, #tpu.memory_space<hbm>> -> memref<1x10000xi32, #tpu.memory_space<hbm>>
      %dma_wait3A_146 = tpu.memref_squeeze %dma_wait3A_145 : memref<1x10000xi32, #tpu.memory_space<hbm>> -> memref<10000xi32, #tpu.memory_space<hbm>>
      tpu.wait_dma2 semaphore(%run_scoped3A : memref<!tpu.dma_semaphore, #tpu.memory_space<semaphore_mem>>) src(%dma_wait3A_146 : memref<10000xi32, #tpu.memory_space<hbm>>) dst(%arg7 : memref<10000xi32, #tpu.memory_space<vmem>>)
      tpu.yield
    }) : () -> ()
    %lt3A = arith.constant 15 : i32
    %lt3A_0 = arith.cmpi slt, %arg1, %lt3A : i32
    %jit3A = arith.constant 632 : i32
    %jit3A_1 = arith.constant 520 : i32
    %select_n3A = arith.select %lt3A_0, %jit3A, %jit3A_1 : i32
    %mul3A = arith.constant 632 : i32
    %mul3A_2 = arith.muli %arg1, %mul3A : i32
    %scan3A = arith.constant 0 : i32
    %scan3A_3 = arith.constant 0 : i32
    %scan3A_4 = arith.constant 80 : i32
    %scan3A_5 = arith.addi %scan3A_3, %scan3A_4 : i32
    %scan3A_6 = arith.constant 1 : i32
    scf.for %scan3A_136 = %scan3A_3 to %scan3A_5 step %scan3A_6  : i32 {
      %broadcast_in_dim3A = arith.constant 0.000000e+00 : f32
      %broadcast_in_dim3A_137 = vector.broadcast %broadcast_in_dim3A : f32 to vector<16xf32>
      %swap3A = arith.constant 0 : i32
      %swap3A_138 = arith.index_cast %swap3A : i32 to index
      %swap3A_139 = arith.index_cast %scan3A_136 : i32 to index
      %swap3A_140 = arith.constant 0 : index
      %swap3A_141 = tpu.vector_load %arg8[%swap3A_138, %swap3A_139, %swap3A_140] {strides = array<i32>} : memref<3x80x128xf32, #tpu.memory_space<vmem>>, vector<1x1x16xf32>,
      %swap3A_142 = vector.shape_cast %swap3A_141 : vector<1x1x16xf32> to vector<16xf32>
      %swap3A_143 = vector.shape_cast %broadcast_in_dim3A_137 : vector<16xf32> to vector<1x1x16xf32>
      tpu.vector_store %arg8[%swap3A_138, %swap3A_139, %swap3A_140], %swap3A_143 {strides = array<i32>} : memref<3x80x128xf32, #tpu.memory_space<vmem>>, vector<1x1x16xf32>,
      %broadcast_in_dim3A_144 = arith.constant 0.000000e+00 : f32
      %broadcast_in_dim3A_145 = vector.broadcast %broadcast_in_dim3A_144 : f32 to vector<16xf32>
      %swap3A_146 = arith.constant 0 : i32
      %swap3A_147 = arith.index_cast %swap3A_146 : i32 to index
      %swap3A_148 = arith.index_cast %scan3A_136 : i32 to index
      %swap3A_149 = arith.constant 16 : index
      %swap3A_150 = tpu.vector_load %arg8[%swap3A_147, %swap3A_148, %swap3A_149] {strides = array<i32>} : memref<3x80x128xf32, #tpu.memory_space<vmem>>, vector<1x1x16xf32>,
      %swap3A_151 = vector.shape_cast %swap3A_150 : vector<1x1x16xf32> to vector<16xf32>
      %swap3A_152 = vector.shape_cast %broadcast_in_dim3A_145 : vector<16xf32> to vector<1x1x16xf32>
      tpu.vector_store %arg8[%swap3A_147, %swap3A_148, %swap3A_149], %swap3A_152 {strides = array<i32>} : memref<3x80x128xf32, #tpu.memory_space<vmem>>, vector<1x1x16xf32>,
      %broadcast_in_dim3A_153 = arith.constant 0.000000e+00 : f32
      %broadcast_in_dim3A_154 = vector.broadcast %broadcast_in_dim3A_153 : f32 to vector<16xf32>
      %swap3A_155 = arith.constant 0 : i32
      %swap3A_156 = arith.index_cast %swap3A_155 : i32 to index
      %swap3A_157 = arith.index_cast %scan3A_136 : i32 to index
      %swap3A_158 = arith.constant 32 : index
      %swap3A_159 = tpu.vector_load %arg8[%swap3A_156, %swap3A_157, %swap3A_158] {strides = array<i32>} : memref<3x80x128xf32, #tpu.memory_space<vmem>>, vector<1x1x16xf32>,
      %swap3A_160 = vector.shape_cast %swap3A_159 : vector<1x1x16xf32> to vector<16xf32>
      %swap3A_161 = vector.shape_cast %broadcast_in_dim3A_154 : vector<16xf32> to vector<1x1x16xf32>
      tpu.vector_store %arg8[%swap3A_156, %swap3A_157, %swap3A_158], %swap3A_161 {strides = array<i32>} : memref<3x80x128xf32, #tpu.memory_space<vmem>>, vector<1x1x16xf32>,
      %broadcast_in_dim3A_162 = arith.constant 0.000000e+00 : f32
      %broadcast_in_dim3A_163 = vector.broadcast %broadcast_in_dim3A_162 : f32 to vector<16xf32>
      %swap3A_164 = arith.constant 0 : i32
      %swap3A_165 = arith.index_cast %swap3A_164 : i32 to index
      %swap3A_166 = arith.index_cast %scan3A_136 : i32 to index
      %swap3A_167 = arith.constant 48 : index
      %swap3A_168 = tpu.vector_load %arg8[%swap3A_165, %swap3A_166, %swap3A_167] {strides = array<i32>} : memref<3x80x128xf32, #tpu.memory_space<vmem>>, vector<1x1x16xf32>,
      %swap3A_169 = vector.shape_cast %swap3A_168 : vector<1x1x16xf32> to vector<16xf32>
      %swap3A_170 = vector.shape_cast %broadcast_in_dim3A_163 : vector<16xf32> to vector<1x1x16xf32>
      tpu.vector_store %arg8[%swap3A_165, %swap3A_166, %swap3A_167], %swap3A_170 {strides = array<i32>} : memref<3x80x128xf32, #tpu.memory_space<vmem>>, vector<1x1x16xf32>,
      %broadcast_in_dim3A_171 = arith.constant 0.000000e+00 : f32
      %broadcast_in_dim3A_172 = vector.broadcast %broadcast_in_dim3A_171 : f32 to vector<16xf32>
      %swap3A_173 = arith.constant 0 : i32
      %swap3A_174 = arith.index_cast %swap3A_173 : i32 to index
      %swap3A_175 = arith.index_cast %scan3A_136 : i32 to index
      %swap3A_176 = arith.constant 64 : index
      %swap3A_177 = tpu.vector_load %arg8[%swap3A_174, %swap3A_175, %swap3A_176] {strides = array<i32>} : memref<3x80x128xf32, #tpu.memory_space<vmem>>, vector<1x1x16xf32>,
      %swap3A_178 = vector.shape_cast %swap3A_177 : vector<1x1x16xf32> to vector<16xf32>
      %swap3A_179 = vector.shape_cast %broadcast_in_dim3A_172 : vector<16xf32> to vector<1x1x16xf32>
      tpu.vector_store %arg8[%swap3A_174, %swap3A_175, %swap3A_176], %swap3A_179 {strides = array<i32>} : memref<3x80x128xf32, #tpu.memory_space<vmem>>, vector<1x1x16xf32>,
      %broadcast_in_dim3A_180 = arith.constant 0.000000e+00 : f32
      %broadcast_in_dim3A_181 = vector.broadcast %broadcast_in_dim3A_180 : f32 to vector<16xf32>
      %swap3A_182 = arith.constant 0 : i32
      %swap3A_183 = arith.index_cast %swap3A_182 : i32 to index
      %swap3A_184 = arith.index_cast %scan3A_136 : i32 to index
      %swap3A_185 = arith.constant 80 : index
      %swap3A_186 = tpu.vector_load %arg8[%swap3A_183, %swap3A_184, %swap3A_185] {strides = array<i32>} : memref<3x80x128xf32, #tpu.memory_space<vmem>>, vector<1x1x16xf32>,
      %swap3A_187 = vector.shape_cast %swap3A_186 : vector<1x1x16xf32> to vector<16xf32>
      %swap3A_188 = vector.shape_cast %broadcast_in_dim3A_181 : vector<16xf32> to vector<1x1x16xf32>
      tpu.vector_store %arg8[%swap3A_183, %swap3A_184, %swap3A_185], %swap3A_188 {strides = array<i32>} : memref<3x80x128xf32, #tpu.memory_space<vmem>>, vector<1x1x16xf32>,
      %broadcast_in_dim3A_189 = arith.constant 0.000000e+00 : f32
      %broadcast_in_dim3A_190 = vector.broadcast %broadcast_in_dim3A_189 : f32 to vector<16xf32>
      %swap3A_191 = arith.constant 0 : i32
      %swap3A_192 = arith.index_cast %swap3A_191 : i32 to index
      %swap3A_193 = arith.index_cast %scan3A_136 : i32 to index
      %swap3A_194 = arith.constant 96 : index
      %swap3A_195 = tpu.vector_load %arg8[%swap3A_192, %swap3A_193, %swap3A_194] {strides = array<i32>} : memref<3x80x128xf32, #tpu.memory_space<vmem>>, vector<1x1x16xf32>,
      %swap3A_196 = vector.shape_cast %swap3A_195 : vector<1x1x16xf32> to vector<16xf32>
      %swap3A_197 = vector.shape_cast %broadcast_in_dim3A_190 : vector<16xf32> to vector<1x1x16xf32>
      tpu.vector_store %arg8[%swap3A_192, %swap3A_193, %swap3A_194], %swap3A_197 {strides = array<i32>} : memref<3x80x128xf32, #tpu.memory_space<vmem>>, vector<1x1x16xf32>,
      %broadcast_in_dim3A_198 = arith.constant 0.000000e+00 : f32
      %broadcast_in_dim3A_199 = vector.broadcast %broadcast_in_dim3A_198 : f32 to vector<16xf32>
      %swap3A_200 = arith.constant 0 : i32
      %swap3A_201 = arith.index_cast %swap3A_200 : i32 to index
      %swap3A_202 = arith.index_cast %scan3A_136 : i32 to index
      %swap3A_203 = arith.constant 112 : index
      %swap3A_204 = tpu.vector_load %arg8[%swap3A_201, %swap3A_202, %swap3A_203] {strides = array<i32>} : memref<3x80x128xf32, #tpu.memory_space<vmem>>, vector<1x1x16xf32>,
      %swap3A_205 = vector.shape_cast %swap3A_204 : vector<1x1x16xf32> to vector<16xf32>
      %swap3A_206 = vector.shape_cast %broadcast_in_dim3A_199 : vector<16xf32> to vector<1x1x16xf32>
      tpu.vector_store %arg8[%swap3A_201, %swap3A_202, %swap3A_203], %swap3A_206 {strides = array<i32>} : memref<3x80x128xf32, #tpu.memory_space<vmem>>, vector<1x1x16xf32>,
    }
    %scan3A_7 = arith.constant 80 : i32
    %ge3A = arith.constant 80 : i32
    %ge3A_8 = arith.cmpi sge, %select_n3A, %ge3A : i32
    %convert_element_type3A = arith.extui %ge3A_8 : i1 to i32
    %cond3A = arith.constant 0 : i32
    %cond3A_9 = arith.cmpi ne, %convert_element_type3A, %cond3A : i32
    scf.if %cond3A_9 {
      %add3A = arith.constant 0 : i32
      %add3A_136 = arith.addi %mul3A_2, %add3A : i32
      %run_scoped3A = arith.constant 0 : i32
      "tpu.region"() ({
        %run_scoped3A_137 = tpu.sem_alloc : memref<!tpu.dma_semaphore, #tpu.memory_space<semaphore_mem>>
        %dma_start3A_138 = arith.constant 0 : i32
        %dma_start3A_139 = arith.constant 0 : i32
        %dma_start3A_140 = tpu.memref_slice %arg8[%run_scoped3A, %dma_start3A_138, %dma_start3A_139] : memref<3x80x128xf32, #tpu.memory_space<vmem>> -> memref<1x80x128xf32, #tpu.memory_space<vmem>>
        %dma_start3A_141 = tpu.memref_squeeze %dma_start3A_140 : memref<1x80x128xf32, #tpu.memory_space<vmem>> -> memref<80x128xf32, #tpu.memory_space<vmem>>
        %dma_start3A_142 = arith.constant 0 : i32
        %dma_start3A_143 = tpu.memref_slice %arg9[%add3A_136, %dma_start3A_142] : memref<10000x128xf32, #tpu.memory_space<vmem_shared>> -> memref<80x128xf32, #tpu.memory_space<vmem_shared>>
        %dma_start3A_144 = arith.constant 0 : i32
        %dma_start3A_145 = tpu.memref_slice %arg9[%add3A_136, %dma_start3A_144] : memref<10000x128xf32, #tpu.memory_space<vmem_shared>> -> memref<80x128xf32, #tpu.memory_space<vmem_shared>>
        %dma_start3A_146 = arith.constant 0 : i32
        %dma_start3A_147 = arith.constant 0 : i32
        %dma_start3A_148 = tpu.memref_slice %arg8[%run_scoped3A, %dma_start3A_146, %dma_start3A_147] : memref<3x80x128xf32, #tpu.memory_space<vmem>> -> memref<1x80x128xf32, #tpu.memory_space<vmem>>
        %dma_start3A_149 = tpu.memref_squeeze %dma_start3A_148 : memref<1x80x128xf32, #tpu.memory_space<vmem>> -> memref<80x128xf32, #tpu.memory_space<vmem>>
        tpu.enqueue_dma source(%dma_start3A_149 : memref<80x128xf32, #tpu.memory_space<vmem>>) target(%dma_start3A_145 : memref<80x128xf32, #tpu.memory_space<vmem_shared>>) target_semaphore(%run_scoped3A_137 : memref<!tpu.dma_semaphore, #tpu.memory_space<semaphore_mem>>)
        %dma_wait3A = arith.constant 0 : i32
        %dma_wait3A_150 = arith.constant 0 : i32
        %dma_wait3A_151 = tpu.memref_slice %arg8[%run_scoped3A, %dma_wait3A, %dma_wait3A_150] : memref<3x80x128xf32, #tpu.memory_space<vmem>> -> memref<1x80x128xf32, #tpu.memory_space<vmem>>
        %dma_wait3A_152 = tpu.memref_squeeze %dma_wait3A_151 : memref<1x80x128xf32, #tpu.memory_space<vmem>> -> memref<80x128xf32, #tpu.memory_space<vmem>>
        %dma_wait3A_153 = arith.constant 0 : i32
        %dma_wait3A_154 = tpu.memref_slice %arg9[%add3A_136, %dma_wait3A_153] : memref<10000x128xf32, #tpu.memory_space<vmem_shared>> -> memref<80x128xf32, #tpu.memory_space<vmem_shared>>
        %dma_wait3A_155 = arith.constant 0 : i32
        %dma_wait3A_156 = tpu.memref_slice %arg9[%add3A_136, %dma_wait3A_155] : memref<10000x128xf32, #tpu.memory_space<vmem_shared>> -> memref<80x128xf32, #tpu.memory_space<vmem_shared>>
        %dma_wait3A_157 = arith.constant 0 : i32
        %dma_wait3A_158 = arith.constant 0 : i32
        %dma_wait3A_159 = tpu.memref_slice %arg8[%run_scoped3A, %dma_wait3A_157, %dma_wait3A_158] : memref<3x80x128xf32, #tpu.memory_space<vmem>> -> memref<1x80x128xf32, #tpu.memory_space<vmem>>
        %dma_wait3A_160 = tpu.memref_squeeze %dma_wait3A_159 : memref<1x80x128xf32, #tpu.memory_space<vmem>> -> memref<80x128xf32, #tpu.memory_space<vmem>>
        tpu.wait_dma2 semaphore(%run_scoped3A_137 : memref<!tpu.dma_semaphore, #tpu.memory_space<semaphore_mem>>) src(%dma_wait3A_160 : memref<80x128xf32, #tpu.memory_space<vmem>>) dst(%dma_wait3A_156 : memref<80x128xf32, #tpu.memory_space<vmem_shared>>)
        tpu.yield
      }) : () -> ()
    } else {
    }
    %ge3A_10 = arith.constant 160 : i32
    %ge3A_11 = arith.cmpi sge, %select_n3A, %ge3A_10 : i32
    %convert_element_type3A_12 = arith.extui %ge3A_11 : i1 to i32
    %cond3A_13 = arith.constant 0 : i32
    %cond3A_14 = arith.cmpi ne, %convert_element_type3A_12, %cond3A_13 : i32
    scf.if %cond3A_14 {
      %add3A = arith.constant 80 : i32
      %add3A_136 = arith.addi %mul3A_2, %add3A : i32
      %run_scoped3A = arith.constant 0 : i32
      "tpu.region"() ({
        %run_scoped3A_137 = tpu.sem_alloc : memref<!tpu.dma_semaphore, #tpu.memory_space<semaphore_mem>>
        %dma_start3A_138 = arith.constant 0 : i32
        %dma_start3A_139 = arith.constant 0 : i32
        %dma_start3A_140 = tpu.memref_slice %arg8[%run_scoped3A, %dma_start3A_138, %dma_start3A_139] : memref<3x80x128xf32, #tpu.memory_space<vmem>> -> memref<1x80x128xf32, #tpu.memory_space<vmem>>
        %dma_start3A_141 = tpu.memref_squeeze %dma_start3A_140 : memref<1x80x128xf32, #tpu.memory_space<vmem>> -> memref<80x128xf32, #tpu.memory_space<vmem>>
        %dma_start3A_142 = arith.constant 0 : i32
        %dma_start3A_143 = tpu.memref_slice %arg9[%add3A_136, %dma_start3A_142] : memref<10000x128xf32, #tpu.memory_space<vmem_shared>> -> memref<80x128xf32, #tpu.memory_space<vmem_shared>>
        %dma_start3A_144 = arith.constant 0 : i32
        %dma_start3A_145 = tpu.memref_slice %arg9[%add3A_136, %dma_start3A_144] : memref<10000x128xf32, #tpu.memory_space<vmem_shared>> -> memref<80x128xf32, #tpu.memory_space<vmem_shared>>
        %dma_start3A_146 = arith.constant 0 : i32
        %dma_start3A_147 = arith.constant 0 : i32
        %dma_start3A_148 = tpu.memref_slice %arg8[%run_scoped3A, %dma_start3A_146, %dma_start3A_147] : memref<3x80x128xf32, #tpu.memory_space<vmem>> -> memref<1x80x128xf32, #tpu.memory_space<vmem>>
        %dma_start3A_149 = tpu.memref_squeeze %dma_start3A_148 : memref<1x80x128xf32, #tpu.memory_space<vmem>> -> memref<80x128xf32, #tpu.memory_space<vmem>>
        tpu.enqueue_dma source(%dma_start3A_149 : memref<80x128xf32, #tpu.memory_space<vmem>>) target(%dma_start3A_145 : memref<80x128xf32, #tpu.memory_space<vmem_shared>>) target_semaphore(%run_scoped3A_137 : memref<!tpu.dma_semaphore, #tpu.memory_space<semaphore_mem>>)
        %dma_wait3A = arith.constant 0 : i32
        %dma_wait3A_150 = arith.constant 0 : i32
        %dma_wait3A_151 = tpu.memref_slice %arg8[%run_scoped3A, %dma_wait3A, %dma_wait3A_150] : memref<3x80x128xf32, #tpu.memory_space<vmem>> -> memref<1x80x128xf32, #tpu.memory_space<vmem>>
        %dma_wait3A_152 = tpu.memref_squeeze %dma_wait3A_151 : memref<1x80x128xf32, #tpu.memory_space<vmem>> -> memref<80x128xf32, #tpu.memory_space<vmem>>
        %dma_wait3A_153 = arith.constant 0 : i32
        %dma_wait3A_154 = tpu.memref_slice %arg9[%add3A_136, %dma_wait3A_153] : memref<10000x128xf32, #tpu.memory_space<vmem_shared>> -> memref<80x128xf32, #tpu.memory_space<vmem_shared>>
        %dma_wait3A_155 = arith.constant 0 : i32
        %dma_wait3A_156 = tpu.memref_slice %arg9[%add3A_136, %dma_wait3A_155] : memref<10000x128xf32, #tpu.memory_space<vmem_shared>> -> memref<80x128xf32, #tpu.memory_space<vmem_shared>>
        %dma_wait3A_157 = arith.constant 0 : i32
        %dma_wait3A_158 = arith.constant 0 : i32
        %dma_wait3A_159 = tpu.memref_slice %arg8[%run_scoped3A, %dma_wait3A_157, %dma_wait3A_158] : memref<3x80x128xf32, #tpu.memory_space<vmem>> -> memref<1x80x128xf32, #tpu.memory_space<vmem>>
        %dma_wait3A_160 = tpu.memref_squeeze %dma_wait3A_159 : memref<1x80x128xf32, #tpu.memory_space<vmem>> -> memref<80x128xf32, #tpu.memory_space<vmem>>
        tpu.wait_dma2 semaphore(%run_scoped3A_137 : memref<!tpu.dma_semaphore, #tpu.memory_space<semaphore_mem>>) src(%dma_wait3A_160 : memref<80x128xf32, #tpu.memory_space<vmem>>) dst(%dma_wait3A_156 : memref<80x128xf32, #tpu.memory_space<vmem_shared>>)
        tpu.yield
      }) : () -> ()
    } else {
    }
    %ge3A_15 = arith.constant 240 : i32
    %ge3A_16 = arith.cmpi sge, %select_n3A, %ge3A_15 : i32
    %convert_element_type3A_17 = arith.extui %ge3A_16 : i1 to i32
    %cond3A_18 = arith.constant 0 : i32
    %cond3A_19 = arith.cmpi ne, %convert_element_type3A_17, %cond3A_18 : i32
    scf.if %cond3A_19 {
      %add3A = arith.constant 160 : i32
      %add3A_136 = arith.addi %mul3A_2, %add3A : i32
      %run_scoped3A = arith.constant 0 : i32
      "tpu.region"() ({
        %run_scoped3A_137 = tpu.sem_alloc : memref<!tpu.dma_semaphore, #tpu.memory_space<semaphore_mem>>
        %dma_start3A_138 = arith.constant 0 : i32
        %dma_start3A_139 = arith.constant 0 : i32
        %dma_start3A_140 = tpu.memref_slice %arg8[%run_scoped3A, %dma_start3A_138, %dma_start3A_139] : memref<3x80x128xf32, #tpu.memory_space<vmem>> -> memref<1x80x128xf32, #tpu.memory_space<vmem>>
        %dma_start3A_141 = tpu.memref_squeeze %dma_start3A_140 : memref<1x80x128xf32, #tpu.memory_space<vmem>> -> memref<80x128xf32, #tpu.memory_space<vmem>>
        %dma_start3A_142 = arith.constant 0 : i32
        %dma_start3A_143 = tpu.memref_slice %arg9[%add3A_136, %dma_start3A_142] : memref<10000x128xf32, #tpu.memory_space<vmem_shared>> -> memref<80x128xf32, #tpu.memory_space<vmem_shared>>
        %dma_start3A_144 = arith.constant 0 : i32
        %dma_start3A_145 = tpu.memref_slice %arg9[%add3A_136, %dma_start3A_144] : memref<10000x128xf32, #tpu.memory_space<vmem_shared>> -> memref<80x128xf32, #tpu.memory_space<vmem_shared>>
        %dma_start3A_146 = arith.constant 0 : i32
        %dma_start3A_147 = arith.constant 0 : i32
        %dma_start3A_148 = tpu.memref_slice %arg8[%run_scoped3A, %dma_start3A_146, %dma_start3A_147] : memref<3x80x128xf32, #tpu.memory_space<vmem>> -> memref<1x80x128xf32, #tpu.memory_space<vmem>>
        %dma_start3A_149 = tpu.memref_squeeze %dma_start3A_148 : memref<1x80x128xf32, #tpu.memory_space<vmem>> -> memref<80x128xf32, #tpu.memory_space<vmem>>
        tpu.enqueue_dma source(%dma_start3A_149 : memref<80x128xf32, #tpu.memory_space<vmem>>) target(%dma_start3A_145 : memref<80x128xf32, #tpu.memory_space<vmem_shared>>) target_semaphore(%run_scoped3A_137 : memref<!tpu.dma_semaphore, #tpu.memory_space<semaphore_mem>>)
        %dma_wait3A = arith.constant 0 : i32
        %dma_wait3A_150 = arith.constant 0 : i32
        %dma_wait3A_151 = tpu.memref_slice %arg8[%run_scoped3A, %dma_wait3A, %dma_wait3A_150] : memref<3x80x128xf32, #tpu.memory_space<vmem>> -> memref<1x80x128xf32, #tpu.memory_space<vmem>>
        %dma_wait3A_152 = tpu.memref_squeeze %dma_wait3A_151 : memref<1x80x128xf32, #tpu.memory_space<vmem>> -> memref<80x128xf32, #tpu.memory_space<vmem>>
        %dma_wait3A_153 = arith.constant 0 : i32
        %dma_wait3A_154 = tpu.memref_slice %arg9[%add3A_136, %dma_wait3A_153] : memref<10000x128xf32, #tpu.memory_space<vmem_shared>> -> memref<80x128xf32, #tpu.memory_space<vmem_shared>>
        %dma_wait3A_155 = arith.constant 0 : i32
        %dma_wait3A_156 = tpu.memref_slice %arg9[%add3A_136, %dma_wait3A_155] : memref<10000x128xf32, #tpu.memory_space<vmem_shared>> -> memref<80x128xf32, #tpu.memory_space<vmem_shared>>
        %dma_wait3A_157 = arith.constant 0 : i32
        %dma_wait3A_158 = arith.constant 0 : i32
        %dma_wait3A_159 = tpu.memref_slice %arg8[%run_scoped3A, %dma_wait3A_157, %dma_wait3A_158] : memref<3x80x128xf32, #tpu.memory_space<vmem>> -> memref<1x80x128xf32, #tpu.memory_space<vmem>>
        %dma_wait3A_160 = tpu.memref_squeeze %dma_wait3A_159 : memref<1x80x128xf32, #tpu.memory_space<vmem>> -> memref<80x128xf32, #tpu.memory_space<vmem>>
        tpu.wait_dma2 semaphore(%run_scoped3A_137 : memref<!tpu.dma_semaphore, #tpu.memory_space<semaphore_mem>>) src(%dma_wait3A_160 : memref<80x128xf32, #tpu.memory_space<vmem>>) dst(%dma_wait3A_156 : memref<80x128xf32, #tpu.memory_space<vmem_shared>>)
        tpu.yield
      }) : () -> ()
    } else {
    }
    %ge3A_20 = arith.constant 320 : i32
    %ge3A_21 = arith.cmpi sge, %select_n3A, %ge3A_20 : i32
    %convert_element_type3A_22 = arith.extui %ge3A_21 : i1 to i32
    %cond3A_23 = arith.constant 0 : i32
    %cond3A_24 = arith.cmpi ne, %convert_element_type3A_22, %cond3A_23 : i32
    scf.if %cond3A_24 {
      %add3A = arith.constant 240 : i32
      %add3A_136 = arith.addi %mul3A_2, %add3A : i32
      %run_scoped3A = arith.constant 0 : i32
      "tpu.region"() ({
        %run_scoped3A_137 = tpu.sem_alloc : memref<!tpu.dma_semaphore, #tpu.memory_space<semaphore_mem>>
        %dma_start3A_138 = arith.constant 0 : i32
        %dma_start3A_139 = arith.constant 0 : i32
        %dma_start3A_140 = tpu.memref_slice %arg8[%run_scoped3A, %dma_start3A_138, %dma_start3A_139] : memref<3x80x128xf32, #tpu.memory_space<vmem>> -> memref<1x80x128xf32, #tpu.memory_space<vmem>>
        %dma_start3A_141 = tpu.memref_squeeze %dma_start3A_140 : memref<1x80x128xf32, #tpu.memory_space<vmem>> -> memref<80x128xf32, #tpu.memory_space<vmem>>
        %dma_start3A_142 = arith.constant 0 : i32
        %dma_start3A_143 = tpu.memref_slice %arg9[%add3A_136, %dma_start3A_142] : memref<10000x128xf32, #tpu.memory_space<vmem_shared>> -> memref<80x128xf32, #tpu.memory_space<vmem_shared>>
        %dma_start3A_144 = arith.constant 0 : i32
        %dma_start3A_145 = tpu.memref_slice %arg9[%add3A_136, %dma_start3A_144] : memref<10000x128xf32, #tpu.memory_space<vmem_shared>> -> memref<80x128xf32, #tpu.memory_space<vmem_shared>>
        %dma_start3A_146 = arith.constant 0 : i32
        %dma_start3A_147 = arith.constant 0 : i32
        %dma_start3A_148 = tpu.memref_slice %arg8[%run_scoped3A, %dma_start3A_146, %dma_start3A_147] : memref<3x80x128xf32, #tpu.memory_space<vmem>> -> memref<1x80x128xf32, #tpu.memory_space<vmem>>
        %dma_start3A_149 = tpu.memref_squeeze %dma_start3A_148 : memref<1x80x128xf32, #tpu.memory_space<vmem>> -> memref<80x128xf32, #tpu.memory_space<vmem>>
        tpu.enqueue_dma source(%dma_start3A_149 : memref<80x128xf32, #tpu.memory_space<vmem>>) target(%dma_start3A_145 : memref<80x128xf32, #tpu.memory_space<vmem_shared>>) target_semaphore(%run_scoped3A_137 : memref<!tpu.dma_semaphore, #tpu.memory_space<semaphore_mem>>)
        %dma_wait3A = arith.constant 0 : i32
        %dma_wait3A_150 = arith.constant 0 : i32
        %dma_wait3A_151 = tpu.memref_slice %arg8[%run_scoped3A, %dma_wait3A, %dma_wait3A_150] : memref<3x80x128xf32, #tpu.memory_space<vmem>> -> memref<1x80x128xf32, #tpu.memory_space<vmem>>
        %dma_wait3A_152 = tpu.memref_squeeze %dma_wait3A_151 : memref<1x80x128xf32, #tpu.memory_space<vmem>> -> memref<80x128xf32, #tpu.memory_space<vmem>>
        %dma_wait3A_153 = arith.constant 0 : i32
        %dma_wait3A_154 = tpu.memref_slice %arg9[%add3A_136, %dma_wait3A_153] : memref<10000x128xf32, #tpu.memory_space<vmem_shared>> -> memref<80x128xf32, #tpu.memory_space<vmem_shared>>
        %dma_wait3A_155 = arith.constant 0 : i32
        %dma_wait3A_156 = tpu.memref_slice %arg9[%add3A_136, %dma_wait3A_155] : memref<10000x128xf32, #tpu.memory_space<vmem_shared>> -> memref<80x128xf32, #tpu.memory_space<vmem_shared>>
        %dma_wait3A_157 = arith.constant 0 : i32
        %dma_wait3A_158 = arith.constant 0 : i32
        %dma_wait3A_159 = tpu.memref_slice %arg8[%run_scoped3A, %dma_wait3A_157, %dma_wait3A_158] : memref<3x80x128xf32, #tpu.memory_space<vmem>> -> memref<1x80x128xf32, #tpu.memory_space<vmem>>
        %dma_wait3A_160 = tpu.memref_squeeze %dma_wait3A_159 : memref<1x80x128xf32, #tpu.memory_space<vmem>> -> memref<80x128xf32, #tpu.memory_space<vmem>>
        tpu.wait_dma2 semaphore(%run_scoped3A_137 : memref<!tpu.dma_semaphore, #tpu.memory_space<semaphore_mem>>) src(%dma_wait3A_160 : memref<80x128xf32, #tpu.memory_space<vmem>>) dst(%dma_wait3A_156 : memref<80x128xf32, #tpu.memory_space<vmem_shared>>)
        tpu.yield
      }) : () -> ()
    } else {
    }
    %ge3A_25 = arith.constant 400 : i32
    %ge3A_26 = arith.cmpi sge, %select_n3A, %ge3A_25 : i32
    %convert_element_type3A_27 = arith.extui %ge3A_26 : i1 to i32
    %cond3A_28 = arith.constant 0 : i32
    %cond3A_29 = arith.cmpi ne, %convert_element_type3A_27, %cond3A_28 : i32
    scf.if %cond3A_29 {
      %add3A = arith.constant 320 : i32
      %add3A_136 = arith.addi %mul3A_2, %add3A : i32
      %run_scoped3A = arith.constant 0 : i32
      "tpu.region"() ({
        %run_scoped3A_137 = tpu.sem_alloc : memref<!tpu.dma_semaphore, #tpu.memory_space<semaphore_mem>>
        %dma_start3A_138 = arith.constant 0 : i32
        %dma_start3A_139 = arith.constant 0 : i32
        %dma_start3A_140 = tpu.memref_slice %arg8[%run_scoped3A, %dma_start3A_138, %dma_start3A_139] : memref<3x80x128xf32, #tpu.memory_space<vmem>> -> memref<1x80x128xf32, #tpu.memory_space<vmem>>
        %dma_start3A_141 = tpu.memref_squeeze %dma_start3A_140 : memref<1x80x128xf32, #tpu.memory_space<vmem>> -> memref<80x128xf32, #tpu.memory_space<vmem>>
        %dma_start3A_142 = arith.constant 0 : i32
        %dma_start3A_143 = tpu.memref_slice %arg9[%add3A_136, %dma_start3A_142] : memref<10000x128xf32, #tpu.memory_space<vmem_shared>> -> memref<80x128xf32, #tpu.memory_space<vmem_shared>>
        %dma_start3A_144 = arith.constant 0 : i32
        %dma_start3A_145 = tpu.memref_slice %arg9[%add3A_136, %dma_start3A_144] : memref<10000x128xf32, #tpu.memory_space<vmem_shared>> -> memref<80x128xf32, #tpu.memory_space<vmem_shared>>
        %dma_start3A_146 = arith.constant 0 : i32
        %dma_start3A_147 = arith.constant 0 : i32
        %dma_start3A_148 = tpu.memref_slice %arg8[%run_scoped3A, %dma_start3A_146, %dma_start3A_147] : memref<3x80x128xf32, #tpu.memory_space<vmem>> -> memref<1x80x128xf32, #tpu.memory_space<vmem>>
        %dma_start3A_149 = tpu.memref_squeeze %dma_start3A_148 : memref<1x80x128xf32, #tpu.memory_space<vmem>> -> memref<80x128xf32, #tpu.memory_space<vmem>>
        tpu.enqueue_dma source(%dma_start3A_149 : memref<80x128xf32, #tpu.memory_space<vmem>>) target(%dma_start3A_145 : memref<80x128xf32, #tpu.memory_space<vmem_shared>>) target_semaphore(%run_scoped3A_137 : memref<!tpu.dma_semaphore, #tpu.memory_space<semaphore_mem>>)
        %dma_wait3A = arith.constant 0 : i32
        %dma_wait3A_150 = arith.constant 0 : i32
        %dma_wait3A_151 = tpu.memref_slice %arg8[%run_scoped3A, %dma_wait3A, %dma_wait3A_150] : memref<3x80x128xf32, #tpu.memory_space<vmem>> -> memref<1x80x128xf32, #tpu.memory_space<vmem>>
        %dma_wait3A_152 = tpu.memref_squeeze %dma_wait3A_151 : memref<1x80x128xf32, #tpu.memory_space<vmem>> -> memref<80x128xf32, #tpu.memory_space<vmem>>
        %dma_wait3A_153 = arith.constant 0 : i32
        %dma_wait3A_154 = tpu.memref_slice %arg9[%add3A_136, %dma_wait3A_153] : memref<10000x128xf32, #tpu.memory_space<vmem_shared>> -> memref<80x128xf32, #tpu.memory_space<vmem_shared>>
        %dma_wait3A_155 = arith.constant 0 : i32
        %dma_wait3A_156 = tpu.memref_slice %arg9[%add3A_136, %dma_wait3A_155] : memref<10000x128xf32, #tpu.memory_space<vmem_shared>> -> memref<80x128xf32, #tpu.memory_space<vmem_shared>>
        %dma_wait3A_157 = arith.constant 0 : i32
        %dma_wait3A_158 = arith.constant 0 : i32
        %dma_wait3A_159 = tpu.memref_slice %arg8[%run_scoped3A, %dma_wait3A_157, %dma_wait3A_158] : memref<3x80x128xf32, #tpu.memory_space<vmem>> -> memref<1x80x128xf32, #tpu.memory_space<vmem>>
        %dma_wait3A_160 = tpu.memref_squeeze %dma_wait3A_159 : memref<1x80x128xf32, #tpu.memory_space<vmem>> -> memref<80x128xf32, #tpu.memory_space<vmem>>
        tpu.wait_dma2 semaphore(%run_scoped3A_137 : memref<!tpu.dma_semaphore, #tpu.memory_space<semaphore_mem>>) src(%dma_wait3A_160 : memref<80x128xf32, #tpu.memory_space<vmem>>) dst(%dma_wait3A_156 : memref<80x128xf32, #tpu.memory_space<vmem_shared>>)
        tpu.yield
      }) : () -> ()
    } else {
    }
    %ge3A_30 = arith.constant 480 : i32
    %ge3A_31 = arith.cmpi sge, %select_n3A, %ge3A_30 : i32
    %convert_element_type3A_32 = arith.extui %ge3A_31 : i1 to i32
    %cond3A_33 = arith.constant 0 : i32
    %cond3A_34 = arith.cmpi ne, %convert_element_type3A_32, %cond3A_33 : i32
    scf.if %cond3A_34 {
      %add3A = arith.constant 400 : i32
      %add3A_136 = arith.addi %mul3A_2, %add3A : i32
      %run_scoped3A = arith.constant 0 : i32
      "tpu.region"() ({
        %run_scoped3A_137 = tpu.sem_alloc : memref<!tpu.dma_semaphore, #tpu.memory_space<semaphore_mem>>
        %dma_start3A_138 = arith.constant 0 : i32
        %dma_start3A_139 = arith.constant 0 : i32
        %dma_start3A_140 = tpu.memref_slice %arg8[%run_scoped3A, %dma_start3A_138, %dma_start3A_139] : memref<3x80x128xf32, #tpu.memory_space<vmem>> -> memref<1x80x128xf32, #tpu.memory_space<vmem>>
        %dma_start3A_141 = tpu.memref_squeeze %dma_start3A_140 : memref<1x80x128xf32, #tpu.memory_space<vmem>> -> memref<80x128xf32, #tpu.memory_space<vmem>>
        %dma_start3A_142 = arith.constant 0 : i32
        %dma_start3A_143 = tpu.memref_slice %arg9[%add3A_136, %dma_start3A_142] : memref<10000x128xf32, #tpu.memory_space<vmem_shared>> -> memref<80x128xf32, #tpu.memory_space<vmem_shared>>
        %dma_start3A_144 = arith.constant 0 : i32
        %dma_start3A_145 = tpu.memref_slice %arg9[%add3A_136, %dma_start3A_144] : memref<10000x128xf32, #tpu.memory_space<vmem_shared>> -> memref<80x128xf32, #tpu.memory_space<vmem_shared>>
        %dma_start3A_146 = arith.constant 0 : i32
        %dma_start3A_147 = arith.constant 0 : i32
        %dma_start3A_148 = tpu.memref_slice %arg8[%run_scoped3A, %dma_start3A_146, %dma_start3A_147] : memref<3x80x128xf32, #tpu.memory_space<vmem>> -> memref<1x80x128xf32, #tpu.memory_space<vmem>>
        %dma_start3A_149 = tpu.memref_squeeze %dma_start3A_148 : memref<1x80x128xf32, #tpu.memory_space<vmem>> -> memref<80x128xf32, #tpu.memory_space<vmem>>
        tpu.enqueue_dma source(%dma_start3A_149 : memref<80x128xf32, #tpu.memory_space<vmem>>) target(%dma_start3A_145 : memref<80x128xf32, #tpu.memory_space<vmem_shared>>) target_semaphore(%run_scoped3A_137 : memref<!tpu.dma_semaphore, #tpu.memory_space<semaphore_mem>>)
        %dma_wait3A = arith.constant 0 : i32
        %dma_wait3A_150 = arith.constant 0 : i32
        %dma_wait3A_151 = tpu.memref_slice %arg8[%run_scoped3A, %dma_wait3A, %dma_wait3A_150] : memref<3x80x128xf32, #tpu.memory_space<vmem>> -> memref<1x80x128xf32, #tpu.memory_space<vmem>>
        %dma_wait3A_152 = tpu.memref_squeeze %dma_wait3A_151 : memref<1x80x128xf32, #tpu.memory_space<vmem>> -> memref<80x128xf32, #tpu.memory_space<vmem>>
        %dma_wait3A_153 = arith.constant 0 : i32
        %dma_wait3A_154 = tpu.memref_slice %arg9[%add3A_136, %dma_wait3A_153] : memref<10000x128xf32, #tpu.memory_space<vmem_shared>> -> memref<80x128xf32, #tpu.memory_space<vmem_shared>>
        %dma_wait3A_155 = arith.constant 0 : i32
        %dma_wait3A_156 = tpu.memref_slice %arg9[%add3A_136, %dma_wait3A_155] : memref<10000x128xf32, #tpu.memory_space<vmem_shared>> -> memref<80x128xf32, #tpu.memory_space<vmem_shared>>
        %dma_wait3A_157 = arith.constant 0 : i32
        %dma_wait3A_158 = arith.constant 0 : i32
        %dma_wait3A_159 = tpu.memref_slice %arg8[%run_scoped3A, %dma_wait3A_157, %dma_wait3A_158] : memref<3x80x128xf32, #tpu.memory_space<vmem>> -> memref<1x80x128xf32, #tpu.memory_space<vmem>>
        %dma_wait3A_160 = tpu.memref_squeeze %dma_wait3A_159 : memref<1x80x128xf32, #tpu.memory_space<vmem>> -> memref<80x128xf32, #tpu.memory_space<vmem>>
        tpu.wait_dma2 semaphore(%run_scoped3A_137 : memref<!tpu.dma_semaphore, #tpu.memory_space<semaphore_mem>>) src(%dma_wait3A_160 : memref<80x128xf32, #tpu.memory_space<vmem>>) dst(%dma_wait3A_156 : memref<80x128xf32, #tpu.memory_space<vmem_shared>>)
        tpu.yield
      }) : () -> ()
    } else {
    }
    %ge3A_35 = arith.constant 560 : i32
    %ge3A_36 = arith.cmpi sge, %select_n3A, %ge3A_35 : i32
    %convert_element_type3A_37 = arith.extui %ge3A_36 : i1 to i32
    %cond3A_38 = arith.constant 0 : i32
    %cond3A_39 = arith.cmpi ne, %convert_element_type3A_37, %cond3A_38 : i32
    scf.if %cond3A_39 {
      %add3A = arith.constant 480 : i32
      %add3A_136 = arith.addi %mul3A_2, %add3A : i32
      %run_scoped3A = arith.constant 0 : i32
      "tpu.region"() ({
        %run_scoped3A_137 = tpu.sem_alloc : memref<!tpu.dma_semaphore, #tpu.memory_space<semaphore_mem>>
        %dma_start3A_138 = arith.constant 0 : i32
        %dma_start3A_139 = arith.constant 0 : i32
        %dma_start3A_140 = tpu.memref_slice %arg8[%run_scoped3A, %dma_start3A_138, %dma_start3A_139] : memref<3x80x128xf32, #tpu.memory_space<vmem>> -> memref<1x80x128xf32, #tpu.memory_space<vmem>>
        %dma_start3A_141 = tpu.memref_squeeze %dma_start3A_140 : memref<1x80x128xf32, #tpu.memory_space<vmem>> -> memref<80x128xf32, #tpu.memory_space<vmem>>
        %dma_start3A_142 = arith.constant 0 : i32
        %dma_start3A_143 = tpu.memref_slice %arg9[%add3A_136, %dma_start3A_142] : memref<10000x128xf32, #tpu.memory_space<vmem_shared>> -> memref<80x128xf32, #tpu.memory_space<vmem_shared>>
        %dma_start3A_144 = arith.constant 0 : i32
        %dma_start3A_145 = tpu.memref_slice %arg9[%add3A_136, %dma_start3A_144] : memref<10000x128xf32, #tpu.memory_space<vmem_shared>> -> memref<80x128xf32, #tpu.memory_space<vmem_shared>>
        %dma_start3A_146 = arith.constant 0 : i32
        %dma_start3A_147 = arith.constant 0 : i32
        %dma_start3A_148 = tpu.memref_slice %arg8[%run_scoped3A, %dma_start3A_146, %dma_start3A_147] : memref<3x80x128xf32, #tpu.memory_space<vmem>> -> memref<1x80x128xf32, #tpu.memory_space<vmem>>
        %dma_start3A_149 = tpu.memref_squeeze %dma_start3A_148 : memref<1x80x128xf32, #tpu.memory_space<vmem>> -> memref<80x128xf32, #tpu.memory_space<vmem>>
        tpu.enqueue_dma source(%dma_start3A_149 : memref<80x128xf32, #tpu.memory_space<vmem>>) target(%dma_start3A_145 : memref<80x128xf32, #tpu.memory_space<vmem_shared>>) target_semaphore(%run_scoped3A_137 : memref<!tpu.dma_semaphore, #tpu.memory_space<semaphore_mem>>)
        %dma_wait3A = arith.constant 0 : i32
        %dma_wait3A_150 = arith.constant 0 : i32
        %dma_wait3A_151 = tpu.memref_slice %arg8[%run_scoped3A, %dma_wait3A, %dma_wait3A_150] : memref<3x80x128xf32, #tpu.memory_space<vmem>> -> memref<1x80x128xf32, #tpu.memory_space<vmem>>
        %dma_wait3A_152 = tpu.memref_squeeze %dma_wait3A_151 : memref<1x80x128xf32, #tpu.memory_space<vmem>> -> memref<80x128xf32, #tpu.memory_space<vmem>>
        %dma_wait3A_153 = arith.constant 0 : i32
        %dma_wait3A_154 = tpu.memref_slice %arg9[%add3A_136, %dma_wait3A_153] : memref<10000x128xf32, #tpu.memory_space<vmem_shared>> -> memref<80x128xf32, #tpu.memory_space<vmem_shared>>
        %dma_wait3A_155 = arith.constant 0 : i32
        %dma_wait3A_156 = tpu.memref_slice %arg9[%add3A_136, %dma_wait3A_155] : memref<10000x128xf32, #tpu.memory_space<vmem_shared>> -> memref<80x128xf32, #tpu.memory_space<vmem_shared>>
        %dma_wait3A_157 = arith.constant 0 : i32
        %dma_wait3A_158 = arith.constant 0 : i32
        %dma_wait3A_159 = tpu.memref_slice %arg8[%run_scoped3A, %dma_wait3A_157, %dma_wait3A_158] : memref<3x80x128xf32, #tpu.memory_space<vmem>> -> memref<1x80x128xf32, #tpu.memory_space<vmem>>
        %dma_wait3A_160 = tpu.memref_squeeze %dma_wait3A_159 : memref<1x80x128xf32, #tpu.memory_space<vmem>> -> memref<80x128xf32, #tpu.memory_space<vmem>>
        tpu.wait_dma2 semaphore(%run_scoped3A_137 : memref<!tpu.dma_semaphore, #tpu.memory_space<semaphore_mem>>) src(%dma_wait3A_160 : memref<80x128xf32, #tpu.memory_space<vmem>>) dst(%dma_wait3A_156 : memref<80x128xf32, #tpu.memory_space<vmem_shared>>)
        tpu.yield
      }) : () -> ()
    } else {
    }
    %ge3A_40 = arith.constant 640 : i32
    %ge3A_41 = arith.cmpi sge, %select_n3A, %ge3A_40 : i32
    %convert_element_type3A_42 = arith.extui %ge3A_41 : i1 to i32
    %cond3A_43 = arith.constant 0 : i32
    %cond3A_44 = arith.cmpi ne, %convert_element_type3A_42, %cond3A_43 : i32
    scf.if %cond3A_44 {
      %add3A = arith.constant 560 : i32
      %add3A_136 = arith.addi %mul3A_2, %add3A : i32
      %run_scoped3A = arith.constant 0 : i32
      "tpu.region"() ({
        %run_scoped3A_137 = tpu.sem_alloc : memref<!tpu.dma_semaphore, #tpu.memory_space<semaphore_mem>>
        %dma_start3A_138 = arith.constant 0 : i32
        %dma_start3A_139 = arith.constant 0 : i32
        %dma_start3A_140 = tpu.memref_slice %arg8[%run_scoped3A, %dma_start3A_138, %dma_start3A_139] : memref<3x80x128xf32, #tpu.memory_space<vmem>> -> memref<1x80x128xf32, #tpu.memory_space<vmem>>
        %dma_start3A_141 = tpu.memref_squeeze %dma_start3A_140 : memref<1x80x128xf32, #tpu.memory_space<vmem>> -> memref<80x128xf32, #tpu.memory_space<vmem>>
        %dma_start3A_142 = arith.constant 0 : i32
        %dma_start3A_143 = tpu.memref_slice %arg9[%add3A_136, %dma_start3A_142] : memref<10000x128xf32, #tpu.memory_space<vmem_shared>> -> memref<80x128xf32, #tpu.memory_space<vmem_shared>>
        %dma_start3A_144 = arith.constant 0 : i32
        %dma_start3A_145 = tpu.memref_slice %arg9[%add3A_136, %dma_start3A_144] : memref<10000x128xf32, #tpu.memory_space<vmem_shared>> -> memref<80x128xf32, #tpu.memory_space<vmem_shared>>
        %dma_start3A_146 = arith.constant 0 : i32
        %dma_start3A_147 = arith.constant 0 : i32
        %dma_start3A_148 = tpu.memref_slice %arg8[%run_scoped3A, %dma_start3A_146, %dma_start3A_147] : memref<3x80x128xf32, #tpu.memory_space<vmem>> -> memref<1x80x128xf32, #tpu.memory_space<vmem>>
        %dma_start3A_149 = tpu.memref_squeeze %dma_start3A_148 : memref<1x80x128xf32, #tpu.memory_space<vmem>> -> memref<80x128xf32, #tpu.memory_space<vmem>>
        tpu.enqueue_dma source(%dma_start3A_149 : memref<80x128xf32, #tpu.memory_space<vmem>>) target(%dma_start3A_145 : memref<80x128xf32, #tpu.memory_space<vmem_shared>>) target_semaphore(%run_scoped3A_137 : memref<!tpu.dma_semaphore, #tpu.memory_space<semaphore_mem>>)
        %dma_wait3A = arith.constant 0 : i32
        %dma_wait3A_150 = arith.constant 0 : i32
        %dma_wait3A_151 = tpu.memref_slice %arg8[%run_scoped3A, %dma_wait3A, %dma_wait3A_150] : memref<3x80x128xf32, #tpu.memory_space<vmem>> -> memref<1x80x128xf32, #tpu.memory_space<vmem>>
        %dma_wait3A_152 = tpu.memref_squeeze %dma_wait3A_151 : memref<1x80x128xf32, #tpu.memory_space<vmem>> -> memref<80x128xf32, #tpu.memory_space<vmem>>
        %dma_wait3A_153 = arith.constant 0 : i32
        %dma_wait3A_154 = tpu.memref_slice %arg9[%add3A_136, %dma_wait3A_153] : memref<10000x128xf32, #tpu.memory_space<vmem_shared>> -> memref<80x128xf32, #tpu.memory_space<vmem_shared>>
        %dma_wait3A_155 = arith.constant 0 : i32
        %dma_wait3A_156 = tpu.memref_slice %arg9[%add3A_136, %dma_wait3A_155] : memref<10000x128xf32, #tpu.memory_space<vmem_shared>> -> memref<80x128xf32, #tpu.memory_space<vmem_shared>>
        %dma_wait3A_157 = arith.constant 0 : i32
        %dma_wait3A_158 = arith.constant 0 : i32
        %dma_wait3A_159 = tpu.memref_slice %arg8[%run_scoped3A, %dma_wait3A_157, %dma_wait3A_158] : memref<3x80x128xf32, #tpu.memory_space<vmem>> -> memref<1x80x128xf32, #tpu.memory_space<vmem>>
        %dma_wait3A_160 = tpu.memref_squeeze %dma_wait3A_159 : memref<1x80x128xf32, #tpu.memory_space<vmem>> -> memref<80x128xf32, #tpu.memory_space<vmem>>
        tpu.wait_dma2 semaphore(%run_scoped3A_137 : memref<!tpu.dma_semaphore, #tpu.memory_space<semaphore_mem>>) src(%dma_wait3A_160 : memref<80x128xf32, #tpu.memory_space<vmem>>) dst(%dma_wait3A_156 : memref<80x128xf32, #tpu.memory_space<vmem_shared>>)
        tpu.yield
      }) : () -> ()
    } else {
    }
    %lt3A_45 = arith.constant 15 : i32
    %lt3A_46 = arith.cmpi slt, %arg1, %lt3A_45 : i32
    %convert_element_type3A_47 = arith.extui %lt3A_46 : i1 to i32
    %cond3A_48 = arith.constant 0 : i32
    %cond3A_49 = arith.cmpi ne, %convert_element_type3A_47, %cond3A_48 : i32
    scf.if %cond3A_49 {
      %add3A = arith.constant 560 : i32
      %add3A_136 = arith.addi %mul3A_2, %add3A : i32
      %run_scoped3A = arith.constant 0 : i32
      "tpu.region"() ({
        %run_scoped3A_137 = tpu.sem_alloc : memref<!tpu.dma_semaphore, #tpu.memory_space<semaphore_mem>>
        %dma_start3A_138 = arith.constant 0 : i32
        %dma_start3A_139 = arith.constant 0 : i32
        %dma_start3A_140 = tpu.memref_slice %arg8[%run_scoped3A, %dma_start3A_138, %dma_start3A_139] : memref<3x80x128xf32, #tpu.memory_space<vmem>> -> memref<1x72x128xf32, #tpu.memory_space<vmem>>
        %dma_start3A_141 = tpu.memref_squeeze %dma_start3A_140 : memref<1x72x128xf32, #tpu.memory_space<vmem>> -> memref<72x128xf32, #tpu.memory_space<vmem>>
        %dma_start3A_142 = arith.constant 0 : i32
        %dma_start3A_143 = tpu.memref_slice %arg9[%add3A_136, %dma_start3A_142] : memref<10000x128xf32, #tpu.memory_space<vmem_shared>> -> memref<72x128xf32, #tpu.memory_space<vmem_shared>>
        %dma_start3A_144 = arith.constant 0 : i32
        %dma_start3A_145 = tpu.memref_slice %arg9[%add3A_136, %dma_start3A_144] : memref<10000x128xf32, #tpu.memory_space<vmem_shared>> -> memref<72x128xf32, #tpu.memory_space<vmem_shared>>
        %dma_start3A_146 = arith.constant 0 : i32
        %dma_start3A_147 = arith.constant 0 : i32
        %dma_start3A_148 = tpu.memref_slice %arg8[%run_scoped3A, %dma_start3A_146, %dma_start3A_147] : memref<3x80x128xf32, #tpu.memory_space<vmem>> -> memref<1x72x128xf32, #tpu.memory_space<vmem>>
        %dma_start3A_149 = tpu.memref_squeeze %dma_start3A_148 : memref<1x72x128xf32, #tpu.memory_space<vmem>> -> memref<72x128xf32, #tpu.memory_space<vmem>>
        tpu.enqueue_dma source(%dma_start3A_149 : memref<72x128xf32, #tpu.memory_space<vmem>>) target(%dma_start3A_145 : memref<72x128xf32, #tpu.memory_space<vmem_shared>>) target_semaphore(%run_scoped3A_137 : memref<!tpu.dma_semaphore, #tpu.memory_space<semaphore_mem>>)
        %dma_wait3A = arith.constant 0 : i32
        %dma_wait3A_150 = arith.constant 0 : i32
        %dma_wait3A_151 = tpu.memref_slice %arg8[%run_scoped3A, %dma_wait3A, %dma_wait3A_150] : memref<3x80x128xf32, #tpu.memory_space<vmem>> -> memref<1x72x128xf32, #tpu.memory_space<vmem>>
        %dma_wait3A_152 = tpu.memref_squeeze %dma_wait3A_151 : memref<1x72x128xf32, #tpu.memory_space<vmem>> -> memref<72x128xf32, #tpu.memory_space<vmem>>
        %dma_wait3A_153 = arith.constant 0 : i32
        %dma_wait3A_154 = tpu.memref_slice %arg9[%add3A_136, %dma_wait3A_153] : memref<10000x128xf32, #tpu.memory_space<vmem_shared>> -> memref<72x128xf32, #tpu.memory_space<vmem_shared>>
        %dma_wait3A_155 = arith.constant 0 : i32
        %dma_wait3A_156 = tpu.memref_slice %arg9[%add3A_136, %dma_wait3A_155] : memref<10000x128xf32, #tpu.memory_space<vmem_shared>> -> memref<72x128xf32, #tpu.memory_space<vmem_shared>>
        %dma_wait3A_157 = arith.constant 0 : i32
        %dma_wait3A_158 = arith.constant 0 : i32
        %dma_wait3A_159 = tpu.memref_slice %arg8[%run_scoped3A, %dma_wait3A_157, %dma_wait3A_158] : memref<3x80x128xf32, #tpu.memory_space<vmem>> -> memref<1x72x128xf32, #tpu.memory_space<vmem>>
        %dma_wait3A_160 = tpu.memref_squeeze %dma_wait3A_159 : memref<1x72x128xf32, #tpu.memory_space<vmem>> -> memref<72x128xf32, #tpu.memory_space<vmem>>
        tpu.wait_dma2 semaphore(%run_scoped3A_137 : memref<!tpu.dma_semaphore, #tpu.memory_space<semaphore_mem>>) src(%dma_wait3A_160 : memref<72x128xf32, #tpu.memory_space<vmem>>) dst(%dma_wait3A_156 : memref<72x128xf32, #tpu.memory_space<vmem_shared>>)
        tpu.yield
      }) : () -> ()
    } else {
    }
    %eq3A = arith.constant 15 : i32
    %eq3A_50 = arith.cmpi eq, %arg1, %eq3A : i32
    %convert_element_type3A_51 = arith.extui %eq3A_50 : i1 to i32
    %cond3A_52 = arith.constant 0 : i32
    %cond3A_53 = arith.cmpi ne, %convert_element_type3A_51, %cond3A_52 : i32
    scf.if %cond3A_53 {
      %add3A = arith.constant 480 : i32
      %add3A_136 = arith.addi %mul3A_2, %add3A : i32
      %run_scoped3A = arith.constant 0 : i32
      "tpu.region"() ({
        %run_scoped3A_137 = tpu.sem_alloc : memref<!tpu.dma_semaphore, #tpu.memory_space<semaphore_mem>>
        %dma_start3A_138 = arith.constant 0 : i32
        %dma_start3A_139 = arith.constant 0 : i32
        %dma_start3A_140 = tpu.memref_slice %arg8[%run_scoped3A, %dma_start3A_138, %dma_start3A_139] : memref<3x80x128xf32, #tpu.memory_space<vmem>> -> memref<1x40x128xf32, #tpu.memory_space<vmem>>
        %dma_start3A_141 = tpu.memref_squeeze %dma_start3A_140 : memref<1x40x128xf32, #tpu.memory_space<vmem>> -> memref<40x128xf32, #tpu.memory_space<vmem>>
        %dma_start3A_142 = arith.constant 0 : i32
        %dma_start3A_143 = tpu.memref_slice %arg9[%add3A_136, %dma_start3A_142] : memref<10000x128xf32, #tpu.memory_space<vmem_shared>> -> memref<40x128xf32, #tpu.memory_space<vmem_shared>>
        %dma_start3A_144 = arith.constant 0 : i32
        %dma_start3A_145 = tpu.memref_slice %arg9[%add3A_136, %dma_start3A_144] : memref<10000x128xf32, #tpu.memory_space<vmem_shared>> -> memref<40x128xf32, #tpu.memory_space<vmem_shared>>
        %dma_start3A_146 = arith.constant 0 : i32
        %dma_start3A_147 = arith.constant 0 : i32
        %dma_start3A_148 = tpu.memref_slice %arg8[%run_scoped3A, %dma_start3A_146, %dma_start3A_147] : memref<3x80x128xf32, #tpu.memory_space<vmem>> -> memref<1x40x128xf32, #tpu.memory_space<vmem>>
        %dma_start3A_149 = tpu.memref_squeeze %dma_start3A_148 : memref<1x40x128xf32, #tpu.memory_space<vmem>> -> memref<40x128xf32, #tpu.memory_space<vmem>>
        tpu.enqueue_dma source(%dma_start3A_149 : memref<40x128xf32, #tpu.memory_space<vmem>>) target(%dma_start3A_145 : memref<40x128xf32, #tpu.memory_space<vmem_shared>>) target_semaphore(%run_scoped3A_137 : memref<!tpu.dma_semaphore, #tpu.memory_space<semaphore_mem>>)
        %dma_wait3A = arith.constant 0 : i32
        %dma_wait3A_150 = arith.constant 0 : i32
        %dma_wait3A_151 = tpu.memref_slice %arg8[%run_scoped3A, %dma_wait3A, %dma_wait3A_150] : memref<3x80x128xf32, #tpu.memory_space<vmem>> -> memref<1x40x128xf32, #tpu.memory_space<vmem>>
        %dma_wait3A_152 = tpu.memref_squeeze %dma_wait3A_151 : memref<1x40x128xf32, #tpu.memory_space<vmem>> -> memref<40x128xf32, #tpu.memory_space<vmem>>
        %dma_wait3A_153 = arith.constant 0 : i32
        %dma_wait3A_154 = tpu.memref_slice %arg9[%add3A_136, %dma_wait3A_153] : memref<10000x128xf32, #tpu.memory_space<vmem_shared>> -> memref<40x128xf32, #tpu.memory_space<vmem_shared>>
        %dma_wait3A_155 = arith.constant 0 : i32
        %dma_wait3A_156 = tpu.memref_slice %arg9[%add3A_136, %dma_wait3A_155] : memref<10000x128xf32, #tpu.memory_space<vmem_shared>> -> memref<40x128xf32, #tpu.memory_space<vmem_shared>>
        %dma_wait3A_157 = arith.constant 0 : i32
        %dma_wait3A_158 = arith.constant 0 : i32
        %dma_wait3A_159 = tpu.memref_slice %arg8[%run_scoped3A, %dma_wait3A_157, %dma_wait3A_158] : memref<3x80x128xf32, #tpu.memory_space<vmem>> -> memref<1x40x128xf32, #tpu.memory_space<vmem>>
        %dma_wait3A_160 = tpu.memref_squeeze %dma_wait3A_159 : memref<1x40x128xf32, #tpu.memory_space<vmem>> -> memref<40x128xf32, #tpu.memory_space<vmem>>
        tpu.wait_dma2 semaphore(%run_scoped3A_137 : memref<!tpu.dma_semaphore, #tpu.memory_space<semaphore_mem>>) src(%dma_wait3A_160 : memref<40x128xf32, #tpu.memory_space<vmem>>) dst(%dma_wait3A_156 : memref<40x128xf32, #tpu.memory_space<vmem_shared>>)
        tpu.yield
      }) : () -> ()
    } else {
    }
    %barrier3A = arith.constant 0 : index
    tpu.barrier barrier_id(%barrier3A)
    %dma_start3A = arith.constant 0 : i32
    %dma_start3A_54 = arith.constant 0 : i32
    %dma_start3A_55 = arith.constant 0 : i32
    %dma_start3A_56 = arith.constant 0 : i32
    %dma_start3A_57 = tpu.memref_slice %arg8[%dma_start3A, %dma_start3A_55, %dma_start3A_56] : memref<3x80x128xf32, #tpu.memory_space<vmem>> -> memref<1x80x128xf32, #tpu.memory_space<vmem>>
    %dma_start3A_58 = tpu.memref_squeeze %dma_start3A_57 : memref<1x80x128xf32, #tpu.memory_space<vmem>> -> memref<80x128xf32, #tpu.memory_space<vmem>>
    %dma_start3A_59 = arith.constant 0 : i32
    %dma_start3A_60 = tpu.memref_slice %arg6[%dma_start3A_59] : memref<10000xi32, #tpu.memory_space<vmem>> -> memref<80xi32, #tpu.memory_space<vmem>>
    %dma_start3A_61 = arith.constant 0 : i32
    %dma_start3A_62 = arith.constant 0 : i32
    %dma_start3A_63 = tpu.memref_slice %arg2[%dma_start3A_61, %dma_start3A_62] : memref<20000x128xf32, #tpu.memory_space<hbm>> -> memref<20000x128xf32, #tpu.memory_space<hbm>>
    %dma_start3A_64 = tpu.memref_slice %arg10[%dma_start3A_54] : memref<3x!tpu.dma_semaphore, #tpu.memory_space<semaphore_mem>> -> memref<1x!tpu.dma_semaphore, #tpu.memory_space<semaphore_mem>>
    %dma_start3A_65 = tpu.memref_squeeze %dma_start3A_64 : memref<1x!tpu.dma_semaphore, #tpu.memory_space<semaphore_mem>> -> memref<!tpu.dma_semaphore, #tpu.memory_space<semaphore_mem>>
    tpu.enqueue_indirect_dma source(%dma_start3A_63 : memref<20000x128xf32, #tpu.memory_space<hbm>>) target(%dma_start3A_58 : memref<80x128xf32, #tpu.memory_space<vmem>>) offsets(%dma_start3A_60 : memref<80xi32, #tpu.memory_space<vmem>>) semaphore(%dma_start3A_65 : memref<!tpu.dma_semaphore, #tpu.memory_space<semaphore_mem>>)
    %dma_start3A_66 = arith.constant 1 : i32
    %dma_start3A_67 = arith.constant 1 : i32
    %dma_start3A_68 = arith.constant 0 : i32
    %dma_start3A_69 = arith.constant 0 : i32
    %dma_start3A_70 = tpu.memref_slice %arg8[%dma_start3A_66, %dma_start3A_68, %dma_start3A_69] : memref<3x80x128xf32, #tpu.memory_space<vmem>> -> memref<1x80x128xf32, #tpu.memory_space<vmem>>
    %dma_start3A_71 = tpu.memref_squeeze %dma_start3A_70 : memref<1x80x128xf32, #tpu.memory_space<vmem>> -> memref<80x128xf32, #tpu.memory_space<vmem>>
    %dma_start3A_72 = arith.constant 80 : i32
    %dma_start3A_73 = tpu.memref_slice %arg6[%dma_start3A_72] : memref<10000xi32, #tpu.memory_space<vmem>> -> memref<80xi32, #tpu.memory_space<vmem>>
    %dma_start3A_74 = arith.constant 0 : i32
    %dma_start3A_75 = arith.constant 0 : i32
    %dma_start3A_76 = tpu.memref_slice %arg2[%dma_start3A_74, %dma_start3A_75] : memref<20000x128xf32, #tpu.memory_space<hbm>> -> memref<20000x128xf32, #tpu.memory_space<hbm>>
    %dma_start3A_77 = tpu.memref_slice %arg10[%dma_start3A_67] : memref<3x!tpu.dma_semaphore, #tpu.memory_space<semaphore_mem>> -> memref<1x!tpu.dma_semaphore, #tpu.memory_space<semaphore_mem>>
    %dma_start3A_78 = tpu.memref_squeeze %dma_start3A_77 : memref<1x!tpu.dma_semaphore, #tpu.memory_space<semaphore_mem>> -> memref<!tpu.dma_semaphore, #tpu.memory_space<semaphore_mem>>
    tpu.enqueue_indirect_dma source(%dma_start3A_76 : memref<20000x128xf32, #tpu.memory_space<hbm>>) target(%dma_start3A_71 : memref<80x128xf32, #tpu.memory_space<vmem>>) offsets(%dma_start3A_73 : memref<80xi32, #tpu.memory_space<vmem>>) semaphore(%dma_start3A_78 : memref<!tpu.dma_semaphore, #tpu.memory_space<semaphore_mem>>)
    %scan3A_79 = arith.constant 0 : i32
    %scan3A_80 = arith.constant 0 : i32
    %scan3A_81 = arith.constant 125 : i32
    %scan3A_82 = arith.addi %scan3A_80, %scan3A_81 : i32
    %scan3A_83 = arith.constant 1 : i32
    scf.for %scan3A_136 = %scan3A_80 to %scan3A_82 step %scan3A_83  : i32 {
      %add3A = arith.constant 2 : i32
      %add3A_137 = arith.addi %scan3A_136, %add3A : i32
      %lt3A_138 = arith.constant 125 : i32
      %lt3A_139 = arith.cmpi slt, %add3A_137, %lt3A_138 : i32
      %convert_element_type3A_140 = arith.extui %lt3A_139 : i1 to i32
      %cond3A_141 = arith.constant 0 : i32
      %cond3A_142 = arith.cmpi ne, %convert_element_type3A_140, %cond3A_141 : i32
      scf.if %cond3A_142 {
        %add3A_201 = arith.constant 2 : i32
        %add3A_202 = arith.addi %scan3A_136, %add3A_201 : i32
        %mul3A_203 = arith.constant 80 : i32
        %mul3A_204 = arith.muli %add3A_202, %mul3A_203 : i32
        %add3A_205 = arith.constant 2 : i32
        %add3A_206 = arith.addi %scan3A_136, %add3A_205 : i32
        %jit3A_207 = arith.constant 3 : i32
        %eq3A_208 = arith.constant 0 : i32
        %eq3A_209 = arith.cmpi eq, %jit3A_207, %eq3A_208 : i32
        %jit3A_210 = arith.constant 1 : i32
        %select_n3A_211 = arith.select %eq3A_209, %jit3A_210, %jit3A_207 : i32
        %rem3A_212 = arith.remsi %add3A_206, %select_n3A_211 : i32
        %ne3A_213 = arith.constant 0 : i32
        %ne3A_214 = arith.cmpi ne, %rem3A_212, %ne3A_213 : i32
        %lt3A_215 = arith.constant 0 : i32
        %lt3A_216 = arith.cmpi slt, %rem3A_212, %lt3A_215 : i32
        %lt3A_217 = arith.constant 0 : i32
        %lt3A_218 = arith.cmpi slt, %select_n3A_211, %lt3A_217 : i32
        %ne3A_219 = arith.xori %lt3A_216, %lt3A_218 : i1
        %and3A_220 = arith.andi %ne3A_219, %ne3A_214 : i1
        %add3A_221 = arith.addi %rem3A_212, %select_n3A_211 : i32
        %select_n3A_222 = arith.select %and3A_220, %add3A_221, %rem3A_212 : i32
        %add3A_223 = arith.constant 2 : i32
        %add3A_224 = arith.addi %scan3A_136, %add3A_223 : i32
        %jit3A_225 = arith.constant 3 : i32
        %eq3A_226 = arith.constant 0 : i32
        %eq3A_227 = arith.cmpi eq, %jit3A_225, %eq3A_226 : i32
        %jit3A_228 = arith.constant 1 : i32
        %select_n3A_229 = arith.select %eq3A_227, %jit3A_228, %jit3A_225 : i32
        %rem3A_230 = arith.remsi %add3A_224, %select_n3A_229 : i32
        %ne3A_231 = arith.constant 0 : i32
        %ne3A_232 = arith.cmpi ne, %rem3A_230, %ne3A_231 : i32
        %lt3A_233 = arith.constant 0 : i32
        %lt3A_234 = arith.cmpi slt, %rem3A_230, %lt3A_233 : i32
        %lt3A_235 = arith.constant 0 : i32
        %lt3A_236 = arith.cmpi slt, %select_n3A_229, %lt3A_235 : i32
        %ne3A_237 = arith.xori %lt3A_234, %lt3A_236 : i1
        %and3A_238 = arith.andi %ne3A_237, %ne3A_232 : i1
        %add3A_239 = arith.addi %rem3A_230, %select_n3A_229 : i32
        %select_n3A_240 = arith.select %and3A_238, %add3A_239, %rem3A_230 : i32
        %dma_start3A_241 = arith.constant 0 : i32
        %dma_start3A_242 = arith.constant 0 : i32
        %dma_start3A_243 = tpu.memref_slice %arg8[%select_n3A_222, %dma_start3A_241, %dma_start3A_242] : memref<3x80x128xf32, #tpu.memory_space<vmem>> -> memref<1x80x128xf32, #tpu.memory_space<vmem>>
        %dma_start3A_244 = tpu.memref_squeeze %dma_start3A_243 : memref<1x80x128xf32, #tpu.memory_space<vmem>> -> memref<80x128xf32, #tpu.memory_space<vmem>>
        %dma_start3A_245 = tpu.memref_slice %arg6[%mul3A_204] : memref<10000xi32, #tpu.memory_space<vmem>> -> memref<80xi32, #tpu.memory_space<vmem>>
        %dma_start3A_246 = arith.constant 0 : i32
        %dma_start3A_247 = arith.constant 0 : i32
        %dma_start3A_248 = tpu.memref_slice %arg2[%dma_start3A_246, %dma_start3A_247] : memref<20000x128xf32, #tpu.memory_space<hbm>> -> memref<20000x128xf32, #tpu.memory_space<hbm>>
        %dma_start3A_249 = tpu.memref_slice %arg10[%select_n3A_240] : memref<3x!tpu.dma_semaphore, #tpu.memory_space<semaphore_mem>> -> memref<1x!tpu.dma_semaphore, #tpu.memory_space<semaphore_mem>>
        %dma_start3A_250 = tpu.memref_squeeze %dma_start3A_249 : memref<1x!tpu.dma_semaphore, #tpu.memory_space<semaphore_mem>> -> memref<!tpu.dma_semaphore, #tpu.memory_space<semaphore_mem>>
        tpu.enqueue_indirect_dma source(%dma_start3A_248 : memref<20000x128xf32, #tpu.memory_space<hbm>>) target(%dma_start3A_244 : memref<80x128xf32, #tpu.memory_space<vmem>>) offsets(%dma_start3A_245 : memref<80xi32, #tpu.memory_space<vmem>>) semaphore(%dma_start3A_250 : memref<!tpu.dma_semaphore, #tpu.memory_space<semaphore_mem>>)
      } else {
      }
      %mul3A_143 = arith.constant 80 : i32
      %mul3A_144 = arith.muli %scan3A_136, %mul3A_143 : i32
      %jit3A_145 = arith.constant 3 : i32
      %eq3A_146 = arith.constant 0 : i32
      %eq3A_147 = arith.cmpi eq, %jit3A_145, %eq3A_146 : i32
      %jit3A_148 = arith.constant 1 : i32
      %select_n3A_149 = arith.select %eq3A_147, %jit3A_148, %jit3A_145 : i32
      %rem3A = arith.remsi %scan3A_136, %select_n3A_149 : i32
      %ne3A = arith.constant 0 : i32
      %ne3A_150 = arith.cmpi ne, %rem3A, %ne3A : i32
      %lt3A_151 = arith.constant 0 : i32
      %lt3A_152 = arith.cmpi slt, %rem3A, %lt3A_151 : i32
      %lt3A_153 = arith.constant 0 : i32
      %lt3A_154 = arith.cmpi slt, %select_n3A_149, %lt3A_153 : i32
      %ne3A_155 = arith.xori %lt3A_152, %lt3A_154 : i1
      %and3A = arith.andi %ne3A_155, %ne3A_150 : i1
      %add3A_156 = arith.addi %rem3A, %select_n3A_149 : i32
      %select_n3A_157 = arith.select %and3A, %add3A_156, %rem3A : i32
      %jit3A_158 = arith.constant 3 : i32
      %eq3A_159 = arith.constant 0 : i32
      %eq3A_160 = arith.cmpi eq, %jit3A_158, %eq3A_159 : i32
      %jit3A_161 = arith.constant 1 : i32
      %select_n3A_162 = arith.select %eq3A_160, %jit3A_161, %jit3A_158 : i32
      %rem3A_163 = arith.remsi %scan3A_136, %select_n3A_162 : i32
      %ne3A_164 = arith.constant 0 : i32
      %ne3A_165 = arith.cmpi ne, %rem3A_163, %ne3A_164 : i32
      %lt3A_166 = arith.constant 0 : i32
      %lt3A_167 = arith.cmpi slt, %rem3A_163, %lt3A_166 : i32
      %lt3A_168 = arith.constant 0 : i32
      %lt3A_169 = arith.cmpi slt, %select_n3A_162, %lt3A_168 : i32
      %ne3A_170 = arith.xori %lt3A_167, %lt3A_169 : i1
      %and3A_171 = arith.andi %ne3A_170, %ne3A_165 : i1
      %add3A_172 = arith.addi %rem3A_163, %select_n3A_162 : i32
      %select_n3A_173 = arith.select %and3A_171, %add3A_172, %rem3A_163 : i32
      %dma_wait3A = arith.constant 0 : i32
      %dma_wait3A_174 = arith.constant 0 : i32
      %dma_wait3A_175 = tpu.memref_slice %arg8[%select_n3A_157, %dma_wait3A, %dma_wait3A_174] : memref<3x80x128xf32, #tpu.memory_space<vmem>> -> memref<1x80x128xf32, #tpu.memory_space<vmem>>
      %dma_wait3A_176 = tpu.memref_squeeze %dma_wait3A_175 : memref<1x80x128xf32, #tpu.memory_space<vmem>> -> memref<80x128xf32, #tpu.memory_space<vmem>>
      %dma_wait3A_177 = tpu.memref_slice %arg6[%mul3A_144] : memref<10000xi32, #tpu.memory_space<vmem>> -> memref<80xi32, #tpu.memory_space<vmem>>
      %dma_wait3A_178 = arith.constant 0 : i32
      %dma_wait3A_179 = arith.constant 0 : i32
      %dma_wait3A_180 = tpu.memref_slice %arg2[%dma_wait3A_178, %dma_wait3A_179] : memref<20000x128xf32, #tpu.memory_space<hbm>> -> memref<20000x128xf32, #tpu.memory_space<hbm>>
      %dma_wait3A_181 = tpu.memref_slice %arg10[%select_n3A_173] : memref<3x!tpu.dma_semaphore, #tpu.memory_space<semaphore_mem>> -> memref<1x!tpu.dma_semaphore, #tpu.memory_space<semaphore_mem>>
      %dma_wait3A_182 = tpu.memref_squeeze %dma_wait3A_181 : memref<1x!tpu.dma_semaphore, #tpu.memory_space<semaphore_mem>> -> memref<!tpu.dma_semaphore, #tpu.memory_space<semaphore_mem>>
      tpu.wait_indirect_dma semaphore(%dma_wait3A_182 : memref<!tpu.dma_semaphore, #tpu.memory_space<semaphore_mem>>) src(%dma_wait3A_180 : memref<20000x128xf32, #tpu.memory_space<hbm>>) dst(%dma_wait3A_176 : memref<80x128xf32, #tpu.memory_space<vmem>>)
      %jit3A_183 = arith.constant 3 : i32
      %eq3A_184 = arith.constant 0 : i32
      %eq3A_185 = arith.cmpi eq, %jit3A_183, %eq3A_184 : i32
      %jit3A_186 = arith.constant 1 : i32
      %select_n3A_187 = arith.select %eq3A_185, %jit3A_186, %jit3A_183 : i32
      %rem3A_188 = arith.remsi %scan3A_136, %select_n3A_187 : i32
      %ne3A_189 = arith.constant 0 : i32
      %ne3A_190 = arith.cmpi ne, %rem3A_188, %ne3A_189 : i32
      %lt3A_191 = arith.constant 0 : i32
      %lt3A_192 = arith.cmpi slt, %rem3A_188, %lt3A_191 : i32
      %lt3A_193 = arith.constant 0 : i32
      %lt3A_194 = arith.cmpi slt, %select_n3A_187, %lt3A_193 : i32
      %ne3A_195 = arith.xori %lt3A_192, %lt3A_194 : i1
      %and3A_196 = arith.andi %ne3A_195, %ne3A_190 : i1
      %add3A_197 = arith.addi %rem3A_188, %select_n3A_187 : i32
      %select_n3A_198 = arith.select %and3A_196, %add3A_197, %rem3A_188 : i32
      %mul3A_199 = arith.constant 80 : i32
      %mul3A_200 = arith.muli %scan3A_136, %mul3A_199 : i32
      "tpu.region"() ({
        %run_scoped3A = tpu.sem_alloc : memref<!tpu.dma_semaphore, #tpu.memory_space<semaphore_mem>>
        %dma_start3A_201 = arith.constant 0 : i32
        %dma_start3A_202 = arith.constant 0 : i32
        %dma_start3A_203 = tpu.memref_slice %arg8[%select_n3A_198, %dma_start3A_201, %dma_start3A_202] : memref<3x80x128xf32, #tpu.memory_space<vmem>> -> memref<1x80x128xf32, #tpu.memory_space<vmem>>
        %dma_start3A_204 = tpu.memref_squeeze %dma_start3A_203 : memref<1x80x128xf32, #tpu.memory_space<vmem>> -> memref<80x128xf32, #tpu.memory_space<vmem>>
        %dma_start3A_205 = tpu.memref_slice %arg7[%mul3A_200] : memref<10000xi32, #tpu.memory_space<vmem>> -> memref<80xi32, #tpu.memory_space<vmem>>
        %dma_start3A_206 = arith.constant 0 : i32
        %dma_start3A_207 = arith.constant 0 : i32
        %dma_start3A_208 = tpu.memref_slice %arg9[%dma_start3A_206, %dma_start3A_207] : memref<10000x128xf32, #tpu.memory_space<vmem_shared>> -> memref<10000x128xf32, #tpu.memory_space<vmem_shared>>
        tpu.enqueue_indirect_dma source(%dma_start3A_204 : memref<80x128xf32, #tpu.memory_space<vmem>>) target(%dma_start3A_208 : memref<10000x128xf32, #tpu.memory_space<vmem_shared>>) offsets(%dma_start3A_205 : memref<80xi32, #tpu.memory_space<vmem>>) semaphore(%run_scoped3A : memref<!tpu.dma_semaphore, #tpu.memory_space<semaphore_mem>>) {add = true}
        %dma_wait3A_209 = arith.constant 0 : i32
        %dma_wait3A_210 = arith.constant 0 : i32
        %dma_wait3A_211 = tpu.memref_slice %arg8[%select_n3A_198, %dma_wait3A_209, %dma_wait3A_210] : memref<3x80x128xf32, #tpu.memory_space<vmem>> -> memref<1x80x128xf32, #tpu.memory_space<vmem>>
        %dma_wait3A_212 = tpu.memref_squeeze %dma_wait3A_211 : memref<1x80x128xf32, #tpu.memory_space<vmem>> -> memref<80x128xf32, #tpu.memory_space<vmem>>
        %dma_wait3A_213 = tpu.memref_slice %arg7[%mul3A_200] : memref<10000xi32, #tpu.memory_space<vmem>> -> memref<80xi32, #tpu.memory_space<vmem>>
        %dma_wait3A_214 = arith.constant 0 : i32
        %dma_wait3A_215 = arith.constant 0 : i32
        %dma_wait3A_216 = tpu.memref_slice %arg9[%dma_wait3A_214, %dma_wait3A_215] : memref<10000x128xf32, #tpu.memory_space<vmem_shared>> -> memref<10000x128xf32, #tpu.memory_space<vmem_shared>>
        tpu.wait_indirect_dma semaphore(%run_scoped3A : memref<!tpu.dma_semaphore, #tpu.memory_space<semaphore_mem>>) src(%dma_wait3A_212 : memref<80x128xf32, #tpu.memory_space<vmem>>) dst(%dma_wait3A_216 : memref<10000x128xf32, #tpu.memory_space<vmem_shared>>)
        tpu.yield
      }) : () -> ()
    }
    %scan3A_84 = arith.constant 125 : i32
    %barrier3A_85 = arith.constant 0 : index
    tpu.barrier barrier_id(%barrier3A_85)
    %ge3A_86 = arith.constant 80 : i32
    %ge3A_87 = arith.cmpi sge, %select_n3A, %ge3A_86 : i32
    %convert_element_type3A_88 = arith.extui %ge3A_87 : i1 to i32
    %cond3A_89 = arith.constant 0 : i32
    %cond3A_90 = arith.cmpi ne, %convert_element_type3A_88, %cond3A_89 : i32
    scf.if %cond3A_90 {
      %add3A = arith.constant 0 : i32
      %add3A_136 = arith.addi %mul3A_2, %add3A : i32
      %add3A_137 = arith.constant 0 : i32
      %add3A_138 = arith.addi %mul3A_2, %add3A_137 : i32
      "tpu.region"() ({
        %run_scoped3A = tpu.sem_alloc : memref<!tpu.dma_semaphore, #tpu.memory_space<semaphore_mem>>
        %dma_start3A_139 = arith.constant 0 : i32
        %dma_start3A_140 = tpu.memref_slice %arg5[%arg0, %add3A_138, %dma_start3A_139] : memref<2x10000x128xf32, #tpu.memory_space<hbm>> -> memref<1x80x128xf32, #tpu.memory_space<hbm>>
        %dma_start3A_141 = tpu.memref_squeeze %dma_start3A_140 : memref<1x80x128xf32, #tpu.memory_space<hbm>> -> memref<80x128xf32, #tpu.memory_space<hbm>>
        %dma_start3A_142 = arith.constant 0 : i32
        %dma_start3A_143 = tpu.memref_slice %arg9[%add3A_136, %dma_start3A_142] : memref<10000x128xf32, #tpu.memory_space<vmem_shared>> -> memref<80x128xf32, #tpu.memory_space<vmem_shared>>
        tpu.enqueue_dma source(%dma_start3A_143 : memref<80x128xf32, #tpu.memory_space<vmem_shared>>) target(%dma_start3A_141 : memref<80x128xf32, #tpu.memory_space<hbm>>) target_semaphore(%run_scoped3A : memref<!tpu.dma_semaphore, #tpu.memory_space<semaphore_mem>>)
        %dma_wait3A = arith.constant 0 : i32
        %dma_wait3A_144 = tpu.memref_slice %arg5[%arg0, %add3A_138, %dma_wait3A] : memref<2x10000x128xf32, #tpu.memory_space<hbm>> -> memref<1x80x128xf32, #tpu.memory_space<hbm>>
        %dma_wait3A_145 = tpu.memref_squeeze %dma_wait3A_144 : memref<1x80x128xf32, #tpu.memory_space<hbm>> -> memref<80x128xf32, #tpu.memory_space<hbm>>
        %dma_wait3A_146 = arith.constant 0 : i32
        %dma_wait3A_147 = tpu.memref_slice %arg9[%add3A_136, %dma_wait3A_146] : memref<10000x128xf32, #tpu.memory_space<vmem_shared>> -> memref<80x128xf32, #tpu.memory_space<vmem_shared>>
        tpu.wait_dma2 semaphore(%run_scoped3A : memref<!tpu.dma_semaphore, #tpu.memory_space<semaphore_mem>>) src(%dma_wait3A_147 : memref<80x128xf32, #tpu.memory_space<vmem_shared>>) dst(%dma_wait3A_145 : memref<80x128xf32, #tpu.memory_space<hbm>>)
        tpu.yield
      }) : () -> ()
    } else {
    }
    %ge3A_91 = arith.constant 160 : i32
    %ge3A_92 = arith.cmpi sge, %select_n3A, %ge3A_91 : i32
    %convert_element_type3A_93 = arith.extui %ge3A_92 : i1 to i32
    %cond3A_94 = arith.constant 0 : i32
    %cond3A_95 = arith.cmpi ne, %convert_element_type3A_93, %cond3A_94 : i32
    scf.if %cond3A_95 {
      %add3A = arith.constant 80 : i32
      %add3A_136 = arith.addi %mul3A_2, %add3A : i32
      %add3A_137 = arith.constant 80 : i32
      %add3A_138 = arith.addi %mul3A_2, %add3A_137 : i32
      "tpu.region"() ({
        %run_scoped3A = tpu.sem_alloc : memref<!tpu.dma_semaphore, #tpu.memory_space<semaphore_mem>>
        %dma_start3A_139 = arith.constant 0 : i32
        %dma_start3A_140 = tpu.memref_slice %arg5[%arg0, %add3A_138, %dma_start3A_139] : memref<2x10000x128xf32, #tpu.memory_space<hbm>> -> memref<1x80x128xf32, #tpu.memory_space<hbm>>
        %dma_start3A_141 = tpu.memref_squeeze %dma_start3A_140 : memref<1x80x128xf32, #tpu.memory_space<hbm>> -> memref<80x128xf32, #tpu.memory_space<hbm>>
        %dma_start3A_142 = arith.constant 0 : i32
        %dma_start3A_143 = tpu.memref_slice %arg9[%add3A_136, %dma_start3A_142] : memref<10000x128xf32, #tpu.memory_space<vmem_shared>> -> memref<80x128xf32, #tpu.memory_space<vmem_shared>>
        tpu.enqueue_dma source(%dma_start3A_143 : memref<80x128xf32, #tpu.memory_space<vmem_shared>>) target(%dma_start3A_141 : memref<80x128xf32, #tpu.memory_space<hbm>>) target_semaphore(%run_scoped3A : memref<!tpu.dma_semaphore, #tpu.memory_space<semaphore_mem>>)
        %dma_wait3A = arith.constant 0 : i32
        %dma_wait3A_144 = tpu.memref_slice %arg5[%arg0, %add3A_138, %dma_wait3A] : memref<2x10000x128xf32, #tpu.memory_space<hbm>> -> memref<1x80x128xf32, #tpu.memory_space<hbm>>
        %dma_wait3A_145 = tpu.memref_squeeze %dma_wait3A_144 : memref<1x80x128xf32, #tpu.memory_space<hbm>> -> memref<80x128xf32, #tpu.memory_space<hbm>>
        %dma_wait3A_146 = arith.constant 0 : i32
        %dma_wait3A_147 = tpu.memref_slice %arg9[%add3A_136, %dma_wait3A_146] : memref<10000x128xf32, #tpu.memory_space<vmem_shared>> -> memref<80x128xf32, #tpu.memory_space<vmem_shared>>
        tpu.wait_dma2 semaphore(%run_scoped3A : memref<!tpu.dma_semaphore, #tpu.memory_space<semaphore_mem>>) src(%dma_wait3A_147 : memref<80x128xf32, #tpu.memory_space<vmem_shared>>) dst(%dma_wait3A_145 : memref<80x128xf32, #tpu.memory_space<hbm>>)
        tpu.yield
      }) : () -> ()
    } else {
    }
    %ge3A_96 = arith.constant 240 : i32
    %ge3A_97 = arith.cmpi sge, %select_n3A, %ge3A_96 : i32
    %convert_element_type3A_98 = arith.extui %ge3A_97 : i1 to i32
    %cond3A_99 = arith.constant 0 : i32
    %cond3A_100 = arith.cmpi ne, %convert_element_type3A_98, %cond3A_99 : i32
    scf.if %cond3A_100 {
      %add3A = arith.constant 160 : i32
      %add3A_136 = arith.addi %mul3A_2, %add3A : i32
      %add3A_137 = arith.constant 160 : i32
      %add3A_138 = arith.addi %mul3A_2, %add3A_137 : i32
      "tpu.region"() ({
        %run_scoped3A = tpu.sem_alloc : memref<!tpu.dma_semaphore, #tpu.memory_space<semaphore_mem>>
        %dma_start3A_139 = arith.constant 0 : i32
        %dma_start3A_140 = tpu.memref_slice %arg5[%arg0, %add3A_138, %dma_start3A_139] : memref<2x10000x128xf32, #tpu.memory_space<hbm>> -> memref<1x80x128xf32, #tpu.memory_space<hbm>>
        %dma_start3A_141 = tpu.memref_squeeze %dma_start3A_140 : memref<1x80x128xf32, #tpu.memory_space<hbm>> -> memref<80x128xf32, #tpu.memory_space<hbm>>
        %dma_start3A_142 = arith.constant 0 : i32
        %dma_start3A_143 = tpu.memref_slice %arg9[%add3A_136, %dma_start3A_142] : memref<10000x128xf32, #tpu.memory_space<vmem_shared>> -> memref<80x128xf32, #tpu.memory_space<vmem_shared>>
        tpu.enqueue_dma source(%dma_start3A_143 : memref<80x128xf32, #tpu.memory_space<vmem_shared>>) target(%dma_start3A_141 : memref<80x128xf32, #tpu.memory_space<hbm>>) target_semaphore(%run_scoped3A : memref<!tpu.dma_semaphore, #tpu.memory_space<semaphore_mem>>)
        %dma_wait3A = arith.constant 0 : i32
        %dma_wait3A_144 = tpu.memref_slice %arg5[%arg0, %add3A_138, %dma_wait3A] : memref<2x10000x128xf32, #tpu.memory_space<hbm>> -> memref<1x80x128xf32, #tpu.memory_space<hbm>>
        %dma_wait3A_145 = tpu.memref_squeeze %dma_wait3A_144 : memref<1x80x128xf32, #tpu.memory_space<hbm>> -> memref<80x128xf32, #tpu.memory_space<hbm>>
        %dma_wait3A_146 = arith.constant 0 : i32
        %dma_wait3A_147 = tpu.memref_slice %arg9[%add3A_136, %dma_wait3A_146] : memref<10000x128xf32, #tpu.memory_space<vmem_shared>> -> memref<80x128xf32, #tpu.memory_space<vmem_shared>>
        tpu.wait_dma2 semaphore(%run_scoped3A : memref<!tpu.dma_semaphore, #tpu.memory_space<semaphore_mem>>) src(%dma_wait3A_147 : memref<80x128xf32, #tpu.memory_space<vmem_shared>>) dst(%dma_wait3A_145 : memref<80x128xf32, #tpu.memory_space<hbm>>)
        tpu.yield
      }) : () -> ()
    } else {
    }
    %ge3A_101 = arith.constant 320 : i32
    %ge3A_102 = arith.cmpi sge, %select_n3A, %ge3A_101 : i32
    %convert_element_type3A_103 = arith.extui %ge3A_102 : i1 to i32
    %cond3A_104 = arith.constant 0 : i32
    %cond3A_105 = arith.cmpi ne, %convert_element_type3A_103, %cond3A_104 : i32
    scf.if %cond3A_105 {
      %add3A = arith.constant 240 : i32
      %add3A_136 = arith.addi %mul3A_2, %add3A : i32
      %add3A_137 = arith.constant 240 : i32
      %add3A_138 = arith.addi %mul3A_2, %add3A_137 : i32
      "tpu.region"() ({
        %run_scoped3A = tpu.sem_alloc : memref<!tpu.dma_semaphore, #tpu.memory_space<semaphore_mem>>
        %dma_start3A_139 = arith.constant 0 : i32
        %dma_start3A_140 = tpu.memref_slice %arg5[%arg0, %add3A_138, %dma_start3A_139] : memref<2x10000x128xf32, #tpu.memory_space<hbm>> -> memref<1x80x128xf32, #tpu.memory_space<hbm>>
        %dma_start3A_141 = tpu.memref_squeeze %dma_start3A_140 : memref<1x80x128xf32, #tpu.memory_space<hbm>> -> memref<80x128xf32, #tpu.memory_space<hbm>>
        %dma_start3A_142 = arith.constant 0 : i32
        %dma_start3A_143 = tpu.memref_slice %arg9[%add3A_136, %dma_start3A_142] : memref<10000x128xf32, #tpu.memory_space<vmem_shared>> -> memref<80x128xf32, #tpu.memory_space<vmem_shared>>
        tpu.enqueue_dma source(%dma_start3A_143 : memref<80x128xf32, #tpu.memory_space<vmem_shared>>) target(%dma_start3A_141 : memref<80x128xf32, #tpu.memory_space<hbm>>) target_semaphore(%run_scoped3A : memref<!tpu.dma_semaphore, #tpu.memory_space<semaphore_mem>>)
        %dma_wait3A = arith.constant 0 : i32
        %dma_wait3A_144 = tpu.memref_slice %arg5[%arg0, %add3A_138, %dma_wait3A] : memref<2x10000x128xf32, #tpu.memory_space<hbm>> -> memref<1x80x128xf32, #tpu.memory_space<hbm>>
        %dma_wait3A_145 = tpu.memref_squeeze %dma_wait3A_144 : memref<1x80x128xf32, #tpu.memory_space<hbm>> -> memref<80x128xf32, #tpu.memory_space<hbm>>
        %dma_wait3A_146 = arith.constant 0 : i32
        %dma_wait3A_147 = tpu.memref_slice %arg9[%add3A_136, %dma_wait3A_146] : memref<10000x128xf32, #tpu.memory_space<vmem_shared>> -> memref<80x128xf32, #tpu.memory_space<vmem_shared>>
        tpu.wait_dma2 semaphore(%run_scoped3A : memref<!tpu.dma_semaphore, #tpu.memory_space<semaphore_mem>>) src(%dma_wait3A_147 : memref<80x128xf32, #tpu.memory_space<vmem_shared>>) dst(%dma_wait3A_145 : memref<80x128xf32, #tpu.memory_space<hbm>>)
        tpu.yield
      }) : () -> ()
    } else {
    }
    %ge3A_106 = arith.constant 400 : i32
    %ge3A_107 = arith.cmpi sge, %select_n3A, %ge3A_106 : i32
    %convert_element_type3A_108 = arith.extui %ge3A_107 : i1 to i32
    %cond3A_109 = arith.constant 0 : i32
    %cond3A_110 = arith.cmpi ne, %convert_element_type3A_108, %cond3A_109 : i32
    scf.if %cond3A_110 {
      %add3A = arith.constant 320 : i32
      %add3A_136 = arith.addi %mul3A_2, %add3A : i32
      %add3A_137 = arith.constant 320 : i32
      %add3A_138 = arith.addi %mul3A_2, %add3A_137 : i32
      "tpu.region"() ({
        %run_scoped3A = tpu.sem_alloc : memref<!tpu.dma_semaphore, #tpu.memory_space<semaphore_mem>>
        %dma_start3A_139 = arith.constant 0 : i32
        %dma_start3A_140 = tpu.memref_slice %arg5[%arg0, %add3A_138, %dma_start3A_139] : memref<2x10000x128xf32, #tpu.memory_space<hbm>> -> memref<1x80x128xf32, #tpu.memory_space<hbm>>
        %dma_start3A_141 = tpu.memref_squeeze %dma_start3A_140 : memref<1x80x128xf32, #tpu.memory_space<hbm>> -> memref<80x128xf32, #tpu.memory_space<hbm>>
        %dma_start3A_142 = arith.constant 0 : i32
        %dma_start3A_143 = tpu.memref_slice %arg9[%add3A_136, %dma_start3A_142] : memref<10000x128xf32, #tpu.memory_space<vmem_shared>> -> memref<80x128xf32, #tpu.memory_space<vmem_shared>>
        tpu.enqueue_dma source(%dma_start3A_143 : memref<80x128xf32, #tpu.memory_space<vmem_shared>>) target(%dma_start3A_141 : memref<80x128xf32, #tpu.memory_space<hbm>>) target_semaphore(%run_scoped3A : memref<!tpu.dma_semaphore, #tpu.memory_space<semaphore_mem>>)
        %dma_wait3A = arith.constant 0 : i32
        %dma_wait3A_144 = tpu.memref_slice %arg5[%arg0, %add3A_138, %dma_wait3A] : memref<2x10000x128xf32, #tpu.memory_space<hbm>> -> memref<1x80x128xf32, #tpu.memory_space<hbm>>
        %dma_wait3A_145 = tpu.memref_squeeze %dma_wait3A_144 : memref<1x80x128xf32, #tpu.memory_space<hbm>> -> memref<80x128xf32, #tpu.memory_space<hbm>>
        %dma_wait3A_146 = arith.constant 0 : i32
        %dma_wait3A_147 = tpu.memref_slice %arg9[%add3A_136, %dma_wait3A_146] : memref<10000x128xf32, #tpu.memory_space<vmem_shared>> -> memref<80x128xf32, #tpu.memory_space<vmem_shared>>
        tpu.wait_dma2 semaphore(%run_scoped3A : memref<!tpu.dma_semaphore, #tpu.memory_space<semaphore_mem>>) src(%dma_wait3A_147 : memref<80x128xf32, #tpu.memory_space<vmem_shared>>) dst(%dma_wait3A_145 : memref<80x128xf32, #tpu.memory_space<hbm>>)
        tpu.yield
      }) : () -> ()
    } else {
    }
    %ge3A_111 = arith.constant 480 : i32
    %ge3A_112 = arith.cmpi sge, %select_n3A, %ge3A_111 : i32
    %convert_element_type3A_113 = arith.extui %ge3A_112 : i1 to i32
    %cond3A_114 = arith.constant 0 : i32
    %cond3A_115 = arith.cmpi ne, %convert_element_type3A_113, %cond3A_114 : i32
    scf.if %cond3A_115 {
      %add3A = arith.constant 400 : i32
      %add3A_136 = arith.addi %mul3A_2, %add3A : i32
      %add3A_137 = arith.constant 400 : i32
      %add3A_138 = arith.addi %mul3A_2, %add3A_137 : i32
      "tpu.region"() ({
        %run_scoped3A = tpu.sem_alloc : memref<!tpu.dma_semaphore, #tpu.memory_space<semaphore_mem>>
        %dma_start3A_139 = arith.constant 0 : i32
        %dma_start3A_140 = tpu.memref_slice %arg5[%arg0, %add3A_138, %dma_start3A_139] : memref<2x10000x128xf32, #tpu.memory_space<hbm>> -> memref<1x80x128xf32, #tpu.memory_space<hbm>>
        %dma_start3A_141 = tpu.memref_squeeze %dma_start3A_140 : memref<1x80x128xf32, #tpu.memory_space<hbm>> -> memref<80x128xf32, #tpu.memory_space<hbm>>
        %dma_start3A_142 = arith.constant 0 : i32
        %dma_start3A_143 = tpu.memref_slice %arg9[%add3A_136, %dma_start3A_142] : memref<10000x128xf32, #tpu.memory_space<vmem_shared>> -> memref<80x128xf32, #tpu.memory_space<vmem_shared>>
        tpu.enqueue_dma source(%dma_start3A_143 : memref<80x128xf32, #tpu.memory_space<vmem_shared>>) target(%dma_start3A_141 : memref<80x128xf32, #tpu.memory_space<hbm>>) target_semaphore(%run_scoped3A : memref<!tpu.dma_semaphore, #tpu.memory_space<semaphore_mem>>)
        %dma_wait3A = arith.constant 0 : i32
        %dma_wait3A_144 = tpu.memref_slice %arg5[%arg0, %add3A_138, %dma_wait3A] : memref<2x10000x128xf32, #tpu.memory_space<hbm>> -> memref<1x80x128xf32, #tpu.memory_space<hbm>>
        %dma_wait3A_145 = tpu.memref_squeeze %dma_wait3A_144 : memref<1x80x128xf32, #tpu.memory_space<hbm>> -> memref<80x128xf32, #tpu.memory_space<hbm>>
        %dma_wait3A_146 = arith.constant 0 : i32
        %dma_wait3A_147 = tpu.memref_slice %arg9[%add3A_136, %dma_wait3A_146] : memref<10000x128xf32, #tpu.memory_space<vmem_shared>> -> memref<80x128xf32, #tpu.memory_space<vmem_shared>>
        tpu.wait_dma2 semaphore(%run_scoped3A : memref<!tpu.dma_semaphore, #tpu.memory_space<semaphore_mem>>) src(%dma_wait3A_147 : memref<80x128xf32, #tpu.memory_space<vmem_shared>>) dst(%dma_wait3A_145 : memref<80x128xf32, #tpu.memory_space<hbm>>)
        tpu.yield
      }) : () -> ()
    } else {
    }
    %ge3A_116 = arith.constant 560 : i32
    %ge3A_117 = arith.cmpi sge, %select_n3A, %ge3A_116 : i32
    %convert_element_type3A_118 = arith.extui %ge3A_117 : i1 to i32
    %cond3A_119 = arith.constant 0 : i32
    %cond3A_120 = arith.cmpi ne, %convert_element_type3A_118, %cond3A_119 : i32
    scf.if %cond3A_120 {
      %add3A = arith.constant 480 : i32
      %add3A_136 = arith.addi %mul3A_2, %add3A : i32
      %add3A_137 = arith.constant 480 : i32
      %add3A_138 = arith.addi %mul3A_2, %add3A_137 : i32
      "tpu.region"() ({
        %run_scoped3A = tpu.sem_alloc : memref<!tpu.dma_semaphore, #tpu.memory_space<semaphore_mem>>
        %dma_start3A_139 = arith.constant 0 : i32
        %dma_start3A_140 = tpu.memref_slice %arg5[%arg0, %add3A_138, %dma_start3A_139] : memref<2x10000x128xf32, #tpu.memory_space<hbm>> -> memref<1x80x128xf32, #tpu.memory_space<hbm>>
        %dma_start3A_141 = tpu.memref_squeeze %dma_start3A_140 : memref<1x80x128xf32, #tpu.memory_space<hbm>> -> memref<80x128xf32, #tpu.memory_space<hbm>>
        %dma_start3A_142 = arith.constant 0 : i32
        %dma_start3A_143 = tpu.memref_slice %arg9[%add3A_136, %dma_start3A_142] : memref<10000x128xf32, #tpu.memory_space<vmem_shared>> -> memref<80x128xf32, #tpu.memory_space<vmem_shared>>
        tpu.enqueue_dma source(%dma_start3A_143 : memref<80x128xf32, #tpu.memory_space<vmem_shared>>) target(%dma_start3A_141 : memref<80x128xf32, #tpu.memory_space<hbm>>) target_semaphore(%run_scoped3A : memref<!tpu.dma_semaphore, #tpu.memory_space<semaphore_mem>>)
        %dma_wait3A = arith.constant 0 : i32
        %dma_wait3A_144 = tpu.memref_slice %arg5[%arg0, %add3A_138, %dma_wait3A] : memref<2x10000x128xf32, #tpu.memory_space<hbm>> -> memref<1x80x128xf32, #tpu.memory_space<hbm>>
        %dma_wait3A_145 = tpu.memref_squeeze %dma_wait3A_144 : memref<1x80x128xf32, #tpu.memory_space<hbm>> -> memref<80x128xf32, #tpu.memory_space<hbm>>
        %dma_wait3A_146 = arith.constant 0 : i32
        %dma_wait3A_147 = tpu.memref_slice %arg9[%add3A_136, %dma_wait3A_146] : memref<10000x128xf32, #tpu.memory_space<vmem_shared>> -> memref<80x128xf32, #tpu.memory_space<vmem_shared>>
        tpu.wait_dma2 semaphore(%run_scoped3A : memref<!tpu.dma_semaphore, #tpu.memory_space<semaphore_mem>>) src(%dma_wait3A_147 : memref<80x128xf32, #tpu.memory_space<vmem_shared>>) dst(%dma_wait3A_145 : memref<80x128xf32, #tpu.memory_space<hbm>>)
        tpu.yield
      }) : () -> ()
    } else {
    }
    %ge3A_121 = arith.constant 640 : i32
    %ge3A_122 = arith.cmpi sge, %select_n3A, %ge3A_121 : i32
    %convert_element_type3A_123 = arith.extui %ge3A_122 : i1 to i32
    %cond3A_124 = arith.constant 0 : i32
    %cond3A_125 = arith.cmpi ne, %convert_element_type3A_123, %cond3A_124 : i32
    scf.if %cond3A_125 {
      %add3A = arith.constant 560 : i32
      %add3A_136 = arith.addi %mul3A_2, %add3A : i32
      %add3A_137 = arith.constant 560 : i32
      %add3A_138 = arith.addi %mul3A_2, %add3A_137 : i32
      "tpu.region"() ({
        %run_scoped3A = tpu.sem_alloc : memref<!tpu.dma_semaphore, #tpu.memory_space<semaphore_mem>>
        %dma_start3A_139 = arith.constant 0 : i32
        %dma_start3A_140 = tpu.memref_slice %arg5[%arg0, %add3A_138, %dma_start3A_139] : memref<2x10000x128xf32, #tpu.memory_space<hbm>> -> memref<1x80x128xf32, #tpu.memory_space<hbm>>
        %dma_start3A_141 = tpu.memref_squeeze %dma_start3A_140 : memref<1x80x128xf32, #tpu.memory_space<hbm>> -> memref<80x128xf32, #tpu.memory_space<hbm>>
        %dma_start3A_142 = arith.constant 0 : i32
        %dma_start3A_143 = tpu.memref_slice %arg9[%add3A_136, %dma_start3A_142] : memref<10000x128xf32, #tpu.memory_space<vmem_shared>> -> memref<80x128xf32, #tpu.memory_space<vmem_shared>>
        tpu.enqueue_dma source(%dma_start3A_143 : memref<80x128xf32, #tpu.memory_space<vmem_shared>>) target(%dma_start3A_141 : memref<80x128xf32, #tpu.memory_space<hbm>>) target_semaphore(%run_scoped3A : memref<!tpu.dma_semaphore, #tpu.memory_space<semaphore_mem>>)
        %dma_wait3A = arith.constant 0 : i32
        %dma_wait3A_144 = tpu.memref_slice %arg5[%arg0, %add3A_138, %dma_wait3A] : memref<2x10000x128xf32, #tpu.memory_space<hbm>> -> memref<1x80x128xf32, #tpu.memory_space<hbm>>
        %dma_wait3A_145 = tpu.memref_squeeze %dma_wait3A_144 : memref<1x80x128xf32, #tpu.memory_space<hbm>> -> memref<80x128xf32, #tpu.memory_space<hbm>>
        %dma_wait3A_146 = arith.constant 0 : i32
        %dma_wait3A_147 = tpu.memref_slice %arg9[%add3A_136, %dma_wait3A_146] : memref<10000x128xf32, #tpu.memory_space<vmem_shared>> -> memref<80x128xf32, #tpu.memory_space<vmem_shared>>
        tpu.wait_dma2 semaphore(%run_scoped3A : memref<!tpu.dma_semaphore, #tpu.memory_space<semaphore_mem>>) src(%dma_wait3A_147 : memref<80x128xf32, #tpu.memory_space<vmem_shared>>) dst(%dma_wait3A_145 : memref<80x128xf32, #tpu.memory_space<hbm>>)
        tpu.yield
      }) : () -> ()
    } else {
    }
    %lt3A_126 = arith.constant 15 : i32
    %lt3A_127 = arith.cmpi slt, %arg1, %lt3A_126 : i32
    %convert_element_type3A_128 = arith.extui %lt3A_127 : i1 to i32
    %cond3A_129 = arith.constant 0 : i32
    %cond3A_130 = arith.cmpi ne, %convert_element_type3A_128, %cond3A_129 : i32
    scf.if %cond3A_130 {
      %add3A = arith.constant 560 : i32
      %add3A_136 = arith.addi %mul3A_2, %add3A : i32
      %add3A_137 = arith.constant 560 : i32
      %add3A_138 = arith.addi %mul3A_2, %add3A_137 : i32
      "tpu.region"() ({
        %run_scoped3A = tpu.sem_alloc : memref<!tpu.dma_semaphore, #tpu.memory_space<semaphore_mem>>
        %dma_start3A_139 = arith.constant 0 : i32
        %dma_start3A_140 = tpu.memref_slice %arg5[%arg0, %add3A_138, %dma_start3A_139] : memref<2x10000x128xf32, #tpu.memory_space<hbm>> -> memref<1x72x128xf32, #tpu.memory_space<hbm>>
        %dma_start3A_141 = tpu.memref_squeeze %dma_start3A_140 : memref<1x72x128xf32, #tpu.memory_space<hbm>> -> memref<72x128xf32, #tpu.memory_space<hbm>>
        %dma_start3A_142 = arith.constant 0 : i32
        %dma_start3A_143 = tpu.memref_slice %arg9[%add3A_136, %dma_start3A_142] : memref<10000x128xf32, #tpu.memory_space<vmem_shared>> -> memref<72x128xf32, #tpu.memory_space<vmem_shared>>
        tpu.enqueue_dma source(%dma_start3A_143 : memref<72x128xf32, #tpu.memory_space<vmem_shared>>) target(%dma_start3A_141 : memref<72x128xf32, #tpu.memory_space<hbm>>) target_semaphore(%run_scoped3A : memref<!tpu.dma_semaphore, #tpu.memory_space<semaphore_mem>>)
        %dma_wait3A = arith.constant 0 : i32
        %dma_wait3A_144 = tpu.memref_slice %arg5[%arg0, %add3A_138, %dma_wait3A] : memref<2x10000x128xf32, #tpu.memory_space<hbm>> -> memref<1x72x128xf32, #tpu.memory_space<hbm>>
        %dma_wait3A_145 = tpu.memref_squeeze %dma_wait3A_144 : memref<1x72x128xf32, #tpu.memory_space<hbm>> -> memref<72x128xf32, #tpu.memory_space<hbm>>
        %dma_wait3A_146 = arith.constant 0 : i32
        %dma_wait3A_147 = tpu.memref_slice %arg9[%add3A_136, %dma_wait3A_146] : memref<10000x128xf32, #tpu.memory_space<vmem_shared>> -> memref<72x128xf32, #tpu.memory_space<vmem_shared>>
        tpu.wait_dma2 semaphore(%run_scoped3A : memref<!tpu.dma_semaphore, #tpu.memory_space<semaphore_mem>>) src(%dma_wait3A_147 : memref<72x128xf32, #tpu.memory_space<vmem_shared>>) dst(%dma_wait3A_145 : memref<72x128xf32, #tpu.memory_space<hbm>>)
        tpu.yield
      }) : () -> ()
    } else {
    }
    %eq3A_131 = arith.constant 15 : i32
    %eq3A_132 = arith.cmpi eq, %arg1, %eq3A_131 : i32
    %convert_element_type3A_133 = arith.extui %eq3A_132 : i1 to i32
    %cond3A_134 = arith.constant 0 : i32
    %cond3A_135 = arith.cmpi ne, %convert_element_type3A_133, %cond3A_134 : i32
    scf.if %cond3A_135 {
      %add3A = arith.constant 480 : i32
      %add3A_136 = arith.addi %mul3A_2, %add3A : i32
      %add3A_137 = arith.constant 480 : i32
      %add3A_138 = arith.addi %mul3A_2, %add3A_137 : i32
      "tpu.region"() ({
        %run_scoped3A = tpu.sem_alloc : memref<!tpu.dma_semaphore, #tpu.memory_space<semaphore_mem>>
        %dma_start3A_139 = arith.constant 0 : i32
        %dma_start3A_140 = tpu.memref_slice %arg5[%arg0, %add3A_138, %dma_start3A_139] : memref<2x10000x128xf32, #tpu.memory_space<hbm>> -> memref<1x40x128xf32, #tpu.memory_space<hbm>>
        %dma_start3A_141 = tpu.memref_squeeze %dma_start3A_140 : memref<1x40x128xf32, #tpu.memory_space<hbm>> -> memref<40x128xf32, #tpu.memory_space<hbm>>
        %dma_start3A_142 = arith.constant 0 : i32
        %dma_start3A_143 = tpu.memref_slice %arg9[%add3A_136, %dma_start3A_142] : memref<10000x128xf32, #tpu.memory_space<vmem_shared>> -> memref<40x128xf32, #tpu.memory_space<vmem_shared>>
        tpu.enqueue_dma source(%dma_start3A_143 : memref<40x128xf32, #tpu.memory_space<vmem_shared>>) target(%dma_start3A_141 : memref<40x128xf32, #tpu.memory_space<hbm>>) target_semaphore(%run_scoped3A : memref<!tpu.dma_semaphore, #tpu.memory_space<semaphore_mem>>)
        %dma_wait3A = arith.constant 0 : i32
        %dma_wait3A_144 = tpu.memref_slice %arg5[%arg0, %add3A_138, %dma_wait3A] : memref<2x10000x128xf32, #tpu.memory_space<hbm>> -> memref<1x40x128xf32, #tpu.memory_space<hbm>>
        %dma_wait3A_145 = tpu.memref_squeeze %dma_wait3A_144 : memref<1x40x128xf32, #tpu.memory_space<hbm>> -> memref<40x128xf32, #tpu.memory_space<hbm>>
        %dma_wait3A_146 = arith.constant 0 : i32
        %dma_wait3A_147 = tpu.memref_slice %arg9[%add3A_136, %dma_wait3A_146] : memref<10000x128xf32, #tpu.memory_space<vmem_shared>> -> memref<40x128xf32, #tpu.memory_space<vmem_shared>>
        tpu.wait_dma2 semaphore(%run_scoped3A : memref<!tpu.dma_semaphore, #tpu.memory_space<semaphore_mem>>) src(%dma_wait3A_147 : memref<40x128xf32, #tpu.memory_space<vmem_shared>>) dst(%dma_wait3A_145 : memref<40x128xf32, #tpu.memory_space<hbm>>)
        tpu.yield
      }) : () -> ()
    } else {
    }
    return
  }
}

#map = affine_map<(d0, d1) -> (0, 0)>
#map1 = affine_map<(d0, d1) -> (0, 0, 0)>
module attributes {stable_mosaic.version = 14 : i64} {
  func.func @_segsum_body(%arg0: i32, %arg1: i32, %arg2: memref<20000x128xf32, #tpu.memory_space<hbm>>, %arg3: memref<2x16x10000xi32, #tpu.memory_space<hbm>>, %arg4: memref<16x10000xi32, #tpu.memory_space<hbm>>, %arg5: memref<2x10000x128xf32, #tpu.memory_space<hbm>>, %arg6: memref<10000xi32, #tpu.memory_space<vmem>>, %arg7: memref<10000xi32, #tpu.memory_space<vmem>>, %arg8: memref<3x80x128xf32, #tpu.memory_space<vmem>>, %arg9: memref<10000x128xf32, #tpu.memory_space<vmem_shared>>, %arg10: memref<3x!tpu.dma_semaphore, #tpu.memory_space<semaphore_mem>>) attributes {dimension_semantics = [#tpu.dimension_semantics<core_parallel>, #tpu.dimension_semantics<subcore_parallel>], iteration_bounds = array<i64: 2, 16>, scalar_prefetch = 0 : i64, scratch_operands = 5 : i64, tpu.core_type = #tpu.core_type<sc_vector_subcore>, window_params = [{transform_indices = #map}, {transform_indices = #map1}, {transform_indices = #map}, {transform_indices = #map1}]} {
    "tpu.region"() ({
      %run_scoped3A = tpu.sem_alloc : memref<!tpu.dma_semaphore, #tpu.memory_space<semaphore_mem>>
      %dma_start3A_136 = arith.constant 0 : i32
      %dma_start3A_137 = tpu.memref_slice %arg3[%arg0, %arg1, %dma_start3A_136] : memref<2x16x10000xi32, #tpu.memory_space<hbm>> -> memref<1x1x10000xi32, #tpu.memory_space<hbm>>
      %dma_start3A_138 = tpu.memref_squeeze %dma_start3A_137 : memref<1x1x10000xi32, #tpu.memory_space<hbm>> -> memref<10000xi32, #tpu.memory_space<hbm>>
      %dma_start3A_139 = arith.constant 0 : i32
      %dma_start3A_140 = tpu.memref_slice %arg3[%arg0, %arg1, %dma_start3A_139] : memref<2x16x10000xi32, #tpu.memory_space<hbm>> -> memref<1x1x10000xi32, #tpu.memory_space<hbm>>
      %dma_start3A_141 = tpu.memref_squeeze %dma_start3A_140 : memref<1x1x10000xi32, #tpu.memory_space<hbm>> -> memref<10000xi32, #tpu.memory_space<hbm>>
      tpu.enqueue_dma source(%dma_start3A_141 : memref<10000xi32, #tpu.memory_space<hbm>>) target(%arg6 : memref<10000xi32, #tpu.memory_space<vmem>>) target_semaphore(%run_scoped3A : memref<!tpu.dma_semaphore, #tpu.memory_space<semaphore_mem>>)
      %dma_wait3A = arith.constant 0 : i32
      %dma_wait3A_142 = tpu.memref_slice %arg3[%arg0, %arg1, %dma_wait3A] : memref<2x16x10000xi32, #tpu.memory_space<hbm>> -> memref<1x1x10000xi32, #tpu.memory_space<hbm>>
      %dma_wait3A_143 = tpu.memref_squeeze %dma_wait3A_142 : memref<1x1x10000xi32, #tpu.memory_space<hbm>> -> memref<10000xi32, #tpu.memory_space<hbm>>
      %dma_wait3A_144 = arith.constant 0 : i32
      %dma_wait3A_145 = tpu.memref_slice %arg3[%arg0, %arg1, %dma_wait3A_144] : memref<2x16x10000xi32, #tpu.memory_space<hbm>> -> memref<1x1x10000xi32, #tpu.memory_space<hbm>>
      %dma_wait3A_146 = tpu.memref_squeeze %dma_wait3A_145 : memref<1x1x10000xi32, #tpu.memory_space<hbm>> -> memref<10000xi32, #tpu.memory_space<hbm>>
      tpu.wait_dma2 semaphore(%run_scoped3A : memref<!tpu.dma_semaphore, #tpu.memory_space<semaphore_mem>>) src(%dma_wait3A_146 : memref<10000xi32, #tpu.memory_space<hbm>>) dst(%arg6 : memref<10000xi32, #tpu.memory_space<vmem>>)
      tpu.yield
    }) : () -> ()
    "tpu.region"() ({
      %run_scoped3A = tpu.sem_alloc : memref<!tpu.dma_semaphore, #tpu.memory_space<semaphore_mem>>
      %dma_start3A_136 = arith.constant 0 : i32
      %dma_start3A_137 = tpu.memref_slice %arg4[%arg1, %dma_start3A_136] : memref<16x10000xi32, #tpu.memory_space<hbm>> -> memref<1x10000xi32, #tpu.memory_space<hbm>>
      %dma_start3A_138 = tpu.memref_squeeze %dma_start3A_137 : memref<1x10000xi32, #tpu.memory_space<hbm>> -> memref<10000xi32, #tpu.memory_space<hbm>>
      %dma_start3A_139 = arith.constant 0 : i32
      %dma_start3A_140 = tpu.memref_slice %arg4[%arg1, %dma_start3A_139] : memref<16x10000xi32, #tpu.memory_space<hbm>> -> memref<1x10000xi32, #tpu.memory_space<hbm>>
      %dma_start3A_141 = tpu.memref_squeeze %dma_start3A_140 : memref<1x10000xi32, #tpu.memory_space<hbm>> -> memref<10000xi32, #tpu.memory_space<hbm>>
      tpu.enqueue_dma source(%dma_start3A_141 : memref<10000xi32, #tpu.memory_space<hbm>>) target(%arg7 : memref<10000xi32, #tpu.memory_space<vmem>>) target_semaphore(%run_scoped3A : memref<!tpu.dma_semaphore, #tpu.memory_space<semaphore_mem>>)
      %dma_wait3A = arith.constant 0 : i32
      %dma_wait3A_142 = tpu.memref_slice %arg4[%arg1, %dma_wait3A] : memref<16x10000xi32, #tpu.memory_space<hbm>> -> memref<1x10000xi32, #tpu.memory_space<hbm>>
      %dma_wait3A_143 = tpu.memref_squeeze %dma_wait3A_142 : memref<1x10000xi32, #tpu.memory_space<hbm>> -> memref<10000xi32, #tpu.memory_space<hbm>>
      %dma_wait3A_144 = arith.constant 0 : i32
      %dma_wait3A_145 = tpu.memref_slice %arg4[%arg1, %dma_wait3A_144] : memref<16x10000xi32, #tpu.memory_space<hbm>> -> memref<1x10000xi32, #tpu.memory_space<hbm>>
      %dma_wait3A_146 = tpu.memref_squeeze %dma_wait3A_145 : memref<1x10000xi32, #tpu.memory_space<hbm>> -> memref<10000xi32, #tpu.memory_space<hbm>>
      tpu.wait_dma2 semaphore(%run_scoped3A : memref<!tpu.dma_semaphore, #tpu.memory_space<semaphore_mem>>) src(%dma_wait3A_146 : memref<10000xi32, #tpu.memory_space<hbm>>) dst(%arg7 : memref<10000xi32, #tpu.memory_space<vmem>>)
      tpu.yield
    }) : () -> ()
    %lt3A = arith.constant 15 : i32
    %lt3A_0 = arith.cmpi slt, %arg1, %lt3A : i32
    %jit3A = arith.constant 632 : i32
    %jit3A_1 = arith.constant 520 : i32
    %select_n3A = arith.select %lt3A_0, %jit3A, %jit3A_1 : i32
    %mul3A = arith.constant 632 : i32
    %mul3A_2 = arith.muli %arg1, %mul3A : i32
    %scan3A = arith.constant 0 : i32
    %scan3A_3 = arith.constant 0 : i32
    %scan3A_4 = arith.constant 80 : i32
    %scan3A_5 = arith.addi %scan3A_3, %scan3A_4 : i32
    %scan3A_6 = arith.constant 1 : i32
    scf.for %scan3A_136 = %scan3A_3 to %scan3A_5 step %scan3A_6  : i32 {
      %broadcast_in_dim3A = arith.constant 0.000000e+00 : f32
      %broadcast_in_dim3A_137 = vector.broadcast %broadcast_in_dim3A : f32 to vector<16xf32>
      %swap3A = arith.constant 0 : i32
      %swap3A_138 = arith.index_cast %swap3A : i32 to index
      %swap3A_139 = arith.index_cast %scan3A_136 : i32 to index
      %swap3A_140 = arith.constant 0 : index
      %swap3A_141 = tpu.vector_load %arg8[%swap3A_138, %swap3A_139, %swap3A_140] {strides = array<i32>} : memref<3x80x128xf32, #tpu.memory_space<vmem>>, vector<1x1x16xf32>,
      %swap3A_142 = vector.shape_cast %swap3A_141 : vector<1x1x16xf32> to vector<16xf32>
      %swap3A_143 = vector.shape_cast %broadcast_in_dim3A_137 : vector<16xf32> to vector<1x1x16xf32>
      tpu.vector_store %arg8[%swap3A_138, %swap3A_139, %swap3A_140], %swap3A_143 {strides = array<i32>} : memref<3x80x128xf32, #tpu.memory_space<vmem>>, vector<1x1x16xf32>,
      %broadcast_in_dim3A_144 = arith.constant 0.000000e+00 : f32
      %broadcast_in_dim3A_145 = vector.broadcast %broadcast_in_dim3A_144 : f32 to vector<16xf32>
      %swap3A_146 = arith.constant 0 : i32
      %swap3A_147 = arith.index_cast %swap3A_146 : i32 to index
      %swap3A_148 = arith.index_cast %scan3A_136 : i32 to index
      %swap3A_149 = arith.constant 16 : index
      %swap3A_150 = tpu.vector_load %arg8[%swap3A_147, %swap3A_148, %swap3A_149] {strides = array<i32>} : memref<3x80x128xf32, #tpu.memory_space<vmem>>, vector<1x1x16xf32>,
      %swap3A_151 = vector.shape_cast %swap3A_150 : vector<1x1x16xf32> to vector<16xf32>
      %swap3A_152 = vector.shape_cast %broadcast_in_dim3A_145 : vector<16xf32> to vector<1x1x16xf32>
      tpu.vector_store %arg8[%swap3A_147, %swap3A_148, %swap3A_149], %swap3A_152 {strides = array<i32>} : memref<3x80x128xf32, #tpu.memory_space<vmem>>, vector<1x1x16xf32>,
      %broadcast_in_dim3A_153 = arith.constant 0.000000e+00 : f32
      %broadcast_in_dim3A_154 = vector.broadcast %broadcast_in_dim3A_153 : f32 to vector<16xf32>
      %swap3A_155 = arith.constant 0 : i32
      %swap3A_156 = arith.index_cast %swap3A_155 : i32 to index
      %swap3A_157 = arith.index_cast %scan3A_136 : i32 to index
      %swap3A_158 = arith.constant 32 : index
      %swap3A_159 = tpu.vector_load %arg8[%swap3A_156, %swap3A_157, %swap3A_158] {strides = array<i32>} : memref<3x80x128xf32, #tpu.memory_space<vmem>>, vector<1x1x16xf32>,
      %swap3A_160 = vector.shape_cast %swap3A_159 : vector<1x1x16xf32> to vector<16xf32>
      %swap3A_161 = vector.shape_cast %broadcast_in_dim3A_154 : vector<16xf32> to vector<1x1x16xf32>
      tpu.vector_store %arg8[%swap3A_156, %swap3A_157, %swap3A_158], %swap3A_161 {strides = array<i32>} : memref<3x80x128xf32, #tpu.memory_space<vmem>>, vector<1x1x16xf32>,
      %broadcast_in_dim3A_162 = arith.constant 0.000000e+00 : f32
      %broadcast_in_dim3A_163 = vector.broadcast %broadcast_in_dim3A_162 : f32 to vector<16xf32>
      %swap3A_164 = arith.constant 0 : i32
      %swap3A_165 = arith.index_cast %swap3A_164 : i32 to index
      %swap3A_166 = arith.index_cast %scan3A_136 : i32 to index
      %swap3A_167 = arith.constant 48 : index
      %swap3A_168 = tpu.vector_load %arg8[%swap3A_165, %swap3A_166, %swap3A_167] {strides = array<i32>} : memref<3x80x128xf32, #tpu.memory_space<vmem>>, vector<1x1x16xf32>,
      %swap3A_169 = vector.shape_cast %swap3A_168 : vector<1x1x16xf32> to vector<16xf32>
      %swap3A_170 = vector.shape_cast %broadcast_in_dim3A_163 : vector<16xf32> to vector<1x1x16xf32>
      tpu.vector_store %arg8[%swap3A_165, %swap3A_166, %swap3A_167], %swap3A_170 {strides = array<i32>} : memref<3x80x128xf32, #tpu.memory_space<vmem>>, vector<1x1x16xf32>,
      %broadcast_in_dim3A_171 = arith.constant 0.000000e+00 : f32
      %broadcast_in_dim3A_172 = vector.broadcast %broadcast_in_dim3A_171 : f32 to vector<16xf32>
      %swap3A_173 = arith.constant 0 : i32
      %swap3A_174 = arith.index_cast %swap3A_173 : i32 to index
      %swap3A_175 = arith.index_cast %scan3A_136 : i32 to index
      %swap3A_176 = arith.constant 64 : index
      %swap3A_177 = tpu.vector_load %arg8[%swap3A_174, %swap3A_175, %swap3A_176] {strides = array<i32>} : memref<3x80x128xf32, #tpu.memory_space<vmem>>, vector<1x1x16xf32>,
      %swap3A_178 = vector.shape_cast %swap3A_177 : vector<1x1x16xf32> to vector<16xf32>
      %swap3A_179 = vector.shape_cast %broadcast_in_dim3A_172 : vector<16xf32> to vector<1x1x16xf32>
      tpu.vector_store %arg8[%swap3A_174, %swap3A_175, %swap3A_176], %swap3A_179 {strides = array<i32>} : memref<3x80x128xf32, #tpu.memory_space<vmem>>, vector<1x1x16xf32>,
      %broadcast_in_dim3A_180 = arith.constant 0.000000e+00 : f32
      %broadcast_in_dim3A_181 = vector.broadcast %broadcast_in_dim3A_180 : f32 to vector<16xf32>
      %swap3A_182 = arith.constant 0 : i32
      %swap3A_183 = arith.index_cast %swap3A_182 : i32 to index
      %swap3A_184 = arith.index_cast %scan3A_136 : i32 to index
      %swap3A_185 = arith.constant 80 : index
      %swap3A_186 = tpu.vector_load %arg8[%swap3A_183, %swap3A_184, %swap3A_185] {strides = array<i32>} : memref<3x80x128xf32, #tpu.memory_space<vmem>>, vector<1x1x16xf32>,
      %swap3A_187 = vector.shape_cast %swap3A_186 : vector<1x1x16xf32> to vector<16xf32>
      %swap3A_188 = vector.shape_cast %broadcast_in_dim3A_181 : vector<16xf32> to vector<1x1x16xf32>
      tpu.vector_store %arg8[%swap3A_183, %swap3A_184, %swap3A_185], %swap3A_188 {strides = array<i32>} : memref<3x80x128xf32, #tpu.memory_space<vmem>>, vector<1x1x16xf32>,
      %broadcast_in_dim3A_189 = arith.constant 0.000000e+00 : f32
      %broadcast_in_dim3A_190 = vector.broadcast %broadcast_in_dim3A_189 : f32 to vector<16xf32>
      %swap3A_191 = arith.constant 0 : i32
      %swap3A_192 = arith.index_cast %swap3A_191 : i32 to index
      %swap3A_193 = arith.index_cast %scan3A_136 : i32 to index
      %swap3A_194 = arith.constant 96 : index
      %swap3A_195 = tpu.vector_load %arg8[%swap3A_192, %swap3A_193, %swap3A_194] {strides = array<i32>} : memref<3x80x128xf32, #tpu.memory_space<vmem>>, vector<1x1x16xf32>,
      %swap3A_196 = vector.shape_cast %swap3A_195 : vector<1x1x16xf32> to vector<16xf32>
      %swap3A_197 = vector.shape_cast %broadcast_in_dim3A_190 : vector<16xf32> to vector<1x1x16xf32>
      tpu.vector_store %arg8[%swap3A_192, %swap3A_193, %swap3A_194], %swap3A_197 {strides = array<i32>} : memref<3x80x128xf32, #tpu.memory_space<vmem>>, vector<1x1x16xf32>,
      %broadcast_in_dim3A_198 = arith.constant 0.000000e+00 : f32
      %broadcast_in_dim3A_199 = vector.broadcast %broadcast_in_dim3A_198 : f32 to vector<16xf32>
      %swap3A_200 = arith.constant 0 : i32
      %swap3A_201 = arith.index_cast %swap3A_200 : i32 to index
      %swap3A_202 = arith.index_cast %scan3A_136 : i32 to index
      %swap3A_203 = arith.constant 112 : index
      %swap3A_204 = tpu.vector_load %arg8[%swap3A_201, %swap3A_202, %swap3A_203] {strides = array<i32>} : memref<3x80x128xf32, #tpu.memory_space<vmem>>, vector<1x1x16xf32>,
      %swap3A_205 = vector.shape_cast %swap3A_204 : vector<1x1x16xf32> to vector<16xf32>
      %swap3A_206 = vector.shape_cast %broadcast_in_dim3A_199 : vector<16xf32> to vector<1x1x16xf32>
      tpu.vector_store %arg8[%swap3A_201, %swap3A_202, %swap3A_203], %swap3A_206 {strides = array<i32>} : memref<3x80x128xf32, #tpu.memory_space<vmem>>, vector<1x1x16xf32>,
    }
    %scan3A_7 = arith.constant 80 : i32
    %ge3A = arith.constant 80 : i32
    %ge3A_8 = arith.cmpi sge, %select_n3A, %ge3A : i32
    %convert_element_type3A = arith.extui %ge3A_8 : i1 to i32
    %cond3A = arith.constant 0 : i32
    %cond3A_9 = arith.cmpi ne, %convert_element_type3A, %cond3A : i32
    scf.if %cond3A_9 {
      %add3A = arith.constant 0 : i32
      %add3A_136 = arith.addi %mul3A_2, %add3A : i32
      %run_scoped3A = arith.constant 0 : i32
      "tpu.region"() ({
        %run_scoped3A_137 = tpu.sem_alloc : memref<!tpu.dma_semaphore, #tpu.memory_space<semaphore_mem>>
        %dma_start3A_138 = arith.constant 0 : i32
        %dma_start3A_139 = arith.constant 0 : i32
        %dma_start3A_140 = tpu.memref_slice %arg8[%run_scoped3A, %dma_start3A_138, %dma_start3A_139] : memref<3x80x128xf32, #tpu.memory_space<vmem>> -> memref<1x80x128xf32, #tpu.memory_space<vmem>>
        %dma_start3A_141 = tpu.memref_squeeze %dma_start3A_140 : memref<1x80x128xf32, #tpu.memory_space<vmem>> -> memref<80x128xf32, #tpu.memory_space<vmem>>
        %dma_start3A_142 = arith.constant 0 : i32
        %dma_start3A_143 = tpu.memref_slice %arg9[%add3A_136, %dma_start3A_142] : memref<10000x128xf32, #tpu.memory_space<vmem_shared>> -> memref<80x128xf32, #tpu.memory_space<vmem_shared>>
        %dma_start3A_144 = arith.constant 0 : i32
        %dma_start3A_145 = tpu.memref_slice %arg9[%add3A_136, %dma_start3A_144] : memref<10000x128xf32, #tpu.memory_space<vmem_shared>> -> memref<80x128xf32, #tpu.memory_space<vmem_shared>>
        %dma_start3A_146 = arith.constant 0 : i32
        %dma_start3A_147 = arith.constant 0 : i32
        %dma_start3A_148 = tpu.memref_slice %arg8[%run_scoped3A, %dma_start3A_146, %dma_start3A_147] : memref<3x80x128xf32, #tpu.memory_space<vmem>> -> memref<1x80x128xf32, #tpu.memory_space<vmem>>
        %dma_start3A_149 = tpu.memref_squeeze %dma_start3A_148 : memref<1x80x128xf32, #tpu.memory_space<vmem>> -> memref<80x128xf32, #tpu.memory_space<vmem>>
        tpu.enqueue_dma source(%dma_start3A_149 : memref<80x128xf32, #tpu.memory_space<vmem>>) target(%dma_start3A_145 : memref<80x128xf32, #tpu.memory_space<vmem_shared>>) target_semaphore(%run_scoped3A_137 : memref<!tpu.dma_semaphore, #tpu.memory_space<semaphore_mem>>)
        %dma_wait3A = arith.constant 0 : i32
        %dma_wait3A_150 = arith.constant 0 : i32
        %dma_wait3A_151 = tpu.memref_slice %arg8[%run_scoped3A, %dma_wait3A, %dma_wait3A_150] : memref<3x80x128xf32, #tpu.memory_space<vmem>> -> memref<1x80x128xf32, #tpu.memory_space<vmem>>
        %dma_wait3A_152 = tpu.memref_squeeze %dma_wait3A_151 : memref<1x80x128xf32, #tpu.memory_space<vmem>> -> memref<80x128xf32, #tpu.memory_space<vmem>>
        %dma_wait3A_153 = arith.constant 0 : i32
        %dma_wait3A_154 = tpu.memref_slice %arg9[%add3A_136, %dma_wait3A_153] : memref<10000x128xf32, #tpu.memory_space<vmem_shared>> -> memref<80x128xf32, #tpu.memory_space<vmem_shared>>
        %dma_wait3A_155 = arith.constant 0 : i32
        %dma_wait3A_156 = tpu.memref_slice %arg9[%add3A_136, %dma_wait3A_155] : memref<10000x128xf32, #tpu.memory_space<vmem_shared>> -> memref<80x128xf32, #tpu.memory_space<vmem_shared>>
        %dma_wait3A_157 = arith.constant 0 : i32
        %dma_wait3A_158 = arith.constant 0 : i32
        %dma_wait3A_159 = tpu.memref_slice %arg8[%run_scoped3A, %dma_wait3A_157, %dma_wait3A_158] : memref<3x80x128xf32, #tpu.memory_space<vmem>> -> memref<1x80x128xf32, #tpu.memory_space<vmem>>
        %dma_wait3A_160 = tpu.memref_squeeze %dma_wait3A_159 : memref<1x80x128xf32, #tpu.memory_space<vmem>> -> memref<80x128xf32, #tpu.memory_space<vmem>>
        tpu.wait_dma2 semaphore(%run_scoped3A_137 : memref<!tpu.dma_semaphore, #tpu.memory_space<semaphore_mem>>) src(%dma_wait3A_160 : memref<80x128xf32, #tpu.memory_space<vmem>>) dst(%dma_wait3A_156 : memref<80x128xf32, #tpu.memory_space<vmem_shared>>)
        tpu.yield
      }) : () -> ()
    } else {
    }
    %ge3A_10 = arith.constant 160 : i32
    %ge3A_11 = arith.cmpi sge, %select_n3A, %ge3A_10 : i32
    %convert_element_type3A_12 = arith.extui %ge3A_11 : i1 to i32
    %cond3A_13 = arith.constant 0 : i32
    %cond3A_14 = arith.cmpi ne, %convert_element_type3A_12, %cond3A_13 : i32
    scf.if %cond3A_14 {
      %add3A = arith.constant 80 : i32
      %add3A_136 = arith.addi %mul3A_2, %add3A : i32
      %run_scoped3A = arith.constant 0 : i32
      "tpu.region"() ({
        %run_scoped3A_137 = tpu.sem_alloc : memref<!tpu.dma_semaphore, #tpu.memory_space<semaphore_mem>>
        %dma_start3A_138 = arith.constant 0 : i32
        %dma_start3A_139 = arith.constant 0 : i32
        %dma_start3A_140 = tpu.memref_slice %arg8[%run_scoped3A, %dma_start3A_138, %dma_start3A_139] : memref<3x80x128xf32, #tpu.memory_space<vmem>> -> memref<1x80x128xf32, #tpu.memory_space<vmem>>
        %dma_start3A_141 = tpu.memref_squeeze %dma_start3A_140 : memref<1x80x128xf32, #tpu.memory_space<vmem>> -> memref<80x128xf32, #tpu.memory_space<vmem>>
        %dma_start3A_142 = arith.constant 0 : i32
        %dma_start3A_143 = tpu.memref_slice %arg9[%add3A_136, %dma_start3A_142] : memref<10000x128xf32, #tpu.memory_space<vmem_shared>> -> memref<80x128xf32, #tpu.memory_space<vmem_shared>>
        %dma_start3A_144 = arith.constant 0 : i32
        %dma_start3A_145 = tpu.memref_slice %arg9[%add3A_136, %dma_start3A_144] : memref<10000x128xf32, #tpu.memory_space<vmem_shared>> -> memref<80x128xf32, #tpu.memory_space<vmem_shared>>
        %dma_start3A_146 = arith.constant 0 : i32
        %dma_start3A_147 = arith.constant 0 : i32
        %dma_start3A_148 = tpu.memref_slice %arg8[%run_scoped3A, %dma_start3A_146, %dma_start3A_147] : memref<3x80x128xf32, #tpu.memory_space<vmem>> -> memref<1x80x128xf32, #tpu.memory_space<vmem>>
        %dma_start3A_149 = tpu.memref_squeeze %dma_start3A_148 : memref<1x80x128xf32, #tpu.memory_space<vmem>> -> memref<80x128xf32, #tpu.memory_space<vmem>>
        tpu.enqueue_dma source(%dma_start3A_149 : memref<80x128xf32, #tpu.memory_space<vmem>>) target(%dma_start3A_145 : memref<80x128xf32, #tpu.memory_space<vmem_shared>>) target_semaphore(%run_scoped3A_137 : memref<!tpu.dma_semaphore, #tpu.memory_space<semaphore_mem>>)
        %dma_wait3A = arith.constant 0 : i32
        %dma_wait3A_150 = arith.constant 0 : i32
        %dma_wait3A_151 = tpu.memref_slice %arg8[%run_scoped3A, %dma_wait3A, %dma_wait3A_150] : memref<3x80x128xf32, #tpu.memory_space<vmem>> -> memref<1x80x128xf32, #tpu.memory_space<vmem>>
        %dma_wait3A_152 = tpu.memref_squeeze %dma_wait3A_151 : memref<1x80x128xf32, #tpu.memory_space<vmem>> -> memref<80x128xf32, #tpu.memory_space<vmem>>
        %dma_wait3A_153 = arith.constant 0 : i32
        %dma_wait3A_154 = tpu.memref_slice %arg9[%add3A_136, %dma_wait3A_153] : memref<10000x128xf32, #tpu.memory_space<vmem_shared>> -> memref<80x128xf32, #tpu.memory_space<vmem_shared>>
        %dma_wait3A_155 = arith.constant 0 : i32
        %dma_wait3A_156 = tpu.memref_slice %arg9[%add3A_136, %dma_wait3A_155] : memref<10000x128xf32, #tpu.memory_space<vmem_shared>> -> memref<80x128xf32, #tpu.memory_space<vmem_shared>>
        %dma_wait3A_157 = arith.constant 0 : i32
        %dma_wait3A_158 = arith.constant 0 : i32
        %dma_wait3A_159 = tpu.memref_slice %arg8[%run_scoped3A, %dma_wait3A_157, %dma_wait3A_158] : memref<3x80x128xf32, #tpu.memory_space<vmem>> -> memref<1x80x128xf32, #tpu.memory_space<vmem>>
        %dma_wait3A_160 = tpu.memref_squeeze %dma_wait3A_159 : memref<1x80x128xf32, #tpu.memory_space<vmem>> -> memref<80x128xf32, #tpu.memory_space<vmem>>
        tpu.wait_dma2 semaphore(%run_scoped3A_137 : memref<!tpu.dma_semaphore, #tpu.memory_space<semaphore_mem>>) src(%dma_wait3A_160 : memref<80x128xf32, #tpu.memory_space<vmem>>) dst(%dma_wait3A_156 : memref<80x128xf32, #tpu.memory_space<vmem_shared>>)
        tpu.yield
      }) : () -> ()
    } else {
    }
    %ge3A_15 = arith.constant 240 : i32
    %ge3A_16 = arith.cmpi sge, %select_n3A, %ge3A_15 : i32
    %convert_element_type3A_17 = arith.extui %ge3A_16 : i1 to i32
    %cond3A_18 = arith.constant 0 : i32
    %cond3A_19 = arith.cmpi ne, %convert_element_type3A_17, %cond3A_18 : i32
    scf.if %cond3A_19 {
      %add3A = arith.constant 160 : i32
      %add3A_136 = arith.addi %mul3A_2, %add3A : i32
      %run_scoped3A = arith.constant 0 : i32
      "tpu.region"() ({
        %run_scoped3A_137 = tpu.sem_alloc : memref<!tpu.dma_semaphore, #tpu.memory_space<semaphore_mem>>
        %dma_start3A_138 = arith.constant 0 : i32
        %dma_start3A_139 = arith.constant 0 : i32
        %dma_start3A_140 = tpu.memref_slice %arg8[%run_scoped3A, %dma_start3A_138, %dma_start3A_139] : memref<3x80x128xf32, #tpu.memory_space<vmem>> -> memref<1x80x128xf32, #tpu.memory_space<vmem>>
        %dma_start3A_141 = tpu.memref_squeeze %dma_start3A_140 : memref<1x80x128xf32, #tpu.memory_space<vmem>> -> memref<80x128xf32, #tpu.memory_space<vmem>>
        %dma_start3A_142 = arith.constant 0 : i32
        %dma_start3A_143 = tpu.memref_slice %arg9[%add3A_136, %dma_start3A_142] : memref<10000x128xf32, #tpu.memory_space<vmem_shared>> -> memref<80x128xf32, #tpu.memory_space<vmem_shared>>
        %dma_start3A_144 = arith.constant 0 : i32
        %dma_start3A_145 = tpu.memref_slice %arg9[%add3A_136, %dma_start3A_144] : memref<10000x128xf32, #tpu.memory_space<vmem_shared>> -> memref<80x128xf32, #tpu.memory_space<vmem_shared>>
        %dma_start3A_146 = arith.constant 0 : i32
        %dma_start3A_147 = arith.constant 0 : i32
        %dma_start3A_148 = tpu.memref_slice %arg8[%run_scoped3A, %dma_start3A_146, %dma_start3A_147] : memref<3x80x128xf32, #tpu.memory_space<vmem>> -> memref<1x80x128xf32, #tpu.memory_space<vmem>>
        %dma_start3A_149 = tpu.memref_squeeze %dma_start3A_148 : memref<1x80x128xf32, #tpu.memory_space<vmem>> -> memref<80x128xf32, #tpu.memory_space<vmem>>
        tpu.enqueue_dma source(%dma_start3A_149 : memref<80x128xf32, #tpu.memory_space<vmem>>) target(%dma_start3A_145 : memref<80x128xf32, #tpu.memory_space<vmem_shared>>) target_semaphore(%run_scoped3A_137 : memref<!tpu.dma_semaphore, #tpu.memory_space<semaphore_mem>>)
        %dma_wait3A = arith.constant 0 : i32
        %dma_wait3A_150 = arith.constant 0 : i32
        %dma_wait3A_151 = tpu.memref_slice %arg8[%run_scoped3A, %dma_wait3A, %dma_wait3A_150] : memref<3x80x128xf32, #tpu.memory_space<vmem>> -> memref<1x80x128xf32, #tpu.memory_space<vmem>>
        %dma_wait3A_152 = tpu.memref_squeeze %dma_wait3A_151 : memref<1x80x128xf32, #tpu.memory_space<vmem>> -> memref<80x128xf32, #tpu.memory_space<vmem>>
        %dma_wait3A_153 = arith.constant 0 : i32
        %dma_wait3A_154 = tpu.memref_slice %arg9[%add3A_136, %dma_wait3A_153] : memref<10000x128xf32, #tpu.memory_space<vmem_shared>> -> memref<80x128xf32, #tpu.memory_space<vmem_shared>>
        %dma_wait3A_155 = arith.constant 0 : i32
        %dma_wait3A_156 = tpu.memref_slice %arg9[%add3A_136, %dma_wait3A_155] : memref<10000x128xf32, #tpu.memory_space<vmem_shared>> -> memref<80x128xf32, #tpu.memory_space<vmem_shared>>
        %dma_wait3A_157 = arith.constant 0 : i32
        %dma_wait3A_158 = arith.constant 0 : i32
        %dma_wait3A_159 = tpu.memref_slice %arg8[%run_scoped3A, %dma_wait3A_157, %dma_wait3A_158] : memref<3x80x128xf32, #tpu.memory_space<vmem>> -> memref<1x80x128xf32, #tpu.memory_space<vmem>>
        %dma_wait3A_160 = tpu.memref_squeeze %dma_wait3A_159 : memref<1x80x128xf32, #tpu.memory_space<vmem>> -> memref<80x128xf32, #tpu.memory_space<vmem>>
        tpu.wait_dma2 semaphore(%run_scoped3A_137 : memref<!tpu.dma_semaphore, #tpu.memory_space<semaphore_mem>>) src(%dma_wait3A_160 : memref<80x128xf32, #tpu.memory_space<vmem>>) dst(%dma_wait3A_156 : memref<80x128xf32, #tpu.memory_space<vmem_shared>>)
        tpu.yield
      }) : () -> ()
    } else {
    }
    %ge3A_20 = arith.constant 320 : i32
    %ge3A_21 = arith.cmpi sge, %select_n3A, %ge3A_20 : i32
    %convert_element_type3A_22 = arith.extui %ge3A_21 : i1 to i32
    %cond3A_23 = arith.constant 0 : i32
    %cond3A_24 = arith.cmpi ne, %convert_element_type3A_22, %cond3A_23 : i32
    scf.if %cond3A_24 {
      %add3A = arith.constant 240 : i32
      %add3A_136 = arith.addi %mul3A_2, %add3A : i32
      %run_scoped3A = arith.constant 0 : i32
      "tpu.region"() ({
        %run_scoped3A_137 = tpu.sem_alloc : memref<!tpu.dma_semaphore, #tpu.memory_space<semaphore_mem>>
        %dma_start3A_138 = arith.constant 0 : i32
        %dma_start3A_139 = arith.constant 0 : i32
        %dma_start3A_140 = tpu.memref_slice %arg8[%run_scoped3A, %dma_start3A_138, %dma_start3A_139] : memref<3x80x128xf32, #tpu.memory_space<vmem>> -> memref<1x80x128xf32, #tpu.memory_space<vmem>>
        %dma_start3A_141 = tpu.memref_squeeze %dma_start3A_140 : memref<1x80x128xf32, #tpu.memory_space<vmem>> -> memref<80x128xf32, #tpu.memory_space<vmem>>
        %dma_start3A_142 = arith.constant 0 : i32
        %dma_start3A_143 = tpu.memref_slice %arg9[%add3A_136, %dma_start3A_142] : memref<10000x128xf32, #tpu.memory_space<vmem_shared>> -> memref<80x128xf32, #tpu.memory_space<vmem_shared>>
        %dma_start3A_144 = arith.constant 0 : i32
        %dma_start3A_145 = tpu.memref_slice %arg9[%add3A_136, %dma_start3A_144] : memref<10000x128xf32, #tpu.memory_space<vmem_shared>> -> memref<80x128xf32, #tpu.memory_space<vmem_shared>>
        %dma_start3A_146 = arith.constant 0 : i32
        %dma_start3A_147 = arith.constant 0 : i32
        %dma_start3A_148 = tpu.memref_slice %arg8[%run_scoped3A, %dma_start3A_146, %dma_start3A_147] : memref<3x80x128xf32, #tpu.memory_space<vmem>> -> memref<1x80x128xf32, #tpu.memory_space<vmem>>
        %dma_start3A_149 = tpu.memref_squeeze %dma_start3A_148 : memref<1x80x128xf32, #tpu.memory_space<vmem>> -> memref<80x128xf32, #tpu.memory_space<vmem>>
        tpu.enqueue_dma source(%dma_start3A_149 : memref<80x128xf32, #tpu.memory_space<vmem>>) target(%dma_start3A_145 : memref<80x128xf32, #tpu.memory_space<vmem_shared>>) target_semaphore(%run_scoped3A_137 : memref<!tpu.dma_semaphore, #tpu.memory_space<semaphore_mem>>)
        %dma_wait3A = arith.constant 0 : i32
        %dma_wait3A_150 = arith.constant 0 : i32
        %dma_wait3A_151 = tpu.memref_slice %arg8[%run_scoped3A, %dma_wait3A, %dma_wait3A_150] : memref<3x80x128xf32, #tpu.memory_space<vmem>> -> memref<1x80x128xf32, #tpu.memory_space<vmem>>
        %dma_wait3A_152 = tpu.memref_squeeze %dma_wait3A_151 : memref<1x80x128xf32, #tpu.memory_space<vmem>> -> memref<80x128xf32, #tpu.memory_space<vmem>>
        %dma_wait3A_153 = arith.constant 0 : i32
        %dma_wait3A_154 = tpu.memref_slice %arg9[%add3A_136, %dma_wait3A_153] : memref<10000x128xf32, #tpu.memory_space<vmem_shared>> -> memref<80x128xf32, #tpu.memory_space<vmem_shared>>
        %dma_wait3A_155 = arith.constant 0 : i32
        %dma_wait3A_156 = tpu.memref_slice %arg9[%add3A_136, %dma_wait3A_155] : memref<10000x128xf32, #tpu.memory_space<vmem_shared>> -> memref<80x128xf32, #tpu.memory_space<vmem_shared>>
        %dma_wait3A_157 = arith.constant 0 : i32
        %dma_wait3A_158 = arith.constant 0 : i32
        %dma_wait3A_159 = tpu.memref_slice %arg8[%run_scoped3A, %dma_wait3A_157, %dma_wait3A_158] : memref<3x80x128xf32, #tpu.memory_space<vmem>> -> memref<1x80x128xf32, #tpu.memory_space<vmem>>
        %dma_wait3A_160 = tpu.memref_squeeze %dma_wait3A_159 : memref<1x80x128xf32, #tpu.memory_space<vmem>> -> memref<80x128xf32, #tpu.memory_space<vmem>>
        tpu.wait_dma2 semaphore(%run_scoped3A_137 : memref<!tpu.dma_semaphore, #tpu.memory_space<semaphore_mem>>) src(%dma_wait3A_160 : memref<80x128xf32, #tpu.memory_space<vmem>>) dst(%dma_wait3A_156 : memref<80x128xf32, #tpu.memory_space<vmem_shared>>)
        tpu.yield
      }) : () -> ()
    } else {
    }
    %ge3A_25 = arith.constant 400 : i32
    %ge3A_26 = arith.cmpi sge, %select_n3A, %ge3A_25 : i32
    %convert_element_type3A_27 = arith.extui %ge3A_26 : i1 to i32
    %cond3A_28 = arith.constant 0 : i32
    %cond3A_29 = arith.cmpi ne, %convert_element_type3A_27, %cond3A_28 : i32
    scf.if %cond3A_29 {
      %add3A = arith.constant 320 : i32
      %add3A_136 = arith.addi %mul3A_2, %add3A : i32
      %run_scoped3A = arith.constant 0 : i32
      "tpu.region"() ({
        %run_scoped3A_137 = tpu.sem_alloc : memref<!tpu.dma_semaphore, #tpu.memory_space<semaphore_mem>>
        %dma_start3A_138 = arith.constant 0 : i32
        %dma_start3A_139 = arith.constant 0 : i32
        %dma_start3A_140 = tpu.memref_slice %arg8[%run_scoped3A, %dma_start3A_138, %dma_start3A_139] : memref<3x80x128xf32, #tpu.memory_space<vmem>> -> memref<1x80x128xf32, #tpu.memory_space<vmem>>
        %dma_start3A_141 = tpu.memref_squeeze %dma_start3A_140 : memref<1x80x128xf32, #tpu.memory_space<vmem>> -> memref<80x128xf32, #tpu.memory_space<vmem>>
        %dma_start3A_142 = arith.constant 0 : i32
        %dma_start3A_143 = tpu.memref_slice %arg9[%add3A_136, %dma_start3A_142] : memref<10000x128xf32, #tpu.memory_space<vmem_shared>> -> memref<80x128xf32, #tpu.memory_space<vmem_shared>>
        %dma_start3A_144 = arith.constant 0 : i32
        %dma_start3A_145 = tpu.memref_slice %arg9[%add3A_136, %dma_start3A_144] : memref<10000x128xf32, #tpu.memory_space<vmem_shared>> -> memref<80x128xf32, #tpu.memory_space<vmem_shared>>
        %dma_start3A_146 = arith.constant 0 : i32
        %dma_start3A_147 = arith.constant 0 : i32
        %dma_start3A_148 = tpu.memref_slice %arg8[%run_scoped3A, %dma_start3A_146, %dma_start3A_147] : memref<3x80x128xf32, #tpu.memory_space<vmem>> -> memref<1x80x128xf32, #tpu.memory_space<vmem>>
        %dma_start3A_149 = tpu.memref_squeeze %dma_start3A_148 : memref<1x80x128xf32, #tpu.memory_space<vmem>> -> memref<80x128xf32, #tpu.memory_space<vmem>>
        tpu.enqueue_dma source(%dma_start3A_149 : memref<80x128xf32, #tpu.memory_space<vmem>>) target(%dma_start3A_145 : memref<80x128xf32, #tpu.memory_space<vmem_shared>>) target_semaphore(%run_scoped3A_137 : memref<!tpu.dma_semaphore, #tpu.memory_space<semaphore_mem>>)
        %dma_wait3A = arith.constant 0 : i32
        %dma_wait3A_150 = arith.constant 0 : i32
        %dma_wait3A_151 = tpu.memref_slice %arg8[%run_scoped3A, %dma_wait3A, %dma_wait3A_150] : memref<3x80x128xf32, #tpu.memory_space<vmem>> -> memref<1x80x128xf32, #tpu.memory_space<vmem>>
        %dma_wait3A_152 = tpu.memref_squeeze %dma_wait3A_151 : memref<1x80x128xf32, #tpu.memory_space<vmem>> -> memref<80x128xf32, #tpu.memory_space<vmem>>
        %dma_wait3A_153 = arith.constant 0 : i32
        %dma_wait3A_154 = tpu.memref_slice %arg9[%add3A_136, %dma_wait3A_153] : memref<10000x128xf32, #tpu.memory_space<vmem_shared>> -> memref<80x128xf32, #tpu.memory_space<vmem_shared>>
        %dma_wait3A_155 = arith.constant 0 : i32
        %dma_wait3A_156 = tpu.memref_slice %arg9[%add3A_136, %dma_wait3A_155] : memref<10000x128xf32, #tpu.memory_space<vmem_shared>> -> memref<80x128xf32, #tpu.memory_space<vmem_shared>>
        %dma_wait3A_157 = arith.constant 0 : i32
        %dma_wait3A_158 = arith.constant 0 : i32
        %dma_wait3A_159 = tpu.memref_slice %arg8[%run_scoped3A, %dma_wait3A_157, %dma_wait3A_158] : memref<3x80x128xf32, #tpu.memory_space<vmem>> -> memref<1x80x128xf32, #tpu.memory_space<vmem>>
        %dma_wait3A_160 = tpu.memref_squeeze %dma_wait3A_159 : memref<1x80x128xf32, #tpu.memory_space<vmem>> -> memref<80x128xf32, #tpu.memory_space<vmem>>
        tpu.wait_dma2 semaphore(%run_scoped3A_137 : memref<!tpu.dma_semaphore, #tpu.memory_space<semaphore_mem>>) src(%dma_wait3A_160 : memref<80x128xf32, #tpu.memory_space<vmem>>) dst(%dma_wait3A_156 : memref<80x128xf32, #tpu.memory_space<vmem_shared>>)
        tpu.yield
      }) : () -> ()
    } else {
    }
    %ge3A_30 = arith.constant 480 : i32
    %ge3A_31 = arith.cmpi sge, %select_n3A, %ge3A_30 : i32
    %convert_element_type3A_32 = arith.extui %ge3A_31 : i1 to i32
    %cond3A_33 = arith.constant 0 : i32
    %cond3A_34 = arith.cmpi ne, %convert_element_type3A_32, %cond3A_33 : i32
    scf.if %cond3A_34 {
      %add3A = arith.constant 400 : i32
      %add3A_136 = arith.addi %mul3A_2, %add3A : i32
      %run_scoped3A = arith.constant 0 : i32
      "tpu.region"() ({
        %run_scoped3A_137 = tpu.sem_alloc : memref<!tpu.dma_semaphore, #tpu.memory_space<semaphore_mem>>
        %dma_start3A_138 = arith.constant 0 : i32
        %dma_start3A_139 = arith.constant 0 : i32
        %dma_start3A_140 = tpu.memref_slice %arg8[%run_scoped3A, %dma_start3A_138, %dma_start3A_139] : memref<3x80x128xf32, #tpu.memory_space<vmem>> -> memref<1x80x128xf32, #tpu.memory_space<vmem>>
        %dma_start3A_141 = tpu.memref_squeeze %dma_start3A_140 : memref<1x80x128xf32, #tpu.memory_space<vmem>> -> memref<80x128xf32, #tpu.memory_space<vmem>>
        %dma_start3A_142 = arith.constant 0 : i32
        %dma_start3A_143 = tpu.memref_slice %arg9[%add3A_136, %dma_start3A_142] : memref<10000x128xf32, #tpu.memory_space<vmem_shared>> -> memref<80x128xf32, #tpu.memory_space<vmem_shared>>
        %dma_start3A_144 = arith.constant 0 : i32
        %dma_start3A_145 = tpu.memref_slice %arg9[%add3A_136, %dma_start3A_144] : memref<10000x128xf32, #tpu.memory_space<vmem_shared>> -> memref<80x128xf32, #tpu.memory_space<vmem_shared>>
        %dma_start3A_146 = arith.constant 0 : i32
        %dma_start3A_147 = arith.constant 0 : i32
        %dma_start3A_148 = tpu.memref_slice %arg8[%run_scoped3A, %dma_start3A_146, %dma_start3A_147] : memref<3x80x128xf32, #tpu.memory_space<vmem>> -> memref<1x80x128xf32, #tpu.memory_space<vmem>>
        %dma_start3A_149 = tpu.memref_squeeze %dma_start3A_148 : memref<1x80x128xf32, #tpu.memory_space<vmem>> -> memref<80x128xf32, #tpu.memory_space<vmem>>
        tpu.enqueue_dma source(%dma_start3A_149 : memref<80x128xf32, #tpu.memory_space<vmem>>) target(%dma_start3A_145 : memref<80x128xf32, #tpu.memory_space<vmem_shared>>) target_semaphore(%run_scoped3A_137 : memref<!tpu.dma_semaphore, #tpu.memory_space<semaphore_mem>>)
        %dma_wait3A = arith.constant 0 : i32
        %dma_wait3A_150 = arith.constant 0 : i32
        %dma_wait3A_151 = tpu.memref_slice %arg8[%run_scoped3A, %dma_wait3A, %dma_wait3A_150] : memref<3x80x128xf32, #tpu.memory_space<vmem>> -> memref<1x80x128xf32, #tpu.memory_space<vmem>>
        %dma_wait3A_152 = tpu.memref_squeeze %dma_wait3A_151 : memref<1x80x128xf32, #tpu.memory_space<vmem>> -> memref<80x128xf32, #tpu.memory_space<vmem>>
        %dma_wait3A_153 = arith.constant 0 : i32
        %dma_wait3A_154 = tpu.memref_slice %arg9[%add3A_136, %dma_wait3A_153] : memref<10000x128xf32, #tpu.memory_space<vmem_shared>> -> memref<80x128xf32, #tpu.memory_space<vmem_shared>>
        %dma_wait3A_155 = arith.constant 0 : i32
        %dma_wait3A_156 = tpu.memref_slice %arg9[%add3A_136, %dma_wait3A_155] : memref<10000x128xf32, #tpu.memory_space<vmem_shared>> -> memref<80x128xf32, #tpu.memory_space<vmem_shared>>
        %dma_wait3A_157 = arith.constant 0 : i32
        %dma_wait3A_158 = arith.constant 0 : i32
        %dma_wait3A_159 = tpu.memref_slice %arg8[%run_scoped3A, %dma_wait3A_157, %dma_wait3A_158] : memref<3x80x128xf32, #tpu.memory_space<vmem>> -> memref<1x80x128xf32, #tpu.memory_space<vmem>>
        %dma_wait3A_160 = tpu.memref_squeeze %dma_wait3A_159 : memref<1x80x128xf32, #tpu.memory_space<vmem>> -> memref<80x128xf32, #tpu.memory_space<vmem>>
        tpu.wait_dma2 semaphore(%run_scoped3A_137 : memref<!tpu.dma_semaphore, #tpu.memory_space<semaphore_mem>>) src(%dma_wait3A_160 : memref<80x128xf32, #tpu.memory_space<vmem>>) dst(%dma_wait3A_156 : memref<80x128xf32, #tpu.memory_space<vmem_shared>>)
        tpu.yield
      }) : () -> ()
    } else {
    }
    %ge3A_35 = arith.constant 560 : i32
    %ge3A_36 = arith.cmpi sge, %select_n3A, %ge3A_35 : i32
    %convert_element_type3A_37 = arith.extui %ge3A_36 : i1 to i32
    %cond3A_38 = arith.constant 0 : i32
    %cond3A_39 = arith.cmpi ne, %convert_element_type3A_37, %cond3A_38 : i32
    scf.if %cond3A_39 {
      %add3A = arith.constant 480 : i32
      %add3A_136 = arith.addi %mul3A_2, %add3A : i32
      %run_scoped3A = arith.constant 0 : i32
      "tpu.region"() ({
        %run_scoped3A_137 = tpu.sem_alloc : memref<!tpu.dma_semaphore, #tpu.memory_space<semaphore_mem>>
        %dma_start3A_138 = arith.constant 0 : i32
        %dma_start3A_139 = arith.constant 0 : i32
        %dma_start3A_140 = tpu.memref_slice %arg8[%run_scoped3A, %dma_start3A_138, %dma_start3A_139] : memref<3x80x128xf32, #tpu.memory_space<vmem>> -> memref<1x80x128xf32, #tpu.memory_space<vmem>>
        %dma_start3A_141 = tpu.memref_squeeze %dma_start3A_140 : memref<1x80x128xf32, #tpu.memory_space<vmem>> -> memref<80x128xf32, #tpu.memory_space<vmem>>
        %dma_start3A_142 = arith.constant 0 : i32
        %dma_start3A_143 = tpu.memref_slice %arg9[%add3A_136, %dma_start3A_142] : memref<10000x128xf32, #tpu.memory_space<vmem_shared>> -> memref<80x128xf32, #tpu.memory_space<vmem_shared>>
        %dma_start3A_144 = arith.constant 0 : i32
        %dma_start3A_145 = tpu.memref_slice %arg9[%add3A_136, %dma_start3A_144] : memref<10000x128xf32, #tpu.memory_space<vmem_shared>> -> memref<80x128xf32, #tpu.memory_space<vmem_shared>>
        %dma_start3A_146 = arith.constant 0 : i32
        %dma_start3A_147 = arith.constant 0 : i32
        %dma_start3A_148 = tpu.memref_slice %arg8[%run_scoped3A, %dma_start3A_146, %dma_start3A_147] : memref<3x80x128xf32, #tpu.memory_space<vmem>> -> memref<1x80x128xf32, #tpu.memory_space<vmem>>
        %dma_start3A_149 = tpu.memref_squeeze %dma_start3A_148 : memref<1x80x128xf32, #tpu.memory_space<vmem>> -> memref<80x128xf32, #tpu.memory_space<vmem>>
        tpu.enqueue_dma source(%dma_start3A_149 : memref<80x128xf32, #tpu.memory_space<vmem>>) target(%dma_start3A_145 : memref<80x128xf32, #tpu.memory_space<vmem_shared>>) target_semaphore(%run_scoped3A_137 : memref<!tpu.dma_semaphore, #tpu.memory_space<semaphore_mem>>)
        %dma_wait3A = arith.constant 0 : i32
        %dma_wait3A_150 = arith.constant 0 : i32
        %dma_wait3A_151 = tpu.memref_slice %arg8[%run_scoped3A, %dma_wait3A, %dma_wait3A_150] : memref<3x80x128xf32, #tpu.memory_space<vmem>> -> memref<1x80x128xf32, #tpu.memory_space<vmem>>
        %dma_wait3A_152 = tpu.memref_squeeze %dma_wait3A_151 : memref<1x80x128xf32, #tpu.memory_space<vmem>> -> memref<80x128xf32, #tpu.memory_space<vmem>>
        %dma_wait3A_153 = arith.constant 0 : i32
        %dma_wait3A_154 = tpu.memref_slice %arg9[%add3A_136, %dma_wait3A_153] : memref<10000x128xf32, #tpu.memory_space<vmem_shared>> -> memref<80x128xf32, #tpu.memory_space<vmem_shared>>
        %dma_wait3A_155 = arith.constant 0 : i32
        %dma_wait3A_156 = tpu.memref_slice %arg9[%add3A_136, %dma_wait3A_155] : memref<10000x128xf32, #tpu.memory_space<vmem_shared>> -> memref<80x128xf32, #tpu.memory_space<vmem_shared>>
        %dma_wait3A_157 = arith.constant 0 : i32
        %dma_wait3A_158 = arith.constant 0 : i32
        %dma_wait3A_159 = tpu.memref_slice %arg8[%run_scoped3A, %dma_wait3A_157, %dma_wait3A_158] : memref<3x80x128xf32, #tpu.memory_space<vmem>> -> memref<1x80x128xf32, #tpu.memory_space<vmem>>
        %dma_wait3A_160 = tpu.memref_squeeze %dma_wait3A_159 : memref<1x80x128xf32, #tpu.memory_space<vmem>> -> memref<80x128xf32, #tpu.memory_space<vmem>>
        tpu.wait_dma2 semaphore(%run_scoped3A_137 : memref<!tpu.dma_semaphore, #tpu.memory_space<semaphore_mem>>) src(%dma_wait3A_160 : memref<80x128xf32, #tpu.memory_space<vmem>>) dst(%dma_wait3A_156 : memref<80x128xf32, #tpu.memory_space<vmem_shared>>)
        tpu.yield
      }) : () -> ()
    } else {
    }
    %ge3A_40 = arith.constant 640 : i32
    %ge3A_41 = arith.cmpi sge, %select_n3A, %ge3A_40 : i32
    %convert_element_type3A_42 = arith.extui %ge3A_41 : i1 to i32
    %cond3A_43 = arith.constant 0 : i32
    %cond3A_44 = arith.cmpi ne, %convert_element_type3A_42, %cond3A_43 : i32
    scf.if %cond3A_44 {
      %add3A = arith.constant 560 : i32
      %add3A_136 = arith.addi %mul3A_2, %add3A : i32
      %run_scoped3A = arith.constant 0 : i32
      "tpu.region"() ({
        %run_scoped3A_137 = tpu.sem_alloc : memref<!tpu.dma_semaphore, #tpu.memory_space<semaphore_mem>>
        %dma_start3A_138 = arith.constant 0 : i32
        %dma_start3A_139 = arith.constant 0 : i32
        %dma_start3A_140 = tpu.memref_slice %arg8[%run_scoped3A, %dma_start3A_138, %dma_start3A_139] : memref<3x80x128xf32, #tpu.memory_space<vmem>> -> memref<1x80x128xf32, #tpu.memory_space<vmem>>
        %dma_start3A_141 = tpu.memref_squeeze %dma_start3A_140 : memref<1x80x128xf32, #tpu.memory_space<vmem>> -> memref<80x128xf32, #tpu.memory_space<vmem>>
        %dma_start3A_142 = arith.constant 0 : i32
        %dma_start3A_143 = tpu.memref_slice %arg9[%add3A_136, %dma_start3A_142] : memref<10000x128xf32, #tpu.memory_space<vmem_shared>> -> memref<80x128xf32, #tpu.memory_space<vmem_shared>>
        %dma_start3A_144 = arith.constant 0 : i32
        %dma_start3A_145 = tpu.memref_slice %arg9[%add3A_136, %dma_start3A_144] : memref<10000x128xf32, #tpu.memory_space<vmem_shared>> -> memref<80x128xf32, #tpu.memory_space<vmem_shared>>
        %dma_start3A_146 = arith.constant 0 : i32
        %dma_start3A_147 = arith.constant 0 : i32
        %dma_start3A_148 = tpu.memref_slice %arg8[%run_scoped3A, %dma_start3A_146, %dma_start3A_147] : memref<3x80x128xf32, #tpu.memory_space<vmem>> -> memref<1x80x128xf32, #tpu.memory_space<vmem>>
        %dma_start3A_149 = tpu.memref_squeeze %dma_start3A_148 : memref<1x80x128xf32, #tpu.memory_space<vmem>> -> memref<80x128xf32, #tpu.memory_space<vmem>>
        tpu.enqueue_dma source(%dma_start3A_149 : memref<80x128xf32, #tpu.memory_space<vmem>>) target(%dma_start3A_145 : memref<80x128xf32, #tpu.memory_space<vmem_shared>>) target_semaphore(%run_scoped3A_137 : memref<!tpu.dma_semaphore, #tpu.memory_space<semaphore_mem>>)
        %dma_wait3A = arith.constant 0 : i32
        %dma_wait3A_150 = arith.constant 0 : i32
        %dma_wait3A_151 = tpu.memref_slice %arg8[%run_scoped3A, %dma_wait3A, %dma_wait3A_150] : memref<3x80x128xf32, #tpu.memory_space<vmem>> -> memref<1x80x128xf32, #tpu.memory_space<vmem>>
        %dma_wait3A_152 = tpu.memref_squeeze %dma_wait3A_151 : memref<1x80x128xf32, #tpu.memory_space<vmem>> -> memref<80x128xf32, #tpu.memory_space<vmem>>
        %dma_wait3A_153 = arith.constant 0 : i32
        %dma_wait3A_154 = tpu.memref_slice %arg9[%add3A_136, %dma_wait3A_153] : memref<10000x128xf32, #tpu.memory_space<vmem_shared>> -> memref<80x128xf32, #tpu.memory_space<vmem_shared>>
        %dma_wait3A_155 = arith.constant 0 : i32
        %dma_wait3A_156 = tpu.memref_slice %arg9[%add3A_136, %dma_wait3A_155] : memref<10000x128xf32, #tpu.memory_space<vmem_shared>> -> memref<80x128xf32, #tpu.memory_space<vmem_shared>>
        %dma_wait3A_157 = arith.constant 0 : i32
        %dma_wait3A_158 = arith.constant 0 : i32
        %dma_wait3A_159 = tpu.memref_slice %arg8[%run_scoped3A, %dma_wait3A_157, %dma_wait3A_158] : memref<3x80x128xf32, #tpu.memory_space<vmem>> -> memref<1x80x128xf32, #tpu.memory_space<vmem>>
        %dma_wait3A_160 = tpu.memref_squeeze %dma_wait3A_159 : memref<1x80x128xf32, #tpu.memory_space<vmem>> -> memref<80x128xf32, #tpu.memory_space<vmem>>
        tpu.wait_dma2 semaphore(%run_scoped3A_137 : memref<!tpu.dma_semaphore, #tpu.memory_space<semaphore_mem>>) src(%dma_wait3A_160 : memref<80x128xf32, #tpu.memory_space<vmem>>) dst(%dma_wait3A_156 : memref<80x128xf32, #tpu.memory_space<vmem_shared>>)
        tpu.yield
      }) : () -> ()
    } else {
    }
    %lt3A_45 = arith.constant 15 : i32
    %lt3A_46 = arith.cmpi slt, %arg1, %lt3A_45 : i32
    %convert_element_type3A_47 = arith.extui %lt3A_46 : i1 to i32
    %cond3A_48 = arith.constant 0 : i32
    %cond3A_49 = arith.cmpi ne, %convert_element_type3A_47, %cond3A_48 : i32
    scf.if %cond3A_49 {
      %add3A = arith.constant 560 : i32
      %add3A_136 = arith.addi %mul3A_2, %add3A : i32
      %run_scoped3A = arith.constant 0 : i32
      "tpu.region"() ({
        %run_scoped3A_137 = tpu.sem_alloc : memref<!tpu.dma_semaphore, #tpu.memory_space<semaphore_mem>>
        %dma_start3A_138 = arith.constant 0 : i32
        %dma_start3A_139 = arith.constant 0 : i32
        %dma_start3A_140 = tpu.memref_slice %arg8[%run_scoped3A, %dma_start3A_138, %dma_start3A_139] : memref<3x80x128xf32, #tpu.memory_space<vmem>> -> memref<1x72x128xf32, #tpu.memory_space<vmem>>
        %dma_start3A_141 = tpu.memref_squeeze %dma_start3A_140 : memref<1x72x128xf32, #tpu.memory_space<vmem>> -> memref<72x128xf32, #tpu.memory_space<vmem>>
        %dma_start3A_142 = arith.constant 0 : i32
        %dma_start3A_143 = tpu.memref_slice %arg9[%add3A_136, %dma_start3A_142] : memref<10000x128xf32, #tpu.memory_space<vmem_shared>> -> memref<72x128xf32, #tpu.memory_space<vmem_shared>>
        %dma_start3A_144 = arith.constant 0 : i32
        %dma_start3A_145 = tpu.memref_slice %arg9[%add3A_136, %dma_start3A_144] : memref<10000x128xf32, #tpu.memory_space<vmem_shared>> -> memref<72x128xf32, #tpu.memory_space<vmem_shared>>
        %dma_start3A_146 = arith.constant 0 : i32
        %dma_start3A_147 = arith.constant 0 : i32
        %dma_start3A_148 = tpu.memref_slice %arg8[%run_scoped3A, %dma_start3A_146, %dma_start3A_147] : memref<3x80x128xf32, #tpu.memory_space<vmem>> -> memref<1x72x128xf32, #tpu.memory_space<vmem>>
        %dma_start3A_149 = tpu.memref_squeeze %dma_start3A_148 : memref<1x72x128xf32, #tpu.memory_space<vmem>> -> memref<72x128xf32, #tpu.memory_space<vmem>>
        tpu.enqueue_dma source(%dma_start3A_149 : memref<72x128xf32, #tpu.memory_space<vmem>>) target(%dma_start3A_145 : memref<72x128xf32, #tpu.memory_space<vmem_shared>>) target_semaphore(%run_scoped3A_137 : memref<!tpu.dma_semaphore, #tpu.memory_space<semaphore_mem>>)
        %dma_wait3A = arith.constant 0 : i32
        %dma_wait3A_150 = arith.constant 0 : i32
        %dma_wait3A_151 = tpu.memref_slice %arg8[%run_scoped3A, %dma_wait3A, %dma_wait3A_150] : memref<3x80x128xf32, #tpu.memory_space<vmem>> -> memref<1x72x128xf32, #tpu.memory_space<vmem>>
        %dma_wait3A_152 = tpu.memref_squeeze %dma_wait3A_151 : memref<1x72x128xf32, #tpu.memory_space<vmem>> -> memref<72x128xf32, #tpu.memory_space<vmem>>
        %dma_wait3A_153 = arith.constant 0 : i32
        %dma_wait3A_154 = tpu.memref_slice %arg9[%add3A_136, %dma_wait3A_153] : memref<10000x128xf32, #tpu.memory_space<vmem_shared>> -> memref<72x128xf32, #tpu.memory_space<vmem_shared>>
        %dma_wait3A_155 = arith.constant 0 : i32
        %dma_wait3A_156 = tpu.memref_slice %arg9[%add3A_136, %dma_wait3A_155] : memref<10000x128xf32, #tpu.memory_space<vmem_shared>> -> memref<72x128xf32, #tpu.memory_space<vmem_shared>>
        %dma_wait3A_157 = arith.constant 0 : i32
        %dma_wait3A_158 = arith.constant 0 : i32
        %dma_wait3A_159 = tpu.memref_slice %arg8[%run_scoped3A, %dma_wait3A_157, %dma_wait3A_158] : memref<3x80x128xf32, #tpu.memory_space<vmem>> -> memref<1x72x128xf32, #tpu.memory_space<vmem>>
        %dma_wait3A_160 = tpu.memref_squeeze %dma_wait3A_159 : memref<1x72x128xf32, #tpu.memory_space<vmem>> -> memref<72x128xf32, #tpu.memory_space<vmem>>
        tpu.wait_dma2 semaphore(%run_scoped3A_137 : memref<!tpu.dma_semaphore, #tpu.memory_space<semaphore_mem>>) src(%dma_wait3A_160 : memref<72x128xf32, #tpu.memory_space<vmem>>) dst(%dma_wait3A_156 : memref<72x128xf32, #tpu.memory_space<vmem_shared>>)
        tpu.yield
      }) : () -> ()
    } else {
    }
    %eq3A = arith.constant 15 : i32
    %eq3A_50 = arith.cmpi eq, %arg1, %eq3A : i32
    %convert_element_type3A_51 = arith.extui %eq3A_50 : i1 to i32
    %cond3A_52 = arith.constant 0 : i32
    %cond3A_53 = arith.cmpi ne, %convert_element_type3A_51, %cond3A_52 : i32
    scf.if %cond3A_53 {
      %add3A = arith.constant 480 : i32
      %add3A_136 = arith.addi %mul3A_2, %add3A : i32
      %run_scoped3A = arith.constant 0 : i32
      "tpu.region"() ({
        %run_scoped3A_137 = tpu.sem_alloc : memref<!tpu.dma_semaphore, #tpu.memory_space<semaphore_mem>>
        %dma_start3A_138 = arith.constant 0 : i32
        %dma_start3A_139 = arith.constant 0 : i32
        %dma_start3A_140 = tpu.memref_slice %arg8[%run_scoped3A, %dma_start3A_138, %dma_start3A_139] : memref<3x80x128xf32, #tpu.memory_space<vmem>> -> memref<1x40x128xf32, #tpu.memory_space<vmem>>
        %dma_start3A_141 = tpu.memref_squeeze %dma_start3A_140 : memref<1x40x128xf32, #tpu.memory_space<vmem>> -> memref<40x128xf32, #tpu.memory_space<vmem>>
        %dma_start3A_142 = arith.constant 0 : i32
        %dma_start3A_143 = tpu.memref_slice %arg9[%add3A_136, %dma_start3A_142] : memref<10000x128xf32, #tpu.memory_space<vmem_shared>> -> memref<40x128xf32, #tpu.memory_space<vmem_shared>>
        %dma_start3A_144 = arith.constant 0 : i32
        %dma_start3A_145 = tpu.memref_slice %arg9[%add3A_136, %dma_start3A_144] : memref<10000x128xf32, #tpu.memory_space<vmem_shared>> -> memref<40x128xf32, #tpu.memory_space<vmem_shared>>
        %dma_start3A_146 = arith.constant 0 : i32
        %dma_start3A_147 = arith.constant 0 : i32
        %dma_start3A_148 = tpu.memref_slice %arg8[%run_scoped3A, %dma_start3A_146, %dma_start3A_147] : memref<3x80x128xf32, #tpu.memory_space<vmem>> -> memref<1x40x128xf32, #tpu.memory_space<vmem>>
        %dma_start3A_149 = tpu.memref_squeeze %dma_start3A_148 : memref<1x40x128xf32, #tpu.memory_space<vmem>> -> memref<40x128xf32, #tpu.memory_space<vmem>>
        tpu.enqueue_dma source(%dma_start3A_149 : memref<40x128xf32, #tpu.memory_space<vmem>>) target(%dma_start3A_145 : memref<40x128xf32, #tpu.memory_space<vmem_shared>>) target_semaphore(%run_scoped3A_137 : memref<!tpu.dma_semaphore, #tpu.memory_space<semaphore_mem>>)
        %dma_wait3A = arith.constant 0 : i32
        %dma_wait3A_150 = arith.constant 0 : i32
        %dma_wait3A_151 = tpu.memref_slice %arg8[%run_scoped3A, %dma_wait3A, %dma_wait3A_150] : memref<3x80x128xf32, #tpu.memory_space<vmem>> -> memref<1x40x128xf32, #tpu.memory_space<vmem>>
        %dma_wait3A_152 = tpu.memref_squeeze %dma_wait3A_151 : memref<1x40x128xf32, #tpu.memory_space<vmem>> -> memref<40x128xf32, #tpu.memory_space<vmem>>
        %dma_wait3A_153 = arith.constant 0 : i32
        %dma_wait3A_154 = tpu.memref_slice %arg9[%add3A_136, %dma_wait3A_153] : memref<10000x128xf32, #tpu.memory_space<vmem_shared>> -> memref<40x128xf32, #tpu.memory_space<vmem_shared>>
        %dma_wait3A_155 = arith.constant 0 : i32
        %dma_wait3A_156 = tpu.memref_slice %arg9[%add3A_136, %dma_wait3A_155] : memref<10000x128xf32, #tpu.memory_space<vmem_shared>> -> memref<40x128xf32, #tpu.memory_space<vmem_shared>>
        %dma_wait3A_157 = arith.constant 0 : i32
        %dma_wait3A_158 = arith.constant 0 : i32
        %dma_wait3A_159 = tpu.memref_slice %arg8[%run_scoped3A, %dma_wait3A_157, %dma_wait3A_158] : memref<3x80x128xf32, #tpu.memory_space<vmem>> -> memref<1x40x128xf32, #tpu.memory_space<vmem>>
        %dma_wait3A_160 = tpu.memref_squeeze %dma_wait3A_159 : memref<1x40x128xf32, #tpu.memory_space<vmem>> -> memref<40x128xf32, #tpu.memory_space<vmem>>
        tpu.wait_dma2 semaphore(%run_scoped3A_137 : memref<!tpu.dma_semaphore, #tpu.memory_space<semaphore_mem>>) src(%dma_wait3A_160 : memref<40x128xf32, #tpu.memory_space<vmem>>) dst(%dma_wait3A_156 : memref<40x128xf32, #tpu.memory_space<vmem_shared>>)
        tpu.yield
      }) : () -> ()
    } else {
    }
    %barrier3A = arith.constant 0 : index
    tpu.barrier barrier_id(%barrier3A)
    %dma_start3A = arith.constant 0 : i32
    %dma_start3A_54 = arith.constant 0 : i32
    %dma_start3A_55 = arith.constant 0 : i32
    %dma_start3A_56 = arith.constant 0 : i32
    %dma_start3A_57 = tpu.memref_slice %arg8[%dma_start3A, %dma_start3A_55, %dma_start3A_56] : memref<3x80x128xf32, #tpu.memory_space<vmem>> -> memref<1x80x128xf32, #tpu.memory_space<vmem>>
    %dma_start3A_58 = tpu.memref_squeeze %dma_start3A_57 : memref<1x80x128xf32, #tpu.memory_space<vmem>> -> memref<80x128xf32, #tpu.memory_space<vmem>>
    %dma_start3A_59 = arith.constant 0 : i32
    %dma_start3A_60 = tpu.memref_slice %arg6[%dma_start3A_59] : memref<10000xi32, #tpu.memory_space<vmem>> -> memref<80xi32, #tpu.memory_space<vmem>>
    %dma_start3A_61 = arith.constant 0 : i32
    %dma_start3A_62 = arith.constant 0 : i32
    %dma_start3A_63 = tpu.memref_slice %arg2[%dma_start3A_61, %dma_start3A_62] : memref<20000x128xf32, #tpu.memory_space<hbm>> -> memref<20000x128xf32, #tpu.memory_space<hbm>>
    %dma_start3A_64 = tpu.memref_slice %arg10[%dma_start3A_54] : memref<3x!tpu.dma_semaphore, #tpu.memory_space<semaphore_mem>> -> memref<1x!tpu.dma_semaphore, #tpu.memory_space<semaphore_mem>>
    %dma_start3A_65 = tpu.memref_squeeze %dma_start3A_64 : memref<1x!tpu.dma_semaphore, #tpu.memory_space<semaphore_mem>> -> memref<!tpu.dma_semaphore, #tpu.memory_space<semaphore_mem>>
    tpu.enqueue_indirect_dma source(%dma_start3A_63 : memref<20000x128xf32, #tpu.memory_space<hbm>>) target(%dma_start3A_58 : memref<80x128xf32, #tpu.memory_space<vmem>>) offsets(%dma_start3A_60 : memref<80xi32, #tpu.memory_space<vmem>>) semaphore(%dma_start3A_65 : memref<!tpu.dma_semaphore, #tpu.memory_space<semaphore_mem>>)
    %dma_start3A_66 = arith.constant 1 : i32
    %dma_start3A_67 = arith.constant 1 : i32
    %dma_start3A_68 = arith.constant 0 : i32
    %dma_start3A_69 = arith.constant 0 : i32
    %dma_start3A_70 = tpu.memref_slice %arg8[%dma_start3A_66, %dma_start3A_68, %dma_start3A_69] : memref<3x80x128xf32, #tpu.memory_space<vmem>> -> memref<1x80x128xf32, #tpu.memory_space<vmem>>
    %dma_start3A_71 = tpu.memref_squeeze %dma_start3A_70 : memref<1x80x128xf32, #tpu.memory_space<vmem>> -> memref<80x128xf32, #tpu.memory_space<vmem>>
    %dma_start3A_72 = arith.constant 80 : i32
    %dma_start3A_73 = tpu.memref_slice %arg6[%dma_start3A_72] : memref<10000xi32, #tpu.memory_space<vmem>> -> memref<80xi32, #tpu.memory_space<vmem>>
    %dma_start3A_74 = arith.constant 0 : i32
    %dma_start3A_75 = arith.constant 0 : i32
    %dma_start3A_76 = tpu.memref_slice %arg2[%dma_start3A_74, %dma_start3A_75] : memref<20000x128xf32, #tpu.memory_space<hbm>> -> memref<20000x128xf32, #tpu.memory_space<hbm>>
    %dma_start3A_77 = tpu.memref_slice %arg10[%dma_start3A_67] : memref<3x!tpu.dma_semaphore, #tpu.memory_space<semaphore_mem>> -> memref<1x!tpu.dma_semaphore, #tpu.memory_space<semaphore_mem>>
    %dma_start3A_78 = tpu.memref_squeeze %dma_start3A_77 : memref<1x!tpu.dma_semaphore, #tpu.memory_space<semaphore_mem>> -> memref<!tpu.dma_semaphore, #tpu.memory_space<semaphore_mem>>
    tpu.enqueue_indirect_dma source(%dma_start3A_76 : memref<20000x128xf32, #tpu.memory_space<hbm>>) target(%dma_start3A_71 : memref<80x128xf32, #tpu.memory_space<vmem>>) offsets(%dma_start3A_73 : memref<80xi32, #tpu.memory_space<vmem>>) semaphore(%dma_start3A_78 : memref<!tpu.dma_semaphore, #tpu.memory_space<semaphore_mem>>)
    %scan3A_79 = arith.constant 0 : i32
    %scan3A_80 = arith.constant 0 : i32
    %scan3A_81 = arith.constant 125 : i32
    %scan3A_82 = arith.addi %scan3A_80, %scan3A_81 : i32
    %scan3A_83 = arith.constant 1 : i32
    scf.for %scan3A_136 = %scan3A_80 to %scan3A_82 step %scan3A_83  : i32 {
      %add3A = arith.constant 2 : i32
      %add3A_137 = arith.addi %scan3A_136, %add3A : i32
      %lt3A_138 = arith.constant 125 : i32
      %lt3A_139 = arith.cmpi slt, %add3A_137, %lt3A_138 : i32
      %convert_element_type3A_140 = arith.extui %lt3A_139 : i1 to i32
      %cond3A_141 = arith.constant 0 : i32
      %cond3A_142 = arith.cmpi ne, %convert_element_type3A_140, %cond3A_141 : i32
      scf.if %cond3A_142 {
        %add3A_201 = arith.constant 2 : i32
        %add3A_202 = arith.addi %scan3A_136, %add3A_201 : i32
        %mul3A_203 = arith.constant 80 : i32
        %mul3A_204 = arith.muli %add3A_202, %mul3A_203 : i32
        %add3A_205 = arith.constant 2 : i32
        %add3A_206 = arith.addi %scan3A_136, %add3A_205 : i32
        %jit3A_207 = arith.constant 3 : i32
        %eq3A_208 = arith.constant 0 : i32
        %eq3A_209 = arith.cmpi eq, %jit3A_207, %eq3A_208 : i32
        %jit3A_210 = arith.constant 1 : i32
        %select_n3A_211 = arith.select %eq3A_209, %jit3A_210, %jit3A_207 : i32
        %rem3A_212 = arith.remsi %add3A_206, %select_n3A_211 : i32
        %ne3A_213 = arith.constant 0 : i32
        %ne3A_214 = arith.cmpi ne, %rem3A_212, %ne3A_213 : i32
        %lt3A_215 = arith.constant 0 : i32
        %lt3A_216 = arith.cmpi slt, %rem3A_212, %lt3A_215 : i32
        %lt3A_217 = arith.constant 0 : i32
        %lt3A_218 = arith.cmpi slt, %select_n3A_211, %lt3A_217 : i32
        %ne3A_219 = arith.xori %lt3A_216, %lt3A_218 : i1
        %and3A_220 = arith.andi %ne3A_219, %ne3A_214 : i1
        %add3A_221 = arith.addi %rem3A_212, %select_n3A_211 : i32
        %select_n3A_222 = arith.select %and3A_220, %add3A_221, %rem3A_212 : i32
        %add3A_223 = arith.constant 2 : i32
        %add3A_224 = arith.addi %scan3A_136, %add3A_223 : i32
        %jit3A_225 = arith.constant 3 : i32
        %eq3A_226 = arith.constant 0 : i32
        %eq3A_227 = arith.cmpi eq, %jit3A_225, %eq3A_226 : i32
        %jit3A_228 = arith.constant 1 : i32
        %select_n3A_229 = arith.select %eq3A_227, %jit3A_228, %jit3A_225 : i32
        %rem3A_230 = arith.remsi %add3A_224, %select_n3A_229 : i32
        %ne3A_231 = arith.constant 0 : i32
        %ne3A_232 = arith.cmpi ne, %rem3A_230, %ne3A_231 : i32
        %lt3A_233 = arith.constant 0 : i32
        %lt3A_234 = arith.cmpi slt, %rem3A_230, %lt3A_233 : i32
        %lt3A_235 = arith.constant 0 : i32
        %lt3A_236 = arith.cmpi slt, %select_n3A_229, %lt3A_235 : i32
        %ne3A_237 = arith.xori %lt3A_234, %lt3A_236 : i1
        %and3A_238 = arith.andi %ne3A_237, %ne3A_232 : i1
        %add3A_239 = arith.addi %rem3A_230, %select_n3A_229 : i32
        %select_n3A_240 = arith.select %and3A_238, %add3A_239, %rem3A_230 : i32
        %dma_start3A_241 = arith.constant 0 : i32
        %dma_start3A_242 = arith.constant 0 : i32
        %dma_start3A_243 = tpu.memref_slice %arg8[%select_n3A_222, %dma_start3A_241, %dma_start3A_242] : memref<3x80x128xf32, #tpu.memory_space<vmem>> -> memref<1x80x128xf32, #tpu.memory_space<vmem>>
        %dma_start3A_244 = tpu.memref_squeeze %dma_start3A_243 : memref<1x80x128xf32, #tpu.memory_space<vmem>> -> memref<80x128xf32, #tpu.memory_space<vmem>>
        %dma_start3A_245 = tpu.memref_slice %arg6[%mul3A_204] : memref<10000xi32, #tpu.memory_space<vmem>> -> memref<80xi32, #tpu.memory_space<vmem>>
        %dma_start3A_246 = arith.constant 0 : i32
        %dma_start3A_247 = arith.constant 0 : i32
        %dma_start3A_248 = tpu.memref_slice %arg2[%dma_start3A_246, %dma_start3A_247] : memref<20000x128xf32, #tpu.memory_space<hbm>> -> memref<20000x128xf32, #tpu.memory_space<hbm>>
        %dma_start3A_249 = tpu.memref_slice %arg10[%select_n3A_240] : memref<3x!tpu.dma_semaphore, #tpu.memory_space<semaphore_mem>> -> memref<1x!tpu.dma_semaphore, #tpu.memory_space<semaphore_mem>>
        %dma_start3A_250 = tpu.memref_squeeze %dma_start3A_249 : memref<1x!tpu.dma_semaphore, #tpu.memory_space<semaphore_mem>> -> memref<!tpu.dma_semaphore, #tpu.memory_space<semaphore_mem>>
        tpu.enqueue_indirect_dma source(%dma_start3A_248 : memref<20000x128xf32, #tpu.memory_space<hbm>>) target(%dma_start3A_244 : memref<80x128xf32, #tpu.memory_space<vmem>>) offsets(%dma_start3A_245 : memref<80xi32, #tpu.memory_space<vmem>>) semaphore(%dma_start3A_250 : memref<!tpu.dma_semaphore, #tpu.memory_space<semaphore_mem>>)
      } else {
      }
      %mul3A_143 = arith.constant 80 : i32
      %mul3A_144 = arith.muli %scan3A_136, %mul3A_143 : i32
      %jit3A_145 = arith.constant 3 : i32
      %eq3A_146 = arith.constant 0 : i32
      %eq3A_147 = arith.cmpi eq, %jit3A_145, %eq3A_146 : i32
      %jit3A_148 = arith.constant 1 : i32
      %select_n3A_149 = arith.select %eq3A_147, %jit3A_148, %jit3A_145 : i32
      %rem3A = arith.remsi %scan3A_136, %select_n3A_149 : i32
      %ne3A = arith.constant 0 : i32
      %ne3A_150 = arith.cmpi ne, %rem3A, %ne3A : i32
      %lt3A_151 = arith.constant 0 : i32
      %lt3A_152 = arith.cmpi slt, %rem3A, %lt3A_151 : i32
      %lt3A_153 = arith.constant 0 : i32
      %lt3A_154 = arith.cmpi slt, %select_n3A_149, %lt3A_153 : i32
      %ne3A_155 = arith.xori %lt3A_152, %lt3A_154 : i1
      %and3A = arith.andi %ne3A_155, %ne3A_150 : i1
      %add3A_156 = arith.addi %rem3A, %select_n3A_149 : i32
      %select_n3A_157 = arith.select %and3A, %add3A_156, %rem3A : i32
      %jit3A_158 = arith.constant 3 : i32
      %eq3A_159 = arith.constant 0 : i32
      %eq3A_160 = arith.cmpi eq, %jit3A_158, %eq3A_159 : i32
      %jit3A_161 = arith.constant 1 : i32
      %select_n3A_162 = arith.select %eq3A_160, %jit3A_161, %jit3A_158 : i32
      %rem3A_163 = arith.remsi %scan3A_136, %select_n3A_162 : i32
      %ne3A_164 = arith.constant 0 : i32
      %ne3A_165 = arith.cmpi ne, %rem3A_163, %ne3A_164 : i32
      %lt3A_166 = arith.constant 0 : i32
      %lt3A_167 = arith.cmpi slt, %rem3A_163, %lt3A_166 : i32
      %lt3A_168 = arith.constant 0 : i32
      %lt3A_169 = arith.cmpi slt, %select_n3A_162, %lt3A_168 : i32
      %ne3A_170 = arith.xori %lt3A_167, %lt3A_169 : i1
      %and3A_171 = arith.andi %ne3A_170, %ne3A_165 : i1
      %add3A_172 = arith.addi %rem3A_163, %select_n3A_162 : i32
      %select_n3A_173 = arith.select %and3A_171, %add3A_172, %rem3A_163 : i32
      %dma_wait3A = arith.constant 0 : i32
      %dma_wait3A_174 = arith.constant 0 : i32
      %dma_wait3A_175 = tpu.memref_slice %arg8[%select_n3A_157, %dma_wait3A, %dma_wait3A_174] : memref<3x80x128xf32, #tpu.memory_space<vmem>> -> memref<1x80x128xf32, #tpu.memory_space<vmem>>
      %dma_wait3A_176 = tpu.memref_squeeze %dma_wait3A_175 : memref<1x80x128xf32, #tpu.memory_space<vmem>> -> memref<80x128xf32, #tpu.memory_space<vmem>>
      %dma_wait3A_177 = tpu.memref_slice %arg6[%mul3A_144] : memref<10000xi32, #tpu.memory_space<vmem>> -> memref<80xi32, #tpu.memory_space<vmem>>
      %dma_wait3A_178 = arith.constant 0 : i32
      %dma_wait3A_179 = arith.constant 0 : i32
      %dma_wait3A_180 = tpu.memref_slice %arg2[%dma_wait3A_178, %dma_wait3A_179] : memref<20000x128xf32, #tpu.memory_space<hbm>> -> memref<20000x128xf32, #tpu.memory_space<hbm>>
      %dma_wait3A_181 = tpu.memref_slice %arg10[%select_n3A_173] : memref<3x!tpu.dma_semaphore, #tpu.memory_space<semaphore_mem>> -> memref<1x!tpu.dma_semaphore, #tpu.memory_space<semaphore_mem>>
      %dma_wait3A_182 = tpu.memref_squeeze %dma_wait3A_181 : memref<1x!tpu.dma_semaphore, #tpu.memory_space<semaphore_mem>> -> memref<!tpu.dma_semaphore, #tpu.memory_space<semaphore_mem>>
      tpu.wait_indirect_dma semaphore(%dma_wait3A_182 : memref<!tpu.dma_semaphore, #tpu.memory_space<semaphore_mem>>) src(%dma_wait3A_180 : memref<20000x128xf32, #tpu.memory_space<hbm>>) dst(%dma_wait3A_176 : memref<80x128xf32, #tpu.memory_space<vmem>>)
      %jit3A_183 = arith.constant 3 : i32
      %eq3A_184 = arith.constant 0 : i32
      %eq3A_185 = arith.cmpi eq, %jit3A_183, %eq3A_184 : i32
      %jit3A_186 = arith.constant 1 : i32
      %select_n3A_187 = arith.select %eq3A_185, %jit3A_186, %jit3A_183 : i32
      %rem3A_188 = arith.remsi %scan3A_136, %select_n3A_187 : i32
      %ne3A_189 = arith.constant 0 : i32
      %ne3A_190 = arith.cmpi ne, %rem3A_188, %ne3A_189 : i32
      %lt3A_191 = arith.constant 0 : i32
      %lt3A_192 = arith.cmpi slt, %rem3A_188, %lt3A_191 : i32
      %lt3A_193 = arith.constant 0 : i32
      %lt3A_194 = arith.cmpi slt, %select_n3A_187, %lt3A_193 : i32
      %ne3A_195 = arith.xori %lt3A_192, %lt3A_194 : i1
      %and3A_196 = arith.andi %ne3A_195, %ne3A_190 : i1
      %add3A_197 = arith.addi %rem3A_188, %select_n3A_187 : i32
      %select_n3A_198 = arith.select %and3A_196, %add3A_197, %rem3A_188 : i32
      %mul3A_199 = arith.constant 80 : i32
      %mul3A_200 = arith.muli %scan3A_136, %mul3A_199 : i32
      "tpu.region"() ({
        %run_scoped3A = tpu.sem_alloc : memref<!tpu.dma_semaphore, #tpu.memory_space<semaphore_mem>>
        %dma_start3A_201 = arith.constant 0 : i32
        %dma_start3A_202 = arith.constant 0 : i32
        %dma_start3A_203 = tpu.memref_slice %arg8[%select_n3A_198, %dma_start3A_201, %dma_start3A_202] : memref<3x80x128xf32, #tpu.memory_space<vmem>> -> memref<1x80x128xf32, #tpu.memory_space<vmem>>
        %dma_start3A_204 = tpu.memref_squeeze %dma_start3A_203 : memref<1x80x128xf32, #tpu.memory_space<vmem>> -> memref<80x128xf32, #tpu.memory_space<vmem>>
        %dma_start3A_205 = tpu.memref_slice %arg7[%mul3A_200] : memref<10000xi32, #tpu.memory_space<vmem>> -> memref<80xi32, #tpu.memory_space<vmem>>
        %dma_start3A_206 = arith.constant 0 : i32
        %dma_start3A_207 = arith.constant 0 : i32
        %dma_start3A_208 = tpu.memref_slice %arg9[%dma_start3A_206, %dma_start3A_207] : memref<10000x128xf32, #tpu.memory_space<vmem_shared>> -> memref<10000x128xf32, #tpu.memory_space<vmem_shared>>
        tpu.enqueue_indirect_dma source(%dma_start3A_204 : memref<80x128xf32, #tpu.memory_space<vmem>>) target(%dma_start3A_208 : memref<10000x128xf32, #tpu.memory_space<vmem_shared>>) offsets(%dma_start3A_205 : memref<80xi32, #tpu.memory_space<vmem>>) semaphore(%run_scoped3A : memref<!tpu.dma_semaphore, #tpu.memory_space<semaphore_mem>>) {add = true}
        %dma_wait3A_209 = arith.constant 0 : i32
        %dma_wait3A_210 = arith.constant 0 : i32
        %dma_wait3A_211 = tpu.memref_slice %arg8[%select_n3A_198, %dma_wait3A_209, %dma_wait3A_210] : memref<3x80x128xf32, #tpu.memory_space<vmem>> -> memref<1x80x128xf32, #tpu.memory_space<vmem>>
        %dma_wait3A_212 = tpu.memref_squeeze %dma_wait3A_211 : memref<1x80x128xf32, #tpu.memory_space<vmem>> -> memref<80x128xf32, #tpu.memory_space<vmem>>
        %dma_wait3A_213 = tpu.memref_slice %arg7[%mul3A_200] : memref<10000xi32, #tpu.memory_space<vmem>> -> memref<80xi32, #tpu.memory_space<vmem>>
        %dma_wait3A_214 = arith.constant 0 : i32
        %dma_wait3A_215 = arith.constant 0 : i32
        %dma_wait3A_216 = tpu.memref_slice %arg9[%dma_wait3A_214, %dma_wait3A_215] : memref<10000x128xf32, #tpu.memory_space<vmem_shared>> -> memref<10000x128xf32, #tpu.memory_space<vmem_shared>>
        tpu.wait_indirect_dma semaphore(%run_scoped3A : memref<!tpu.dma_semaphore, #tpu.memory_space<semaphore_mem>>) src(%dma_wait3A_212 : memref<80x128xf32, #tpu.memory_space<vmem>>) dst(%dma_wait3A_216 : memref<10000x128xf32, #tpu.memory_space<vmem_shared>>)
        tpu.yield
      }) : () -> ()
    }
    %scan3A_84 = arith.constant 125 : i32
    %barrier3A_85 = arith.constant 0 : index
    tpu.barrier barrier_id(%barrier3A_85)
    %ge3A_86 = arith.constant 80 : i32
    %ge3A_87 = arith.cmpi sge, %select_n3A, %ge3A_86 : i32
    %convert_element_type3A_88 = arith.extui %ge3A_87 : i1 to i32
    %cond3A_89 = arith.constant 0 : i32
    %cond3A_90 = arith.cmpi ne, %convert_element_type3A_88, %cond3A_89 : i32
    scf.if %cond3A_90 {
      %add3A = arith.constant 0 : i32
      %add3A_136 = arith.addi %mul3A_2, %add3A : i32
      %add3A_137 = arith.constant 0 : i32
      %add3A_138 = arith.addi %mul3A_2, %add3A_137 : i32
      "tpu.region"() ({
        %run_scoped3A = tpu.sem_alloc : memref<!tpu.dma_semaphore, #tpu.memory_space<semaphore_mem>>
        %dma_start3A_139 = arith.constant 0 : i32
        %dma_start3A_140 = tpu.memref_slice %arg5[%arg0, %add3A_138, %dma_start3A_139] : memref<2x10000x128xf32, #tpu.memory_space<hbm>> -> memref<1x80x128xf32, #tpu.memory_space<hbm>>
        %dma_start3A_141 = tpu.memref_squeeze %dma_start3A_140 : memref<1x80x128xf32, #tpu.memory_space<hbm>> -> memref<80x128xf32, #tpu.memory_space<hbm>>
        %dma_start3A_142 = arith.constant 0 : i32
        %dma_start3A_143 = tpu.memref_slice %arg9[%add3A_136, %dma_start3A_142] : memref<10000x128xf32, #tpu.memory_space<vmem_shared>> -> memref<80x128xf32, #tpu.memory_space<vmem_shared>>
        tpu.enqueue_dma source(%dma_start3A_143 : memref<80x128xf32, #tpu.memory_space<vmem_shared>>) target(%dma_start3A_141 : memref<80x128xf32, #tpu.memory_space<hbm>>) target_semaphore(%run_scoped3A : memref<!tpu.dma_semaphore, #tpu.memory_space<semaphore_mem>>)
        %dma_wait3A = arith.constant 0 : i32
        %dma_wait3A_144 = tpu.memref_slice %arg5[%arg0, %add3A_138, %dma_wait3A] : memref<2x10000x128xf32, #tpu.memory_space<hbm>> -> memref<1x80x128xf32, #tpu.memory_space<hbm>>
        %dma_wait3A_145 = tpu.memref_squeeze %dma_wait3A_144 : memref<1x80x128xf32, #tpu.memory_space<hbm>> -> memref<80x128xf32, #tpu.memory_space<hbm>>
        %dma_wait3A_146 = arith.constant 0 : i32
        %dma_wait3A_147 = tpu.memref_slice %arg9[%add3A_136, %dma_wait3A_146] : memref<10000x128xf32, #tpu.memory_space<vmem_shared>> -> memref<80x128xf32, #tpu.memory_space<vmem_shared>>
        tpu.wait_dma2 semaphore(%run_scoped3A : memref<!tpu.dma_semaphore, #tpu.memory_space<semaphore_mem>>) src(%dma_wait3A_147 : memref<80x128xf32, #tpu.memory_space<vmem_shared>>) dst(%dma_wait3A_145 : memref<80x128xf32, #tpu.memory_space<hbm>>)
        tpu.yield
      }) : () -> ()
    } else {
    }
    %ge3A_91 = arith.constant 160 : i32
    %ge3A_92 = arith.cmpi sge, %select_n3A, %ge3A_91 : i32
    %convert_element_type3A_93 = arith.extui %ge3A_92 : i1 to i32
    %cond3A_94 = arith.constant 0 : i32
    %cond3A_95 = arith.cmpi ne, %convert_element_type3A_93, %cond3A_94 : i32
    scf.if %cond3A_95 {
      %add3A = arith.constant 80 : i32
      %add3A_136 = arith.addi %mul3A_2, %add3A : i32
      %add3A_137 = arith.constant 80 : i32
      %add3A_138 = arith.addi %mul3A_2, %add3A_137 : i32
      "tpu.region"() ({
        %run_scoped3A = tpu.sem_alloc : memref<!tpu.dma_semaphore, #tpu.memory_space<semaphore_mem>>
        %dma_start3A_139 = arith.constant 0 : i32
        %dma_start3A_140 = tpu.memref_slice %arg5[%arg0, %add3A_138, %dma_start3A_139] : memref<2x10000x128xf32, #tpu.memory_space<hbm>> -> memref<1x80x128xf32, #tpu.memory_space<hbm>>
        %dma_start3A_141 = tpu.memref_squeeze %dma_start3A_140 : memref<1x80x128xf32, #tpu.memory_space<hbm>> -> memref<80x128xf32, #tpu.memory_space<hbm>>
        %dma_start3A_142 = arith.constant 0 : i32
        %dma_start3A_143 = tpu.memref_slice %arg9[%add3A_136, %dma_start3A_142] : memref<10000x128xf32, #tpu.memory_space<vmem_shared>> -> memref<80x128xf32, #tpu.memory_space<vmem_shared>>
        tpu.enqueue_dma source(%dma_start3A_143 : memref<80x128xf32, #tpu.memory_space<vmem_shared>>) target(%dma_start3A_141 : memref<80x128xf32, #tpu.memory_space<hbm>>) target_semaphore(%run_scoped3A : memref<!tpu.dma_semaphore, #tpu.memory_space<semaphore_mem>>)
        %dma_wait3A = arith.constant 0 : i32
        %dma_wait3A_144 = tpu.memref_slice %arg5[%arg0, %add3A_138, %dma_wait3A] : memref<2x10000x128xf32, #tpu.memory_space<hbm>> -> memref<1x80x128xf32, #tpu.memory_space<hbm>>
        %dma_wait3A_145 = tpu.memref_squeeze %dma_wait3A_144 : memref<1x80x128xf32, #tpu.memory_space<hbm>> -> memref<80x128xf32, #tpu.memory_space<hbm>>
        %dma_wait3A_146 = arith.constant 0 : i32
        %dma_wait3A_147 = tpu.memref_slice %arg9[%add3A_136, %dma_wait3A_146] : memref<10000x128xf32, #tpu.memory_space<vmem_shared>> -> memref<80x128xf32, #tpu.memory_space<vmem_shared>>
        tpu.wait_dma2 semaphore(%run_scoped3A : memref<!tpu.dma_semaphore, #tpu.memory_space<semaphore_mem>>) src(%dma_wait3A_147 : memref<80x128xf32, #tpu.memory_space<vmem_shared>>) dst(%dma_wait3A_145 : memref<80x128xf32, #tpu.memory_space<hbm>>)
        tpu.yield
      }) : () -> ()
    } else {
    }
    %ge3A_96 = arith.constant 240 : i32
    %ge3A_97 = arith.cmpi sge, %select_n3A, %ge3A_96 : i32
    %convert_element_type3A_98 = arith.extui %ge3A_97 : i1 to i32
    %cond3A_99 = arith.constant 0 : i32
    %cond3A_100 = arith.cmpi ne, %convert_element_type3A_98, %cond3A_99 : i32
    scf.if %cond3A_100 {
      %add3A = arith.constant 160 : i32
      %add3A_136 = arith.addi %mul3A_2, %add3A : i32
      %add3A_137 = arith.constant 160 : i32
      %add3A_138 = arith.addi %mul3A_2, %add3A_137 : i32
      "tpu.region"() ({
        %run_scoped3A = tpu.sem_alloc : memref<!tpu.dma_semaphore, #tpu.memory_space<semaphore_mem>>
        %dma_start3A_139 = arith.constant 0 : i32
        %dma_start3A_140 = tpu.memref_slice %arg5[%arg0, %add3A_138, %dma_start3A_139] : memref<2x10000x128xf32, #tpu.memory_space<hbm>> -> memref<1x80x128xf32, #tpu.memory_space<hbm>>
        %dma_start3A_141 = tpu.memref_squeeze %dma_start3A_140 : memref<1x80x128xf32, #tpu.memory_space<hbm>> -> memref<80x128xf32, #tpu.memory_space<hbm>>
        %dma_start3A_142 = arith.constant 0 : i32
        %dma_start3A_143 = tpu.memref_slice %arg9[%add3A_136, %dma_start3A_142] : memref<10000x128xf32, #tpu.memory_space<vmem_shared>> -> memref<80x128xf32, #tpu.memory_space<vmem_shared>>
        tpu.enqueue_dma source(%dma_start3A_143 : memref<80x128xf32, #tpu.memory_space<vmem_shared>>) target(%dma_start3A_141 : memref<80x128xf32, #tpu.memory_space<hbm>>) target_semaphore(%run_scoped3A : memref<!tpu.dma_semaphore, #tpu.memory_space<semaphore_mem>>)
        %dma_wait3A = arith.constant 0 : i32
        %dma_wait3A_144 = tpu.memref_slice %arg5[%arg0, %add3A_138, %dma_wait3A] : memref<2x10000x128xf32, #tpu.memory_space<hbm>> -> memref<1x80x128xf32, #tpu.memory_space<hbm>>
        %dma_wait3A_145 = tpu.memref_squeeze %dma_wait3A_144 : memref<1x80x128xf32, #tpu.memory_space<hbm>> -> memref<80x128xf32, #tpu.memory_space<hbm>>
        %dma_wait3A_146 = arith.constant 0 : i32
        %dma_wait3A_147 = tpu.memref_slice %arg9[%add3A_136, %dma_wait3A_146] : memref<10000x128xf32, #tpu.memory_space<vmem_shared>> -> memref<80x128xf32, #tpu.memory_space<vmem_shared>>
        tpu.wait_dma2 semaphore(%run_scoped3A : memref<!tpu.dma_semaphore, #tpu.memory_space<semaphore_mem>>) src(%dma_wait3A_147 : memref<80x128xf32, #tpu.memory_space<vmem_shared>>) dst(%dma_wait3A_145 : memref<80x128xf32, #tpu.memory_space<hbm>>)
        tpu.yield
      }) : () -> ()
    } else {
    }
    %ge3A_101 = arith.constant 320 : i32
    %ge3A_102 = arith.cmpi sge, %select_n3A, %ge3A_101 : i32
    %convert_element_type3A_103 = arith.extui %ge3A_102 : i1 to i32
    %cond3A_104 = arith.constant 0 : i32
    %cond3A_105 = arith.cmpi ne, %convert_element_type3A_103, %cond3A_104 : i32
    scf.if %cond3A_105 {
      %add3A = arith.constant 240 : i32
      %add3A_136 = arith.addi %mul3A_2, %add3A : i32
      %add3A_137 = arith.constant 240 : i32
      %add3A_138 = arith.addi %mul3A_2, %add3A_137 : i32
      "tpu.region"() ({
        %run_scoped3A = tpu.sem_alloc : memref<!tpu.dma_semaphore, #tpu.memory_space<semaphore_mem>>
        %dma_start3A_139 = arith.constant 0 : i32
        %dma_start3A_140 = tpu.memref_slice %arg5[%arg0, %add3A_138, %dma_start3A_139] : memref<2x10000x128xf32, #tpu.memory_space<hbm>> -> memref<1x80x128xf32, #tpu.memory_space<hbm>>
        %dma_start3A_141 = tpu.memref_squeeze %dma_start3A_140 : memref<1x80x128xf32, #tpu.memory_space<hbm>> -> memref<80x128xf32, #tpu.memory_space<hbm>>
        %dma_start3A_142 = arith.constant 0 : i32
        %dma_start3A_143 = tpu.memref_slice %arg9[%add3A_136, %dma_start3A_142] : memref<10000x128xf32, #tpu.memory_space<vmem_shared>> -> memref<80x128xf32, #tpu.memory_space<vmem_shared>>
        tpu.enqueue_dma source(%dma_start3A_143 : memref<80x128xf32, #tpu.memory_space<vmem_shared>>) target(%dma_start3A_141 : memref<80x128xf32, #tpu.memory_space<hbm>>) target_semaphore(%run_scoped3A : memref<!tpu.dma_semaphore, #tpu.memory_space<semaphore_mem>>)
        %dma_wait3A = arith.constant 0 : i32
        %dma_wait3A_144 = tpu.memref_slice %arg5[%arg0, %add3A_138, %dma_wait3A] : memref<2x10000x128xf32, #tpu.memory_space<hbm>> -> memref<1x80x128xf32, #tpu.memory_space<hbm>>
        %dma_wait3A_145 = tpu.memref_squeeze %dma_wait3A_144 : memref<1x80x128xf32, #tpu.memory_space<hbm>> -> memref<80x128xf32, #tpu.memory_space<hbm>>
        %dma_wait3A_146 = arith.constant 0 : i32
        %dma_wait3A_147 = tpu.memref_slice %arg9[%add3A_136, %dma_wait3A_146] : memref<10000x128xf32, #tpu.memory_space<vmem_shared>> -> memref<80x128xf32, #tpu.memory_space<vmem_shared>>
        tpu.wait_dma2 semaphore(%run_scoped3A : memref<!tpu.dma_semaphore, #tpu.memory_space<semaphore_mem>>) src(%dma_wait3A_147 : memref<80x128xf32, #tpu.memory_space<vmem_shared>>) dst(%dma_wait3A_145 : memref<80x128xf32, #tpu.memory_space<hbm>>)
        tpu.yield
      }) : () -> ()
    } else {
    }
    %ge3A_106 = arith.constant 400 : i32
    %ge3A_107 = arith.cmpi sge, %select_n3A, %ge3A_106 : i32
    %convert_element_type3A_108 = arith.extui %ge3A_107 : i1 to i32
    %cond3A_109 = arith.constant 0 : i32
    %cond3A_110 = arith.cmpi ne, %convert_element_type3A_108, %cond3A_109 : i32
    scf.if %cond3A_110 {
      %add3A = arith.constant 320 : i32
      %add3A_136 = arith.addi %mul3A_2, %add3A : i32
      %add3A_137 = arith.constant 320 : i32
      %add3A_138 = arith.addi %mul3A_2, %add3A_137 : i32
      "tpu.region"() ({
        %run_scoped3A = tpu.sem_alloc : memref<!tpu.dma_semaphore, #tpu.memory_space<semaphore_mem>>
        %dma_start3A_139 = arith.constant 0 : i32
        %dma_start3A_140 = tpu.memref_slice %arg5[%arg0, %add3A_138, %dma_start3A_139] : memref<2x10000x128xf32, #tpu.memory_space<hbm>> -> memref<1x80x128xf32, #tpu.memory_space<hbm>>
        %dma_start3A_141 = tpu.memref_squeeze %dma_start3A_140 : memref<1x80x128xf32, #tpu.memory_space<hbm>> -> memref<80x128xf32, #tpu.memory_space<hbm>>
        %dma_start3A_142 = arith.constant 0 : i32
        %dma_start3A_143 = tpu.memref_slice %arg9[%add3A_136, %dma_start3A_142] : memref<10000x128xf32, #tpu.memory_space<vmem_shared>> -> memref<80x128xf32, #tpu.memory_space<vmem_shared>>
        tpu.enqueue_dma source(%dma_start3A_143 : memref<80x128xf32, #tpu.memory_space<vmem_shared>>) target(%dma_start3A_141 : memref<80x128xf32, #tpu.memory_space<hbm>>) target_semaphore(%run_scoped3A : memref<!tpu.dma_semaphore, #tpu.memory_space<semaphore_mem>>)
        %dma_wait3A = arith.constant 0 : i32
        %dma_wait3A_144 = tpu.memref_slice %arg5[%arg0, %add3A_138, %dma_wait3A] : memref<2x10000x128xf32, #tpu.memory_space<hbm>> -> memref<1x80x128xf32, #tpu.memory_space<hbm>>
        %dma_wait3A_145 = tpu.memref_squeeze %dma_wait3A_144 : memref<1x80x128xf32, #tpu.memory_space<hbm>> -> memref<80x128xf32, #tpu.memory_space<hbm>>
        %dma_wait3A_146 = arith.constant 0 : i32
        %dma_wait3A_147 = tpu.memref_slice %arg9[%add3A_136, %dma_wait3A_146] : memref<10000x128xf32, #tpu.memory_space<vmem_shared>> -> memref<80x128xf32, #tpu.memory_space<vmem_shared>>
        tpu.wait_dma2 semaphore(%run_scoped3A : memref<!tpu.dma_semaphore, #tpu.memory_space<semaphore_mem>>) src(%dma_wait3A_147 : memref<80x128xf32, #tpu.memory_space<vmem_shared>>) dst(%dma_wait3A_145 : memref<80x128xf32, #tpu.memory_space<hbm>>)
        tpu.yield
      }) : () -> ()
    } else {
    }
    %ge3A_111 = arith.constant 480 : i32
    %ge3A_112 = arith.cmpi sge, %select_n3A, %ge3A_111 : i32
    %convert_element_type3A_113 = arith.extui %ge3A_112 : i1 to i32
    %cond3A_114 = arith.constant 0 : i32
    %cond3A_115 = arith.cmpi ne, %convert_element_type3A_113, %cond3A_114 : i32
    scf.if %cond3A_115 {
      %add3A = arith.constant 400 : i32
      %add3A_136 = arith.addi %mul3A_2, %add3A : i32
      %add3A_137 = arith.constant 400 : i32
      %add3A_138 = arith.addi %mul3A_2, %add3A_137 : i32
      "tpu.region"() ({
        %run_scoped3A = tpu.sem_alloc : memref<!tpu.dma_semaphore, #tpu.memory_space<semaphore_mem>>
        %dma_start3A_139 = arith.constant 0 : i32
        %dma_start3A_140 = tpu.memref_slice %arg5[%arg0, %add3A_138, %dma_start3A_139] : memref<2x10000x128xf32, #tpu.memory_space<hbm>> -> memref<1x80x128xf32, #tpu.memory_space<hbm>>
        %dma_start3A_141 = tpu.memref_squeeze %dma_start3A_140 : memref<1x80x128xf32, #tpu.memory_space<hbm>> -> memref<80x128xf32, #tpu.memory_space<hbm>>
        %dma_start3A_142 = arith.constant 0 : i32
        %dma_start3A_143 = tpu.memref_slice %arg9[%add3A_136, %dma_start3A_142] : memref<10000x128xf32, #tpu.memory_space<vmem_shared>> -> memref<80x128xf32, #tpu.memory_space<vmem_shared>>
        tpu.enqueue_dma source(%dma_start3A_143 : memref<80x128xf32, #tpu.memory_space<vmem_shared>>) target(%dma_start3A_141 : memref<80x128xf32, #tpu.memory_space<hbm>>) target_semaphore(%run_scoped3A : memref<!tpu.dma_semaphore, #tpu.memory_space<semaphore_mem>>)
        %dma_wait3A = arith.constant 0 : i32
        %dma_wait3A_144 = tpu.memref_slice %arg5[%arg0, %add3A_138, %dma_wait3A] : memref<2x10000x128xf32, #tpu.memory_space<hbm>> -> memref<1x80x128xf32, #tpu.memory_space<hbm>>
        %dma_wait3A_145 = tpu.memref_squeeze %dma_wait3A_144 : memref<1x80x128xf32, #tpu.memory_space<hbm>> -> memref<80x128xf32, #tpu.memory_space<hbm>>
        %dma_wait3A_146 = arith.constant 0 : i32
        %dma_wait3A_147 = tpu.memref_slice %arg9[%add3A_136, %dma_wait3A_146] : memref<10000x128xf32, #tpu.memory_space<vmem_shared>> -> memref<80x128xf32, #tpu.memory_space<vmem_shared>>
        tpu.wait_dma2 semaphore(%run_scoped3A : memref<!tpu.dma_semaphore, #tpu.memory_space<semaphore_mem>>) src(%dma_wait3A_147 : memref<80x128xf32, #tpu.memory_space<vmem_shared>>) dst(%dma_wait3A_145 : memref<80x128xf32, #tpu.memory_space<hbm>>)
        tpu.yield
      }) : () -> ()
    } else {
    }
    %ge3A_116 = arith.constant 560 : i32
    %ge3A_117 = arith.cmpi sge, %select_n3A, %ge3A_116 : i32
    %convert_element_type3A_118 = arith.extui %ge3A_117 : i1 to i32
    %cond3A_119 = arith.constant 0 : i32
    %cond3A_120 = arith.cmpi ne, %convert_element_type3A_118, %cond3A_119 : i32
    scf.if %cond3A_120 {
      %add3A = arith.constant 480 : i32
      %add3A_136 = arith.addi %mul3A_2, %add3A : i32
      %add3A_137 = arith.constant 480 : i32
      %add3A_138 = arith.addi %mul3A_2, %add3A_137 : i32
      "tpu.region"() ({
        %run_scoped3A = tpu.sem_alloc : memref<!tpu.dma_semaphore, #tpu.memory_space<semaphore_mem>>
        %dma_start3A_139 = arith.constant 0 : i32
        %dma_start3A_140 = tpu.memref_slice %arg5[%arg0, %add3A_138, %dma_start3A_139] : memref<2x10000x128xf32, #tpu.memory_space<hbm>> -> memref<1x80x128xf32, #tpu.memory_space<hbm>>
        %dma_start3A_141 = tpu.memref_squeeze %dma_start3A_140 : memref<1x80x128xf32, #tpu.memory_space<hbm>> -> memref<80x128xf32, #tpu.memory_space<hbm>>
        %dma_start3A_142 = arith.constant 0 : i32
        %dma_start3A_143 = tpu.memref_slice %arg9[%add3A_136, %dma_start3A_142] : memref<10000x128xf32, #tpu.memory_space<vmem_shared>> -> memref<80x128xf32, #tpu.memory_space<vmem_shared>>
        tpu.enqueue_dma source(%dma_start3A_143 : memref<80x128xf32, #tpu.memory_space<vmem_shared>>) target(%dma_start3A_141 : memref<80x128xf32, #tpu.memory_space<hbm>>) target_semaphore(%run_scoped3A : memref<!tpu.dma_semaphore, #tpu.memory_space<semaphore_mem>>)
        %dma_wait3A = arith.constant 0 : i32
        %dma_wait3A_144 = tpu.memref_slice %arg5[%arg0, %add3A_138, %dma_wait3A] : memref<2x10000x128xf32, #tpu.memory_space<hbm>> -> memref<1x80x128xf32, #tpu.memory_space<hbm>>
        %dma_wait3A_145 = tpu.memref_squeeze %dma_wait3A_144 : memref<1x80x128xf32, #tpu.memory_space<hbm>> -> memref<80x128xf32, #tpu.memory_space<hbm>>
        %dma_wait3A_146 = arith.constant 0 : i32
        %dma_wait3A_147 = tpu.memref_slice %arg9[%add3A_136, %dma_wait3A_146] : memref<10000x128xf32, #tpu.memory_space<vmem_shared>> -> memref<80x128xf32, #tpu.memory_space<vmem_shared>>
        tpu.wait_dma2 semaphore(%run_scoped3A : memref<!tpu.dma_semaphore, #tpu.memory_space<semaphore_mem>>) src(%dma_wait3A_147 : memref<80x128xf32, #tpu.memory_space<vmem_shared>>) dst(%dma_wait3A_145 : memref<80x128xf32, #tpu.memory_space<hbm>>)
        tpu.yield
      }) : () -> ()
    } else {
    }
    %ge3A_121 = arith.constant 640 : i32
    %ge3A_122 = arith.cmpi sge, %select_n3A, %ge3A_121 : i32
    %convert_element_type3A_123 = arith.extui %ge3A_122 : i1 to i32
    %cond3A_124 = arith.constant 0 : i32
    %cond3A_125 = arith.cmpi ne, %convert_element_type3A_123, %cond3A_124 : i32
    scf.if %cond3A_125 {
      %add3A = arith.constant 560 : i32
      %add3A_136 = arith.addi %mul3A_2, %add3A : i32
      %add3A_137 = arith.constant 560 : i32
      %add3A_138 = arith.addi %mul3A_2, %add3A_137 : i32
      "tpu.region"() ({
        %run_scoped3A = tpu.sem_alloc : memref<!tpu.dma_semaphore, #tpu.memory_space<semaphore_mem>>
        %dma_start3A_139 = arith.constant 0 : i32
        %dma_start3A_140 = tpu.memref_slice %arg5[%arg0, %add3A_138, %dma_start3A_139] : memref<2x10000x128xf32, #tpu.memory_space<hbm>> -> memref<1x80x128xf32, #tpu.memory_space<hbm>>
        %dma_start3A_141 = tpu.memref_squeeze %dma_start3A_140 : memref<1x80x128xf32, #tpu.memory_space<hbm>> -> memref<80x128xf32, #tpu.memory_space<hbm>>
        %dma_start3A_142 = arith.constant 0 : i32
        %dma_start3A_143 = tpu.memref_slice %arg9[%add3A_136, %dma_start3A_142] : memref<10000x128xf32, #tpu.memory_space<vmem_shared>> -> memref<80x128xf32, #tpu.memory_space<vmem_shared>>
        tpu.enqueue_dma source(%dma_start3A_143 : memref<80x128xf32, #tpu.memory_space<vmem_shared>>) target(%dma_start3A_141 : memref<80x128xf32, #tpu.memory_space<hbm>>) target_semaphore(%run_scoped3A : memref<!tpu.dma_semaphore, #tpu.memory_space<semaphore_mem>>)
        %dma_wait3A = arith.constant 0 : i32
        %dma_wait3A_144 = tpu.memref_slice %arg5[%arg0, %add3A_138, %dma_wait3A] : memref<2x10000x128xf32, #tpu.memory_space<hbm>> -> memref<1x80x128xf32, #tpu.memory_space<hbm>>
        %dma_wait3A_145 = tpu.memref_squeeze %dma_wait3A_144 : memref<1x80x128xf32, #tpu.memory_space<hbm>> -> memref<80x128xf32, #tpu.memory_space<hbm>>
        %dma_wait3A_146 = arith.constant 0 : i32
        %dma_wait3A_147 = tpu.memref_slice %arg9[%add3A_136, %dma_wait3A_146] : memref<10000x128xf32, #tpu.memory_space<vmem_shared>> -> memref<80x128xf32, #tpu.memory_space<vmem_shared>>
        tpu.wait_dma2 semaphore(%run_scoped3A : memref<!tpu.dma_semaphore, #tpu.memory_space<semaphore_mem>>) src(%dma_wait3A_147 : memref<80x128xf32, #tpu.memory_space<vmem_shared>>) dst(%dma_wait3A_145 : memref<80x128xf32, #tpu.memory_space<hbm>>)
        tpu.yield
      }) : () -> ()
    } else {
    }
    %lt3A_126 = arith.constant 15 : i32
    %lt3A_127 = arith.cmpi slt, %arg1, %lt3A_126 : i32
    %convert_element_type3A_128 = arith.extui %lt3A_127 : i1 to i32
    %cond3A_129 = arith.constant 0 : i32
    %cond3A_130 = arith.cmpi ne, %convert_element_type3A_128, %cond3A_129 : i32
    scf.if %cond3A_130 {
      %add3A = arith.constant 560 : i32
      %add3A_136 = arith.addi %mul3A_2, %add3A : i32
      %add3A_137 = arith.constant 560 : i32
      %add3A_138 = arith.addi %mul3A_2, %add3A_137 : i32
      "tpu.region"() ({
        %run_scoped3A = tpu.sem_alloc : memref<!tpu.dma_semaphore, #tpu.memory_space<semaphore_mem>>
        %dma_start3A_139 = arith.constant 0 : i32
        %dma_start3A_140 = tpu.memref_slice %arg5[%arg0, %add3A_138, %dma_start3A_139] : memref<2x10000x128xf32, #tpu.memory_space<hbm>> -> memref<1x72x128xf32, #tpu.memory_space<hbm>>
        %dma_start3A_141 = tpu.memref_squeeze %dma_start3A_140 : memref<1x72x128xf32, #tpu.memory_space<hbm>> -> memref<72x128xf32, #tpu.memory_space<hbm>>
        %dma_start3A_142 = arith.constant 0 : i32
        %dma_start3A_143 = tpu.memref_slice %arg9[%add3A_136, %dma_start3A_142] : memref<10000x128xf32, #tpu.memory_space<vmem_shared>> -> memref<72x128xf32, #tpu.memory_space<vmem_shared>>
        tpu.enqueue_dma source(%dma_start3A_143 : memref<72x128xf32, #tpu.memory_space<vmem_shared>>) target(%dma_start3A_141 : memref<72x128xf32, #tpu.memory_space<hbm>>) target_semaphore(%run_scoped3A : memref<!tpu.dma_semaphore, #tpu.memory_space<semaphore_mem>>)
        %dma_wait3A = arith.constant 0 : i32
        %dma_wait3A_144 = tpu.memref_slice %arg5[%arg0, %add3A_138, %dma_wait3A] : memref<2x10000x128xf32, #tpu.memory_space<hbm>> -> memref<1x72x128xf32, #tpu.memory_space<hbm>>
        %dma_wait3A_145 = tpu.memref_squeeze %dma_wait3A_144 : memref<1x72x128xf32, #tpu.memory_space<hbm>> -> memref<72x128xf32, #tpu.memory_space<hbm>>
        %dma_wait3A_146 = arith.constant 0 : i32
        %dma_wait3A_147 = tpu.memref_slice %arg9[%add3A_136, %dma_wait3A_146] : memref<10000x128xf32, #tpu.memory_space<vmem_shared>> -> memref<72x128xf32, #tpu.memory_space<vmem_shared>>
        tpu.wait_dma2 semaphore(%run_scoped3A : memref<!tpu.dma_semaphore, #tpu.memory_space<semaphore_mem>>) src(%dma_wait3A_147 : memref<72x128xf32, #tpu.memory_space<vmem_shared>>) dst(%dma_wait3A_145 : memref<72x128xf32, #tpu.memory_space<hbm>>)
        tpu.yield
      }) : () -> ()
    } else {
    }
    %eq3A_131 = arith.constant 15 : i32
    %eq3A_132 = arith.cmpi eq, %arg1, %eq3A_131 : i32
    %convert_element_type3A_133 = arith.extui %eq3A_132 : i1 to i32
    %cond3A_134 = arith.constant 0 : i32
    %cond3A_135 = arith.cmpi ne, %convert_element_type3A_133, %cond3A_134 : i32
    scf.if %cond3A_135 {
      %add3A = arith.constant 480 : i32
      %add3A_136 = arith.addi %mul3A_2, %add3A : i32
      %add3A_137 = arith.constant 480 : i32
      %add3A_138 = arith.addi %mul3A_2, %add3A_137 : i32
      "tpu.region"() ({
        %run_scoped3A = tpu.sem_alloc : memref<!tpu.dma_semaphore, #tpu.memory_space<semaphore_mem>>
        %dma_start3A_139 = arith.constant 0 : i32
        %dma_start3A_140 = tpu.memref_slice %arg5[%arg0, %add3A_138, %dma_start3A_139] : memref<2x10000x128xf32, #tpu.memory_space<hbm>> -> memref<1x40x128xf32, #tpu.memory_space<hbm>>
        %dma_start3A_141 = tpu.memref_squeeze %dma_start3A_140 : memref<1x40x128xf32, #tpu.memory_space<hbm>> -> memref<40x128xf32, #tpu.memory_space<hbm>>
        %dma_start3A_142 = arith.constant 0 : i32
        %dma_start3A_143 = tpu.memref_slice %arg9[%add3A_136, %dma_start3A_142] : memref<10000x128xf32, #tpu.memory_space<vmem_shared>> -> memref<40x128xf32, #tpu.memory_space<vmem_shared>>
        tpu.enqueue_dma source(%dma_start3A_143 : memref<40x128xf32, #tpu.memory_space<vmem_shared>>) target(%dma_start3A_141 : memref<40x128xf32, #tpu.memory_space<hbm>>) target_semaphore(%run_scoped3A : memref<!tpu.dma_semaphore, #tpu.memory_space<semaphore_mem>>)
        %dma_wait3A = arith.constant 0 : i32
        %dma_wait3A_144 = tpu.memref_slice %arg5[%arg0, %add3A_138, %dma_wait3A] : memref<2x10000x128xf32, #tpu.memory_space<hbm>> -> memref<1x40x128xf32, #tpu.memory_space<hbm>>
        %dma_wait3A_145 = tpu.memref_squeeze %dma_wait3A_144 : memref<1x40x128xf32, #tpu.memory_space<hbm>> -> memref<40x128xf32, #tpu.memory_space<hbm>>
        %dma_wait3A_146 = arith.constant 0 : i32
        %dma_wait3A_147 = tpu.memref_slice %arg9[%add3A_136, %dma_wait3A_146] : memref<10000x128xf32, #tpu.memory_space<vmem_shared>> -> memref<40x128xf32, #tpu.memory_space<vmem_shared>>
        tpu.wait_dma2 semaphore(%run_scoped3A : memref<!tpu.dma_semaphore, #tpu.memory_space<semaphore_mem>>) src(%dma_wait3A_147 : memref<40x128xf32, #tpu.memory_space<vmem_shared>>) dst(%dma_wait3A_145 : memref<40x128xf32, #tpu.memory_space<hbm>>)
        tpu.yield
      }) : () -> ()
    } else {
    }
    return
  }
}

#map = affine_map<(d0, d1) -> (0, 0)>
#map1 = affine_map<(d0, d1) -> (0, 0, 0)>
module attributes {stable_mosaic.version = 14 : i64} {
  func.func @_segsum_body(%arg0: i32, %arg1: i32, %arg2: memref<20000x128xf32, #tpu.memory_space<hbm>>, %arg3: memref<2x16x10000xi32, #tpu.memory_space<hbm>>, %arg4: memref<16x10000xi32, #tpu.memory_space<hbm>>, %arg5: memref<2x10000x128xf32, #tpu.memory_space<hbm>>, %arg6: memref<10000xi32, #tpu.memory_space<vmem>>, %arg7: memref<10000xi32, #tpu.memory_space<vmem>>, %arg8: memref<3x80x128xf32, #tpu.memory_space<vmem>>, %arg9: memref<10000x128xf32, #tpu.memory_space<vmem_shared>>, %arg10: memref<3x!tpu.dma_semaphore, #tpu.memory_space<semaphore_mem>>) attributes {dimension_semantics = [#tpu.dimension_semantics<core_parallel>, #tpu.dimension_semantics<subcore_parallel>], iteration_bounds = array<i64: 2, 16>, scalar_prefetch = 0 : i64, scratch_operands = 5 : i64, tpu.core_type = #tpu.core_type<sc_vector_subcore>, window_params = [{transform_indices = #map}, {transform_indices = #map1}, {transform_indices = #map}, {transform_indices = #map1}]} {
    "tpu.region"() ({
      %run_scoped3A = tpu.sem_alloc : memref<!tpu.dma_semaphore, #tpu.memory_space<semaphore_mem>>
      %dma_start3A_136 = arith.constant 0 : i32
      %dma_start3A_137 = tpu.memref_slice %arg3[%arg0, %arg1, %dma_start3A_136] : memref<2x16x10000xi32, #tpu.memory_space<hbm>> -> memref<1x1x10000xi32, #tpu.memory_space<hbm>>
      %dma_start3A_138 = tpu.memref_squeeze %dma_start3A_137 : memref<1x1x10000xi32, #tpu.memory_space<hbm>> -> memref<10000xi32, #tpu.memory_space<hbm>>
      %dma_start3A_139 = arith.constant 0 : i32
      %dma_start3A_140 = tpu.memref_slice %arg3[%arg0, %arg1, %dma_start3A_139] : memref<2x16x10000xi32, #tpu.memory_space<hbm>> -> memref<1x1x10000xi32, #tpu.memory_space<hbm>>
      %dma_start3A_141 = tpu.memref_squeeze %dma_start3A_140 : memref<1x1x10000xi32, #tpu.memory_space<hbm>> -> memref<10000xi32, #tpu.memory_space<hbm>>
      tpu.enqueue_dma source(%dma_start3A_141 : memref<10000xi32, #tpu.memory_space<hbm>>) target(%arg6 : memref<10000xi32, #tpu.memory_space<vmem>>) target_semaphore(%run_scoped3A : memref<!tpu.dma_semaphore, #tpu.memory_space<semaphore_mem>>)
      %dma_wait3A = arith.constant 0 : i32
      %dma_wait3A_142 = tpu.memref_slice %arg3[%arg0, %arg1, %dma_wait3A] : memref<2x16x10000xi32, #tpu.memory_space<hbm>> -> memref<1x1x10000xi32, #tpu.memory_space<hbm>>
      %dma_wait3A_143 = tpu.memref_squeeze %dma_wait3A_142 : memref<1x1x10000xi32, #tpu.memory_space<hbm>> -> memref<10000xi32, #tpu.memory_space<hbm>>
      %dma_wait3A_144 = arith.constant 0 : i32
      %dma_wait3A_145 = tpu.memref_slice %arg3[%arg0, %arg1, %dma_wait3A_144] : memref<2x16x10000xi32, #tpu.memory_space<hbm>> -> memref<1x1x10000xi32, #tpu.memory_space<hbm>>
      %dma_wait3A_146 = tpu.memref_squeeze %dma_wait3A_145 : memref<1x1x10000xi32, #tpu.memory_space<hbm>> -> memref<10000xi32, #tpu.memory_space<hbm>>
      tpu.wait_dma2 semaphore(%run_scoped3A : memref<!tpu.dma_semaphore, #tpu.memory_space<semaphore_mem>>) src(%dma_wait3A_146 : memref<10000xi32, #tpu.memory_space<hbm>>) dst(%arg6 : memref<10000xi32, #tpu.memory_space<vmem>>)
      tpu.yield
    }) : () -> ()
    "tpu.region"() ({
      %run_scoped3A = tpu.sem_alloc : memref<!tpu.dma_semaphore, #tpu.memory_space<semaphore_mem>>
      %dma_start3A_136 = arith.constant 0 : i32
      %dma_start3A_137 = tpu.memref_slice %arg4[%arg1, %dma_start3A_136] : memref<16x10000xi32, #tpu.memory_space<hbm>> -> memref<1x10000xi32, #tpu.memory_space<hbm>>
      %dma_start3A_138 = tpu.memref_squeeze %dma_start3A_137 : memref<1x10000xi32, #tpu.memory_space<hbm>> -> memref<10000xi32, #tpu.memory_space<hbm>>
      %dma_start3A_139 = arith.constant 0 : i32
      %dma_start3A_140 = tpu.memref_slice %arg4[%arg1, %dma_start3A_139] : memref<16x10000xi32, #tpu.memory_space<hbm>> -> memref<1x10000xi32, #tpu.memory_space<hbm>>
      %dma_start3A_141 = tpu.memref_squeeze %dma_start3A_140 : memref<1x10000xi32, #tpu.memory_space<hbm>> -> memref<10000xi32, #tpu.memory_space<hbm>>
      tpu.enqueue_dma source(%dma_start3A_141 : memref<10000xi32, #tpu.memory_space<hbm>>) target(%arg7 : memref<10000xi32, #tpu.memory_space<vmem>>) target_semaphore(%run_scoped3A : memref<!tpu.dma_semaphore, #tpu.memory_space<semaphore_mem>>)
      %dma_wait3A = arith.constant 0 : i32
      %dma_wait3A_142 = tpu.memref_slice %arg4[%arg1, %dma_wait3A] : memref<16x10000xi32, #tpu.memory_space<hbm>> -> memref<1x10000xi32, #tpu.memory_space<hbm>>
      %dma_wait3A_143 = tpu.memref_squeeze %dma_wait3A_142 : memref<1x10000xi32, #tpu.memory_space<hbm>> -> memref<10000xi32, #tpu.memory_space<hbm>>
      %dma_wait3A_144 = arith.constant 0 : i32
      %dma_wait3A_145 = tpu.memref_slice %arg4[%arg1, %dma_wait3A_144] : memref<16x10000xi32, #tpu.memory_space<hbm>> -> memref<1x10000xi32, #tpu.memory_space<hbm>>
      %dma_wait3A_146 = tpu.memref_squeeze %dma_wait3A_145 : memref<1x10000xi32, #tpu.memory_space<hbm>> -> memref<10000xi32, #tpu.memory_space<hbm>>
      tpu.wait_dma2 semaphore(%run_scoped3A : memref<!tpu.dma_semaphore, #tpu.memory_space<semaphore_mem>>) src(%dma_wait3A_146 : memref<10000xi32, #tpu.memory_space<hbm>>) dst(%arg7 : memref<10000xi32, #tpu.memory_space<vmem>>)
      tpu.yield
    }) : () -> ()
    %lt3A = arith.constant 15 : i32
    %lt3A_0 = arith.cmpi slt, %arg1, %lt3A : i32
    %jit3A = arith.constant 632 : i32
    %jit3A_1 = arith.constant 520 : i32
    %select_n3A = arith.select %lt3A_0, %jit3A, %jit3A_1 : i32
    %mul3A = arith.constant 632 : i32
    %mul3A_2 = arith.muli %arg1, %mul3A : i32
    %scan3A = arith.constant 0 : i32
    %scan3A_3 = arith.constant 0 : i32
    %scan3A_4 = arith.constant 80 : i32
    %scan3A_5 = arith.addi %scan3A_3, %scan3A_4 : i32
    %scan3A_6 = arith.constant 1 : i32
    scf.for %scan3A_136 = %scan3A_3 to %scan3A_5 step %scan3A_6  : i32 {
      %broadcast_in_dim3A = arith.constant 0.000000e+00 : f32
      %broadcast_in_dim3A_137 = vector.broadcast %broadcast_in_dim3A : f32 to vector<16xf32>
      %swap3A = arith.constant 0 : i32
      %swap3A_138 = arith.index_cast %swap3A : i32 to index
      %swap3A_139 = arith.index_cast %scan3A_136 : i32 to index
      %swap3A_140 = arith.constant 0 : index
      %swap3A_141 = tpu.vector_load %arg8[%swap3A_138, %swap3A_139, %swap3A_140] {strides = array<i32>} : memref<3x80x128xf32, #tpu.memory_space<vmem>>, vector<1x1x16xf32>,
      %swap3A_142 = vector.shape_cast %swap3A_141 : vector<1x1x16xf32> to vector<16xf32>
      %swap3A_143 = vector.shape_cast %broadcast_in_dim3A_137 : vector<16xf32> to vector<1x1x16xf32>
      tpu.vector_store %arg8[%swap3A_138, %swap3A_139, %swap3A_140], %swap3A_143 {strides = array<i32>} : memref<3x80x128xf32, #tpu.memory_space<vmem>>, vector<1x1x16xf32>,
      %broadcast_in_dim3A_144 = arith.constant 0.000000e+00 : f32
      %broadcast_in_dim3A_145 = vector.broadcast %broadcast_in_dim3A_144 : f32 to vector<16xf32>
      %swap3A_146 = arith.constant 0 : i32
      %swap3A_147 = arith.index_cast %swap3A_146 : i32 to index
      %swap3A_148 = arith.index_cast %scan3A_136 : i32 to index
      %swap3A_149 = arith.constant 16 : index
      %swap3A_150 = tpu.vector_load %arg8[%swap3A_147, %swap3A_148, %swap3A_149] {strides = array<i32>} : memref<3x80x128xf32, #tpu.memory_space<vmem>>, vector<1x1x16xf32>,
      %swap3A_151 = vector.shape_cast %swap3A_150 : vector<1x1x16xf32> to vector<16xf32>
      %swap3A_152 = vector.shape_cast %broadcast_in_dim3A_145 : vector<16xf32> to vector<1x1x16xf32>
      tpu.vector_store %arg8[%swap3A_147, %swap3A_148, %swap3A_149], %swap3A_152 {strides = array<i32>} : memref<3x80x128xf32, #tpu.memory_space<vmem>>, vector<1x1x16xf32>,
      %broadcast_in_dim3A_153 = arith.constant 0.000000e+00 : f32
      %broadcast_in_dim3A_154 = vector.broadcast %broadcast_in_dim3A_153 : f32 to vector<16xf32>
      %swap3A_155 = arith.constant 0 : i32
      %swap3A_156 = arith.index_cast %swap3A_155 : i32 to index
      %swap3A_157 = arith.index_cast %scan3A_136 : i32 to index
      %swap3A_158 = arith.constant 32 : index
      %swap3A_159 = tpu.vector_load %arg8[%swap3A_156, %swap3A_157, %swap3A_158] {strides = array<i32>} : memref<3x80x128xf32, #tpu.memory_space<vmem>>, vector<1x1x16xf32>,
      %swap3A_160 = vector.shape_cast %swap3A_159 : vector<1x1x16xf32> to vector<16xf32>
      %swap3A_161 = vector.shape_cast %broadcast_in_dim3A_154 : vector<16xf32> to vector<1x1x16xf32>
      tpu.vector_store %arg8[%swap3A_156, %swap3A_157, %swap3A_158], %swap3A_161 {strides = array<i32>} : memref<3x80x128xf32, #tpu.memory_space<vmem>>, vector<1x1x16xf32>,
      %broadcast_in_dim3A_162 = arith.constant 0.000000e+00 : f32
      %broadcast_in_dim3A_163 = vector.broadcast %broadcast_in_dim3A_162 : f32 to vector<16xf32>
      %swap3A_164 = arith.constant 0 : i32
      %swap3A_165 = arith.index_cast %swap3A_164 : i32 to index
      %swap3A_166 = arith.index_cast %scan3A_136 : i32 to index
      %swap3A_167 = arith.constant 48 : index
      %swap3A_168 = tpu.vector_load %arg8[%swap3A_165, %swap3A_166, %swap3A_167] {strides = array<i32>} : memref<3x80x128xf32, #tpu.memory_space<vmem>>, vector<1x1x16xf32>,
      %swap3A_169 = vector.shape_cast %swap3A_168 : vector<1x1x16xf32> to vector<16xf32>
      %swap3A_170 = vector.shape_cast %broadcast_in_dim3A_163 : vector<16xf32> to vector<1x1x16xf32>
      tpu.vector_store %arg8[%swap3A_165, %swap3A_166, %swap3A_167], %swap3A_170 {strides = array<i32>} : memref<3x80x128xf32, #tpu.memory_space<vmem>>, vector<1x1x16xf32>,
      %broadcast_in_dim3A_171 = arith.constant 0.000000e+00 : f32
      %broadcast_in_dim3A_172 = vector.broadcast %broadcast_in_dim3A_171 : f32 to vector<16xf32>
      %swap3A_173 = arith.constant 0 : i32
      %swap3A_174 = arith.index_cast %swap3A_173 : i32 to index
      %swap3A_175 = arith.index_cast %scan3A_136 : i32 to index
      %swap3A_176 = arith.constant 64 : index
      %swap3A_177 = tpu.vector_load %arg8[%swap3A_174, %swap3A_175, %swap3A_176] {strides = array<i32>} : memref<3x80x128xf32, #tpu.memory_space<vmem>>, vector<1x1x16xf32>,
      %swap3A_178 = vector.shape_cast %swap3A_177 : vector<1x1x16xf32> to vector<16xf32>
      %swap3A_179 = vector.shape_cast %broadcast_in_dim3A_172 : vector<16xf32> to vector<1x1x16xf32>
      tpu.vector_store %arg8[%swap3A_174, %swap3A_175, %swap3A_176], %swap3A_179 {strides = array<i32>} : memref<3x80x128xf32, #tpu.memory_space<vmem>>, vector<1x1x16xf32>,
      %broadcast_in_dim3A_180 = arith.constant 0.000000e+00 : f32
      %broadcast_in_dim3A_181 = vector.broadcast %broadcast_in_dim3A_180 : f32 to vector<16xf32>
      %swap3A_182 = arith.constant 0 : i32
      %swap3A_183 = arith.index_cast %swap3A_182 : i32 to index
      %swap3A_184 = arith.index_cast %scan3A_136 : i32 to index
      %swap3A_185 = arith.constant 80 : index
      %swap3A_186 = tpu.vector_load %arg8[%swap3A_183, %swap3A_184, %swap3A_185] {strides = array<i32>} : memref<3x80x128xf32, #tpu.memory_space<vmem>>, vector<1x1x16xf32>,
      %swap3A_187 = vector.shape_cast %swap3A_186 : vector<1x1x16xf32> to vector<16xf32>
      %swap3A_188 = vector.shape_cast %broadcast_in_dim3A_181 : vector<16xf32> to vector<1x1x16xf32>
      tpu.vector_store %arg8[%swap3A_183, %swap3A_184, %swap3A_185], %swap3A_188 {strides = array<i32>} : memref<3x80x128xf32, #tpu.memory_space<vmem>>, vector<1x1x16xf32>,
      %broadcast_in_dim3A_189 = arith.constant 0.000000e+00 : f32
      %broadcast_in_dim3A_190 = vector.broadcast %broadcast_in_dim3A_189 : f32 to vector<16xf32>
      %swap3A_191 = arith.constant 0 : i32
      %swap3A_192 = arith.index_cast %swap3A_191 : i32 to index
      %swap3A_193 = arith.index_cast %scan3A_136 : i32 to index
      %swap3A_194 = arith.constant 96 : index
      %swap3A_195 = tpu.vector_load %arg8[%swap3A_192, %swap3A_193, %swap3A_194] {strides = array<i32>} : memref<3x80x128xf32, #tpu.memory_space<vmem>>, vector<1x1x16xf32>,
      %swap3A_196 = vector.shape_cast %swap3A_195 : vector<1x1x16xf32> to vector<16xf32>
      %swap3A_197 = vector.shape_cast %broadcast_in_dim3A_190 : vector<16xf32> to vector<1x1x16xf32>
      tpu.vector_store %arg8[%swap3A_192, %swap3A_193, %swap3A_194], %swap3A_197 {strides = array<i32>} : memref<3x80x128xf32, #tpu.memory_space<vmem>>, vector<1x1x16xf32>,
      %broadcast_in_dim3A_198 = arith.constant 0.000000e+00 : f32
      %broadcast_in_dim3A_199 = vector.broadcast %broadcast_in_dim3A_198 : f32 to vector<16xf32>
      %swap3A_200 = arith.constant 0 : i32
      %swap3A_201 = arith.index_cast %swap3A_200 : i32 to index
      %swap3A_202 = arith.index_cast %scan3A_136 : i32 to index
      %swap3A_203 = arith.constant 112 : index
      %swap3A_204 = tpu.vector_load %arg8[%swap3A_201, %swap3A_202, %swap3A_203] {strides = array<i32>} : memref<3x80x128xf32, #tpu.memory_space<vmem>>, vector<1x1x16xf32>,
      %swap3A_205 = vector.shape_cast %swap3A_204 : vector<1x1x16xf32> to vector<16xf32>
      %swap3A_206 = vector.shape_cast %broadcast_in_dim3A_199 : vector<16xf32> to vector<1x1x16xf32>
      tpu.vector_store %arg8[%swap3A_201, %swap3A_202, %swap3A_203], %swap3A_206 {strides = array<i32>} : memref<3x80x128xf32, #tpu.memory_space<vmem>>, vector<1x1x16xf32>,
    }
    %scan3A_7 = arith.constant 80 : i32
    %ge3A = arith.constant 80 : i32
    %ge3A_8 = arith.cmpi sge, %select_n3A, %ge3A : i32
    %convert_element_type3A = arith.extui %ge3A_8 : i1 to i32
    %cond3A = arith.constant 0 : i32
    %cond3A_9 = arith.cmpi ne, %convert_element_type3A, %cond3A : i32
    scf.if %cond3A_9 {
      %add3A = arith.constant 0 : i32
      %add3A_136 = arith.addi %mul3A_2, %add3A : i32
      %run_scoped3A = arith.constant 0 : i32
      "tpu.region"() ({
        %run_scoped3A_137 = tpu.sem_alloc : memref<!tpu.dma_semaphore, #tpu.memory_space<semaphore_mem>>
        %dma_start3A_138 = arith.constant 0 : i32
        %dma_start3A_139 = arith.constant 0 : i32
        %dma_start3A_140 = tpu.memref_slice %arg8[%run_scoped3A, %dma_start3A_138, %dma_start3A_139] : memref<3x80x128xf32, #tpu.memory_space<vmem>> -> memref<1x80x128xf32, #tpu.memory_space<vmem>>
        %dma_start3A_141 = tpu.memref_squeeze %dma_start3A_140 : memref<1x80x128xf32, #tpu.memory_space<vmem>> -> memref<80x128xf32, #tpu.memory_space<vmem>>
        %dma_start3A_142 = arith.constant 0 : i32
        %dma_start3A_143 = tpu.memref_slice %arg9[%add3A_136, %dma_start3A_142] : memref<10000x128xf32, #tpu.memory_space<vmem_shared>> -> memref<80x128xf32, #tpu.memory_space<vmem_shared>>
        %dma_start3A_144 = arith.constant 0 : i32
        %dma_start3A_145 = tpu.memref_slice %arg9[%add3A_136, %dma_start3A_144] : memref<10000x128xf32, #tpu.memory_space<vmem_shared>> -> memref<80x128xf32, #tpu.memory_space<vmem_shared>>
        %dma_start3A_146 = arith.constant 0 : i32
        %dma_start3A_147 = arith.constant 0 : i32
        %dma_start3A_148 = tpu.memref_slice %arg8[%run_scoped3A, %dma_start3A_146, %dma_start3A_147] : memref<3x80x128xf32, #tpu.memory_space<vmem>> -> memref<1x80x128xf32, #tpu.memory_space<vmem>>
        %dma_start3A_149 = tpu.memref_squeeze %dma_start3A_148 : memref<1x80x128xf32, #tpu.memory_space<vmem>> -> memref<80x128xf32, #tpu.memory_space<vmem>>
        tpu.enqueue_dma source(%dma_start3A_149 : memref<80x128xf32, #tpu.memory_space<vmem>>) target(%dma_start3A_145 : memref<80x128xf32, #tpu.memory_space<vmem_shared>>) target_semaphore(%run_scoped3A_137 : memref<!tpu.dma_semaphore, #tpu.memory_space<semaphore_mem>>)
        %dma_wait3A = arith.constant 0 : i32
        %dma_wait3A_150 = arith.constant 0 : i32
        %dma_wait3A_151 = tpu.memref_slice %arg8[%run_scoped3A, %dma_wait3A, %dma_wait3A_150] : memref<3x80x128xf32, #tpu.memory_space<vmem>> -> memref<1x80x128xf32, #tpu.memory_space<vmem>>
        %dma_wait3A_152 = tpu.memref_squeeze %dma_wait3A_151 : memref<1x80x128xf32, #tpu.memory_space<vmem>> -> memref<80x128xf32, #tpu.memory_space<vmem>>
        %dma_wait3A_153 = arith.constant 0 : i32
        %dma_wait3A_154 = tpu.memref_slice %arg9[%add3A_136, %dma_wait3A_153] : memref<10000x128xf32, #tpu.memory_space<vmem_shared>> -> memref<80x128xf32, #tpu.memory_space<vmem_shared>>
        %dma_wait3A_155 = arith.constant 0 : i32
        %dma_wait3A_156 = tpu.memref_slice %arg9[%add3A_136, %dma_wait3A_155] : memref<10000x128xf32, #tpu.memory_space<vmem_shared>> -> memref<80x128xf32, #tpu.memory_space<vmem_shared>>
        %dma_wait3A_157 = arith.constant 0 : i32
        %dma_wait3A_158 = arith.constant 0 : i32
        %dma_wait3A_159 = tpu.memref_slice %arg8[%run_scoped3A, %dma_wait3A_157, %dma_wait3A_158] : memref<3x80x128xf32, #tpu.memory_space<vmem>> -> memref<1x80x128xf32, #tpu.memory_space<vmem>>
        %dma_wait3A_160 = tpu.memref_squeeze %dma_wait3A_159 : memref<1x80x128xf32, #tpu.memory_space<vmem>> -> memref<80x128xf32, #tpu.memory_space<vmem>>
        tpu.wait_dma2 semaphore(%run_scoped3A_137 : memref<!tpu.dma_semaphore, #tpu.memory_space<semaphore_mem>>) src(%dma_wait3A_160 : memref<80x128xf32, #tpu.memory_space<vmem>>) dst(%dma_wait3A_156 : memref<80x128xf32, #tpu.memory_space<vmem_shared>>)
        tpu.yield
      }) : () -> ()
    } else {
    }
    %ge3A_10 = arith.constant 160 : i32
    %ge3A_11 = arith.cmpi sge, %select_n3A, %ge3A_10 : i32
    %convert_element_type3A_12 = arith.extui %ge3A_11 : i1 to i32
    %cond3A_13 = arith.constant 0 : i32
    %cond3A_14 = arith.cmpi ne, %convert_element_type3A_12, %cond3A_13 : i32
    scf.if %cond3A_14 {
      %add3A = arith.constant 80 : i32
      %add3A_136 = arith.addi %mul3A_2, %add3A : i32
      %run_scoped3A = arith.constant 0 : i32
      "tpu.region"() ({
        %run_scoped3A_137 = tpu.sem_alloc : memref<!tpu.dma_semaphore, #tpu.memory_space<semaphore_mem>>
        %dma_start3A_138 = arith.constant 0 : i32
        %dma_start3A_139 = arith.constant 0 : i32
        %dma_start3A_140 = tpu.memref_slice %arg8[%run_scoped3A, %dma_start3A_138, %dma_start3A_139] : memref<3x80x128xf32, #tpu.memory_space<vmem>> -> memref<1x80x128xf32, #tpu.memory_space<vmem>>
        %dma_start3A_141 = tpu.memref_squeeze %dma_start3A_140 : memref<1x80x128xf32, #tpu.memory_space<vmem>> -> memref<80x128xf32, #tpu.memory_space<vmem>>
        %dma_start3A_142 = arith.constant 0 : i32
        %dma_start3A_143 = tpu.memref_slice %arg9[%add3A_136, %dma_start3A_142] : memref<10000x128xf32, #tpu.memory_space<vmem_shared>> -> memref<80x128xf32, #tpu.memory_space<vmem_shared>>
        %dma_start3A_144 = arith.constant 0 : i32
        %dma_start3A_145 = tpu.memref_slice %arg9[%add3A_136, %dma_start3A_144] : memref<10000x128xf32, #tpu.memory_space<vmem_shared>> -> memref<80x128xf32, #tpu.memory_space<vmem_shared>>
        %dma_start3A_146 = arith.constant 0 : i32
        %dma_start3A_147 = arith.constant 0 : i32
        %dma_start3A_148 = tpu.memref_slice %arg8[%run_scoped3A, %dma_start3A_146, %dma_start3A_147] : memref<3x80x128xf32, #tpu.memory_space<vmem>> -> memref<1x80x128xf32, #tpu.memory_space<vmem>>
        %dma_start3A_149 = tpu.memref_squeeze %dma_start3A_148 : memref<1x80x128xf32, #tpu.memory_space<vmem>> -> memref<80x128xf32, #tpu.memory_space<vmem>>
        tpu.enqueue_dma source(%dma_start3A_149 : memref<80x128xf32, #tpu.memory_space<vmem>>) target(%dma_start3A_145 : memref<80x128xf32, #tpu.memory_space<vmem_shared>>) target_semaphore(%run_scoped3A_137 : memref<!tpu.dma_semaphore, #tpu.memory_space<semaphore_mem>>)
        %dma_wait3A = arith.constant 0 : i32
        %dma_wait3A_150 = arith.constant 0 : i32
        %dma_wait3A_151 = tpu.memref_slice %arg8[%run_scoped3A, %dma_wait3A, %dma_wait3A_150] : memref<3x80x128xf32, #tpu.memory_space<vmem>> -> memref<1x80x128xf32, #tpu.memory_space<vmem>>
        %dma_wait3A_152 = tpu.memref_squeeze %dma_wait3A_151 : memref<1x80x128xf32, #tpu.memory_space<vmem>> -> memref<80x128xf32, #tpu.memory_space<vmem>>
        %dma_wait3A_153 = arith.constant 0 : i32
        %dma_wait3A_154 = tpu.memref_slice %arg9[%add3A_136, %dma_wait3A_153] : memref<10000x128xf32, #tpu.memory_space<vmem_shared>> -> memref<80x128xf32, #tpu.memory_space<vmem_shared>>
        %dma_wait3A_155 = arith.constant 0 : i32
        %dma_wait3A_156 = tpu.memref_slice %arg9[%add3A_136, %dma_wait3A_155] : memref<10000x128xf32, #tpu.memory_space<vmem_shared>> -> memref<80x128xf32, #tpu.memory_space<vmem_shared>>
        %dma_wait3A_157 = arith.constant 0 : i32
        %dma_wait3A_158 = arith.constant 0 : i32
        %dma_wait3A_159 = tpu.memref_slice %arg8[%run_scoped3A, %dma_wait3A_157, %dma_wait3A_158] : memref<3x80x128xf32, #tpu.memory_space<vmem>> -> memref<1x80x128xf32, #tpu.memory_space<vmem>>
        %dma_wait3A_160 = tpu.memref_squeeze %dma_wait3A_159 : memref<1x80x128xf32, #tpu.memory_space<vmem>> -> memref<80x128xf32, #tpu.memory_space<vmem>>
        tpu.wait_dma2 semaphore(%run_scoped3A_137 : memref<!tpu.dma_semaphore, #tpu.memory_space<semaphore_mem>>) src(%dma_wait3A_160 : memref<80x128xf32, #tpu.memory_space<vmem>>) dst(%dma_wait3A_156 : memref<80x128xf32, #tpu.memory_space<vmem_shared>>)
        tpu.yield
      }) : () -> ()
    } else {
    }
    %ge3A_15 = arith.constant 240 : i32
    %ge3A_16 = arith.cmpi sge, %select_n3A, %ge3A_15 : i32
    %convert_element_type3A_17 = arith.extui %ge3A_16 : i1 to i32
    %cond3A_18 = arith.constant 0 : i32
    %cond3A_19 = arith.cmpi ne, %convert_element_type3A_17, %cond3A_18 : i32
    scf.if %cond3A_19 {
      %add3A = arith.constant 160 : i32
      %add3A_136 = arith.addi %mul3A_2, %add3A : i32
      %run_scoped3A = arith.constant 0 : i32
      "tpu.region"() ({
        %run_scoped3A_137 = tpu.sem_alloc : memref<!tpu.dma_semaphore, #tpu.memory_space<semaphore_mem>>
        %dma_start3A_138 = arith.constant 0 : i32
        %dma_start3A_139 = arith.constant 0 : i32
        %dma_start3A_140 = tpu.memref_slice %arg8[%run_scoped3A, %dma_start3A_138, %dma_start3A_139] : memref<3x80x128xf32, #tpu.memory_space<vmem>> -> memref<1x80x128xf32, #tpu.memory_space<vmem>>
        %dma_start3A_141 = tpu.memref_squeeze %dma_start3A_140 : memref<1x80x128xf32, #tpu.memory_space<vmem>> -> memref<80x128xf32, #tpu.memory_space<vmem>>
        %dma_start3A_142 = arith.constant 0 : i32
        %dma_start3A_143 = tpu.memref_slice %arg9[%add3A_136, %dma_start3A_142] : memref<10000x128xf32, #tpu.memory_space<vmem_shared>> -> memref<80x128xf32, #tpu.memory_space<vmem_shared>>
        %dma_start3A_144 = arith.constant 0 : i32
        %dma_start3A_145 = tpu.memref_slice %arg9[%add3A_136, %dma_start3A_144] : memref<10000x128xf32, #tpu.memory_space<vmem_shared>> -> memref<80x128xf32, #tpu.memory_space<vmem_shared>>
        %dma_start3A_146 = arith.constant 0 : i32
        %dma_start3A_147 = arith.constant 0 : i32
        %dma_start3A_148 = tpu.memref_slice %arg8[%run_scoped3A, %dma_start3A_146, %dma_start3A_147] : memref<3x80x128xf32, #tpu.memory_space<vmem>> -> memref<1x80x128xf32, #tpu.memory_space<vmem>>
        %dma_start3A_149 = tpu.memref_squeeze %dma_start3A_148 : memref<1x80x128xf32, #tpu.memory_space<vmem>> -> memref<80x128xf32, #tpu.memory_space<vmem>>
        tpu.enqueue_dma source(%dma_start3A_149 : memref<80x128xf32, #tpu.memory_space<vmem>>) target(%dma_start3A_145 : memref<80x128xf32, #tpu.memory_space<vmem_shared>>) target_semaphore(%run_scoped3A_137 : memref<!tpu.dma_semaphore, #tpu.memory_space<semaphore_mem>>)
        %dma_wait3A = arith.constant 0 : i32
        %dma_wait3A_150 = arith.constant 0 : i32
        %dma_wait3A_151 = tpu.memref_slice %arg8[%run_scoped3A, %dma_wait3A, %dma_wait3A_150] : memref<3x80x128xf32, #tpu.memory_space<vmem>> -> memref<1x80x128xf32, #tpu.memory_space<vmem>>
        %dma_wait3A_152 = tpu.memref_squeeze %dma_wait3A_151 : memref<1x80x128xf32, #tpu.memory_space<vmem>> -> memref<80x128xf32, #tpu.memory_space<vmem>>
        %dma_wait3A_153 = arith.constant 0 : i32
        %dma_wait3A_154 = tpu.memref_slice %arg9[%add3A_136, %dma_wait3A_153] : memref<10000x128xf32, #tpu.memory_space<vmem_shared>> -> memref<80x128xf32, #tpu.memory_space<vmem_shared>>
        %dma_wait3A_155 = arith.constant 0 : i32
        %dma_wait3A_156 = tpu.memref_slice %arg9[%add3A_136, %dma_wait3A_155] : memref<10000x128xf32, #tpu.memory_space<vmem_shared>> -> memref<80x128xf32, #tpu.memory_space<vmem_shared>>
        %dma_wait3A_157 = arith.constant 0 : i32
        %dma_wait3A_158 = arith.constant 0 : i32
        %dma_wait3A_159 = tpu.memref_slice %arg8[%run_scoped3A, %dma_wait3A_157, %dma_wait3A_158] : memref<3x80x128xf32, #tpu.memory_space<vmem>> -> memref<1x80x128xf32, #tpu.memory_space<vmem>>
        %dma_wait3A_160 = tpu.memref_squeeze %dma_wait3A_159 : memref<1x80x128xf32, #tpu.memory_space<vmem>> -> memref<80x128xf32, #tpu.memory_space<vmem>>
        tpu.wait_dma2 semaphore(%run_scoped3A_137 : memref<!tpu.dma_semaphore, #tpu.memory_space<semaphore_mem>>) src(%dma_wait3A_160 : memref<80x128xf32, #tpu.memory_space<vmem>>) dst(%dma_wait3A_156 : memref<80x128xf32, #tpu.memory_space<vmem_shared>>)
        tpu.yield
      }) : () -> ()
    } else {
    }
    %ge3A_20 = arith.constant 320 : i32
    %ge3A_21 = arith.cmpi sge, %select_n3A, %ge3A_20 : i32
    %convert_element_type3A_22 = arith.extui %ge3A_21 : i1 to i32
    %cond3A_23 = arith.constant 0 : i32
    %cond3A_24 = arith.cmpi ne, %convert_element_type3A_22, %cond3A_23 : i32
    scf.if %cond3A_24 {
      %add3A = arith.constant 240 : i32
      %add3A_136 = arith.addi %mul3A_2, %add3A : i32
      %run_scoped3A = arith.constant 0 : i32
      "tpu.region"() ({
        %run_scoped3A_137 = tpu.sem_alloc : memref<!tpu.dma_semaphore, #tpu.memory_space<semaphore_mem>>
        %dma_start3A_138 = arith.constant 0 : i32
        %dma_start3A_139 = arith.constant 0 : i32
        %dma_start3A_140 = tpu.memref_slice %arg8[%run_scoped3A, %dma_start3A_138, %dma_start3A_139] : memref<3x80x128xf32, #tpu.memory_space<vmem>> -> memref<1x80x128xf32, #tpu.memory_space<vmem>>
        %dma_start3A_141 = tpu.memref_squeeze %dma_start3A_140 : memref<1x80x128xf32, #tpu.memory_space<vmem>> -> memref<80x128xf32, #tpu.memory_space<vmem>>
        %dma_start3A_142 = arith.constant 0 : i32
        %dma_start3A_143 = tpu.memref_slice %arg9[%add3A_136, %dma_start3A_142] : memref<10000x128xf32, #tpu.memory_space<vmem_shared>> -> memref<80x128xf32, #tpu.memory_space<vmem_shared>>
        %dma_start3A_144 = arith.constant 0 : i32
        %dma_start3A_145 = tpu.memref_slice %arg9[%add3A_136, %dma_start3A_144] : memref<10000x128xf32, #tpu.memory_space<vmem_shared>> -> memref<80x128xf32, #tpu.memory_space<vmem_shared>>
        %dma_start3A_146 = arith.constant 0 : i32
        %dma_start3A_147 = arith.constant 0 : i32
        %dma_start3A_148 = tpu.memref_slice %arg8[%run_scoped3A, %dma_start3A_146, %dma_start3A_147] : memref<3x80x128xf32, #tpu.memory_space<vmem>> -> memref<1x80x128xf32, #tpu.memory_space<vmem>>
        %dma_start3A_149 = tpu.memref_squeeze %dma_start3A_148 : memref<1x80x128xf32, #tpu.memory_space<vmem>> -> memref<80x128xf32, #tpu.memory_space<vmem>>
        tpu.enqueue_dma source(%dma_start3A_149 : memref<80x128xf32, #tpu.memory_space<vmem>>) target(%dma_start3A_145 : memref<80x128xf32, #tpu.memory_space<vmem_shared>>) target_semaphore(%run_scoped3A_137 : memref<!tpu.dma_semaphore, #tpu.memory_space<semaphore_mem>>)
        %dma_wait3A = arith.constant 0 : i32
        %dma_wait3A_150 = arith.constant 0 : i32
        %dma_wait3A_151 = tpu.memref_slice %arg8[%run_scoped3A, %dma_wait3A, %dma_wait3A_150] : memref<3x80x128xf32, #tpu.memory_space<vmem>> -> memref<1x80x128xf32, #tpu.memory_space<vmem>>
        %dma_wait3A_152 = tpu.memref_squeeze %dma_wait3A_151 : memref<1x80x128xf32, #tpu.memory_space<vmem>> -> memref<80x128xf32, #tpu.memory_space<vmem>>
        %dma_wait3A_153 = arith.constant 0 : i32
        %dma_wait3A_154 = tpu.memref_slice %arg9[%add3A_136, %dma_wait3A_153] : memref<10000x128xf32, #tpu.memory_space<vmem_shared>> -> memref<80x128xf32, #tpu.memory_space<vmem_shared>>
        %dma_wait3A_155 = arith.constant 0 : i32
        %dma_wait3A_156 = tpu.memref_slice %arg9[%add3A_136, %dma_wait3A_155] : memref<10000x128xf32, #tpu.memory_space<vmem_shared>> -> memref<80x128xf32, #tpu.memory_space<vmem_shared>>
        %dma_wait3A_157 = arith.constant 0 : i32
        %dma_wait3A_158 = arith.constant 0 : i32
        %dma_wait3A_159 = tpu.memref_slice %arg8[%run_scoped3A, %dma_wait3A_157, %dma_wait3A_158] : memref<3x80x128xf32, #tpu.memory_space<vmem>> -> memref<1x80x128xf32, #tpu.memory_space<vmem>>
        %dma_wait3A_160 = tpu.memref_squeeze %dma_wait3A_159 : memref<1x80x128xf32, #tpu.memory_space<vmem>> -> memref<80x128xf32, #tpu.memory_space<vmem>>
        tpu.wait_dma2 semaphore(%run_scoped3A_137 : memref<!tpu.dma_semaphore, #tpu.memory_space<semaphore_mem>>) src(%dma_wait3A_160 : memref<80x128xf32, #tpu.memory_space<vmem>>) dst(%dma_wait3A_156 : memref<80x128xf32, #tpu.memory_space<vmem_shared>>)
        tpu.yield
      }) : () -> ()
    } else {
    }
    %ge3A_25 = arith.constant 400 : i32
    %ge3A_26 = arith.cmpi sge, %select_n3A, %ge3A_25 : i32
    %convert_element_type3A_27 = arith.extui %ge3A_26 : i1 to i32
    %cond3A_28 = arith.constant 0 : i32
    %cond3A_29 = arith.cmpi ne, %convert_element_type3A_27, %cond3A_28 : i32
    scf.if %cond3A_29 {
      %add3A = arith.constant 320 : i32
      %add3A_136 = arith.addi %mul3A_2, %add3A : i32
      %run_scoped3A = arith.constant 0 : i32
      "tpu.region"() ({
        %run_scoped3A_137 = tpu.sem_alloc : memref<!tpu.dma_semaphore, #tpu.memory_space<semaphore_mem>>
        %dma_start3A_138 = arith.constant 0 : i32
        %dma_start3A_139 = arith.constant 0 : i32
        %dma_start3A_140 = tpu.memref_slice %arg8[%run_scoped3A, %dma_start3A_138, %dma_start3A_139] : memref<3x80x128xf32, #tpu.memory_space<vmem>> -> memref<1x80x128xf32, #tpu.memory_space<vmem>>
        %dma_start3A_141 = tpu.memref_squeeze %dma_start3A_140 : memref<1x80x128xf32, #tpu.memory_space<vmem>> -> memref<80x128xf32, #tpu.memory_space<vmem>>
        %dma_start3A_142 = arith.constant 0 : i32
        %dma_start3A_143 = tpu.memref_slice %arg9[%add3A_136, %dma_start3A_142] : memref<10000x128xf32, #tpu.memory_space<vmem_shared>> -> memref<80x128xf32, #tpu.memory_space<vmem_shared>>
        %dma_start3A_144 = arith.constant 0 : i32
        %dma_start3A_145 = tpu.memref_slice %arg9[%add3A_136, %dma_start3A_144] : memref<10000x128xf32, #tpu.memory_space<vmem_shared>> -> memref<80x128xf32, #tpu.memory_space<vmem_shared>>
        %dma_start3A_146 = arith.constant 0 : i32
        %dma_start3A_147 = arith.constant 0 : i32
        %dma_start3A_148 = tpu.memref_slice %arg8[%run_scoped3A, %dma_start3A_146, %dma_start3A_147] : memref<3x80x128xf32, #tpu.memory_space<vmem>> -> memref<1x80x128xf32, #tpu.memory_space<vmem>>
        %dma_start3A_149 = tpu.memref_squeeze %dma_start3A_148 : memref<1x80x128xf32, #tpu.memory_space<vmem>> -> memref<80x128xf32, #tpu.memory_space<vmem>>
        tpu.enqueue_dma source(%dma_start3A_149 : memref<80x128xf32, #tpu.memory_space<vmem>>) target(%dma_start3A_145 : memref<80x128xf32, #tpu.memory_space<vmem_shared>>) target_semaphore(%run_scoped3A_137 : memref<!tpu.dma_semaphore, #tpu.memory_space<semaphore_mem>>)
        %dma_wait3A = arith.constant 0 : i32
        %dma_wait3A_150 = arith.constant 0 : i32
        %dma_wait3A_151 = tpu.memref_slice %arg8[%run_scoped3A, %dma_wait3A, %dma_wait3A_150] : memref<3x80x128xf32, #tpu.memory_space<vmem>> -> memref<1x80x128xf32, #tpu.memory_space<vmem>>
        %dma_wait3A_152 = tpu.memref_squeeze %dma_wait3A_151 : memref<1x80x128xf32, #tpu.memory_space<vmem>> -> memref<80x128xf32, #tpu.memory_space<vmem>>
        %dma_wait3A_153 = arith.constant 0 : i32
        %dma_wait3A_154 = tpu.memref_slice %arg9[%add3A_136, %dma_wait3A_153] : memref<10000x128xf32, #tpu.memory_space<vmem_shared>> -> memref<80x128xf32, #tpu.memory_space<vmem_shared>>
        %dma_wait3A_155 = arith.constant 0 : i32
        %dma_wait3A_156 = tpu.memref_slice %arg9[%add3A_136, %dma_wait3A_155] : memref<10000x128xf32, #tpu.memory_space<vmem_shared>> -> memref<80x128xf32, #tpu.memory_space<vmem_shared>>
        %dma_wait3A_157 = arith.constant 0 : i32
        %dma_wait3A_158 = arith.constant 0 : i32
        %dma_wait3A_159 = tpu.memref_slice %arg8[%run_scoped3A, %dma_wait3A_157, %dma_wait3A_158] : memref<3x80x128xf32, #tpu.memory_space<vmem>> -> memref<1x80x128xf32, #tpu.memory_space<vmem>>
        %dma_wait3A_160 = tpu.memref_squeeze %dma_wait3A_159 : memref<1x80x128xf32, #tpu.memory_space<vmem>> -> memref<80x128xf32, #tpu.memory_space<vmem>>
        tpu.wait_dma2 semaphore(%run_scoped3A_137 : memref<!tpu.dma_semaphore, #tpu.memory_space<semaphore_mem>>) src(%dma_wait3A_160 : memref<80x128xf32, #tpu.memory_space<vmem>>) dst(%dma_wait3A_156 : memref<80x128xf32, #tpu.memory_space<vmem_shared>>)
        tpu.yield
      }) : () -> ()
    } else {
    }
    %ge3A_30 = arith.constant 480 : i32
    %ge3A_31 = arith.cmpi sge, %select_n3A, %ge3A_30 : i32
    %convert_element_type3A_32 = arith.extui %ge3A_31 : i1 to i32
    %cond3A_33 = arith.constant 0 : i32
    %cond3A_34 = arith.cmpi ne, %convert_element_type3A_32, %cond3A_33 : i32
    scf.if %cond3A_34 {
      %add3A = arith.constant 400 : i32
      %add3A_136 = arith.addi %mul3A_2, %add3A : i32
      %run_scoped3A = arith.constant 0 : i32
      "tpu.region"() ({
        %run_scoped3A_137 = tpu.sem_alloc : memref<!tpu.dma_semaphore, #tpu.memory_space<semaphore_mem>>
        %dma_start3A_138 = arith.constant 0 : i32
        %dma_start3A_139 = arith.constant 0 : i32
        %dma_start3A_140 = tpu.memref_slice %arg8[%run_scoped3A, %dma_start3A_138, %dma_start3A_139] : memref<3x80x128xf32, #tpu.memory_space<vmem>> -> memref<1x80x128xf32, #tpu.memory_space<vmem>>
        %dma_start3A_141 = tpu.memref_squeeze %dma_start3A_140 : memref<1x80x128xf32, #tpu.memory_space<vmem>> -> memref<80x128xf32, #tpu.memory_space<vmem>>
        %dma_start3A_142 = arith.constant 0 : i32
        %dma_start3A_143 = tpu.memref_slice %arg9[%add3A_136, %dma_start3A_142] : memref<10000x128xf32, #tpu.memory_space<vmem_shared>> -> memref<80x128xf32, #tpu.memory_space<vmem_shared>>
        %dma_start3A_144 = arith.constant 0 : i32
        %dma_start3A_145 = tpu.memref_slice %arg9[%add3A_136, %dma_start3A_144] : memref<10000x128xf32, #tpu.memory_space<vmem_shared>> -> memref<80x128xf32, #tpu.memory_space<vmem_shared>>
        %dma_start3A_146 = arith.constant 0 : i32
        %dma_start3A_147 = arith.constant 0 : i32
        %dma_start3A_148 = tpu.memref_slice %arg8[%run_scoped3A, %dma_start3A_146, %dma_start3A_147] : memref<3x80x128xf32, #tpu.memory_space<vmem>> -> memref<1x80x128xf32, #tpu.memory_space<vmem>>
        %dma_start3A_149 = tpu.memref_squeeze %dma_start3A_148 : memref<1x80x128xf32, #tpu.memory_space<vmem>> -> memref<80x128xf32, #tpu.memory_space<vmem>>
        tpu.enqueue_dma source(%dma_start3A_149 : memref<80x128xf32, #tpu.memory_space<vmem>>) target(%dma_start3A_145 : memref<80x128xf32, #tpu.memory_space<vmem_shared>>) target_semaphore(%run_scoped3A_137 : memref<!tpu.dma_semaphore, #tpu.memory_space<semaphore_mem>>)
        %dma_wait3A = arith.constant 0 : i32
        %dma_wait3A_150 = arith.constant 0 : i32
        %dma_wait3A_151 = tpu.memref_slice %arg8[%run_scoped3A, %dma_wait3A, %dma_wait3A_150] : memref<3x80x128xf32, #tpu.memory_space<vmem>> -> memref<1x80x128xf32, #tpu.memory_space<vmem>>
        %dma_wait3A_152 = tpu.memref_squeeze %dma_wait3A_151 : memref<1x80x128xf32, #tpu.memory_space<vmem>> -> memref<80x128xf32, #tpu.memory_space<vmem>>
        %dma_wait3A_153 = arith.constant 0 : i32
        %dma_wait3A_154 = tpu.memref_slice %arg9[%add3A_136, %dma_wait3A_153] : memref<10000x128xf32, #tpu.memory_space<vmem_shared>> -> memref<80x128xf32, #tpu.memory_space<vmem_shared>>
        %dma_wait3A_155 = arith.constant 0 : i32
        %dma_wait3A_156 = tpu.memref_slice %arg9[%add3A_136, %dma_wait3A_155] : memref<10000x128xf32, #tpu.memory_space<vmem_shared>> -> memref<80x128xf32, #tpu.memory_space<vmem_shared>>
        %dma_wait3A_157 = arith.constant 0 : i32
        %dma_wait3A_158 = arith.constant 0 : i32
        %dma_wait3A_159 = tpu.memref_slice %arg8[%run_scoped3A, %dma_wait3A_157, %dma_wait3A_158] : memref<3x80x128xf32, #tpu.memory_space<vmem>> -> memref<1x80x128xf32, #tpu.memory_space<vmem>>
        %dma_wait3A_160 = tpu.memref_squeeze %dma_wait3A_159 : memref<1x80x128xf32, #tpu.memory_space<vmem>> -> memref<80x128xf32, #tpu.memory_space<vmem>>
        tpu.wait_dma2 semaphore(%run_scoped3A_137 : memref<!tpu.dma_semaphore, #tpu.memory_space<semaphore_mem>>) src(%dma_wait3A_160 : memref<80x128xf32, #tpu.memory_space<vmem>>) dst(%dma_wait3A_156 : memref<80x128xf32, #tpu.memory_space<vmem_shared>>)
        tpu.yield
      }) : () -> ()
    } else {
    }
    %ge3A_35 = arith.constant 560 : i32
    %ge3A_36 = arith.cmpi sge, %select_n3A, %ge3A_35 : i32
    %convert_element_type3A_37 = arith.extui %ge3A_36 : i1 to i32
    %cond3A_38 = arith.constant 0 : i32
    %cond3A_39 = arith.cmpi ne, %convert_element_type3A_37, %cond3A_38 : i32
    scf.if %cond3A_39 {
      %add3A = arith.constant 480 : i32
      %add3A_136 = arith.addi %mul3A_2, %add3A : i32
      %run_scoped3A = arith.constant 0 : i32
      "tpu.region"() ({
        %run_scoped3A_137 = tpu.sem_alloc : memref<!tpu.dma_semaphore, #tpu.memory_space<semaphore_mem>>
        %dma_start3A_138 = arith.constant 0 : i32
        %dma_start3A_139 = arith.constant 0 : i32
        %dma_start3A_140 = tpu.memref_slice %arg8[%run_scoped3A, %dma_start3A_138, %dma_start3A_139] : memref<3x80x128xf32, #tpu.memory_space<vmem>> -> memref<1x80x128xf32, #tpu.memory_space<vmem>>
        %dma_start3A_141 = tpu.memref_squeeze %dma_start3A_140 : memref<1x80x128xf32, #tpu.memory_space<vmem>> -> memref<80x128xf32, #tpu.memory_space<vmem>>
        %dma_start3A_142 = arith.constant 0 : i32
        %dma_start3A_143 = tpu.memref_slice %arg9[%add3A_136, %dma_start3A_142] : memref<10000x128xf32, #tpu.memory_space<vmem_shared>> -> memref<80x128xf32, #tpu.memory_space<vmem_shared>>
        %dma_start3A_144 = arith.constant 0 : i32
        %dma_start3A_145 = tpu.memref_slice %arg9[%add3A_136, %dma_start3A_144] : memref<10000x128xf32, #tpu.memory_space<vmem_shared>> -> memref<80x128xf32, #tpu.memory_space<vmem_shared>>
        %dma_start3A_146 = arith.constant 0 : i32
        %dma_start3A_147 = arith.constant 0 : i32
        %dma_start3A_148 = tpu.memref_slice %arg8[%run_scoped3A, %dma_start3A_146, %dma_start3A_147] : memref<3x80x128xf32, #tpu.memory_space<vmem>> -> memref<1x80x128xf32, #tpu.memory_space<vmem>>
        %dma_start3A_149 = tpu.memref_squeeze %dma_start3A_148 : memref<1x80x128xf32, #tpu.memory_space<vmem>> -> memref<80x128xf32, #tpu.memory_space<vmem>>
        tpu.enqueue_dma source(%dma_start3A_149 : memref<80x128xf32, #tpu.memory_space<vmem>>) target(%dma_start3A_145 : memref<80x128xf32, #tpu.memory_space<vmem_shared>>) target_semaphore(%run_scoped3A_137 : memref<!tpu.dma_semaphore, #tpu.memory_space<semaphore_mem>>)
        %dma_wait3A = arith.constant 0 : i32
        %dma_wait3A_150 = arith.constant 0 : i32
        %dma_wait3A_151 = tpu.memref_slice %arg8[%run_scoped3A, %dma_wait3A, %dma_wait3A_150] : memref<3x80x128xf32, #tpu.memory_space<vmem>> -> memref<1x80x128xf32, #tpu.memory_space<vmem>>
        %dma_wait3A_152 = tpu.memref_squeeze %dma_wait3A_151 : memref<1x80x128xf32, #tpu.memory_space<vmem>> -> memref<80x128xf32, #tpu.memory_space<vmem>>
        %dma_wait3A_153 = arith.constant 0 : i32
        %dma_wait3A_154 = tpu.memref_slice %arg9[%add3A_136, %dma_wait3A_153] : memref<10000x128xf32, #tpu.memory_space<vmem_shared>> -> memref<80x128xf32, #tpu.memory_space<vmem_shared>>
        %dma_wait3A_155 = arith.constant 0 : i32
        %dma_wait3A_156 = tpu.memref_slice %arg9[%add3A_136, %dma_wait3A_155] : memref<10000x128xf32, #tpu.memory_space<vmem_shared>> -> memref<80x128xf32, #tpu.memory_space<vmem_shared>>
        %dma_wait3A_157 = arith.constant 0 : i32
        %dma_wait3A_158 = arith.constant 0 : i32
        %dma_wait3A_159 = tpu.memref_slice %arg8[%run_scoped3A, %dma_wait3A_157, %dma_wait3A_158] : memref<3x80x128xf32, #tpu.memory_space<vmem>> -> memref<1x80x128xf32, #tpu.memory_space<vmem>>
        %dma_wait3A_160 = tpu.memref_squeeze %dma_wait3A_159 : memref<1x80x128xf32, #tpu.memory_space<vmem>> -> memref<80x128xf32, #tpu.memory_space<vmem>>
        tpu.wait_dma2 semaphore(%run_scoped3A_137 : memref<!tpu.dma_semaphore, #tpu.memory_space<semaphore_mem>>) src(%dma_wait3A_160 : memref<80x128xf32, #tpu.memory_space<vmem>>) dst(%dma_wait3A_156 : memref<80x128xf32, #tpu.memory_space<vmem_shared>>)
        tpu.yield
      }) : () -> ()
    } else {
    }
    %ge3A_40 = arith.constant 640 : i32
    %ge3A_41 = arith.cmpi sge, %select_n3A, %ge3A_40 : i32
    %convert_element_type3A_42 = arith.extui %ge3A_41 : i1 to i32
    %cond3A_43 = arith.constant 0 : i32
    %cond3A_44 = arith.cmpi ne, %convert_element_type3A_42, %cond3A_43 : i32
    scf.if %cond3A_44 {
      %add3A = arith.constant 560 : i32
      %add3A_136 = arith.addi %mul3A_2, %add3A : i32
      %run_scoped3A = arith.constant 0 : i32
      "tpu.region"() ({
        %run_scoped3A_137 = tpu.sem_alloc : memref<!tpu.dma_semaphore, #tpu.memory_space<semaphore_mem>>
        %dma_start3A_138 = arith.constant 0 : i32
        %dma_start3A_139 = arith.constant 0 : i32
        %dma_start3A_140 = tpu.memref_slice %arg8[%run_scoped3A, %dma_start3A_138, %dma_start3A_139] : memref<3x80x128xf32, #tpu.memory_space<vmem>> -> memref<1x80x128xf32, #tpu.memory_space<vmem>>
        %dma_start3A_141 = tpu.memref_squeeze %dma_start3A_140 : memref<1x80x128xf32, #tpu.memory_space<vmem>> -> memref<80x128xf32, #tpu.memory_space<vmem>>
        %dma_start3A_142 = arith.constant 0 : i32
        %dma_start3A_143 = tpu.memref_slice %arg9[%add3A_136, %dma_start3A_142] : memref<10000x128xf32, #tpu.memory_space<vmem_shared>> -> memref<80x128xf32, #tpu.memory_space<vmem_shared>>
        %dma_start3A_144 = arith.constant 0 : i32
        %dma_start3A_145 = tpu.memref_slice %arg9[%add3A_136, %dma_start3A_144] : memref<10000x128xf32, #tpu.memory_space<vmem_shared>> -> memref<80x128xf32, #tpu.memory_space<vmem_shared>>
        %dma_start3A_146 = arith.constant 0 : i32
        %dma_start3A_147 = arith.constant 0 : i32
        %dma_start3A_148 = tpu.memref_slice %arg8[%run_scoped3A, %dma_start3A_146, %dma_start3A_147] : memref<3x80x128xf32, #tpu.memory_space<vmem>> -> memref<1x80x128xf32, #tpu.memory_space<vmem>>
        %dma_start3A_149 = tpu.memref_squeeze %dma_start3A_148 : memref<1x80x128xf32, #tpu.memory_space<vmem>> -> memref<80x128xf32, #tpu.memory_space<vmem>>
        tpu.enqueue_dma source(%dma_start3A_149 : memref<80x128xf32, #tpu.memory_space<vmem>>) target(%dma_start3A_145 : memref<80x128xf32, #tpu.memory_space<vmem_shared>>) target_semaphore(%run_scoped3A_137 : memref<!tpu.dma_semaphore, #tpu.memory_space<semaphore_mem>>)
        %dma_wait3A = arith.constant 0 : i32
        %dma_wait3A_150 = arith.constant 0 : i32
        %dma_wait3A_151 = tpu.memref_slice %arg8[%run_scoped3A, %dma_wait3A, %dma_wait3A_150] : memref<3x80x128xf32, #tpu.memory_space<vmem>> -> memref<1x80x128xf32, #tpu.memory_space<vmem>>
        %dma_wait3A_152 = tpu.memref_squeeze %dma_wait3A_151 : memref<1x80x128xf32, #tpu.memory_space<vmem>> -> memref<80x128xf32, #tpu.memory_space<vmem>>
        %dma_wait3A_153 = arith.constant 0 : i32
        %dma_wait3A_154 = tpu.memref_slice %arg9[%add3A_136, %dma_wait3A_153] : memref<10000x128xf32, #tpu.memory_space<vmem_shared>> -> memref<80x128xf32, #tpu.memory_space<vmem_shared>>
        %dma_wait3A_155 = arith.constant 0 : i32
        %dma_wait3A_156 = tpu.memref_slice %arg9[%add3A_136, %dma_wait3A_155] : memref<10000x128xf32, #tpu.memory_space<vmem_shared>> -> memref<80x128xf32, #tpu.memory_space<vmem_shared>>
        %dma_wait3A_157 = arith.constant 0 : i32
        %dma_wait3A_158 = arith.constant 0 : i32
        %dma_wait3A_159 = tpu.memref_slice %arg8[%run_scoped3A, %dma_wait3A_157, %dma_wait3A_158] : memref<3x80x128xf32, #tpu.memory_space<vmem>> -> memref<1x80x128xf32, #tpu.memory_space<vmem>>
        %dma_wait3A_160 = tpu.memref_squeeze %dma_wait3A_159 : memref<1x80x128xf32, #tpu.memory_space<vmem>> -> memref<80x128xf32, #tpu.memory_space<vmem>>
        tpu.wait_dma2 semaphore(%run_scoped3A_137 : memref<!tpu.dma_semaphore, #tpu.memory_space<semaphore_mem>>) src(%dma_wait3A_160 : memref<80x128xf32, #tpu.memory_space<vmem>>) dst(%dma_wait3A_156 : memref<80x128xf32, #tpu.memory_space<vmem_shared>>)
        tpu.yield
      }) : () -> ()
    } else {
    }
    %lt3A_45 = arith.constant 15 : i32
    %lt3A_46 = arith.cmpi slt, %arg1, %lt3A_45 : i32
    %convert_element_type3A_47 = arith.extui %lt3A_46 : i1 to i32
    %cond3A_48 = arith.constant 0 : i32
    %cond3A_49 = arith.cmpi ne, %convert_element_type3A_47, %cond3A_48 : i32
    scf.if %cond3A_49 {
      %add3A = arith.constant 560 : i32
      %add3A_136 = arith.addi %mul3A_2, %add3A : i32
      %run_scoped3A = arith.constant 0 : i32
      "tpu.region"() ({
        %run_scoped3A_137 = tpu.sem_alloc : memref<!tpu.dma_semaphore, #tpu.memory_space<semaphore_mem>>
        %dma_start3A_138 = arith.constant 0 : i32
        %dma_start3A_139 = arith.constant 0 : i32
        %dma_start3A_140 = tpu.memref_slice %arg8[%run_scoped3A, %dma_start3A_138, %dma_start3A_139] : memref<3x80x128xf32, #tpu.memory_space<vmem>> -> memref<1x72x128xf32, #tpu.memory_space<vmem>>
        %dma_start3A_141 = tpu.memref_squeeze %dma_start3A_140 : memref<1x72x128xf32, #tpu.memory_space<vmem>> -> memref<72x128xf32, #tpu.memory_space<vmem>>
        %dma_start3A_142 = arith.constant 0 : i32
        %dma_start3A_143 = tpu.memref_slice %arg9[%add3A_136, %dma_start3A_142] : memref<10000x128xf32, #tpu.memory_space<vmem_shared>> -> memref<72x128xf32, #tpu.memory_space<vmem_shared>>
        %dma_start3A_144 = arith.constant 0 : i32
        %dma_start3A_145 = tpu.memref_slice %arg9[%add3A_136, %dma_start3A_144] : memref<10000x128xf32, #tpu.memory_space<vmem_shared>> -> memref<72x128xf32, #tpu.memory_space<vmem_shared>>
        %dma_start3A_146 = arith.constant 0 : i32
        %dma_start3A_147 = arith.constant 0 : i32
        %dma_start3A_148 = tpu.memref_slice %arg8[%run_scoped3A, %dma_start3A_146, %dma_start3A_147] : memref<3x80x128xf32, #tpu.memory_space<vmem>> -> memref<1x72x128xf32, #tpu.memory_space<vmem>>
        %dma_start3A_149 = tpu.memref_squeeze %dma_start3A_148 : memref<1x72x128xf32, #tpu.memory_space<vmem>> -> memref<72x128xf32, #tpu.memory_space<vmem>>
        tpu.enqueue_dma source(%dma_start3A_149 : memref<72x128xf32, #tpu.memory_space<vmem>>) target(%dma_start3A_145 : memref<72x128xf32, #tpu.memory_space<vmem_shared>>) target_semaphore(%run_scoped3A_137 : memref<!tpu.dma_semaphore, #tpu.memory_space<semaphore_mem>>)
        %dma_wait3A = arith.constant 0 : i32
        %dma_wait3A_150 = arith.constant 0 : i32
        %dma_wait3A_151 = tpu.memref_slice %arg8[%run_scoped3A, %dma_wait3A, %dma_wait3A_150] : memref<3x80x128xf32, #tpu.memory_space<vmem>> -> memref<1x72x128xf32, #tpu.memory_space<vmem>>
        %dma_wait3A_152 = tpu.memref_squeeze %dma_wait3A_151 : memref<1x72x128xf32, #tpu.memory_space<vmem>> -> memref<72x128xf32, #tpu.memory_space<vmem>>
        %dma_wait3A_153 = arith.constant 0 : i32
        %dma_wait3A_154 = tpu.memref_slice %arg9[%add3A_136, %dma_wait3A_153] : memref<10000x128xf32, #tpu.memory_space<vmem_shared>> -> memref<72x128xf32, #tpu.memory_space<vmem_shared>>
        %dma_wait3A_155 = arith.constant 0 : i32
        %dma_wait3A_156 = tpu.memref_slice %arg9[%add3A_136, %dma_wait3A_155] : memref<10000x128xf32, #tpu.memory_space<vmem_shared>> -> memref<72x128xf32, #tpu.memory_space<vmem_shared>>
        %dma_wait3A_157 = arith.constant 0 : i32
        %dma_wait3A_158 = arith.constant 0 : i32
        %dma_wait3A_159 = tpu.memref_slice %arg8[%run_scoped3A, %dma_wait3A_157, %dma_wait3A_158] : memref<3x80x128xf32, #tpu.memory_space<vmem>> -> memref<1x72x128xf32, #tpu.memory_space<vmem>>
        %dma_wait3A_160 = tpu.memref_squeeze %dma_wait3A_159 : memref<1x72x128xf32, #tpu.memory_space<vmem>> -> memref<72x128xf32, #tpu.memory_space<vmem>>
        tpu.wait_dma2 semaphore(%run_scoped3A_137 : memref<!tpu.dma_semaphore, #tpu.memory_space<semaphore_mem>>) src(%dma_wait3A_160 : memref<72x128xf32, #tpu.memory_space<vmem>>) dst(%dma_wait3A_156 : memref<72x128xf32, #tpu.memory_space<vmem_shared>>)
        tpu.yield
      }) : () -> ()
    } else {
    }
    %eq3A = arith.constant 15 : i32
    %eq3A_50 = arith.cmpi eq, %arg1, %eq3A : i32
    %convert_element_type3A_51 = arith.extui %eq3A_50 : i1 to i32
    %cond3A_52 = arith.constant 0 : i32
    %cond3A_53 = arith.cmpi ne, %convert_element_type3A_51, %cond3A_52 : i32
    scf.if %cond3A_53 {
      %add3A = arith.constant 480 : i32
      %add3A_136 = arith.addi %mul3A_2, %add3A : i32
      %run_scoped3A = arith.constant 0 : i32
      "tpu.region"() ({
        %run_scoped3A_137 = tpu.sem_alloc : memref<!tpu.dma_semaphore, #tpu.memory_space<semaphore_mem>>
        %dma_start3A_138 = arith.constant 0 : i32
        %dma_start3A_139 = arith.constant 0 : i32
        %dma_start3A_140 = tpu.memref_slice %arg8[%run_scoped3A, %dma_start3A_138, %dma_start3A_139] : memref<3x80x128xf32, #tpu.memory_space<vmem>> -> memref<1x40x128xf32, #tpu.memory_space<vmem>>
        %dma_start3A_141 = tpu.memref_squeeze %dma_start3A_140 : memref<1x40x128xf32, #tpu.memory_space<vmem>> -> memref<40x128xf32, #tpu.memory_space<vmem>>
        %dma_start3A_142 = arith.constant 0 : i32
        %dma_start3A_143 = tpu.memref_slice %arg9[%add3A_136, %dma_start3A_142] : memref<10000x128xf32, #tpu.memory_space<vmem_shared>> -> memref<40x128xf32, #tpu.memory_space<vmem_shared>>
        %dma_start3A_144 = arith.constant 0 : i32
        %dma_start3A_145 = tpu.memref_slice %arg9[%add3A_136, %dma_start3A_144] : memref<10000x128xf32, #tpu.memory_space<vmem_shared>> -> memref<40x128xf32, #tpu.memory_space<vmem_shared>>
        %dma_start3A_146 = arith.constant 0 : i32
        %dma_start3A_147 = arith.constant 0 : i32
        %dma_start3A_148 = tpu.memref_slice %arg8[%run_scoped3A, %dma_start3A_146, %dma_start3A_147] : memref<3x80x128xf32, #tpu.memory_space<vmem>> -> memref<1x40x128xf32, #tpu.memory_space<vmem>>
        %dma_start3A_149 = tpu.memref_squeeze %dma_start3A_148 : memref<1x40x128xf32, #tpu.memory_space<vmem>> -> memref<40x128xf32, #tpu.memory_space<vmem>>
        tpu.enqueue_dma source(%dma_start3A_149 : memref<40x128xf32, #tpu.memory_space<vmem>>) target(%dma_start3A_145 : memref<40x128xf32, #tpu.memory_space<vmem_shared>>) target_semaphore(%run_scoped3A_137 : memref<!tpu.dma_semaphore, #tpu.memory_space<semaphore_mem>>)
        %dma_wait3A = arith.constant 0 : i32
        %dma_wait3A_150 = arith.constant 0 : i32
        %dma_wait3A_151 = tpu.memref_slice %arg8[%run_scoped3A, %dma_wait3A, %dma_wait3A_150] : memref<3x80x128xf32, #tpu.memory_space<vmem>> -> memref<1x40x128xf32, #tpu.memory_space<vmem>>
        %dma_wait3A_152 = tpu.memref_squeeze %dma_wait3A_151 : memref<1x40x128xf32, #tpu.memory_space<vmem>> -> memref<40x128xf32, #tpu.memory_space<vmem>>
        %dma_wait3A_153 = arith.constant 0 : i32
        %dma_wait3A_154 = tpu.memref_slice %arg9[%add3A_136, %dma_wait3A_153] : memref<10000x128xf32, #tpu.memory_space<vmem_shared>> -> memref<40x128xf32, #tpu.memory_space<vmem_shared>>
        %dma_wait3A_155 = arith.constant 0 : i32
        %dma_wait3A_156 = tpu.memref_slice %arg9[%add3A_136, %dma_wait3A_155] : memref<10000x128xf32, #tpu.memory_space<vmem_shared>> -> memref<40x128xf32, #tpu.memory_space<vmem_shared>>
        %dma_wait3A_157 = arith.constant 0 : i32
        %dma_wait3A_158 = arith.constant 0 : i32
        %dma_wait3A_159 = tpu.memref_slice %arg8[%run_scoped3A, %dma_wait3A_157, %dma_wait3A_158] : memref<3x80x128xf32, #tpu.memory_space<vmem>> -> memref<1x40x128xf32, #tpu.memory_space<vmem>>
        %dma_wait3A_160 = tpu.memref_squeeze %dma_wait3A_159 : memref<1x40x128xf32, #tpu.memory_space<vmem>> -> memref<40x128xf32, #tpu.memory_space<vmem>>
        tpu.wait_dma2 semaphore(%run_scoped3A_137 : memref<!tpu.dma_semaphore, #tpu.memory_space<semaphore_mem>>) src(%dma_wait3A_160 : memref<40x128xf32, #tpu.memory_space<vmem>>) dst(%dma_wait3A_156 : memref<40x128xf32, #tpu.memory_space<vmem_shared>>)
        tpu.yield
      }) : () -> ()
    } else {
    }
    %barrier3A = arith.constant 0 : index
    tpu.barrier barrier_id(%barrier3A)
    %dma_start3A = arith.constant 0 : i32
    %dma_start3A_54 = arith.constant 0 : i32
    %dma_start3A_55 = arith.constant 0 : i32
    %dma_start3A_56 = arith.constant 0 : i32
    %dma_start3A_57 = tpu.memref_slice %arg8[%dma_start3A, %dma_start3A_55, %dma_start3A_56] : memref<3x80x128xf32, #tpu.memory_space<vmem>> -> memref<1x80x128xf32, #tpu.memory_space<vmem>>
    %dma_start3A_58 = tpu.memref_squeeze %dma_start3A_57 : memref<1x80x128xf32, #tpu.memory_space<vmem>> -> memref<80x128xf32, #tpu.memory_space<vmem>>
    %dma_start3A_59 = arith.constant 0 : i32
    %dma_start3A_60 = tpu.memref_slice %arg6[%dma_start3A_59] : memref<10000xi32, #tpu.memory_space<vmem>> -> memref<80xi32, #tpu.memory_space<vmem>>
    %dma_start3A_61 = arith.constant 0 : i32
    %dma_start3A_62 = arith.constant 0 : i32
    %dma_start3A_63 = tpu.memref_slice %arg2[%dma_start3A_61, %dma_start3A_62] : memref<20000x128xf32, #tpu.memory_space<hbm>> -> memref<20000x128xf32, #tpu.memory_space<hbm>>
    %dma_start3A_64 = tpu.memref_slice %arg10[%dma_start3A_54] : memref<3x!tpu.dma_semaphore, #tpu.memory_space<semaphore_mem>> -> memref<1x!tpu.dma_semaphore, #tpu.memory_space<semaphore_mem>>
    %dma_start3A_65 = tpu.memref_squeeze %dma_start3A_64 : memref<1x!tpu.dma_semaphore, #tpu.memory_space<semaphore_mem>> -> memref<!tpu.dma_semaphore, #tpu.memory_space<semaphore_mem>>
    tpu.enqueue_indirect_dma source(%dma_start3A_63 : memref<20000x128xf32, #tpu.memory_space<hbm>>) target(%dma_start3A_58 : memref<80x128xf32, #tpu.memory_space<vmem>>) offsets(%dma_start3A_60 : memref<80xi32, #tpu.memory_space<vmem>>) semaphore(%dma_start3A_65 : memref<!tpu.dma_semaphore, #tpu.memory_space<semaphore_mem>>)
    %dma_start3A_66 = arith.constant 1 : i32
    %dma_start3A_67 = arith.constant 1 : i32
    %dma_start3A_68 = arith.constant 0 : i32
    %dma_start3A_69 = arith.constant 0 : i32
    %dma_start3A_70 = tpu.memref_slice %arg8[%dma_start3A_66, %dma_start3A_68, %dma_start3A_69] : memref<3x80x128xf32, #tpu.memory_space<vmem>> -> memref<1x80x128xf32, #tpu.memory_space<vmem>>
    %dma_start3A_71 = tpu.memref_squeeze %dma_start3A_70 : memref<1x80x128xf32, #tpu.memory_space<vmem>> -> memref<80x128xf32, #tpu.memory_space<vmem>>
    %dma_start3A_72 = arith.constant 80 : i32
    %dma_start3A_73 = tpu.memref_slice %arg6[%dma_start3A_72] : memref<10000xi32, #tpu.memory_space<vmem>> -> memref<80xi32, #tpu.memory_space<vmem>>
    %dma_start3A_74 = arith.constant 0 : i32
    %dma_start3A_75 = arith.constant 0 : i32
    %dma_start3A_76 = tpu.memref_slice %arg2[%dma_start3A_74, %dma_start3A_75] : memref<20000x128xf32, #tpu.memory_space<hbm>> -> memref<20000x128xf32, #tpu.memory_space<hbm>>
    %dma_start3A_77 = tpu.memref_slice %arg10[%dma_start3A_67] : memref<3x!tpu.dma_semaphore, #tpu.memory_space<semaphore_mem>> -> memref<1x!tpu.dma_semaphore, #tpu.memory_space<semaphore_mem>>
    %dma_start3A_78 = tpu.memref_squeeze %dma_start3A_77 : memref<1x!tpu.dma_semaphore, #tpu.memory_space<semaphore_mem>> -> memref<!tpu.dma_semaphore, #tpu.memory_space<semaphore_mem>>
    tpu.enqueue_indirect_dma source(%dma_start3A_76 : memref<20000x128xf32, #tpu.memory_space<hbm>>) target(%dma_start3A_71 : memref<80x128xf32, #tpu.memory_space<vmem>>) offsets(%dma_start3A_73 : memref<80xi32, #tpu.memory_space<vmem>>) semaphore(%dma_start3A_78 : memref<!tpu.dma_semaphore, #tpu.memory_space<semaphore_mem>>)
    %scan3A_79 = arith.constant 0 : i32
    %scan3A_80 = arith.constant 0 : i32
    %scan3A_81 = arith.constant 125 : i32
    %scan3A_82 = arith.addi %scan3A_80, %scan3A_81 : i32
    %scan3A_83 = arith.constant 1 : i32
    scf.for %scan3A_136 = %scan3A_80 to %scan3A_82 step %scan3A_83  : i32 {
      %add3A = arith.constant 2 : i32
      %add3A_137 = arith.addi %scan3A_136, %add3A : i32
      %lt3A_138 = arith.constant 125 : i32
      %lt3A_139 = arith.cmpi slt, %add3A_137, %lt3A_138 : i32
      %convert_element_type3A_140 = arith.extui %lt3A_139 : i1 to i32
      %cond3A_141 = arith.constant 0 : i32
      %cond3A_142 = arith.cmpi ne, %convert_element_type3A_140, %cond3A_141 : i32
      scf.if %cond3A_142 {
        %add3A_201 = arith.constant 2 : i32
        %add3A_202 = arith.addi %scan3A_136, %add3A_201 : i32
        %mul3A_203 = arith.constant 80 : i32
        %mul3A_204 = arith.muli %add3A_202, %mul3A_203 : i32
        %add3A_205 = arith.constant 2 : i32
        %add3A_206 = arith.addi %scan3A_136, %add3A_205 : i32
        %jit3A_207 = arith.constant 3 : i32
        %eq3A_208 = arith.constant 0 : i32
        %eq3A_209 = arith.cmpi eq, %jit3A_207, %eq3A_208 : i32
        %jit3A_210 = arith.constant 1 : i32
        %select_n3A_211 = arith.select %eq3A_209, %jit3A_210, %jit3A_207 : i32
        %rem3A_212 = arith.remsi %add3A_206, %select_n3A_211 : i32
        %ne3A_213 = arith.constant 0 : i32
        %ne3A_214 = arith.cmpi ne, %rem3A_212, %ne3A_213 : i32
        %lt3A_215 = arith.constant 0 : i32
        %lt3A_216 = arith.cmpi slt, %rem3A_212, %lt3A_215 : i32
        %lt3A_217 = arith.constant 0 : i32
        %lt3A_218 = arith.cmpi slt, %select_n3A_211, %lt3A_217 : i32
        %ne3A_219 = arith.xori %lt3A_216, %lt3A_218 : i1
        %and3A_220 = arith.andi %ne3A_219, %ne3A_214 : i1
        %add3A_221 = arith.addi %rem3A_212, %select_n3A_211 : i32
        %select_n3A_222 = arith.select %and3A_220, %add3A_221, %rem3A_212 : i32
        %add3A_223 = arith.constant 2 : i32
        %add3A_224 = arith.addi %scan3A_136, %add3A_223 : i32
        %jit3A_225 = arith.constant 3 : i32
        %eq3A_226 = arith.constant 0 : i32
        %eq3A_227 = arith.cmpi eq, %jit3A_225, %eq3A_226 : i32
        %jit3A_228 = arith.constant 1 : i32
        %select_n3A_229 = arith.select %eq3A_227, %jit3A_228, %jit3A_225 : i32
        %rem3A_230 = arith.remsi %add3A_224, %select_n3A_229 : i32
        %ne3A_231 = arith.constant 0 : i32
        %ne3A_232 = arith.cmpi ne, %rem3A_230, %ne3A_231 : i32
        %lt3A_233 = arith.constant 0 : i32
        %lt3A_234 = arith.cmpi slt, %rem3A_230, %lt3A_233 : i32
        %lt3A_235 = arith.constant 0 : i32
        %lt3A_236 = arith.cmpi slt, %select_n3A_229, %lt3A_235 : i32
        %ne3A_237 = arith.xori %lt3A_234, %lt3A_236 : i1
        %and3A_238 = arith.andi %ne3A_237, %ne3A_232 : i1
        %add3A_239 = arith.addi %rem3A_230, %select_n3A_229 : i32
        %select_n3A_240 = arith.select %and3A_238, %add3A_239, %rem3A_230 : i32
        %dma_start3A_241 = arith.constant 0 : i32
        %dma_start3A_242 = arith.constant 0 : i32
        %dma_start3A_243 = tpu.memref_slice %arg8[%select_n3A_222, %dma_start3A_241, %dma_start3A_242] : memref<3x80x128xf32, #tpu.memory_space<vmem>> -> memref<1x80x128xf32, #tpu.memory_space<vmem>>
        %dma_start3A_244 = tpu.memref_squeeze %dma_start3A_243 : memref<1x80x128xf32, #tpu.memory_space<vmem>> -> memref<80x128xf32, #tpu.memory_space<vmem>>
        %dma_start3A_245 = tpu.memref_slice %arg6[%mul3A_204] : memref<10000xi32, #tpu.memory_space<vmem>> -> memref<80xi32, #tpu.memory_space<vmem>>
        %dma_start3A_246 = arith.constant 0 : i32
        %dma_start3A_247 = arith.constant 0 : i32
        %dma_start3A_248 = tpu.memref_slice %arg2[%dma_start3A_246, %dma_start3A_247] : memref<20000x128xf32, #tpu.memory_space<hbm>> -> memref<20000x128xf32, #tpu.memory_space<hbm>>
        %dma_start3A_249 = tpu.memref_slice %arg10[%select_n3A_240] : memref<3x!tpu.dma_semaphore, #tpu.memory_space<semaphore_mem>> -> memref<1x!tpu.dma_semaphore, #tpu.memory_space<semaphore_mem>>
        %dma_start3A_250 = tpu.memref_squeeze %dma_start3A_249 : memref<1x!tpu.dma_semaphore, #tpu.memory_space<semaphore_mem>> -> memref<!tpu.dma_semaphore, #tpu.memory_space<semaphore_mem>>
        tpu.enqueue_indirect_dma source(%dma_start3A_248 : memref<20000x128xf32, #tpu.memory_space<hbm>>) target(%dma_start3A_244 : memref<80x128xf32, #tpu.memory_space<vmem>>) offsets(%dma_start3A_245 : memref<80xi32, #tpu.memory_space<vmem>>) semaphore(%dma_start3A_250 : memref<!tpu.dma_semaphore, #tpu.memory_space<semaphore_mem>>)
      } else {
      }
      %mul3A_143 = arith.constant 80 : i32
      %mul3A_144 = arith.muli %scan3A_136, %mul3A_143 : i32
      %jit3A_145 = arith.constant 3 : i32
      %eq3A_146 = arith.constant 0 : i32
      %eq3A_147 = arith.cmpi eq, %jit3A_145, %eq3A_146 : i32
      %jit3A_148 = arith.constant 1 : i32
      %select_n3A_149 = arith.select %eq3A_147, %jit3A_148, %jit3A_145 : i32
      %rem3A = arith.remsi %scan3A_136, %select_n3A_149 : i32
      %ne3A = arith.constant 0 : i32
      %ne3A_150 = arith.cmpi ne, %rem3A, %ne3A : i32
      %lt3A_151 = arith.constant 0 : i32
      %lt3A_152 = arith.cmpi slt, %rem3A, %lt3A_151 : i32
      %lt3A_153 = arith.constant 0 : i32
      %lt3A_154 = arith.cmpi slt, %select_n3A_149, %lt3A_153 : i32
      %ne3A_155 = arith.xori %lt3A_152, %lt3A_154 : i1
      %and3A = arith.andi %ne3A_155, %ne3A_150 : i1
      %add3A_156 = arith.addi %rem3A, %select_n3A_149 : i32
      %select_n3A_157 = arith.select %and3A, %add3A_156, %rem3A : i32
      %jit3A_158 = arith.constant 3 : i32
      %eq3A_159 = arith.constant 0 : i32
      %eq3A_160 = arith.cmpi eq, %jit3A_158, %eq3A_159 : i32
      %jit3A_161 = arith.constant 1 : i32
      %select_n3A_162 = arith.select %eq3A_160, %jit3A_161, %jit3A_158 : i32
      %rem3A_163 = arith.remsi %scan3A_136, %select_n3A_162 : i32
      %ne3A_164 = arith.constant 0 : i32
      %ne3A_165 = arith.cmpi ne, %rem3A_163, %ne3A_164 : i32
      %lt3A_166 = arith.constant 0 : i32
      %lt3A_167 = arith.cmpi slt, %rem3A_163, %lt3A_166 : i32
      %lt3A_168 = arith.constant 0 : i32
      %lt3A_169 = arith.cmpi slt, %select_n3A_162, %lt3A_168 : i32
      %ne3A_170 = arith.xori %lt3A_167, %lt3A_169 : i1
      %and3A_171 = arith.andi %ne3A_170, %ne3A_165 : i1
      %add3A_172 = arith.addi %rem3A_163, %select_n3A_162 : i32
      %select_n3A_173 = arith.select %and3A_171, %add3A_172, %rem3A_163 : i32
      %dma_wait3A = arith.constant 0 : i32
      %dma_wait3A_174 = arith.constant 0 : i32
      %dma_wait3A_175 = tpu.memref_slice %arg8[%select_n3A_157, %dma_wait3A, %dma_wait3A_174] : memref<3x80x128xf32, #tpu.memory_space<vmem>> -> memref<1x80x128xf32, #tpu.memory_space<vmem>>
      %dma_wait3A_176 = tpu.memref_squeeze %dma_wait3A_175 : memref<1x80x128xf32, #tpu.memory_space<vmem>> -> memref<80x128xf32, #tpu.memory_space<vmem>>
      %dma_wait3A_177 = tpu.memref_slice %arg6[%mul3A_144] : memref<10000xi32, #tpu.memory_space<vmem>> -> memref<80xi32, #tpu.memory_space<vmem>>
      %dma_wait3A_178 = arith.constant 0 : i32
      %dma_wait3A_179 = arith.constant 0 : i32
      %dma_wait3A_180 = tpu.memref_slice %arg2[%dma_wait3A_178, %dma_wait3A_179] : memref<20000x128xf32, #tpu.memory_space<hbm>> -> memref<20000x128xf32, #tpu.memory_space<hbm>>
      %dma_wait3A_181 = tpu.memref_slice %arg10[%select_n3A_173] : memref<3x!tpu.dma_semaphore, #tpu.memory_space<semaphore_mem>> -> memref<1x!tpu.dma_semaphore, #tpu.memory_space<semaphore_mem>>
      %dma_wait3A_182 = tpu.memref_squeeze %dma_wait3A_181 : memref<1x!tpu.dma_semaphore, #tpu.memory_space<semaphore_mem>> -> memref<!tpu.dma_semaphore, #tpu.memory_space<semaphore_mem>>
      tpu.wait_indirect_dma semaphore(%dma_wait3A_182 : memref<!tpu.dma_semaphore, #tpu.memory_space<semaphore_mem>>) src(%dma_wait3A_180 : memref<20000x128xf32, #tpu.memory_space<hbm>>) dst(%dma_wait3A_176 : memref<80x128xf32, #tpu.memory_space<vmem>>)
      %jit3A_183 = arith.constant 3 : i32
      %eq3A_184 = arith.constant 0 : i32
      %eq3A_185 = arith.cmpi eq, %jit3A_183, %eq3A_184 : i32
      %jit3A_186 = arith.constant 1 : i32
      %select_n3A_187 = arith.select %eq3A_185, %jit3A_186, %jit3A_183 : i32
      %rem3A_188 = arith.remsi %scan3A_136, %select_n3A_187 : i32
      %ne3A_189 = arith.constant 0 : i32
      %ne3A_190 = arith.cmpi ne, %rem3A_188, %ne3A_189 : i32
      %lt3A_191 = arith.constant 0 : i32
      %lt3A_192 = arith.cmpi slt, %rem3A_188, %lt3A_191 : i32
      %lt3A_193 = arith.constant 0 : i32
      %lt3A_194 = arith.cmpi slt, %select_n3A_187, %lt3A_193 : i32
      %ne3A_195 = arith.xori %lt3A_192, %lt3A_194 : i1
      %and3A_196 = arith.andi %ne3A_195, %ne3A_190 : i1
      %add3A_197 = arith.addi %rem3A_188, %select_n3A_187 : i32
      %select_n3A_198 = arith.select %and3A_196, %add3A_197, %rem3A_188 : i32
      %mul3A_199 = arith.constant 80 : i32
      %mul3A_200 = arith.muli %scan3A_136, %mul3A_199 : i32
      "tpu.region"() ({
        %run_scoped3A = tpu.sem_alloc : memref<!tpu.dma_semaphore, #tpu.memory_space<semaphore_mem>>
        %dma_start3A_201 = arith.constant 0 : i32
        %dma_start3A_202 = arith.constant 0 : i32
        %dma_start3A_203 = tpu.memref_slice %arg8[%select_n3A_198, %dma_start3A_201, %dma_start3A_202] : memref<3x80x128xf32, #tpu.memory_space<vmem>> -> memref<1x80x128xf32, #tpu.memory_space<vmem>>
        %dma_start3A_204 = tpu.memref_squeeze %dma_start3A_203 : memref<1x80x128xf32, #tpu.memory_space<vmem>> -> memref<80x128xf32, #tpu.memory_space<vmem>>
        %dma_start3A_205 = tpu.memref_slice %arg7[%mul3A_200] : memref<10000xi32, #tpu.memory_space<vmem>> -> memref<80xi32, #tpu.memory_space<vmem>>
        %dma_start3A_206 = arith.constant 0 : i32
        %dma_start3A_207 = arith.constant 0 : i32
        %dma_start3A_208 = tpu.memref_slice %arg9[%dma_start3A_206, %dma_start3A_207] : memref<10000x128xf32, #tpu.memory_space<vmem_shared>> -> memref<10000x128xf32, #tpu.memory_space<vmem_shared>>
        tpu.enqueue_indirect_dma source(%dma_start3A_204 : memref<80x128xf32, #tpu.memory_space<vmem>>) target(%dma_start3A_208 : memref<10000x128xf32, #tpu.memory_space<vmem_shared>>) offsets(%dma_start3A_205 : memref<80xi32, #tpu.memory_space<vmem>>) semaphore(%run_scoped3A : memref<!tpu.dma_semaphore, #tpu.memory_space<semaphore_mem>>) {add = true}
        %dma_wait3A_209 = arith.constant 0 : i32
        %dma_wait3A_210 = arith.constant 0 : i32
        %dma_wait3A_211 = tpu.memref_slice %arg8[%select_n3A_198, %dma_wait3A_209, %dma_wait3A_210] : memref<3x80x128xf32, #tpu.memory_space<vmem>> -> memref<1x80x128xf32, #tpu.memory_space<vmem>>
        %dma_wait3A_212 = tpu.memref_squeeze %dma_wait3A_211 : memref<1x80x128xf32, #tpu.memory_space<vmem>> -> memref<80x128xf32, #tpu.memory_space<vmem>>
        %dma_wait3A_213 = tpu.memref_slice %arg7[%mul3A_200] : memref<10000xi32, #tpu.memory_space<vmem>> -> memref<80xi32, #tpu.memory_space<vmem>>
        %dma_wait3A_214 = arith.constant 0 : i32
        %dma_wait3A_215 = arith.constant 0 : i32
        %dma_wait3A_216 = tpu.memref_slice %arg9[%dma_wait3A_214, %dma_wait3A_215] : memref<10000x128xf32, #tpu.memory_space<vmem_shared>> -> memref<10000x128xf32, #tpu.memory_space<vmem_shared>>
        tpu.wait_indirect_dma semaphore(%run_scoped3A : memref<!tpu.dma_semaphore, #tpu.memory_space<semaphore_mem>>) src(%dma_wait3A_212 : memref<80x128xf32, #tpu.memory_space<vmem>>) dst(%dma_wait3A_216 : memref<10000x128xf32, #tpu.memory_space<vmem_shared>>)
        tpu.yield
      }) : () -> ()
    }
    %scan3A_84 = arith.constant 125 : i32
    %barrier3A_85 = arith.constant 0 : index
    tpu.barrier barrier_id(%barrier3A_85)
    %ge3A_86 = arith.constant 80 : i32
    %ge3A_87 = arith.cmpi sge, %select_n3A, %ge3A_86 : i32
    %convert_element_type3A_88 = arith.extui %ge3A_87 : i1 to i32
    %cond3A_89 = arith.constant 0 : i32
    %cond3A_90 = arith.cmpi ne, %convert_element_type3A_88, %cond3A_89 : i32
    scf.if %cond3A_90 {
      %add3A = arith.constant 0 : i32
      %add3A_136 = arith.addi %mul3A_2, %add3A : i32
      %add3A_137 = arith.constant 0 : i32
      %add3A_138 = arith.addi %mul3A_2, %add3A_137 : i32
      "tpu.region"() ({
        %run_scoped3A = tpu.sem_alloc : memref<!tpu.dma_semaphore, #tpu.memory_space<semaphore_mem>>
        %dma_start3A_139 = arith.constant 0 : i32
        %dma_start3A_140 = tpu.memref_slice %arg5[%arg0, %add3A_138, %dma_start3A_139] : memref<2x10000x128xf32, #tpu.memory_space<hbm>> -> memref<1x80x128xf32, #tpu.memory_space<hbm>>
        %dma_start3A_141 = tpu.memref_squeeze %dma_start3A_140 : memref<1x80x128xf32, #tpu.memory_space<hbm>> -> memref<80x128xf32, #tpu.memory_space<hbm>>
        %dma_start3A_142 = arith.constant 0 : i32
        %dma_start3A_143 = tpu.memref_slice %arg9[%add3A_136, %dma_start3A_142] : memref<10000x128xf32, #tpu.memory_space<vmem_shared>> -> memref<80x128xf32, #tpu.memory_space<vmem_shared>>
        tpu.enqueue_dma source(%dma_start3A_143 : memref<80x128xf32, #tpu.memory_space<vmem_shared>>) target(%dma_start3A_141 : memref<80x128xf32, #tpu.memory_space<hbm>>) target_semaphore(%run_scoped3A : memref<!tpu.dma_semaphore, #tpu.memory_space<semaphore_mem>>)
        %dma_wait3A = arith.constant 0 : i32
        %dma_wait3A_144 = tpu.memref_slice %arg5[%arg0, %add3A_138, %dma_wait3A] : memref<2x10000x128xf32, #tpu.memory_space<hbm>> -> memref<1x80x128xf32, #tpu.memory_space<hbm>>
        %dma_wait3A_145 = tpu.memref_squeeze %dma_wait3A_144 : memref<1x80x128xf32, #tpu.memory_space<hbm>> -> memref<80x128xf32, #tpu.memory_space<hbm>>
        %dma_wait3A_146 = arith.constant 0 : i32
        %dma_wait3A_147 = tpu.memref_slice %arg9[%add3A_136, %dma_wait3A_146] : memref<10000x128xf32, #tpu.memory_space<vmem_shared>> -> memref<80x128xf32, #tpu.memory_space<vmem_shared>>
        tpu.wait_dma2 semaphore(%run_scoped3A : memref<!tpu.dma_semaphore, #tpu.memory_space<semaphore_mem>>) src(%dma_wait3A_147 : memref<80x128xf32, #tpu.memory_space<vmem_shared>>) dst(%dma_wait3A_145 : memref<80x128xf32, #tpu.memory_space<hbm>>)
        tpu.yield
      }) : () -> ()
    } else {
    }
    %ge3A_91 = arith.constant 160 : i32
    %ge3A_92 = arith.cmpi sge, %select_n3A, %ge3A_91 : i32
    %convert_element_type3A_93 = arith.extui %ge3A_92 : i1 to i32
    %cond3A_94 = arith.constant 0 : i32
    %cond3A_95 = arith.cmpi ne, %convert_element_type3A_93, %cond3A_94 : i32
    scf.if %cond3A_95 {
      %add3A = arith.constant 80 : i32
      %add3A_136 = arith.addi %mul3A_2, %add3A : i32
      %add3A_137 = arith.constant 80 : i32
      %add3A_138 = arith.addi %mul3A_2, %add3A_137 : i32
      "tpu.region"() ({
        %run_scoped3A = tpu.sem_alloc : memref<!tpu.dma_semaphore, #tpu.memory_space<semaphore_mem>>
        %dma_start3A_139 = arith.constant 0 : i32
        %dma_start3A_140 = tpu.memref_slice %arg5[%arg0, %add3A_138, %dma_start3A_139] : memref<2x10000x128xf32, #tpu.memory_space<hbm>> -> memref<1x80x128xf32, #tpu.memory_space<hbm>>
        %dma_start3A_141 = tpu.memref_squeeze %dma_start3A_140 : memref<1x80x128xf32, #tpu.memory_space<hbm>> -> memref<80x128xf32, #tpu.memory_space<hbm>>
        %dma_start3A_142 = arith.constant 0 : i32
        %dma_start3A_143 = tpu.memref_slice %arg9[%add3A_136, %dma_start3A_142] : memref<10000x128xf32, #tpu.memory_space<vmem_shared>> -> memref<80x128xf32, #tpu.memory_space<vmem_shared>>
        tpu.enqueue_dma source(%dma_start3A_143 : memref<80x128xf32, #tpu.memory_space<vmem_shared>>) target(%dma_start3A_141 : memref<80x128xf32, #tpu.memory_space<hbm>>) target_semaphore(%run_scoped3A : memref<!tpu.dma_semaphore, #tpu.memory_space<semaphore_mem>>)
        %dma_wait3A = arith.constant 0 : i32
        %dma_wait3A_144 = tpu.memref_slice %arg5[%arg0, %add3A_138, %dma_wait3A] : memref<2x10000x128xf32, #tpu.memory_space<hbm>> -> memref<1x80x128xf32, #tpu.memory_space<hbm>>
        %dma_wait3A_145 = tpu.memref_squeeze %dma_wait3A_144 : memref<1x80x128xf32, #tpu.memory_space<hbm>> -> memref<80x128xf32, #tpu.memory_space<hbm>>
        %dma_wait3A_146 = arith.constant 0 : i32
        %dma_wait3A_147 = tpu.memref_slice %arg9[%add3A_136, %dma_wait3A_146] : memref<10000x128xf32, #tpu.memory_space<vmem_shared>> -> memref<80x128xf32, #tpu.memory_space<vmem_shared>>
        tpu.wait_dma2 semaphore(%run_scoped3A : memref<!tpu.dma_semaphore, #tpu.memory_space<semaphore_mem>>) src(%dma_wait3A_147 : memref<80x128xf32, #tpu.memory_space<vmem_shared>>) dst(%dma_wait3A_145 : memref<80x128xf32, #tpu.memory_space<hbm>>)
        tpu.yield
      }) : () -> ()
    } else {
    }
    %ge3A_96 = arith.constant 240 : i32
    %ge3A_97 = arith.cmpi sge, %select_n3A, %ge3A_96 : i32
    %convert_element_type3A_98 = arith.extui %ge3A_97 : i1 to i32
    %cond3A_99 = arith.constant 0 : i32
    %cond3A_100 = arith.cmpi ne, %convert_element_type3A_98, %cond3A_99 : i32
    scf.if %cond3A_100 {
      %add3A = arith.constant 160 : i32
      %add3A_136 = arith.addi %mul3A_2, %add3A : i32
      %add3A_137 = arith.constant 160 : i32
      %add3A_138 = arith.addi %mul3A_2, %add3A_137 : i32
      "tpu.region"() ({
        %run_scoped3A = tpu.sem_alloc : memref<!tpu.dma_semaphore, #tpu.memory_space<semaphore_mem>>
        %dma_start3A_139 = arith.constant 0 : i32
        %dma_start3A_140 = tpu.memref_slice %arg5[%arg0, %add3A_138, %dma_start3A_139] : memref<2x10000x128xf32, #tpu.memory_space<hbm>> -> memref<1x80x128xf32, #tpu.memory_space<hbm>>
        %dma_start3A_141 = tpu.memref_squeeze %dma_start3A_140 : memref<1x80x128xf32, #tpu.memory_space<hbm>> -> memref<80x128xf32, #tpu.memory_space<hbm>>
        %dma_start3A_142 = arith.constant 0 : i32
        %dma_start3A_143 = tpu.memref_slice %arg9[%add3A_136, %dma_start3A_142] : memref<10000x128xf32, #tpu.memory_space<vmem_shared>> -> memref<80x128xf32, #tpu.memory_space<vmem_shared>>
        tpu.enqueue_dma source(%dma_start3A_143 : memref<80x128xf32, #tpu.memory_space<vmem_shared>>) target(%dma_start3A_141 : memref<80x128xf32, #tpu.memory_space<hbm>>) target_semaphore(%run_scoped3A : memref<!tpu.dma_semaphore, #tpu.memory_space<semaphore_mem>>)
        %dma_wait3A = arith.constant 0 : i32
        %dma_wait3A_144 = tpu.memref_slice %arg5[%arg0, %add3A_138, %dma_wait3A] : memref<2x10000x128xf32, #tpu.memory_space<hbm>> -> memref<1x80x128xf32, #tpu.memory_space<hbm>>
        %dma_wait3A_145 = tpu.memref_squeeze %dma_wait3A_144 : memref<1x80x128xf32, #tpu.memory_space<hbm>> -> memref<80x128xf32, #tpu.memory_space<hbm>>
        %dma_wait3A_146 = arith.constant 0 : i32
        %dma_wait3A_147 = tpu.memref_slice %arg9[%add3A_136, %dma_wait3A_146] : memref<10000x128xf32, #tpu.memory_space<vmem_shared>> -> memref<80x128xf32, #tpu.memory_space<vmem_shared>>
        tpu.wait_dma2 semaphore(%run_scoped3A : memref<!tpu.dma_semaphore, #tpu.memory_space<semaphore_mem>>) src(%dma_wait3A_147 : memref<80x128xf32, #tpu.memory_space<vmem_shared>>) dst(%dma_wait3A_145 : memref<80x128xf32, #tpu.memory_space<hbm>>)
        tpu.yield
      }) : () -> ()
    } else {
    }
    %ge3A_101 = arith.constant 320 : i32
    %ge3A_102 = arith.cmpi sge, %select_n3A, %ge3A_101 : i32
    %convert_element_type3A_103 = arith.extui %ge3A_102 : i1 to i32
    %cond3A_104 = arith.constant 0 : i32
    %cond3A_105 = arith.cmpi ne, %convert_element_type3A_103, %cond3A_104 : i32
    scf.if %cond3A_105 {
      %add3A = arith.constant 240 : i32
      %add3A_136 = arith.addi %mul3A_2, %add3A : i32
      %add3A_137 = arith.constant 240 : i32
      %add3A_138 = arith.addi %mul3A_2, %add3A_137 : i32
      "tpu.region"() ({
        %run_scoped3A = tpu.sem_alloc : memref<!tpu.dma_semaphore, #tpu.memory_space<semaphore_mem>>
        %dma_start3A_139 = arith.constant 0 : i32
        %dma_start3A_140 = tpu.memref_slice %arg5[%arg0, %add3A_138, %dma_start3A_139] : memref<2x10000x128xf32, #tpu.memory_space<hbm>> -> memref<1x80x128xf32, #tpu.memory_space<hbm>>
        %dma_start3A_141 = tpu.memref_squeeze %dma_start3A_140 : memref<1x80x128xf32, #tpu.memory_space<hbm>> -> memref<80x128xf32, #tpu.memory_space<hbm>>
        %dma_start3A_142 = arith.constant 0 : i32
        %dma_start3A_143 = tpu.memref_slice %arg9[%add3A_136, %dma_start3A_142] : memref<10000x128xf32, #tpu.memory_space<vmem_shared>> -> memref<80x128xf32, #tpu.memory_space<vmem_shared>>
        tpu.enqueue_dma source(%dma_start3A_143 : memref<80x128xf32, #tpu.memory_space<vmem_shared>>) target(%dma_start3A_141 : memref<80x128xf32, #tpu.memory_space<hbm>>) target_semaphore(%run_scoped3A : memref<!tpu.dma_semaphore, #tpu.memory_space<semaphore_mem>>)
        %dma_wait3A = arith.constant 0 : i32
        %dma_wait3A_144 = tpu.memref_slice %arg5[%arg0, %add3A_138, %dma_wait3A] : memref<2x10000x128xf32, #tpu.memory_space<hbm>> -> memref<1x80x128xf32, #tpu.memory_space<hbm>>
        %dma_wait3A_145 = tpu.memref_squeeze %dma_wait3A_144 : memref<1x80x128xf32, #tpu.memory_space<hbm>> -> memref<80x128xf32, #tpu.memory_space<hbm>>
        %dma_wait3A_146 = arith.constant 0 : i32
        %dma_wait3A_147 = tpu.memref_slice %arg9[%add3A_136, %dma_wait3A_146] : memref<10000x128xf32, #tpu.memory_space<vmem_shared>> -> memref<80x128xf32, #tpu.memory_space<vmem_shared>>
        tpu.wait_dma2 semaphore(%run_scoped3A : memref<!tpu.dma_semaphore, #tpu.memory_space<semaphore_mem>>) src(%dma_wait3A_147 : memref<80x128xf32, #tpu.memory_space<vmem_shared>>) dst(%dma_wait3A_145 : memref<80x128xf32, #tpu.memory_space<hbm>>)
        tpu.yield
      }) : () -> ()
    } else {
    }
    %ge3A_106 = arith.constant 400 : i32
    %ge3A_107 = arith.cmpi sge, %select_n3A, %ge3A_106 : i32
    %convert_element_type3A_108 = arith.extui %ge3A_107 : i1 to i32
    %cond3A_109 = arith.constant 0 : i32
    %cond3A_110 = arith.cmpi ne, %convert_element_type3A_108, %cond3A_109 : i32
    scf.if %cond3A_110 {
      %add3A = arith.constant 320 : i32
      %add3A_136 = arith.addi %mul3A_2, %add3A : i32
      %add3A_137 = arith.constant 320 : i32
      %add3A_138 = arith.addi %mul3A_2, %add3A_137 : i32
      "tpu.region"() ({
        %run_scoped3A = tpu.sem_alloc : memref<!tpu.dma_semaphore, #tpu.memory_space<semaphore_mem>>
        %dma_start3A_139 = arith.constant 0 : i32
        %dma_start3A_140 = tpu.memref_slice %arg5[%arg0, %add3A_138, %dma_start3A_139] : memref<2x10000x128xf32, #tpu.memory_space<hbm>> -> memref<1x80x128xf32, #tpu.memory_space<hbm>>
        %dma_start3A_141 = tpu.memref_squeeze %dma_start3A_140 : memref<1x80x128xf32, #tpu.memory_space<hbm>> -> memref<80x128xf32, #tpu.memory_space<hbm>>
        %dma_start3A_142 = arith.constant 0 : i32
        %dma_start3A_143 = tpu.memref_slice %arg9[%add3A_136, %dma_start3A_142] : memref<10000x128xf32, #tpu.memory_space<vmem_shared>> -> memref<80x128xf32, #tpu.memory_space<vmem_shared>>
        tpu.enqueue_dma source(%dma_start3A_143 : memref<80x128xf32, #tpu.memory_space<vmem_shared>>) target(%dma_start3A_141 : memref<80x128xf32, #tpu.memory_space<hbm>>) target_semaphore(%run_scoped3A : memref<!tpu.dma_semaphore, #tpu.memory_space<semaphore_mem>>)
        %dma_wait3A = arith.constant 0 : i32
        %dma_wait3A_144 = tpu.memref_slice %arg5[%arg0, %add3A_138, %dma_wait3A] : memref<2x10000x128xf32, #tpu.memory_space<hbm>> -> memref<1x80x128xf32, #tpu.memory_space<hbm>>
        %dma_wait3A_145 = tpu.memref_squeeze %dma_wait3A_144 : memref<1x80x128xf32, #tpu.memory_space<hbm>> -> memref<80x128xf32, #tpu.memory_space<hbm>>
        %dma_wait3A_146 = arith.constant 0 : i32
        %dma_wait3A_147 = tpu.memref_slice %arg9[%add3A_136, %dma_wait3A_146] : memref<10000x128xf32, #tpu.memory_space<vmem_shared>> -> memref<80x128xf32, #tpu.memory_space<vmem_shared>>
        tpu.wait_dma2 semaphore(%run_scoped3A : memref<!tpu.dma_semaphore, #tpu.memory_space<semaphore_mem>>) src(%dma_wait3A_147 : memref<80x128xf32, #tpu.memory_space<vmem_shared>>) dst(%dma_wait3A_145 : memref<80x128xf32, #tpu.memory_space<hbm>>)
        tpu.yield
      }) : () -> ()
    } else {
    }
    %ge3A_111 = arith.constant 480 : i32
    %ge3A_112 = arith.cmpi sge, %select_n3A, %ge3A_111 : i32
    %convert_element_type3A_113 = arith.extui %ge3A_112 : i1 to i32
    %cond3A_114 = arith.constant 0 : i32
    %cond3A_115 = arith.cmpi ne, %convert_element_type3A_113, %cond3A_114 : i32
    scf.if %cond3A_115 {
      %add3A = arith.constant 400 : i32
      %add3A_136 = arith.addi %mul3A_2, %add3A : i32
      %add3A_137 = arith.constant 400 : i32
      %add3A_138 = arith.addi %mul3A_2, %add3A_137 : i32
      "tpu.region"() ({
        %run_scoped3A = tpu.sem_alloc : memref<!tpu.dma_semaphore, #tpu.memory_space<semaphore_mem>>
        %dma_start3A_139 = arith.constant 0 : i32
        %dma_start3A_140 = tpu.memref_slice %arg5[%arg0, %add3A_138, %dma_start3A_139] : memref<2x10000x128xf32, #tpu.memory_space<hbm>> -> memref<1x80x128xf32, #tpu.memory_space<hbm>>
        %dma_start3A_141 = tpu.memref_squeeze %dma_start3A_140 : memref<1x80x128xf32, #tpu.memory_space<hbm>> -> memref<80x128xf32, #tpu.memory_space<hbm>>
        %dma_start3A_142 = arith.constant 0 : i32
        %dma_start3A_143 = tpu.memref_slice %arg9[%add3A_136, %dma_start3A_142] : memref<10000x128xf32, #tpu.memory_space<vmem_shared>> -> memref<80x128xf32, #tpu.memory_space<vmem_shared>>
        tpu.enqueue_dma source(%dma_start3A_143 : memref<80x128xf32, #tpu.memory_space<vmem_shared>>) target(%dma_start3A_141 : memref<80x128xf32, #tpu.memory_space<hbm>>) target_semaphore(%run_scoped3A : memref<!tpu.dma_semaphore, #tpu.memory_space<semaphore_mem>>)
        %dma_wait3A = arith.constant 0 : i32
        %dma_wait3A_144 = tpu.memref_slice %arg5[%arg0, %add3A_138, %dma_wait3A] : memref<2x10000x128xf32, #tpu.memory_space<hbm>> -> memref<1x80x128xf32, #tpu.memory_space<hbm>>
        %dma_wait3A_145 = tpu.memref_squeeze %dma_wait3A_144 : memref<1x80x128xf32, #tpu.memory_space<hbm>> -> memref<80x128xf32, #tpu.memory_space<hbm>>
        %dma_wait3A_146 = arith.constant 0 : i32
        %dma_wait3A_147 = tpu.memref_slice %arg9[%add3A_136, %dma_wait3A_146] : memref<10000x128xf32, #tpu.memory_space<vmem_shared>> -> memref<80x128xf32, #tpu.memory_space<vmem_shared>>
        tpu.wait_dma2 semaphore(%run_scoped3A : memref<!tpu.dma_semaphore, #tpu.memory_space<semaphore_mem>>) src(%dma_wait3A_147 : memref<80x128xf32, #tpu.memory_space<vmem_shared>>) dst(%dma_wait3A_145 : memref<80x128xf32, #tpu.memory_space<hbm>>)
        tpu.yield
      }) : () -> ()
    } else {
    }
    %ge3A_116 = arith.constant 560 : i32
    %ge3A_117 = arith.cmpi sge, %select_n3A, %ge3A_116 : i32
    %convert_element_type3A_118 = arith.extui %ge3A_117 : i1 to i32
    %cond3A_119 = arith.constant 0 : i32
    %cond3A_120 = arith.cmpi ne, %convert_element_type3A_118, %cond3A_119 : i32
    scf.if %cond3A_120 {
      %add3A = arith.constant 480 : i32
      %add3A_136 = arith.addi %mul3A_2, %add3A : i32
      %add3A_137 = arith.constant 480 : i32
      %add3A_138 = arith.addi %mul3A_2, %add3A_137 : i32
      "tpu.region"() ({
        %run_scoped3A = tpu.sem_alloc : memref<!tpu.dma_semaphore, #tpu.memory_space<semaphore_mem>>
        %dma_start3A_139 = arith.constant 0 : i32
        %dma_start3A_140 = tpu.memref_slice %arg5[%arg0, %add3A_138, %dma_start3A_139] : memref<2x10000x128xf32, #tpu.memory_space<hbm>> -> memref<1x80x128xf32, #tpu.memory_space<hbm>>
        %dma_start3A_141 = tpu.memref_squeeze %dma_start3A_140 : memref<1x80x128xf32, #tpu.memory_space<hbm>> -> memref<80x128xf32, #tpu.memory_space<hbm>>
        %dma_start3A_142 = arith.constant 0 : i32
        %dma_start3A_143 = tpu.memref_slice %arg9[%add3A_136, %dma_start3A_142] : memref<10000x128xf32, #tpu.memory_space<vmem_shared>> -> memref<80x128xf32, #tpu.memory_space<vmem_shared>>
        tpu.enqueue_dma source(%dma_start3A_143 : memref<80x128xf32, #tpu.memory_space<vmem_shared>>) target(%dma_start3A_141 : memref<80x128xf32, #tpu.memory_space<hbm>>) target_semaphore(%run_scoped3A : memref<!tpu.dma_semaphore, #tpu.memory_space<semaphore_mem>>)
        %dma_wait3A = arith.constant 0 : i32
        %dma_wait3A_144 = tpu.memref_slice %arg5[%arg0, %add3A_138, %dma_wait3A] : memref<2x10000x128xf32, #tpu.memory_space<hbm>> -> memref<1x80x128xf32, #tpu.memory_space<hbm>>
        %dma_wait3A_145 = tpu.memref_squeeze %dma_wait3A_144 : memref<1x80x128xf32, #tpu.memory_space<hbm>> -> memref<80x128xf32, #tpu.memory_space<hbm>>
        %dma_wait3A_146 = arith.constant 0 : i32
        %dma_wait3A_147 = tpu.memref_slice %arg9[%add3A_136, %dma_wait3A_146] : memref<10000x128xf32, #tpu.memory_space<vmem_shared>> -> memref<80x128xf32, #tpu.memory_space<vmem_shared>>
        tpu.wait_dma2 semaphore(%run_scoped3A : memref<!tpu.dma_semaphore, #tpu.memory_space<semaphore_mem>>) src(%dma_wait3A_147 : memref<80x128xf32, #tpu.memory_space<vmem_shared>>) dst(%dma_wait3A_145 : memref<80x128xf32, #tpu.memory_space<hbm>>)
        tpu.yield
      }) : () -> ()
    } else {
    }
    %ge3A_121 = arith.constant 640 : i32
    %ge3A_122 = arith.cmpi sge, %select_n3A, %ge3A_121 : i32
    %convert_element_type3A_123 = arith.extui %ge3A_122 : i1 to i32
    %cond3A_124 = arith.constant 0 : i32
    %cond3A_125 = arith.cmpi ne, %convert_element_type3A_123, %cond3A_124 : i32
    scf.if %cond3A_125 {
      %add3A = arith.constant 560 : i32
      %add3A_136 = arith.addi %mul3A_2, %add3A : i32
      %add3A_137 = arith.constant 560 : i32
      %add3A_138 = arith.addi %mul3A_2, %add3A_137 : i32
      "tpu.region"() ({
        %run_scoped3A = tpu.sem_alloc : memref<!tpu.dma_semaphore, #tpu.memory_space<semaphore_mem>>
        %dma_start3A_139 = arith.constant 0 : i32
        %dma_start3A_140 = tpu.memref_slice %arg5[%arg0, %add3A_138, %dma_start3A_139] : memref<2x10000x128xf32, #tpu.memory_space<hbm>> -> memref<1x80x128xf32, #tpu.memory_space<hbm>>
        %dma_start3A_141 = tpu.memref_squeeze %dma_start3A_140 : memref<1x80x128xf32, #tpu.memory_space<hbm>> -> memref<80x128xf32, #tpu.memory_space<hbm>>
        %dma_start3A_142 = arith.constant 0 : i32
        %dma_start3A_143 = tpu.memref_slice %arg9[%add3A_136, %dma_start3A_142] : memref<10000x128xf32, #tpu.memory_space<vmem_shared>> -> memref<80x128xf32, #tpu.memory_space<vmem_shared>>
        tpu.enqueue_dma source(%dma_start3A_143 : memref<80x128xf32, #tpu.memory_space<vmem_shared>>) target(%dma_start3A_141 : memref<80x128xf32, #tpu.memory_space<hbm>>) target_semaphore(%run_scoped3A : memref<!tpu.dma_semaphore, #tpu.memory_space<semaphore_mem>>)
        %dma_wait3A = arith.constant 0 : i32
        %dma_wait3A_144 = tpu.memref_slice %arg5[%arg0, %add3A_138, %dma_wait3A] : memref<2x10000x128xf32, #tpu.memory_space<hbm>> -> memref<1x80x128xf32, #tpu.memory_space<hbm>>
        %dma_wait3A_145 = tpu.memref_squeeze %dma_wait3A_144 : memref<1x80x128xf32, #tpu.memory_space<hbm>> -> memref<80x128xf32, #tpu.memory_space<hbm>>
        %dma_wait3A_146 = arith.constant 0 : i32
        %dma_wait3A_147 = tpu.memref_slice %arg9[%add3A_136, %dma_wait3A_146] : memref<10000x128xf32, #tpu.memory_space<vmem_shared>> -> memref<80x128xf32, #tpu.memory_space<vmem_shared>>
        tpu.wait_dma2 semaphore(%run_scoped3A : memref<!tpu.dma_semaphore, #tpu.memory_space<semaphore_mem>>) src(%dma_wait3A_147 : memref<80x128xf32, #tpu.memory_space<vmem_shared>>) dst(%dma_wait3A_145 : memref<80x128xf32, #tpu.memory_space<hbm>>)
        tpu.yield
      }) : () -> ()
    } else {
    }
    %lt3A_126 = arith.constant 15 : i32
    %lt3A_127 = arith.cmpi slt, %arg1, %lt3A_126 : i32
    %convert_element_type3A_128 = arith.extui %lt3A_127 : i1 to i32
    %cond3A_129 = arith.constant 0 : i32
    %cond3A_130 = arith.cmpi ne, %convert_element_type3A_128, %cond3A_129 : i32
    scf.if %cond3A_130 {
      %add3A = arith.constant 560 : i32
      %add3A_136 = arith.addi %mul3A_2, %add3A : i32
      %add3A_137 = arith.constant 560 : i32
      %add3A_138 = arith.addi %mul3A_2, %add3A_137 : i32
      "tpu.region"() ({
        %run_scoped3A = tpu.sem_alloc : memref<!tpu.dma_semaphore, #tpu.memory_space<semaphore_mem>>
        %dma_start3A_139 = arith.constant 0 : i32
        %dma_start3A_140 = tpu.memref_slice %arg5[%arg0, %add3A_138, %dma_start3A_139] : memref<2x10000x128xf32, #tpu.memory_space<hbm>> -> memref<1x72x128xf32, #tpu.memory_space<hbm>>
        %dma_start3A_141 = tpu.memref_squeeze %dma_start3A_140 : memref<1x72x128xf32, #tpu.memory_space<hbm>> -> memref<72x128xf32, #tpu.memory_space<hbm>>
        %dma_start3A_142 = arith.constant 0 : i32
        %dma_start3A_143 = tpu.memref_slice %arg9[%add3A_136, %dma_start3A_142] : memref<10000x128xf32, #tpu.memory_space<vmem_shared>> -> memref<72x128xf32, #tpu.memory_space<vmem_shared>>
        tpu.enqueue_dma source(%dma_start3A_143 : memref<72x128xf32, #tpu.memory_space<vmem_shared>>) target(%dma_start3A_141 : memref<72x128xf32, #tpu.memory_space<hbm>>) target_semaphore(%run_scoped3A : memref<!tpu.dma_semaphore, #tpu.memory_space<semaphore_mem>>)
        %dma_wait3A = arith.constant 0 : i32
        %dma_wait3A_144 = tpu.memref_slice %arg5[%arg0, %add3A_138, %dma_wait3A] : memref<2x10000x128xf32, #tpu.memory_space<hbm>> -> memref<1x72x128xf32, #tpu.memory_space<hbm>>
        %dma_wait3A_145 = tpu.memref_squeeze %dma_wait3A_144 : memref<1x72x128xf32, #tpu.memory_space<hbm>> -> memref<72x128xf32, #tpu.memory_space<hbm>>
        %dma_wait3A_146 = arith.constant 0 : i32
        %dma_wait3A_147 = tpu.memref_slice %arg9[%add3A_136, %dma_wait3A_146] : memref<10000x128xf32, #tpu.memory_space<vmem_shared>> -> memref<72x128xf32, #tpu.memory_space<vmem_shared>>
        tpu.wait_dma2 semaphore(%run_scoped3A : memref<!tpu.dma_semaphore, #tpu.memory_space<semaphore_mem>>) src(%dma_wait3A_147 : memref<72x128xf32, #tpu.memory_space<vmem_shared>>) dst(%dma_wait3A_145 : memref<72x128xf32, #tpu.memory_space<hbm>>)
        tpu.yield
      }) : () -> ()
    } else {
    }
    %eq3A_131 = arith.constant 15 : i32
    %eq3A_132 = arith.cmpi eq, %arg1, %eq3A_131 : i32
    %convert_element_type3A_133 = arith.extui %eq3A_132 : i1 to i32
    %cond3A_134 = arith.constant 0 : i32
    %cond3A_135 = arith.cmpi ne, %convert_element_type3A_133, %cond3A_134 : i32
    scf.if %cond3A_135 {
      %add3A = arith.constant 480 : i32
      %add3A_136 = arith.addi %mul3A_2, %add3A : i32
      %add3A_137 = arith.constant 480 : i32
      %add3A_138 = arith.addi %mul3A_2, %add3A_137 : i32
      "tpu.region"() ({
        %run_scoped3A = tpu.sem_alloc : memref<!tpu.dma_semaphore, #tpu.memory_space<semaphore_mem>>
        %dma_start3A_139 = arith.constant 0 : i32
        %dma_start3A_140 = tpu.memref_slice %arg5[%arg0, %add3A_138, %dma_start3A_139] : memref<2x10000x128xf32, #tpu.memory_space<hbm>> -> memref<1x40x128xf32, #tpu.memory_space<hbm>>
        %dma_start3A_141 = tpu.memref_squeeze %dma_start3A_140 : memref<1x40x128xf32, #tpu.memory_space<hbm>> -> memref<40x128xf32, #tpu.memory_space<hbm>>
        %dma_start3A_142 = arith.constant 0 : i32
        %dma_start3A_143 = tpu.memref_slice %arg9[%add3A_136, %dma_start3A_142] : memref<10000x128xf32, #tpu.memory_space<vmem_shared>> -> memref<40x128xf32, #tpu.memory_space<vmem_shared>>
        tpu.enqueue_dma source(%dma_start3A_143 : memref<40x128xf32, #tpu.memory_space<vmem_shared>>) target(%dma_start3A_141 : memref<40x128xf32, #tpu.memory_space<hbm>>) target_semaphore(%run_scoped3A : memref<!tpu.dma_semaphore, #tpu.memory_space<semaphore_mem>>)
        %dma_wait3A = arith.constant 0 : i32
        %dma_wait3A_144 = tpu.memref_slice %arg5[%arg0, %add3A_138, %dma_wait3A] : memref<2x10000x128xf32, #tpu.memory_space<hbm>> -> memref<1x40x128xf32, #tpu.memory_space<hbm>>
        %dma_wait3A_145 = tpu.memref_squeeze %dma_wait3A_144 : memref<1x40x128xf32, #tpu.memory_space<hbm>> -> memref<40x128xf32, #tpu.memory_space<hbm>>
        %dma_wait3A_146 = arith.constant 0 : i32
        %dma_wait3A_147 = tpu.memref_slice %arg9[%add3A_136, %dma_wait3A_146] : memref<10000x128xf32, #tpu.memory_space<vmem_shared>> -> memref<40x128xf32, #tpu.memory_space<vmem_shared>>
        tpu.wait_dma2 semaphore(%run_scoped3A : memref<!tpu.dma_semaphore, #tpu.memory_space<semaphore_mem>>) src(%dma_wait3A_147 : memref<40x128xf32, #tpu.memory_space<vmem_shared>>) dst(%dma_wait3A_145 : memref<40x128xf32, #tpu.memory_space<hbm>>)
        tpu.yield
      }) : () -> ()
    } else {
    }
    return
  }
}

module attributes {stable_mosaic.version = 14 : i64} {
  func.func @_mlp_body(%arg0: i32, %arg1: memref<1000x256xf32, #tpu.memory_space<vmem>>, %arg2: memref<2x1000x128xf32, #tpu.memory_space<vmem>>, %arg3: memref<256x256xf32, #tpu.memory_space<vmem>>, %arg4: memref<1x256xf32, #tpu.memory_space<vmem>>, %arg5: memref<256x256xf32, #tpu.memory_space<vmem>>, %arg6: memref<1x256xf32, #tpu.memory_space<vmem>>, %arg7: memref<1x256xf32, #tpu.memory_space<vmem>>, %arg8: memref<1x256xf32, #tpu.memory_space<vmem>>, %arg9: memref<1000x256xf32, #tpu.memory_space<vmem>>) attributes {dimension_semantics = [#tpu.dimension_semantics<arbitrary>], iteration_bounds = array<i64: 10>, scalar_prefetch = 0 : i64, scratch_operands = 0 : i64, tpu.core_type = #tpu.core_type<tc>, window_params = [{transform_indices = @transform_0, window_bounds = array<i64: 1000, 256>}, {transform_indices = @transform_1, window_bounds = array<i64: 2, 1000, 128>}, {pipeline_mode = #tpu.pipeline_mode<synchronous>, transform_indices = @transform_2, window_bounds = array<i64: 256, 256>}, {pipeline_mode = #tpu.pipeline_mode<synchronous>, transform_indices = @transform_3, window_bounds = array<i64: 1, 256>}, {pipeline_mode = #tpu.pipeline_mode<synchronous>, transform_indices = @transform_4, window_bounds = array<i64: 256, 256>}, {pipeline_mode = #tpu.pipeline_mode<synchronous>, transform_indices = @transform_5, window_bounds = array<i64: 1, 256>}, {pipeline_mode = #tpu.pipeline_mode<synchronous>, transform_indices = @transform_6, window_bounds = array<i64: 1, 256>}, {pipeline_mode = #tpu.pipeline_mode<synchronous>, transform_indices = @transform_7, window_bounds = array<i64: 1, 256>}, {transform_indices = @transform_8, window_bounds = array<i64: 1000, 256>}]} {
    %get3A = arith.constant 0 : index
    %get3A_0 = arith.constant 0 : index
    %get3A_1 = vector.load %arg1[%get3A, %get3A_0] : memref<1000x256xf32, #tpu.memory_space<vmem>>, vector<1000x256xf32>
    %get3A_2 = arith.constant 0 : index
    %get3A_3 = arith.constant 0 : index
    %get3A_4 = arith.constant 0 : index
    %get3A_5 = vector.load %arg2[%get3A_2, %get3A_3, %get3A_4] : memref<2x1000x128xf32, #tpu.memory_space<vmem>>, vector<1x1000x128xf32>
    %get3A_6 = vector.shape_cast %get3A_5 : vector<1x1000x128xf32> to vector<1000x128xf32>
    %get3A_7 = arith.constant 1 : index
    %get3A_8 = arith.constant 0 : index
    %get3A_9 = arith.constant 0 : index
    %get3A_10 = vector.load %arg2[%get3A_7, %get3A_8, %get3A_9] : memref<2x1000x128xf32, #tpu.memory_space<vmem>>, vector<1x1000x128xf32>
    %get3A_11 = vector.shape_cast %get3A_10 : vector<1x1000x128xf32> to vector<1000x128xf32>
    %concatenate3A = tpu.concatenate %get3A_6, %get3A_11 in 1 : vector<1000x128xf32>, vector<1000x128xf32> -> vector<1000x256xf32>
    %add3A = arith.addf %get3A_1, %concatenate3A : vector<1000x256xf32>
    %get3A_12 = arith.constant 0 : index
    %get3A_13 = arith.constant 0 : index
    %get3A_14 = vector.load %arg3[%get3A_12, %get3A_13] : memref<256x256xf32, #tpu.memory_space<vmem>>, vector<256x256xf32>
    %dot_general3A = arith.constant dense<0.000000e+00> : vector<1000x256xf32>
    %dot_general3A_15 = tpu.matmul %add3A, %get3A_14, %dot_general3A {dimension_numbers = #tpu.dot_dimension_numbers<[1], [0], [0], [1], [0, 0, 1, 1], [], []>, transpose_lhs_hint = false} : vector<1000x256xf32>, vector<256x256xf32>, vector<1000x256xf32> -> vector<1000x256xf32>
    %get3A_16 = arith.constant 0 : index
    %get3A_17 = arith.constant 0 : index
    %get3A_18 = vector.load %arg4[%get3A_16, %get3A_17] : memref<1x256xf32, #tpu.memory_space<vmem>>, vector<1x256xf32>
    %add3A_19 = vector.broadcast %get3A_18 : vector<1x256xf32> to vector<1000x256xf32>
    %add3A_20 = arith.addf %dot_general3A_15, %add3A_19 : vector<1000x256xf32>
    %max3A = arith.constant 0.000000e+00 : f32
    %max3A_21 = vector.broadcast %max3A : f32 to vector<1000x256xf32>
    %max3A_22 = arith.maximumf %add3A_20, %max3A_21 : vector<1000x256xf32>
    %get3A_23 = arith.constant 0 : index
    %get3A_24 = arith.constant 0 : index
    %get3A_25 = vector.load %arg5[%get3A_23, %get3A_24] : memref<256x256xf32, #tpu.memory_space<vmem>>, vector<256x256xf32>
    %dot_general3A_26 = arith.constant dense<0.000000e+00> : vector<1000x256xf32>
    %dot_general3A_27 = tpu.matmul %max3A_22, %get3A_25, %dot_general3A_26 {dimension_numbers = #tpu.dot_dimension_numbers<[1], [0], [0], [1], [0, 0, 1, 1], [], []>, transpose_lhs_hint = false} : vector<1000x256xf32>, vector<256x256xf32>, vector<1000x256xf32> -> vector<1000x256xf32>
    %get3A_28 = arith.constant 0 : index
    %get3A_29 = arith.constant 0 : index
    %get3A_30 = vector.load %arg6[%get3A_28, %get3A_29] : memref<1x256xf32, #tpu.memory_space<vmem>>, vector<1x256xf32>
    %add3A_31 = vector.broadcast %get3A_30 : vector<1x256xf32> to vector<1000x256xf32>
    %add3A_32 = arith.addf %dot_general3A_27, %add3A_31 : vector<1000x256xf32>
    %reduce_sum3A = arith.constant dense<0.000000e+00> : vector<1000xf32>
    %reduce_sum3A_33 = vector.multi_reduction <add>, %add3A_32, %reduce_sum3A [1] : vector<1000x256xf32> to vector<1000xf32>
    %broadcast_in_dim3A = vector.shape_cast %reduce_sum3A_33 : vector<1000xf32> to vector<1000x1xf32>
    %div3A = arith.constant 2.560000e+02 : f32
    %div3A_34 = vector.broadcast %div3A : f32 to vector<1000x1xf32>
    %div3A_35 = arith.divf %broadcast_in_dim3A, %div3A_34 : vector<1000x1xf32>
    %sub3A = vector.broadcast %div3A_35 : vector<1000x1xf32> to vector<1000x256xf32>
    %sub3A_36 = arith.subf %add3A_32, %sub3A : vector<1000x256xf32>
    %integer_pow3A = arith.mulf %sub3A_36, %sub3A_36 : vector<1000x256xf32>
    %reduce_sum3A_37 = arith.constant dense<0.000000e+00> : vector<1000xf32>
    %reduce_sum3A_38 = vector.multi_reduction <add>, %integer_pow3A, %reduce_sum3A_37 [1] : vector<1000x256xf32> to vector<1000xf32>
    %broadcast_in_dim3A_39 = vector.shape_cast %reduce_sum3A_38 : vector<1000xf32> to vector<1000x1xf32>
    %div3A_40 = arith.constant 2.560000e+02 : f32
    %div3A_41 = vector.broadcast %div3A_40 : f32 to vector<1000x1xf32>
    %div3A_42 = arith.divf %broadcast_in_dim3A_39, %div3A_41 : vector<1000x1xf32>
    %sub3A_43 = vector.broadcast %div3A_35 : vector<1000x1xf32> to vector<1000x256xf32>
    %sub3A_44 = arith.subf %add3A_32, %sub3A_43 : vector<1000x256xf32>
    %add3A_45 = arith.constant 9.99999974E-6 : f32
    %add3A_46 = vector.broadcast %add3A_45 : f32 to vector<1000x1xf32>
    %add3A_47 = arith.addf %div3A_42, %add3A_46 : vector<1000x1xf32>
    %sqrt3A = math.sqrt %add3A_47 : vector<1000x1xf32>
    %div3A_48 = vector.broadcast %sqrt3A : vector<1000x1xf32> to vector<1000x256xf32>
    %div3A_49 = arith.divf %sub3A_44, %div3A_48 : vector<1000x256xf32>
    %get3A_50 = arith.constant 0 : index
    %get3A_51 = arith.constant 0 : index
    %get3A_52 = vector.load %arg7[%get3A_50, %get3A_51] : memref<1x256xf32, #tpu.memory_space<vmem>>, vector<1x256xf32>
    %mul3A = vector.broadcast %get3A_52 : vector<1x256xf32> to vector<1000x256xf32>
    %mul3A_53 = arith.mulf %div3A_49, %mul3A : vector<1000x256xf32>
    %get3A_54 = arith.constant 0 : index
    %get3A_55 = arith.constant 0 : index
    %get3A_56 = vector.load %arg8[%get3A_54, %get3A_55] : memref<1x256xf32, #tpu.memory_space<vmem>>, vector<1x256xf32>
    %add3A_57 = vector.broadcast %get3A_56 : vector<1x256xf32> to vector<1000x256xf32>
    %add3A_58 = arith.addf %mul3A_53, %add3A_57 : vector<1000x256xf32>
    %max3A_59 = arith.constant 0.000000e+00 : f32
    %max3A_60 = vector.broadcast %max3A_59 : f32 to vector<1000x256xf32>
    %max3A_61 = arith.maximumf %add3A_58, %max3A_60 : vector<1000x256xf32>
    %add3A_62 = arith.addf %max3A_61, %get3A_1 : vector<1000x256xf32>
    %swap3A = arith.constant 0 : index
    %swap3A_63 = arith.constant 0 : index
    %swap3A_64 = vector.load %arg9[%swap3A, %swap3A_63] : memref<1000x256xf32, #tpu.memory_space<vmem>>, vector<1000x256xf32>
    tpu.vector_store %arg9[%swap3A, %swap3A_63], %add3A_62 {strides = array<i32>} : memref<1000x256xf32, #tpu.memory_space<vmem>>, vector<1000x256xf32>,
    return
  }
  func.func @transform_0(%arg0: i32) -> (i32, i32) {
    %c0_i32 = arith.constant 0 : i32
    %c0_i32_0 = arith.constant 0 : i32
    return %arg0, %c0_i32 : i32, i32
  }
  func.func @transform_1(%arg0: i32) -> (i32, i32, i32) {
    %c0_i32 = arith.constant 0 : i32
    %c0_i32_0 = arith.constant 0 : i32
    %c0_i32_1 = arith.constant 0 : i32
    return %c0_i32, %arg0, %c0_i32_0 : i32, i32, i32
  }
  func.func @transform_2(%arg0: i32) -> (i32, i32) {
    %c0_i32 = arith.constant 0 : i32
    %c0_i32_0 = arith.constant 0 : i32
    %c0_i32_1 = arith.constant 0 : i32
    return %c0_i32, %c0_i32_0 : i32, i32
  }
  func.func @transform_3(%arg0: i32) -> (i32, i32) {
    %c0_i32 = arith.constant 0 : i32
    %c0_i32_0 = arith.constant 0 : i32
    %c0_i32_1 = arith.constant 0 : i32
    return %c0_i32, %c0_i32_0 : i32, i32
  }
  func.func @transform_4(%arg0: i32) -> (i32, i32) {
    %c0_i32 = arith.constant 0 : i32
    %c0_i32_0 = arith.constant 0 : i32
    %c0_i32_1 = arith.constant 0 : i32
    return %c0_i32, %c0_i32_0 : i32, i32
  }
  func.func @transform_5(%arg0: i32) -> (i32, i32) {
    %c0_i32 = arith.constant 0 : i32
    %c0_i32_0 = arith.constant 0 : i32
    %c0_i32_1 = arith.constant 0 : i32
    return %c0_i32, %c0_i32_0 : i32, i32
  }
  func.func @transform_6(%arg0: i32) -> (i32, i32) {
    %c0_i32 = arith.constant 0 : i32
    %c0_i32_0 = arith.constant 0 : i32
    %c0_i32_1 = arith.constant 0 : i32
    return %c0_i32, %c0_i32_0 : i32, i32
  }
  func.func @transform_7(%arg0: i32) -> (i32, i32) {
    %c0_i32 = arith.constant 0 : i32
    %c0_i32_0 = arith.constant 0 : i32
    %c0_i32_1 = arith.constant 0 : i32
    return %c0_i32, %c0_i32_0 : i32, i32
  }
  func.func @transform_8(%arg0: i32) -> (i32, i32) {
    %c0_i32 = arith.constant 0 : i32
    %c0_i32_0 = arith.constant 0 : i32
    return %arg0, %c0_i32 : i32, i32
  }
}

module attributes {stable_mosaic.version = 14 : i64} {
  func.func @_mlp_body(%arg0: i32, %arg1: memref<1000x256xf32, #tpu.memory_space<vmem>>, %arg2: memref<2x1000x128xf32, #tpu.memory_space<vmem>>, %arg3: memref<256x256xf32, #tpu.memory_space<vmem>>, %arg4: memref<1x256xf32, #tpu.memory_space<vmem>>, %arg5: memref<256x256xf32, #tpu.memory_space<vmem>>, %arg6: memref<1x256xf32, #tpu.memory_space<vmem>>, %arg7: memref<1x256xf32, #tpu.memory_space<vmem>>, %arg8: memref<1x256xf32, #tpu.memory_space<vmem>>, %arg9: memref<1000x256xf32, #tpu.memory_space<vmem>>) attributes {dimension_semantics = [#tpu.dimension_semantics<arbitrary>], iteration_bounds = array<i64: 10>, scalar_prefetch = 0 : i64, scratch_operands = 0 : i64, tpu.core_type = #tpu.core_type<tc>, window_params = [{transform_indices = @transform_0, window_bounds = array<i64: 1000, 256>}, {transform_indices = @transform_1, window_bounds = array<i64: 2, 1000, 128>}, {pipeline_mode = #tpu.pipeline_mode<synchronous>, transform_indices = @transform_2, window_bounds = array<i64: 256, 256>}, {pipeline_mode = #tpu.pipeline_mode<synchronous>, transform_indices = @transform_3, window_bounds = array<i64: 1, 256>}, {pipeline_mode = #tpu.pipeline_mode<synchronous>, transform_indices = @transform_4, window_bounds = array<i64: 256, 256>}, {pipeline_mode = #tpu.pipeline_mode<synchronous>, transform_indices = @transform_5, window_bounds = array<i64: 1, 256>}, {pipeline_mode = #tpu.pipeline_mode<synchronous>, transform_indices = @transform_6, window_bounds = array<i64: 1, 256>}, {pipeline_mode = #tpu.pipeline_mode<synchronous>, transform_indices = @transform_7, window_bounds = array<i64: 1, 256>}, {transform_indices = @transform_8, window_bounds = array<i64: 1000, 256>}]} {
    %get3A = arith.constant 0 : index
    %get3A_0 = arith.constant 0 : index
    %get3A_1 = vector.load %arg1[%get3A, %get3A_0] : memref<1000x256xf32, #tpu.memory_space<vmem>>, vector<1000x256xf32>
    %get3A_2 = arith.constant 0 : index
    %get3A_3 = arith.constant 0 : index
    %get3A_4 = arith.constant 0 : index
    %get3A_5 = vector.load %arg2[%get3A_2, %get3A_3, %get3A_4] : memref<2x1000x128xf32, #tpu.memory_space<vmem>>, vector<1x1000x128xf32>
    %get3A_6 = vector.shape_cast %get3A_5 : vector<1x1000x128xf32> to vector<1000x128xf32>
    %get3A_7 = arith.constant 1 : index
    %get3A_8 = arith.constant 0 : index
    %get3A_9 = arith.constant 0 : index
    %get3A_10 = vector.load %arg2[%get3A_7, %get3A_8, %get3A_9] : memref<2x1000x128xf32, #tpu.memory_space<vmem>>, vector<1x1000x128xf32>
    %get3A_11 = vector.shape_cast %get3A_10 : vector<1x1000x128xf32> to vector<1000x128xf32>
    %concatenate3A = tpu.concatenate %get3A_6, %get3A_11 in 1 : vector<1000x128xf32>, vector<1000x128xf32> -> vector<1000x256xf32>
    %add3A = arith.addf %get3A_1, %concatenate3A : vector<1000x256xf32>
    %get3A_12 = arith.constant 0 : index
    %get3A_13 = arith.constant 0 : index
    %get3A_14 = vector.load %arg3[%get3A_12, %get3A_13] : memref<256x256xf32, #tpu.memory_space<vmem>>, vector<256x256xf32>
    %dot_general3A = arith.constant dense<0.000000e+00> : vector<1000x256xf32>
    %dot_general3A_15 = tpu.matmul %add3A, %get3A_14, %dot_general3A {dimension_numbers = #tpu.dot_dimension_numbers<[1], [0], [0], [1], [0, 0, 1, 1], [], []>, transpose_lhs_hint = false} : vector<1000x256xf32>, vector<256x256xf32>, vector<1000x256xf32> -> vector<1000x256xf32>
    %get3A_16 = arith.constant 0 : index
    %get3A_17 = arith.constant 0 : index
    %get3A_18 = vector.load %arg4[%get3A_16, %get3A_17] : memref<1x256xf32, #tpu.memory_space<vmem>>, vector<1x256xf32>
    %add3A_19 = vector.broadcast %get3A_18 : vector<1x256xf32> to vector<1000x256xf32>
    %add3A_20 = arith.addf %dot_general3A_15, %add3A_19 : vector<1000x256xf32>
    %max3A = arith.constant 0.000000e+00 : f32
    %max3A_21 = vector.broadcast %max3A : f32 to vector<1000x256xf32>
    %max3A_22 = arith.maximumf %add3A_20, %max3A_21 : vector<1000x256xf32>
    %get3A_23 = arith.constant 0 : index
    %get3A_24 = arith.constant 0 : index
    %get3A_25 = vector.load %arg5[%get3A_23, %get3A_24] : memref<256x256xf32, #tpu.memory_space<vmem>>, vector<256x256xf32>
    %dot_general3A_26 = arith.constant dense<0.000000e+00> : vector<1000x256xf32>
    %dot_general3A_27 = tpu.matmul %max3A_22, %get3A_25, %dot_general3A_26 {dimension_numbers = #tpu.dot_dimension_numbers<[1], [0], [0], [1], [0, 0, 1, 1], [], []>, transpose_lhs_hint = false} : vector<1000x256xf32>, vector<256x256xf32>, vector<1000x256xf32> -> vector<1000x256xf32>
    %get3A_28 = arith.constant 0 : index
    %get3A_29 = arith.constant 0 : index
    %get3A_30 = vector.load %arg6[%get3A_28, %get3A_29] : memref<1x256xf32, #tpu.memory_space<vmem>>, vector<1x256xf32>
    %add3A_31 = vector.broadcast %get3A_30 : vector<1x256xf32> to vector<1000x256xf32>
    %add3A_32 = arith.addf %dot_general3A_27, %add3A_31 : vector<1000x256xf32>
    %reduce_sum3A = arith.constant dense<0.000000e+00> : vector<1000xf32>
    %reduce_sum3A_33 = vector.multi_reduction <add>, %add3A_32, %reduce_sum3A [1] : vector<1000x256xf32> to vector<1000xf32>
    %broadcast_in_dim3A = vector.shape_cast %reduce_sum3A_33 : vector<1000xf32> to vector<1000x1xf32>
    %div3A = arith.constant 2.560000e+02 : f32
    %div3A_34 = vector.broadcast %div3A : f32 to vector<1000x1xf32>
    %div3A_35 = arith.divf %broadcast_in_dim3A, %div3A_34 : vector<1000x1xf32>
    %sub3A = vector.broadcast %div3A_35 : vector<1000x1xf32> to vector<1000x256xf32>
    %sub3A_36 = arith.subf %add3A_32, %sub3A : vector<1000x256xf32>
    %integer_pow3A = arith.mulf %sub3A_36, %sub3A_36 : vector<1000x256xf32>
    %reduce_sum3A_37 = arith.constant dense<0.000000e+00> : vector<1000xf32>
    %reduce_sum3A_38 = vector.multi_reduction <add>, %integer_pow3A, %reduce_sum3A_37 [1] : vector<1000x256xf32> to vector<1000xf32>
    %broadcast_in_dim3A_39 = vector.shape_cast %reduce_sum3A_38 : vector<1000xf32> to vector<1000x1xf32>
    %div3A_40 = arith.constant 2.560000e+02 : f32
    %div3A_41 = vector.broadcast %div3A_40 : f32 to vector<1000x1xf32>
    %div3A_42 = arith.divf %broadcast_in_dim3A_39, %div3A_41 : vector<1000x1xf32>
    %sub3A_43 = vector.broadcast %div3A_35 : vector<1000x1xf32> to vector<1000x256xf32>
    %sub3A_44 = arith.subf %add3A_32, %sub3A_43 : vector<1000x256xf32>
    %add3A_45 = arith.constant 9.99999974E-6 : f32
    %add3A_46 = vector.broadcast %add3A_45 : f32 to vector<1000x1xf32>
    %add3A_47 = arith.addf %div3A_42, %add3A_46 : vector<1000x1xf32>
    %sqrt3A = math.sqrt %add3A_47 : vector<1000x1xf32>
    %div3A_48 = vector.broadcast %sqrt3A : vector<1000x1xf32> to vector<1000x256xf32>
    %div3A_49 = arith.divf %sub3A_44, %div3A_48 : vector<1000x256xf32>
    %get3A_50 = arith.constant 0 : index
    %get3A_51 = arith.constant 0 : index
    %get3A_52 = vector.load %arg7[%get3A_50, %get3A_51] : memref<1x256xf32, #tpu.memory_space<vmem>>, vector<1x256xf32>
    %mul3A = vector.broadcast %get3A_52 : vector<1x256xf32> to vector<1000x256xf32>
    %mul3A_53 = arith.mulf %div3A_49, %mul3A : vector<1000x256xf32>
    %get3A_54 = arith.constant 0 : index
    %get3A_55 = arith.constant 0 : index
    %get3A_56 = vector.load %arg8[%get3A_54, %get3A_55] : memref<1x256xf32, #tpu.memory_space<vmem>>, vector<1x256xf32>
    %add3A_57 = vector.broadcast %get3A_56 : vector<1x256xf32> to vector<1000x256xf32>
    %add3A_58 = arith.addf %mul3A_53, %add3A_57 : vector<1000x256xf32>
    %max3A_59 = arith.constant 0.000000e+00 : f32
    %max3A_60 = vector.broadcast %max3A_59 : f32 to vector<1000x256xf32>
    %max3A_61 = arith.maximumf %add3A_58, %max3A_60 : vector<1000x256xf32>
    %swap3A = arith.constant 0 : index
    %swap3A_62 = arith.constant 0 : index
    %swap3A_63 = vector.load %arg9[%swap3A, %swap3A_62] : memref<1000x256xf32, #tpu.memory_space<vmem>>, vector<1000x256xf32>
    tpu.vector_store %arg9[%swap3A, %swap3A_62], %max3A_61 {strides = array<i32>} : memref<1000x256xf32, #tpu.memory_space<vmem>>, vector<1000x256xf32>,
    return
  }
  func.func @transform_0(%arg0: i32) -> (i32, i32) {
    %c0_i32 = arith.constant 0 : i32
    %c0_i32_0 = arith.constant 0 : i32
    return %arg0, %c0_i32 : i32, i32
  }
  func.func @transform_1(%arg0: i32) -> (i32, i32, i32) {
    %c0_i32 = arith.constant 0 : i32
    %c0_i32_0 = arith.constant 0 : i32
    %c0_i32_1 = arith.constant 0 : i32
    return %c0_i32, %arg0, %c0_i32_0 : i32, i32, i32
  }
  func.func @transform_2(%arg0: i32) -> (i32, i32) {
    %c0_i32 = arith.constant 0 : i32
    %c0_i32_0 = arith.constant 0 : i32
    %c0_i32_1 = arith.constant 0 : i32
    return %c0_i32, %c0_i32_0 : i32, i32
  }
  func.func @transform_3(%arg0: i32) -> (i32, i32) {
    %c0_i32 = arith.constant 0 : i32
    %c0_i32_0 = arith.constant 0 : i32
    %c0_i32_1 = arith.constant 0 : i32
    return %c0_i32, %c0_i32_0 : i32, i32
  }
  func.func @transform_4(%arg0: i32) -> (i32, i32) {
    %c0_i32 = arith.constant 0 : i32
    %c0_i32_0 = arith.constant 0 : i32
    %c0_i32_1 = arith.constant 0 : i32
    return %c0_i32, %c0_i32_0 : i32, i32
  }
  func.func @transform_5(%arg0: i32) -> (i32, i32) {
    %c0_i32 = arith.constant 0 : i32
    %c0_i32_0 = arith.constant 0 : i32
    %c0_i32_1 = arith.constant 0 : i32
    return %c0_i32, %c0_i32_0 : i32, i32
  }
  func.func @transform_6(%arg0: i32) -> (i32, i32) {
    %c0_i32 = arith.constant 0 : i32
    %c0_i32_0 = arith.constant 0 : i32
    %c0_i32_1 = arith.constant 0 : i32
    return %c0_i32, %c0_i32_0 : i32, i32
  }
  func.func @transform_7(%arg0: i32) -> (i32, i32) {
    %c0_i32 = arith.constant 0 : i32
    %c0_i32_0 = arith.constant 0 : i32
    %c0_i32_1 = arith.constant 0 : i32
    return %c0_i32, %c0_i32_0 : i32, i32
  }
  func.func @transform_8(%arg0: i32) -> (i32, i32) {
    %c0_i32 = arith.constant 0 : i32
    %c0_i32_0 = arith.constant 0 : i32
    return %arg0, %c0_i32 : i32, i32
  }
}

module attributes {stable_mosaic.version = 14 : i64} {
  func.func @_mlp_body(%arg0: i32, %arg1: memref<1000x256xf32, #tpu.memory_space<vmem>>, %arg2: memref<2x1000x128xf32, #tpu.memory_space<vmem>>, %arg3: memref<256x256xf32, #tpu.memory_space<vmem>>, %arg4: memref<1x256xf32, #tpu.memory_space<vmem>>, %arg5: memref<256x256xf32, #tpu.memory_space<vmem>>, %arg6: memref<1x256xf32, #tpu.memory_space<vmem>>, %arg7: memref<1x256xf32, #tpu.memory_space<vmem>>, %arg8: memref<1x256xf32, #tpu.memory_space<vmem>>, %arg9: memref<256x256xf32, #tpu.memory_space<vmem>>, %arg10: memref<1x256xf32, #tpu.memory_space<vmem>>, %arg11: memref<256x256xf32, #tpu.memory_space<vmem>>, %arg12: memref<1x256xf32, #tpu.memory_space<vmem>>, %arg13: memref<1000x256xf32, #tpu.memory_space<vmem>>) attributes {dimension_semantics = [#tpu.dimension_semantics<arbitrary>], iteration_bounds = array<i64: 10>, scalar_prefetch = 0 : i64, scratch_operands = 0 : i64, tpu.core_type = #tpu.core_type<tc>, window_params = [{transform_indices = @transform_0, window_bounds = array<i64: 1000, 256>}, {transform_indices = @transform_1, window_bounds = array<i64: 2, 1000, 128>}, {pipeline_mode = #tpu.pipeline_mode<synchronous>, transform_indices = @transform_2, window_bounds = array<i64: 256, 256>}, {pipeline_mode = #tpu.pipeline_mode<synchronous>, transform_indices = @transform_3, window_bounds = array<i64: 1, 256>}, {pipeline_mode = #tpu.pipeline_mode<synchronous>, transform_indices = @transform_4, window_bounds = array<i64: 256, 256>}, {pipeline_mode = #tpu.pipeline_mode<synchronous>, transform_indices = @transform_5, window_bounds = array<i64: 1, 256>}, {pipeline_mode = #tpu.pipeline_mode<synchronous>, transform_indices = @transform_6, window_bounds = array<i64: 1, 256>}, {pipeline_mode = #tpu.pipeline_mode<synchronous>, transform_indices = @transform_7, window_bounds = array<i64: 1, 256>}, {pipeline_mode = #tpu.pipeline_mode<synchronous>, transform_indices = @transform_8, window_bounds = array<i64: 256, 256>}, {pipeline_mode = #tpu.pipeline_mode<synchronous>, transform_indices = @transform_9, window_bounds = array<i64: 1, 256>}, {pipeline_mode = #tpu.pipeline_mode<synchronous>, transform_indices = @transform_10, window_bounds = array<i64: 256, 256>}, {pipeline_mode = #tpu.pipeline_mode<synchronous>, transform_indices = @transform_11, window_bounds = array<i64: 1, 256>}, {transform_indices = @transform_12, window_bounds = array<i64: 1000, 256>}]} {
    %get3A = arith.constant 0 : index
    %get3A_0 = arith.constant 0 : index
    %get3A_1 = vector.load %arg1[%get3A, %get3A_0] : memref<1000x256xf32, #tpu.memory_space<vmem>>, vector<1000x256xf32>
    %get3A_2 = arith.constant 0 : index
    %get3A_3 = arith.constant 0 : index
    %get3A_4 = arith.constant 0 : index
    %get3A_5 = vector.load %arg2[%get3A_2, %get3A_3, %get3A_4] : memref<2x1000x128xf32, #tpu.memory_space<vmem>>, vector<1x1000x128xf32>
    %get3A_6 = vector.shape_cast %get3A_5 : vector<1x1000x128xf32> to vector<1000x128xf32>
    %get3A_7 = arith.constant 1 : index
    %get3A_8 = arith.constant 0 : index
    %get3A_9 = arith.constant 0 : index
    %get3A_10 = vector.load %arg2[%get3A_7, %get3A_8, %get3A_9] : memref<2x1000x128xf32, #tpu.memory_space<vmem>>, vector<1x1000x128xf32>
    %get3A_11 = vector.shape_cast %get3A_10 : vector<1x1000x128xf32> to vector<1000x128xf32>
    %concatenate3A = tpu.concatenate %get3A_6, %get3A_11 in 1 : vector<1000x128xf32>, vector<1000x128xf32> -> vector<1000x256xf32>
    %add3A = arith.addf %get3A_1, %concatenate3A : vector<1000x256xf32>
    %get3A_12 = arith.constant 0 : index
    %get3A_13 = arith.constant 0 : index
    %get3A_14 = vector.load %arg3[%get3A_12, %get3A_13] : memref<256x256xf32, #tpu.memory_space<vmem>>, vector<256x256xf32>
    %dot_general3A = arith.constant dense<0.000000e+00> : vector<1000x256xf32>
    %dot_general3A_15 = tpu.matmul %add3A, %get3A_14, %dot_general3A {dimension_numbers = #tpu.dot_dimension_numbers<[1], [0], [0], [1], [0, 0, 1, 1], [], []>, transpose_lhs_hint = false} : vector<1000x256xf32>, vector<256x256xf32>, vector<1000x256xf32> -> vector<1000x256xf32>
    %get3A_16 = arith.constant 0 : index
    %get3A_17 = arith.constant 0 : index
    %get3A_18 = vector.load %arg4[%get3A_16, %get3A_17] : memref<1x256xf32, #tpu.memory_space<vmem>>, vector<1x256xf32>
    %add3A_19 = vector.broadcast %get3A_18 : vector<1x256xf32> to vector<1000x256xf32>
    %add3A_20 = arith.addf %dot_general3A_15, %add3A_19 : vector<1000x256xf32>
    %max3A = arith.constant 0.000000e+00 : f32
    %max3A_21 = vector.broadcast %max3A : f32 to vector<1000x256xf32>
    %max3A_22 = arith.maximumf %add3A_20, %max3A_21 : vector<1000x256xf32>
    %get3A_23 = arith.constant 0 : index
    %get3A_24 = arith.constant 0 : index
    %get3A_25 = vector.load %arg5[%get3A_23, %get3A_24] : memref<256x256xf32, #tpu.memory_space<vmem>>, vector<256x256xf32>
    %dot_general3A_26 = arith.constant dense<0.000000e+00> : vector<1000x256xf32>
    %dot_general3A_27 = tpu.matmul %max3A_22, %get3A_25, %dot_general3A_26 {dimension_numbers = #tpu.dot_dimension_numbers<[1], [0], [0], [1], [0, 0, 1, 1], [], []>, transpose_lhs_hint = false} : vector<1000x256xf32>, vector<256x256xf32>, vector<1000x256xf32> -> vector<1000x256xf32>
    %get3A_28 = arith.constant 0 : index
    %get3A_29 = arith.constant 0 : index
    %get3A_30 = vector.load %arg6[%get3A_28, %get3A_29] : memref<1x256xf32, #tpu.memory_space<vmem>>, vector<1x256xf32>
    %add3A_31 = vector.broadcast %get3A_30 : vector<1x256xf32> to vector<1000x256xf32>
    %add3A_32 = arith.addf %dot_general3A_27, %add3A_31 : vector<1000x256xf32>
    %reduce_sum3A = arith.constant dense<0.000000e+00> : vector<1000xf32>
    %reduce_sum3A_33 = vector.multi_reduction <add>, %add3A_32, %reduce_sum3A [1] : vector<1000x256xf32> to vector<1000xf32>
    %broadcast_in_dim3A = vector.shape_cast %reduce_sum3A_33 : vector<1000xf32> to vector<1000x1xf32>
    %div3A = arith.constant 2.560000e+02 : f32
    %div3A_34 = vector.broadcast %div3A : f32 to vector<1000x1xf32>
    %div3A_35 = arith.divf %broadcast_in_dim3A, %div3A_34 : vector<1000x1xf32>
    %sub3A = vector.broadcast %div3A_35 : vector<1000x1xf32> to vector<1000x256xf32>
    %sub3A_36 = arith.subf %add3A_32, %sub3A : vector<1000x256xf32>
    %integer_pow3A = arith.mulf %sub3A_36, %sub3A_36 : vector<1000x256xf32>
    %reduce_sum3A_37 = arith.constant dense<0.000000e+00> : vector<1000xf32>
    %reduce_sum3A_38 = vector.multi_reduction <add>, %integer_pow3A, %reduce_sum3A_37 [1] : vector<1000x256xf32> to vector<1000xf32>
    %broadcast_in_dim3A_39 = vector.shape_cast %reduce_sum3A_38 : vector<1000xf32> to vector<1000x1xf32>
    %div3A_40 = arith.constant 2.560000e+02 : f32
    %div3A_41 = vector.broadcast %div3A_40 : f32 to vector<1000x1xf32>
    %div3A_42 = arith.divf %broadcast_in_dim3A_39, %div3A_41 : vector<1000x1xf32>
    %sub3A_43 = vector.broadcast %div3A_35 : vector<1000x1xf32> to vector<1000x256xf32>
    %sub3A_44 = arith.subf %add3A_32, %sub3A_43 : vector<1000x256xf32>
    %add3A_45 = arith.constant 9.99999974E-6 : f32
    %add3A_46 = vector.broadcast %add3A_45 : f32 to vector<1000x1xf32>
    %add3A_47 = arith.addf %div3A_42, %add3A_46 : vector<1000x1xf32>
    %sqrt3A = math.sqrt %add3A_47 : vector<1000x1xf32>
    %div3A_48 = vector.broadcast %sqrt3A : vector<1000x1xf32> to vector<1000x256xf32>
    %div3A_49 = arith.divf %sub3A_44, %div3A_48 : vector<1000x256xf32>
    %get3A_50 = arith.constant 0 : index
    %get3A_51 = arith.constant 0 : index
    %get3A_52 = vector.load %arg7[%get3A_50, %get3A_51] : memref<1x256xf32, #tpu.memory_space<vmem>>, vector<1x256xf32>
    %mul3A = vector.broadcast %get3A_52 : vector<1x256xf32> to vector<1000x256xf32>
    %mul3A_53 = arith.mulf %div3A_49, %mul3A : vector<1000x256xf32>
    %get3A_54 = arith.constant 0 : index
    %get3A_55 = arith.constant 0 : index
    %get3A_56 = vector.load %arg8[%get3A_54, %get3A_55] : memref<1x256xf32, #tpu.memory_space<vmem>>, vector<1x256xf32>
    %add3A_57 = vector.broadcast %get3A_56 : vector<1x256xf32> to vector<1000x256xf32>
    %add3A_58 = arith.addf %mul3A_53, %add3A_57 : vector<1000x256xf32>
    %max3A_59 = arith.constant 0.000000e+00 : f32
    %max3A_60 = vector.broadcast %max3A_59 : f32 to vector<1000x256xf32>
    %max3A_61 = arith.maximumf %add3A_58, %max3A_60 : vector<1000x256xf32>
    %add3A_62 = arith.addf %max3A_61, %get3A_1 : vector<1000x256xf32>
    %get3A_63 = arith.constant 0 : index
    %get3A_64 = arith.constant 0 : index
    %get3A_65 = vector.load %arg9[%get3A_63, %get3A_64] : memref<256x256xf32, #tpu.memory_space<vmem>>, vector<256x256xf32>
    %dot_general3A_66 = arith.constant dense<0.000000e+00> : vector<1000x256xf32>
    %dot_general3A_67 = tpu.matmul %add3A_62, %get3A_65, %dot_general3A_66 {dimension_numbers = #tpu.dot_dimension_numbers<[1], [0], [0], [1], [0, 0, 1, 1], [], []>, transpose_lhs_hint = false} : vector<1000x256xf32>, vector<256x256xf32>, vector<1000x256xf32> -> vector<1000x256xf32>
    %get3A_68 = arith.constant 0 : index
    %get3A_69 = arith.constant 0 : index
    %get3A_70 = vector.load %arg10[%get3A_68, %get3A_69] : memref<1x256xf32, #tpu.memory_space<vmem>>, vector<1x256xf32>
    %add3A_71 = vector.broadcast %get3A_70 : vector<1x256xf32> to vector<1000x256xf32>
    %add3A_72 = arith.addf %dot_general3A_67, %add3A_71 : vector<1000x256xf32>
    %max3A_73 = arith.constant 0.000000e+00 : f32
    %max3A_74 = vector.broadcast %max3A_73 : f32 to vector<1000x256xf32>
    %max3A_75 = arith.maximumf %add3A_72, %max3A_74 : vector<1000x256xf32>
    %get3A_76 = arith.constant 0 : index
    %get3A_77 = arith.constant 0 : index
    %get3A_78 = vector.load %arg11[%get3A_76, %get3A_77] : memref<256x256xf32, #tpu.memory_space<vmem>>, vector<256x256xf32>
    %dot_general3A_79 = arith.constant dense<0.000000e+00> : vector<1000x256xf32>
    %dot_general3A_80 = tpu.matmul %max3A_75, %get3A_78, %dot_general3A_79 {dimension_numbers = #tpu.dot_dimension_numbers<[1], [0], [0], [1], [0, 0, 1, 1], [], []>, transpose_lhs_hint = false} : vector<1000x256xf32>, vector<256x256xf32>, vector<1000x256xf32> -> vector<1000x256xf32>
    %get3A_81 = arith.constant 0 : index
    %get3A_82 = arith.constant 0 : index
    %get3A_83 = vector.load %arg12[%get3A_81, %get3A_82] : memref<1x256xf32, #tpu.memory_space<vmem>>, vector<1x256xf32>
    %add3A_84 = vector.broadcast %get3A_83 : vector<1x256xf32> to vector<1000x256xf32>
    %add3A_85 = arith.addf %dot_general3A_80, %add3A_84 : vector<1000x256xf32>
    %swap3A = arith.constant 0 : index
    %swap3A_86 = arith.constant 0 : index
    %swap3A_87 = vector.load %arg13[%swap3A, %swap3A_86] : memref<1000x256xf32, #tpu.memory_space<vmem>>, vector<1000x256xf32>
    tpu.vector_store %arg13[%swap3A, %swap3A_86], %add3A_85 {strides = array<i32>} : memref<1000x256xf32, #tpu.memory_space<vmem>>, vector<1000x256xf32>,
    return
  }
  func.func @transform_0(%arg0: i32) -> (i32, i32) {
    %c0_i32 = arith.constant 0 : i32
    %c0_i32_0 = arith.constant 0 : i32
    return %arg0, %c0_i32 : i32, i32
  }
  func.func @transform_1(%arg0: i32) -> (i32, i32, i32) {
    %c0_i32 = arith.constant 0 : i32
    %c0_i32_0 = arith.constant 0 : i32
    %c0_i32_1 = arith.constant 0 : i32
    return %c0_i32, %arg0, %c0_i32_0 : i32, i32, i32
  }
  func.func @transform_2(%arg0: i32) -> (i32, i32) {
    %c0_i32 = arith.constant 0 : i32
    %c0_i32_0 = arith.constant 0 : i32
    %c0_i32_1 = arith.constant 0 : i32
    return %c0_i32, %c0_i32_0 : i32, i32
  }
  func.func @transform_3(%arg0: i32) -> (i32, i32) {
    %c0_i32 = arith.constant 0 : i32
    %c0_i32_0 = arith.constant 0 : i32
    %c0_i32_1 = arith.constant 0 : i32
    return %c0_i32, %c0_i32_0 : i32, i32
  }
  func.func @transform_4(%arg0: i32) -> (i32, i32) {
    %c0_i32 = arith.constant 0 : i32
    %c0_i32_0 = arith.constant 0 : i32
    %c0_i32_1 = arith.constant 0 : i32
    return %c0_i32, %c0_i32_0 : i32, i32
  }
  func.func @transform_5(%arg0: i32) -> (i32, i32) {
    %c0_i32 = arith.constant 0 : i32
    %c0_i32_0 = arith.constant 0 : i32
    %c0_i32_1 = arith.constant 0 : i32
    return %c0_i32, %c0_i32_0 : i32, i32
  }
  func.func @transform_6(%arg0: i32) -> (i32, i32) {
    %c0_i32 = arith.constant 0 : i32
    %c0_i32_0 = arith.constant 0 : i32
    %c0_i32_1 = arith.constant 0 : i32
    return %c0_i32, %c0_i32_0 : i32, i32
  }
  func.func @transform_7(%arg0: i32) -> (i32, i32) {
    %c0_i32 = arith.constant 0 : i32
    %c0_i32_0 = arith.constant 0 : i32
    %c0_i32_1 = arith.constant 0 : i32
    return %c0_i32, %c0_i32_0 : i32, i32
  }
  func.func @transform_8(%arg0: i32) -> (i32, i32) {
    %c0_i32 = arith.constant 0 : i32
    %c0_i32_0 = arith.constant 0 : i32
    %c0_i32_1 = arith.constant 0 : i32
    return %c0_i32, %c0_i32_0 : i32, i32
  }
  func.func @transform_9(%arg0: i32) -> (i32, i32) {
    %c0_i32 = arith.constant 0 : i32
    %c0_i32_0 = arith.constant 0 : i32
    %c0_i32_1 = arith.constant 0 : i32
    return %c0_i32, %c0_i32_0 : i32, i32
  }
  func.func @transform_10(%arg0: i32) -> (i32, i32) {
    %c0_i32 = arith.constant 0 : i32
    %c0_i32_0 = arith.constant 0 : i32
    %c0_i32_1 = arith.constant 0 : i32
    return %c0_i32, %c0_i32_0 : i32, i32
  }
  func.func @transform_11(%arg0: i32) -> (i32, i32) {
    %c0_i32 = arith.constant 0 : i32
    %c0_i32_0 = arith.constant 0 : i32
    %c0_i32_1 = arith.constant 0 : i32
    return %c0_i32, %c0_i32_0 : i32, i32
  }
  func.func @transform_12(%arg0: i32) -> (i32, i32) {
    %c0_i32 = arith.constant 0 : i32
    %c0_i32_0 = arith.constant 0 : i32
    return %arg0, %c0_i32 : i32, i32
  }
}

</mosaic_0001>

<sc_bundles>
// kernel: kernel.11.cloned.1.call-start
scs
__scs_entry_jumppad:
0x0: {  	(pc) =	sbr.rel $0x88, $3  }
0x1: {  	(tag) =	ssettag $0x0;
	lr =	simm.s32 $0x1  }
0x2: {  	[smem:$0x3F89] =	sst lr;
	_ =	strace $0xD0000000  }
0x3: {  	_ = 	snop  }
0x4: {  	_ = 	snop  }
0x5: {  	_ = 	snop  }
0x6: {  	_ = 	snop  }
0x7: {  	_ = 	snop  }
__scs_overlays_trampoline_lowered:
0x8: {  	[smem:$0x3F98] =	sst s0  }
0x9: {  	[smem:$0x3F99] =	sst s1  }
0xa: {  	[smem:$0x3F9A] =	sst s2  }
0xb: {  	[smem:$0x3F9B] =	sst s3  }
0xc: {  	[smem:$0x3F9C] =	sst s4  }
0xd: {  	[smem:$0x3F9D] =	sst s5  }
0xe: {  	[smem:$0x3F9E] =	sst s6  }
0xf: {  	[smem:$0x3F9F] =	sst s7  }
0x10: {  	[smem:$0x3FA0] =	sst s8  }
0x11: {  	[smem:$0x3FA1] =	sst s9;
	s0 =	simm.s32 @!p0 $0x0  }
0x12: {  	s1 =	sld [smem:$0x3F87];
	s0 =	simm.s32 @p0 $0x1  }
0x13: {  	[smem:$0x3FA2] =	sst s0;
	s0 =	simm.s32 @!p1 $0x0  }
0x14: {  	s2 =	sld [smem:$0x3F86];
	s0 =	simm.s32 @p1 $0x1  }
0x15: {  	[smem:$0x3FA3] =	sst s0;
	s0 =	simm.s32 @!p2 $0x0  }
0x16: {  	s3 =	sld [smem:$0x3FDB];
	s0 =	simm.s32 @p2 $0x1  }
0x17: {  	s4 =	simm.s32 $0x1BF5;
	[smem:$0x3FA5] =	sst s0  }
0x18: {  	s0 =	sld [smem:$0x3F88];
	_ =	swait.ge [sflag:s4], $0x0  }
0x19: {  	s7 =	sld [smem:$0x3F89]  }
0x1a: {  	s8 =	sadd.s32 $0xFFFFE003, lr  }
0x1b: {  	s9 =	sadd.s32 $0xFFFFFEF7, lr;
	s5 =	simm.s32 $0xFFFFFFFF;
	p2 =	slt.u32 s8, $0xFFFFF086  }
0x1c: {  	p1 =	slt.u32 s9, $0xF7A;
	s5 =	simm.s32 @!p2 $0x0  }
0x1d: {  	s5 =	simm.s32 @p1 $0x1;
	p0 =	seq.s32 s7, s2  }
0x1e: {  	s7 =	smul.u32 @!p0 $0xF7A, s2;
	p2 =	seq.s32 @!p0 s5, $0x0  }
0x1f: {  	s9 =	smul.u32 $0xF7A, s1;
	s8 =	simm.s32 @!p0 $0x1BF5;
	p2 =	por !p2, p0  }
0x20: {  	[sflag:s8] =	ssyncset.s32 @!p0 $0xFFFFF086;
	s6 =	sadd.s32 @!p0 s3, s7;
	s7 =	simm.s32 @!p0 $0x108  }
0x21: {  	s3 =	sadd.s32 s3, s9;
	s6 =	sadd.s32 @!p0 $0x88, s6;
	s7 =	simm.s32 @p2 $0x1082  }
0x22: {  	[simem:s7], [sflag:s8] =	dma.local @!p0 [hbm:s6], $0xF7A  }
0x23: {  	s9 =	sor.u32 $0xD0000000, s2;
	s6 =	simm.s32 $0x108;
	_ =	swait.ge @!p0 [sflag:s8], $0x0  }
0x24: {  	s3 =	sadd.s32 $0x88, s3;
	s6 =	simm.s32 @!p1 $0x1082;
	[sflag:s4] =	ssyncset.s32 $0xFFFFF086  }
0x25: {  	[simem:s6], [sflag:s4] =	dma.local [hbm:s3], $0xF7A  }
0x26: {  	[smem:$0x3F89] =	sst s1;
	(tag) =	ssettag s2;
	_ =	strace s9  }
0x27: {  	s1 =	sld [smem:$0x3F99]  }
0x28: {  	s2 =	sld [smem:$0x3F9A]  }
0x29: {  	s4 =	sld [smem:$0x3F9C]  }
0x2a: {  	p0 =	seq.s32 s5, $0x0;
	s5 =	sld [smem:$0x3F9D]  }
0x2b: {  	s6 =	sld [smem:$0x3F9E]  }
0x2c: {  	s7 =	sld [smem:$0x3F9F]  }
0x2d: {  	s3 =	simm.s32 $0x108;
	s8 =	sld [smem:$0x3FA0]  }
0x2e: {  	s3 =	simm.s32 @!p0 $0x1082;
	s9 =	sld [smem:$0x3FA1]  }
0x2f: {  	lr =	sadd.s32 s0, s3;
	s0 =	sld [smem:$0x3F98]  }
0x30: {  	s3 =	sld [smem:$0x3F9B]  }
0x31: {  	[smem:$0x3FA4] =	sst s10  }
0x32: {  	s10 =	sld [smem:$0x3FA2];
	_ =	sdelay $0x3  }
0x33: {  	p0 =	seq.s32 s10, $0x1;
	s10 =	sld [smem:$0x3FA4];
	_ =	sdelay $0x3  }
0x34: {  	[smem:$0x3FA4] =	sst s10  }
0x35: {  	s10 =	sld [smem:$0x3FA3];
	_ =	sdelay $0x3  }
0x36: {  	p1 =	seq.s32 s10, $0x1;
	s10 =	sld [smem:$0x3FA4];
	_ =	sdelay $0x3  }
0x37: {  	[smem:$0x3FA4] =	sst s10  }
0x38: {  	s10 =	sld [smem:$0x3FA5]  }
0x39: {  	_ = 	snop;
	(pc) =	sbr.ind lr, $3  }
0x3a: {  	_ = 	snop  }
0x3b: {  	_ = 	snop  }
0x3c: {  	p2 =	seq.s32 s10, $0x1;
	s10 =	sld [smem:$0x3FA4]  }
0x3d: {  	_ =	shalt  }
0x3e: {  	_ =	shalt  }
0x3f: {  	_ =	shalt  }
0x40: {  	_ =	shalt  }
0x41: {  	_ =	shalt  }
0x42: {  	_ =	shalt  }
0x43: {  	_ =	shalt  }
0x44: {  	_ =	shalt  }
0x45: {  	_ =	shalt  }
0x46: {  	_ =	shalt  }
0x47: {  	_ =	shalt  }
0x48: {  	_ =	shalt  }
0x49: {  	_ =	shalt  }
0x4a: {  	_ =	shalt  }
0x4b: {  	_ =	shalt  }
0x4c: {  	_ =	shalt  }
0x4d: {  	_ =	shalt  }
0x4e: {  	_ =	shalt  }
0x4f: {  	_ =	shalt  }
0x50: {  	_ =	shalt  }
0x51: {  	_ =	shalt  }
0x52: {  	_ =	shalt  }
0x53: {  	_ =	shalt  }
0x54: {  	_ =	shalt  }
0x55: {  	_ =	shalt  }
0x56: {  	_ =	shalt  }
0x57: {  	_ =	shalt  }
0x58: {  	_ =	shalt  }
0x59: {  	_ =	shalt  }
0x5a: {  	_ =	shalt  }
0x5b: {  	_ =	shalt  }
0x5c: {  	_ =	shalt  }
0x5d: {  	_ =	shalt  }
0x5e: {  	_ =	shalt  }
0x5f: {  	_ =	shalt  }
0x60: {  	_ =	shalt  }
0x61: {  	_ =	shalt  }
0x62: {  	_ =	shalt  }
0x63: {  	_ =	shalt  }
0x64: {  	_ =	shalt  }
0x65: {  	_ =	shalt  }
0x66: {  	_ =	shalt  }
0x67: {  	_ =	shalt  }
0x68: {  	_ =	shalt  }
0x69: {  	_ =	shalt  }
0x6a: {  	_ =	shalt  }
0x6b: {  	_ =	shalt  }
0x6c: {  	_ =	shalt  }
0x6d: {  	_ =	shalt  }
0x6e: {  	_ =	shalt  }
0x6f: {  	_ =	shalt  }
0x70: {  	_ =	shalt  }
0x71: {  	_ =	shalt  }
0x72: {  	_ =	shalt  }
0x73: {  	_ =	shalt  }
0x74: {  	_ =	shalt  }
0x75: {  	_ =	shalt  }
0x76: {  	_ =	shalt  }
0x77: {  	_ =	shalt  }
0x78: {  	_ =	shalt  }
0x79: {  	_ =	shalt  }
0x7a: {  	_ =	shalt  }
0x7b: {  	_ =	shalt  }
0x7c: {  	_ =	shalt  }
0x7d: {  	_ =	shalt  }
0x7e: {  	_ =	shalt  }
0x7f: {  	_ =	shalt  }
0x80: {  	_ =	shalt  }
0x81: {  	_ =	shalt  }
0x82: {  	_ =	shalt  }
0x83: {  	_ =	shalt  }
0x84: {  	_ =	shalt  }
0x85: {  	_ =	shalt  }
0x86: {  	_ =	shalt  }
0x87: {  	_ =	shalt  }
.Lfunc_end0:
.L_simem_size_0:
called_computation.1_lowered:
.L_overlay_start_0:
0x88: {  	s2 =	sld [smem:$0x3FD9]  }
0x89: {  	s3 =	sld [smem:$0x3FFE];
	_ =	sdelay $0x1  }
0x8a: {  	s1 =	srdreg.scid  }
0x8b: {  	s0 =	sand.u32 $0x1, s1  }
0x8c: {  	s17 =	sshll.u32 s0, $0xA;
	s2 =	sadd.s32 s3, s2  }
0x8d: {  	s2 =	sadd.s32 s2, s17  }
0x8e: {  	[smem:$0x3FB0] =	sst s2  }
0x8f: {  	_ = 	snop  }
0x90: {  	s2 =	sld [smem:$0x3FD0];
	(tm) =	ssettm $0x1  }
0x91: {  	s18 =	sld [smem:$0x3FFB];
	_ =	sdelay $0x3  }
0x92: {  	_ =	strace s18  }
0x93: {  	s3 =	sld [smem:$0x3FFC];
	_ =	sdelay $0x3  }
0x94: {  	_ =	strace s3  }
0x95: {  	s3 =	sld [smem:$0x3FFD];
	_ =	sdelay $0x3  }
0x96: {  	_ =	strace s3  }
0x97: {  	_ =	strace $0x8FFFFFFF  }
0x98: {  	s19 =	sld [smem:$0x3FDB];
	_ =	sdelay $0x1  }
0x99: {  	s4 =	simm.s32 $_scs_section_size  }
0x9a: {  	s5 =	simm.s32 $_size__tile_overlayer_lowered;
	s6 =	simm.s32 $_tile_overlayer_lowered  }
0x9b: {  	s22 =	simm.s32 $0x1BFF;
	s21 =	sshll.u32 s6, $0x1;
	s3 =	sadd.s32 s4, s19  }
0x9c: {  	s7 =	simm.s32 $0x0;
	s20 =	sshll.u32 s5, $0x1;
	s5 =	sadd.s32 s21, s3  }
0x9d: {  	[timem:s7], [sflag:s22] =	dma.local [hbm:s5], s20  }
0x9e: {  	_ =	swait.ge [sflag:s22], s20  }
0x9f: {  	s4 =	ssub.s32 $0x0, s20;
	[sflag:s22] =	ssyncset.done $0x0  }
0xa0: {  	[sflag:s22] =	ssyncadd.s32 s4;
	_ =	sdelay $0x1  }
0xa1: {  	s23 =	simm.s32 $0x1B8B  }
0xa2: {  	_ =	swait.ge [sflag:s23], $0x1  }
0xa3: {  	[sflag:s23] =	ssyncset.done $0x0  }
0xa4: {  	s25 =	simm.s32 $0x1B8E;
	s24 =	sld [smem:$0x3FFE];
	[sflag:s23] =	ssyncadd.s32 $0xFFFFFFFF  }
0xa5: {  	s26 =	simm.s32 $execute0_lowered;
	[smem:$0x3FD2] =	sst s25  }
0xa6: {  	s5 =	sshll.u32 s26, $0x1;
	_ =	strace $0x80000049;
	[dreg:$0x1] =	wrdreg $0xFFFFFFFF  }
0xa7: {  	s28 =	simm.s32 $_size_execute0_lowered;
	s3 =	sadd.s32 s3, s5;
	[dreg:$0x0] =	wrdreg $0x0  }
0xa8: {  	s5 =	sshll.u32 s28, $0x1;
	[dreg:$0x2] =	wrdreg s3  }
0xa9: {  	[dreg:$0x3] =	wrdreg s5  }
0xaa: {  	[dreg:$0x4] =	wrdreg $0xC0  }
0xab: {  	_ =	task [dreg:s7], $0x5FFFF  }
0xac: {  	[dreg:$0x1] =	wrdreg $0xFFFFFFFF  }
0xad: {  	[dreg:$0x0] =	wrdreg $0x60  }
0xae: {  	[dreg:$0x2] =	wrdreg s2  }
0xaf: {  	[dreg:$0x3] =	wrdreg s24  }
0xb0: {  	[dreg:$0x4] =	wrdreg $0xC7000  }
0xb1: {  	[dreg:$0x5] =	wrdreg $0x9  }
0xb2: {  	_ =	task.clear_ibuf [dreg:s7], $0x6FFFF;
	_ =	strace $0x90000049  }
0xb3: {  	s29 =	simm.s32 $0x9;
	_ =	strace $0x8000004B  }
0xb4: {  	_ =	swait.ge [sflag:s29], $0x1  }
0xb5: {  	[sflag:s29] =	ssyncadd.s32 $0xFFFFFFFF  }
0xb6: {  	_ =	strace $0x9000004B  }
0xb7: {  	_ =	sfence  }
0xb8: {  	s30 =	sld [smem:$0x0];
	_ =	sdelay $0x2  }
0xb9: {  	s31 =	sshll.u32 s1, $0xD;
	s1 =	sshrl.u32 s1, $0x2  }
0xba: {  	s3 =	sand.u32 $0x4000, s31;
	s1 =	sadd.s32 s1, s30  }
0xbb: {  	s0 =	sor.u32 s3, s0;
	s1 =	sshll.u32 s1, $0x11  }
0xbc: {  	s0 =	sor.u32 s1, s0  }
0xbd: {  	s0 =	sadd.s32 $0x8F2B, s0  }
0xbe: {  	[sflag:s0] =	ssyncadd.remote.s32 $0x1  }
0xbf: {  	_ =	sfence.sel $0xFFFF  }
0xc0: {  	[dreg:$0x0] =	wrdreg $0xFFFFFFFF;
	(pc) =	sbr.abs _section_cstart, $3  }
0xc1: {  	[dreg:$0x1] =	wrdreg $0xFFFFFFFF  }
0xc2: {  	_ =	task.clear_ibuf [dreg:s7], $0x2FFFF;
	_ =	strace $0x9FFFFFFF  }
0xc3: {  	(tm) =	ssettm $0x7FFFFFFF  }
tec
execute0_lowered:
.L_overlay_start_1:
0x0: {  	(tag) =	ssettag $0x1  }
0x1: {  	s0 =	srdreg.scid  }
0x2: {  	s15 =	stileid.u32;
	s1 =	rddreg [dreg:$0x0]  }
0x3: {  	s5 =	rddreg [dreg:$0x1];
	s7 =	smul.u32 $0x4F000, s15  }
0x4: {  	s16 =	simm.s32 $0x0;
	s0 =	sand.u32 $0x1, s0;
	s9 =	smul.u32 $0x13C00, s15  }
0x5: {  	s3 =	sshrl.u32 s15, $0x3;
	s6 =	sshll.u32 s15, $0x7;
	s2 =	smul.u32 $0x27800, s0  }
0x6: {  	[smem:$0x7FF] =	sst s16;
	p0 =	seq.s32 s15, $0xF;
	s4 =	smul.u32 $0x13C00, s3  }
0x7: {  	s3 =	rddreg [dreg:$0x2];
	s6 =	sand.u32 $0x380, s6;
	s11 =	ssub.s32 $0x2, s0  }
0x8: {  	_ =	strace $0x8000004A;
	s0 =	smul.u32 $0x138800, s0;
	s8 =	sshrl.u32 s11, $0x1  }
0x9: {  	s13 =	sshrl.u32 s7, $0x2;
	s10 =	sadd.s32 $0x5000, s9;
	s20 =	sadd.s32 $0x7800, s9  }
0xa: {  	s24 =	sadd.s32 $0xF000, s9;
	s2 =	sadd.s32 s2, s4;
	s4 =	sor.u32 s6, s4  }
0xb: {  	s7 =	sadd.s32 s13, s3;
	s14 =	sadd.s32 s9, s0;
	s19 =	sadd.s32 s0, s10  }
0xc: {  	s21 =	sadd.s32 s0, s20;
	s13 =	sadd.s32 $0xC800, s9;
	s25 =	sadd.s32 s0, s24  }
0xd: {  	s2 =	sor.u32 s6, s2;
	s4 =	sshrl.u32 s4, $0x3;
	s6 =	ssub.s32 s11, s8  }
0xe: {  	s11 =	sadd.s32 $0xA000, s9;
	s23 =	sadd.s32 s0, s13;
	s28 =	sadd.s32 $0x7800, s7  }
0xf: {  	s29 =	sadd.s32 $0xA000, s7;
	s30 =	sadd.s32 $0xC800, s7;
	s2 =	sshrl.u32 s2, $0x3  }
0x10: {  	s31 =	sadd.s32 $0xF000, s7;
	s4 =	sadd.s32 s4, s5;
	s2 =	sadd.s32 s2, s5  }
0x11: {  	s5 =	sadd.s32 $0x12800, s5;
	s12 =	sadd.s32 $0x3A00, s4;
	s4 =	sadd.s32 $0x2800, s9  }
0x12: {  	s9 =	sadd.s32 $0x11800, s9;
	s2 =	sadd.s32 $0x8A00, s2;
	[dreg:$0x5] =	wrdreg s12  }
0x13: {  	s17 =	sadd.s32 s0, s4;
	s12 =	sadd.s32 s0, s11;
	[dreg:$0x4] =	wrdreg s2  }
0x14: {  	s2 =	sshrl.u32 s14, $0x3;
	s8 =	sshrl.u32 s17, $0x3;
	s12 =	sshrl.u32 s12, $0x3  }
0x15: {  	s14 =	sadd.s32 s0, s9;
	s0 =	sshrl.u32 s0, $0x3;
	s17 =	sadd.s32 s4, s3  }
0x16: {  	s9 =	sadd.s32 s9, s3;
	s4 =	simm.s32 $0x80;
	s2 =	sadd.s32 s5, s2  }
0x17: {  	s18 =	sadd.s32 s5, s8;
	s22 =	sadd.s32 s5, s12;
	[dreg:$0x6] =	wrdreg s2  }
0x18: {  	s14 =	sshrl.u32 s14, $0x3;
	s0 =	sadd.s32 s5, s0;
	[dreg:$0x7] =	wrdreg s18  }
0x19: {  	s8 =	simm.s32 $0x4F00;
	s2 =	sshrl.u32 s19, $0x3;
	[dreg:$0xa] =	wrdreg s22  }
0x1a: {  	s26 =	sadd.s32 s5, s14;
	s14 =	sadd.s32 $0x2800, s7;
	s18 =	sadd.s32 s10, s3  }
0x1b: {  	s19 =	sadd.s32 s20, s3;
	s20 =	sadd.s32 s11, s3;
	[dreg:$0xd] =	wrdreg s26  }
0x1c: {  	s11 =	sadd.s32 s24, s3;
	s0 =	sadd.s32 $0x26E80, s0;
	[dreg:$0xe] =	wrdreg s14  }
0x1d: {  	s22 =	smax.u32 s6, $0x1;
	s6 =	simm.s32 $0x4;
	[dreg:$0xf] =	wrdreg s0  }
0x1e: {  	s10 =	simm.s32 $0x0;
	s2 =	sadd.s32 s5, s2;
	[dreg:$0x10] =	wrdreg s22  }
0x1f: {  	s24 =	sshrl.u32 s18, $0x3;
	s26 =	sshrl.u32 s20, $0x3;
	[dreg:$0x8] =	wrdreg s2  }
0x20: {  	s0 =	sadd.s32 $0x137400, s3;
	s2 =	sshrl.u32 s21, $0x3;
	[dreg:$0x12] =	wrdreg s24  }
0x21: {  	s21 =	sadd.s32 s13, s3;
	[dreg:$0x14] =	wrdreg s26;
	s2 =	sadd.s32 s5, s2  }
0x22: {  	[dreg:$0x9] =	wrdreg s2;
	s2 =	sshrl.u32 s23, $0x3;
	s23 =	sshrl.u32 s17, $0x3  }
0x23: {  	s24 =	sshrl.u32 @!p0 s11, $0x3;
	s2 =	sadd.s32 s5, s2;
	[dreg:$0x11] =	wrdreg s23  }
0x24: {  	s26 =	sadd.s32 $0x5000, s7;
	[dreg:$0xb] =	wrdreg s2;
	s2 =	sshrl.u32 s25, $0x3  }
0x25: {  	s23 =	sshrl.u32 s21, $0x3;
	s25 =	sshrl.u32 s19, $0x3;
	s2 =	sadd.s32 s5, s2  }
0x26: {  	[dreg:$0x13] =	wrdreg s25;
	s25 =	sshrl.u32 @!p0 s9, $0x3;
	s5 =	simm.s32 $0x400  }
0x27: {  	v0 =	vimm.f32 $0.0e+00;
	s9 =	simm.s32 $0x50;
	[dreg:$0xc] =	wrdreg s2;
	s2 =	sadd.s32 $0x11800, s7  }
.LBB2_1:
0x28: {  	s11 =	rddreg [dreg:$0x4]  }
0x29: {  	[tilespmem:s16], [sflag:$0x4] =	stream.strided.gather [hbm4b:s11+s4], $0x2780, s5, s4, $0x38;
	[tilespmem:$0x1FF80] =	vst v63  }
0x2a: {  	_ =	swait.ge [sflag:s6], $0x2780  }
0x2b: {  	[sflag:s6] =	ssyncset.done $0x0  }
0x2c: {  	s12 =	simm.s32 $0x2780;
	s22 =	rddreg [dreg:$0x5];
	[sflag:s6] =	ssyncadd.s32 $0xFFFFD880  }
0x2d: {  	[tilespmem:s12], [sflag:$0x4] =	stream.strided.gather [hbm4b:s22+s4], $0x2780, s5, s4, $0x38;
	[tilespmem:$0x1FF80] =	vst v63  }
0x2e: {  	_ =	swait.ge [sflag:s6], $0x2780  }
0x2f: {  	[sflag:s6] =	ssyncset.done $0x0  }
0x30: {  	s11 =	simm.s32 $0x0;
	s12 =	simm.s32 $0x200;
	[sflag:s6] =	ssyncadd.s32 $0xFFFFD880  }
.LBB2_2:
0x31: {  	p1 =	sne.s32 s12, $0x9E00;
	[tilespmem:s11+$0x4F70] =	vst v0  }
0x32: {  	[tilespmem:s11+$0x4F00] =	vst v0  }
0x33: {  	[tilespmem:s11+$0x4F10] =	vst v0  }
.Ltmp0:
0x34: {  	[tilespmem:s11+$0x4F20] =	vst v0;
	(pc) =	sbr.rel @p1 .LBB2_2-.Ltmp0, $4  }
0x35: {  	[tilespmem:s11+$0x4F30] =	vst v0  }
0x36: {  	[tilespmem:s11+$0x4F40] =	vst v0  }
0x37: {  	[tilespmem:s11+$0x4F50] =	vst v0  }
0x38: {  	[tilespmem:s11+$0x4F60] =	vst v0;
	s11 =	sshra.s32 s12, $0x2;
	s12 =	sadd.s32 $0x200, s12  }
0x39: {  	[tilespmem:s11+$0x4F70] =	vst v0  }
0x3a: {  	[tilespmem:s11+$0x4F00] =	vst v0  }
0x3b: {  	[tilespmem:s11+$0x4F10] =	vst v0  }
0x3c: {  	[tilespmem:s11+$0x4F20] =	vst v0  }
0x3d: {  	[tilespmem:s11+$0x4F30] =	vst v0  }
0x3e: {  	[tilespmem:s11+$0x4F40] =	vst v0  }
0x3f: {  	[tilespmem:s11+$0x4F50] =	vst v0  }
0x40: {  	[tilespmem:s11+$0x4F60] =	vst v0  }
0x41: {  	[spmem:s7] =	stream.linear.scatter [tilespmem:s8], [sflag:$0x4], $0x2800, $0x38;
	[tilespmem:$0x1FF80] =	vst v63  }
0x42: {  	_ =	swait.ge [sflag:s6], $0x2800  }
0x43: {  	[sflag:s6] =	ssyncset.done $0x0  }
0x44: {  	s15 =	rddreg [dreg:$0xe];
	[sflag:s6] =	ssyncadd.s32 $0xFFFFD800  }
0x45: {  	[spmem:s15] =	stream.linear.scatter [tilespmem:s8], [sflag:$0x4], $0x2800, $0x38;
	[tilespmem:$0x1FF80] =	vst v63  }
0x46: {  	_ =	swait.ge [sflag:s6], $0x2800  }
0x47: {  	[sflag:s6] =	ssyncset.done $0x0  }
0x48: {  	[sflag:s6] =	ssyncadd.s32 $0xFFFFD800  }
0x49: {  	[spmem:s26] =	stream.linear.scatter [tilespmem:s8], [sflag:$0x4], $0x2800, $0x38;
	[tilespmem:$0x1FF80] =	vst v63  }
0x4a: {  	_ =	swait.ge [sflag:s6], $0x2800  }
0x4b: {  	[sflag:s6] =	ssyncset.done $0x0  }
0x4c: {  	[sflag:s6] =	ssyncadd.s32 $0xFFFFD800  }
0x4d: {  	[spmem:s28] =	stream.linear.scatter [tilespmem:s8], [sflag:$0x4], $0x2800, $0x38;
	[tilespmem:$0x1FF80] =	vst v63  }
0x4e: {  	_ =	swait.ge [sflag:s6], $0x2800  }
0x4f: {  	[sflag:s6] =	ssyncset.done $0x0  }
0x50: {  	[sflag:s6] =	ssyncadd.s32 $0xFFFFD800  }
0x51: {  	[spmem:s29] =	stream.linear.scatter [tilespmem:s8], [sflag:$0x4], $0x2800, $0x38;
	[tilespmem:$0x1FF80] =	vst v63  }
0x52: {  	_ =	swait.ge [sflag:s6], $0x2800  }
0x53: {  	[sflag:s6] =	ssyncset.done $0x0  }
0x54: {  	[sflag:s6] =	ssyncadd.s32 $0xFFFFD800  }
0x55: {  	[spmem:s30] =	stream.linear.scatter [tilespmem:s8], [sflag:$0x4], $0x2800, $0x38;
	[tilespmem:$0x1FF80] =	vst v63  }
0x56: {  	_ =	swait.ge [sflag:s6], $0x2800  }
0x57: {  	[sflag:s6] =	ssyncset.done $0x0  }
0x58: {  	s11 =	simm.s32 @p0 $0x4F00;
	[sflag:s6] =	ssyncadd.s32 $0xFFFFD800  }
0x59: {  	[spmem:s0] =	stream.linear.scatter @p0 [tilespmem:s11], [sflag:$0x4], $0x1400, $0x38;
	[tilespmem:$0x1FF80] =	vst v63  }
0x5a: {  	s11 =	simm.s32 @p0 $0x4  }
0x5b: {  	_ =	swait.ge @p0 [sflag:s11], $0x1400  }
0x5c: {  	[sflag:s11] =	ssyncset.done @p0 $0x0  }
0x5d: {  	s12 =	simm.s32 @!p0 $0x4;
	[sflag:s11] =	ssyncadd.s32 @p0 $0xFFFFEC00;
	s11 =	simm.s32 @!p0 $0x4F00  }
0x5e: {  	[spmem:s31] =	stream.linear.scatter @!p0 [tilespmem:s11], [sflag:$0x4], $0x2800, $0x38;
	[tilespmem:$0x1FF80] =	vst v63  }
0x5f: {  	_ =	swait.ge @!p0 [sflag:s12], $0x2800  }
0x60: {  	[sflag:s12] =	ssyncset.done @!p0 $0x0  }
0x61: {  	[sflag:s12] =	ssyncadd.s32 @!p0 $0xFFFFD800  }
0x62: {  	[spmem:s2] =	stream.linear.scatter @!p0 [tilespmem:s11], [sflag:$0x4], $0x2400, $0x38;
	[tilespmem:$0x1FF80] =	vst v63  }
0x63: {  	p1 =	por $0x0, $0x0;
	s11 =	simm.s32 $0x2  }
0x64: {  	_ =	swait.ge @!p0 [sflag:s12], $0x2400;
	s11 =	smul.u32 @!p1 $0xAB, s11  }
0x65: {  	[sflag:s12] =	ssyncset.done @!p0 $0x0  }
0x66: {  	s17 =	simm.s32 $0x0;
	[sflag:s12] =	ssyncadd.s32 @!p0 $0xFFFFDC00;
	s11 =	sshrl.u32 @!p1 s11, $0x9  }
0x67: {  	s12 =	smul.u32 $0xAB, s17;
	[bflag:$0x0] =	sbarrier.arrive $0xFFFF;
	s11 =	sand.u32 @!p1 $0x7F, s11  }
0x68: {  	[tilespmem:s8], [sflag:$0x1] =	stream.indirect.gather [hbm4b:s1+s9], $0x80, s16, s9, $0xb8;
	[tilespmem:$0x1FF80] =	vst v63  }
0x69: {  	s16 =	simm.s32 $0x7700;
	s11 =	smul.u32 @!p1 $0x3, s11;
	s12 =	sshrl.u32 s12, $0x9  }
0x6a: {  	[tilespmem:s16], [sflag:$0x2] =	stream.indirect.gather [hbm4b:s1+s9], $0x80, s9, s9, $0xb8;
	[tilespmem:$0x1FF80] =	vst v63  }
0x6b: {  	s12 =	sand.u32 $0x7F, s12;
	s11 =	ssub.s32 @!p1 $0x2, s11  }
0x6c: {  	s12 =	smul.u32 $0x3, s12;
	s11 =	sand.u32 @!p1 $0xFF, s11  }
0x6d: {  	s13 =	smul.u32 @!p1 $0xA000, s11  }
0x6e: {  	s14 =	simm.s32 $0xA0;
	s12 =	ssub.s32 $0x0, s12  }
0x6f: {  	s11 =	sadd.s32 @!p1 $0x1, s11;
	s15 =	sand.u32 $0xFF, s12;
	s13 =	sshrl.u32 @!p1 s13, $0x2  }
0x70: {  	s12 =	simm.s32 @!p1 $0x50;
	s18 =	smul.u32 $0xA000, s15;
	s13 =	sadd.s32 @!p1 $0x4F00, s13  }
0x71: {  	[tilespmem:s13], [sflag:s11] =	stream.indirect.gather @!p1 [hbm4b:s1+s12], $0x80, s14, s12, $0xb8;
	[tilespmem:$0x1FF80] =	vst v63  }
0x72: {  	s19 =	simm.s32 $0x2780;
	s20 =	sadd.s32 $0x1, s15;
	s12 =	simm.s32 $0x3  }
0x73: {  	s14 =	simm.s32 $0x1;
	s21 =	sshrl.u32 s18, $0x2;
	p1 =	por $0x0, $0x0  }
0x74: {  	s13 =	simm.s32 $0xF0;
	_ =	swait.ge [sflag:s20], $0x2800;
	s17 =	smul.u32 @!p1 $0xAB, s12  }
0x75: {  	s11 =	simm.s32 $0x27D0;
	s22 =	smul.u32 $0xAB, s14;
	[sflag:s20] =	ssyncset.done $0x0  }
0x76: {  	s15 =	sadd.s32 $0x4F00, s21;
	[sflag:s20] =	ssyncadd.s32 $0xFFFFD800;
	s17 =	sshrl.u32 @!p1 s17, $0x9  }
0x77: {  	[spmem:s3] =	stream.indirect.scatter.add.f32 [tilespmem:s15], [sflag:$0x4], $0x80, s19, s9, $0xb8;
	[tilespmem:$0x1FF80] =	vst v63  }
0x78: {  	s16 =	sshrl.u32 s22, $0x9;
	s15 =	simm.s32 $0x4;
	_ =	swait.ge [sflag:s6], $0x2800  }
0x79: {  	s17 =	sand.u32 @!p1 $0x7F, s17;
	s16 =	sand.u32 $0x7F, s16;
	[sflag:s6] =	ssyncset.done $0x0  }
.LBB2_4:
0x7a: {  	s17 =	smul.u32 @!p1 $0x3, s17;
	[sflag:s6] =	ssyncadd.s32 $0xFFFFD800;
	s18 =	smov.u32 s15  }
0x7b: {  	s15 =	sadd.s32 $0x1, s15;
	s19 =	smov.u32 s13;
	s20 =	smov.u32 s11  }
0x7c: {  	p2 =	sne.s32 s15, $0x7F  }
0x7d: {  	s16 =	smul.u32 $0x3, s16;
	s17 =	ssub.s32 @!p1 s12, s17;
	s12 =	smov.u32 s18  }
0x7e: {  	s17 =	sand.u32 @!p1 $0xFF, s17  }
0x7f: {  	s14 =	ssub.s32 s14, s16;
	s18 =	smul.u32 @!p1 $0xA000, s17;
	s17 =	sadd.s32 @!p1 $0x1, s17  }
0x80: {  	s13 =	sadd.s32 $0x50, s13;
	s11 =	sadd.s32 $0x50, s11;
	s14 =	sand.u32 $0xFF, s14  }
0x81: {  	s21 =	smul.u32 $0xA000, s14;
	s16 =	sshrl.u32 @!p1 s18, $0x2;
	s18 =	simm.s32 @!p1 $0x50  }
0x82: {  	s22 =	sadd.s32 $0x1, s14;
	s14 =	sadd.s32 $0xFFFFFFFE, s12;
	s16 =	sadd.s32 @!p1 $0x4F00, s16  }
0x83: {  	[tilespmem:s16], [sflag:s17] =	stream.indirect.gather @!p1 [hbm4b:s1+s18], $0x80, s19, s18, $0xb8;
	[tilespmem:$0x1FF80] =	vst v63  }
0x84: {  	s16 =	sshrl.u32 s21, $0x2;
	s17 =	smul.u32 $0xAB, s14;
	_ =	swait.ge [sflag:s22], $0x2800  }
.Ltmp1:
0x85: {  	p1 =	sgt.u32 s14, $0x7A;
	[sflag:s22] =	ssyncset.done $0x0;
	(pc) =	sbr.rel @p2 .LBB2_4-.Ltmp1, $4  }
0x86: {  	s18 =	smul.u32 @!p1 $0xAB, s12;
	s16 =	sadd.s32 $0x4F00, s16;
	[sflag:s22] =	ssyncadd.s32 $0xFFFFD800  }
0x87: {  	[spmem:s3] =	stream.indirect.scatter.add.f32 [tilespmem:s16], [sflag:$0x4], $0x80, s20, s9, $0xb8;
	[tilespmem:$0x1FF80] =	vst v63  }
0x88: {  	s16 =	sshrl.u32 @!p1 s18, $0x9;
	s18 =	sshrl.u32 s17, $0x9;
	_ =	swait.ge [sflag:s6], $0x2800  }
0x89: {  	s17 =	sand.u32 @!p1 $0x7F, s16;
	s16 =	sand.u32 $0x7F, s18;
	[sflag:s6] =	ssyncset.done $0x0  }
0x8a: {  	s15 =	smul.u32 @!p1 $0x3, s17;
	_ =	sdelay $0x1  }
0x8b: {  	s12 =	ssub.s32 @!p1 s12, s15  }
0x8c: {  	s12 =	sand.u32 @!p1 $0xFF, s12  }
0x8d: {  	s15 =	smul.u32 @!p1 $0xA000, s12;
	_ =	sdelay $0x1  }
0x8e: {  	[sflag:s6] =	ssyncadd.s32 $0xFFFFD800;
	s16 =	smul.u32 $0x3, s16;
	s15 =	sshrl.u32 @!p1 s15, $0x2  }
0x8f: {  	s17 =	simm.s32 @!p1 $0x50;
	s12 =	sadd.s32 @!p1 $0x1, s12;
	s15 =	sadd.s32 @!p1 $0x4F00, s15  }
0x90: {  	[tilespmem:s15], [sflag:s12] =	stream.indirect.gather @!p1 [hbm4b:s1+s17], $0x80, s13, s17, $0xb8;
	[tilespmem:$0x1FF80] =	vst v63  }
0x91: {  	s17 =	ssub.s32 s14, s16  }
0x92: {  	s12 =	sand.u32 $0xFF, s17  }
0x93: {  	s18 =	smul.u32 $0xA000, s12;
	s12 =	sadd.s32 $0x1, s12  }
0x94: {  	_ =	swait.ge [sflag:s12], $0x2800  }
0x95: {  	s13 =	sshrl.u32 s18, $0x2;
	[sflag:s12] =	ssyncset.done $0x0  }
0x96: {  	[sflag:s12] =	ssyncadd.s32 $0xFFFFD800;
	s19 =	sadd.s32 $0x4F00, s13  }
0x97: {  	[spmem:s3] =	stream.indirect.scatter.add.f32 [tilespmem:s19], [sflag:$0x4], $0x80, s11, s9, $0xb8;
	[tilespmem:$0x1FF80] =	vst v63  }
0x98: {  	_ =	swait.ge [sflag:s6], $0x2800  }
0x99: {  	[sflag:s6] =	ssyncset.done $0x0  }
0x9a: {  	s20 =	stileid.u32;
	[sflag:s6] =	ssyncadd.s32 $0xFFFFD800  }
0x9b: {  	s11 =	sshll.u32 s20, $0x6;
	[bflag:$0x0] =	sbarrier.arrive $0xFFFF  }
0x9c: {  	s21 =	sshrl.u32 s7, $0x3;
	s11 =	sor.u32 $0x1C04, s11;
	s22 =	rddreg [dreg:$0x6]  }
0x9d: {  	[hbm:s22], [sflag:s11] =	dma.local [spmem:s21], $0x500  }
0x9e: {  	_ =	swait.ge [sflag:s6], $0x500  }
0x9f: {  	[sflag:s6] =	ssyncset.done $0x0;
	s13 =	rddreg [dreg:$0x7]  }
0xa0: {  	s14 =	rddreg [dreg:$0x11];
	[sflag:s6] =	ssyncadd.s32 $0xFFFFFB00  }
0xa1: {  	[hbm:s13], [sflag:s11] =	dma.local [spmem:s14], $0x500  }
0xa2: {  	_ =	swait.ge [sflag:s6], $0x500  }
0xa3: {  	[sflag:s6] =	ssyncset.done $0x0;
	s15 =	rddreg [dreg:$0x8]  }
0xa4: {  	s16 =	rddreg [dreg:$0x12];
	[sflag:s6] =	ssyncadd.s32 $0xFFFFFB00  }
0xa5: {  	[hbm:s15], [sflag:s11] =	dma.local [spmem:s16], $0x500  }
0xa6: {  	_ =	swait.ge [sflag:s6], $0x500  }
0xa7: {  	[sflag:s6] =	ssyncset.done $0x0;
	s17 =	rddreg [dreg:$0x9]  }
0xa8: {  	s18 =	rddreg [dreg:$0x13];
	[sflag:s6] =	ssyncadd.s32 $0xFFFFFB00  }
0xa9: {  	[hbm:s17], [sflag:s11] =	dma.local [spmem:s18], $0x500  }
0xaa: {  	_ =	swait.ge [sflag:s6], $0x500  }
0xab: {  	[sflag:s6] =	ssyncset.done $0x0;
	s19 =	rddreg [dreg:$0xa]  }
0xac: {  	s20 =	rddreg [dreg:$0x14];
	[sflag:s6] =	ssyncadd.s32 $0xFFFFFB00  }
0xad: {  	[hbm:s19], [sflag:s11] =	dma.local [spmem:s20], $0x500  }
0xae: {  	_ =	swait.ge [sflag:s6], $0x500  }
0xaf: {  	[sflag:s6] =	ssyncset.done $0x0  }
0xb0: {  	s21 =	rddreg [dreg:$0xb];
	[sflag:s6] =	ssyncadd.s32 $0xFFFFFB00  }
0xb1: {  	[hbm:s21], [sflag:s11] =	dma.local [spmem:s23], $0x500  }
0xb2: {  	_ =	swait.ge [sflag:s6], $0x500  }
0xb3: {  	[sflag:s6] =	ssyncset.done $0x0  }
0xb4: {  	s12 =	sshrl.u32 @p0 s0, $0x3;
	s13 =	rddreg [dreg:$0xf];
	[sflag:s6] =	ssyncadd.s32 $0xFFFFFB00  }
0xb5: {  	[hbm:s13], [sflag:s11] =	dma.local @p0 [spmem:s12], $0x280  }
0xb6: {  	s12 =	simm.s32 @p0 $0x4  }
0xb7: {  	_ =	swait.ge @p0 [sflag:s12], $0x280  }
0xb8: {  	[sflag:s12] =	ssyncset.done @p0 $0x0  }
0xb9: {  	[sflag:s12] =	ssyncadd.s32 @p0 $0xFFFFFD80;
	s12 =	rddreg [dreg:$0xc]  }
0xba: {  	[hbm:s12], [sflag:s11] =	dma.local @!p0 [spmem:s24], $0x500  }
0xbb: {  	s12 =	simm.s32 @!p0 $0x4  }
0xbc: {  	_ =	swait.ge @!p0 [sflag:s12], $0x500  }
0xbd: {  	[sflag:s12] =	ssyncset.done @!p0 $0x0  }
0xbe: {  	s13 =	rddreg [dreg:$0xd];
	[sflag:s12] =	ssyncadd.s32 @!p0 $0xFFFFFB00  }
0xbf: {  	[hbm:s13], [sflag:s11] =	dma.local @!p0 [spmem:s25], $0x480  }
0xc0: {  	_ =	swait.ge @!p0 [sflag:s12], $0x480  }
0xc1: {  	s10 =	sadd.s32 $0x1, s10;
	s22 =	rddreg [dreg:$0x10]  }
0xc2: {  	p1 =	sne.s32 s10, s22  }
.Ltmp2:
0xc3: {  	_ = 	snop;
	(pc) =	sbr.rel @p1 .LBB2_1-.Ltmp2, $3  }
0xc4: {  	_ =	sdelay $0x1  }
0xc5: {  	[sflag:s12] =	ssyncset.done @!p0 $0x0  }
0xc6: {  	s16 =	simm.s32 $0x0;
	[sflag:s12] =	ssyncadd.s32 @!p0 $0xFFFFFB80  }
0xc7: {  	_ =	sfence.sel $0x180000  }
0xc8: {  	[bflag:$0x0] =	sbarrier.arrive $0xFFFF  }
0xc9: {  	_ =	strace $0x9000004A  }
0xca: {  	s0 =	stileid.u32;
	[bflag:$0x2] =	sbarrier.arrive $0xFFFF  }
0xcb: {  	p0 =	sne.s32 s0, $0x0;
	s0 =	rddreg [dreg:$0x3]  }
0xcc: {  	s0 =	sadd.s32 @!p0 $0x100000, s0  }
0xcd: {  	[sflag:s0] =	ssyncadd.tile.s32 @!p0 $0x1;
	_ =	shalt  }
.Lfunc_end2:
_tile_overlayer_lowered:
.L_overlay_start_2:
0xce: {  	(tag) =	ssettag $0x2  }
0xcf: {  	s0 =	rddreg [dreg:$0x0];
	s2 =	stileid.u32  }
0xd0: {  	s1 =	rddreg [dreg:$0x1];
	p0 =	sne.s32 s2, $0x0  }
0xd1: {  	s3 =	rddreg [dreg:$0x2];
	[bflag:$0x3] =	sbarrier.arrive $0xFFFF;
	s2 =	simm.s32 @!p0 $0x1C04  }
0xd2: {  	[timem:s3], [sflag:s2] =	dma.local @!p0 [hbm:s0], s1  }
0xd3: {  	s0 =	simm.s32 @!p0 $0x4  }
0xd4: {  	_ =	swait.ge @!p0 [sflag:s0], s1  }
0xd5: {  	s1 =	ssub.s32 @!p0 $0x0, s1;
	[sflag:s0] =	ssyncset.done @!p0 $0x0  }
0xd6: {  	[sflag:s0] =	ssyncadd.s32 @!p0 s1  }
0xd7: {  	[bflag:$0x3] =	sbarrier.arrive $0xFFFF  }
0xd8: {  	_ =	shalt  }

// kernel: kernel.14.cloned.1.call-start
scs
__scs_entry_jumppad:
0x0: {  	(pc) =	sbr.rel $0x88, $3  }
0x1: {  	(tag) =	ssettag $0x0;
	lr =	simm.s32 $0x1  }
0x2: {  	[smem:$0x3F89] =	sst lr;
	_ =	strace $0xD0000000  }
0x3: {  	_ = 	snop  }
0x4: {  	_ = 	snop  }
0x5: {  	_ = 	snop  }
0x6: {  	_ = 	snop  }
0x7: {  	_ = 	snop  }
__scs_overlays_trampoline_lowered:
0x8: {  	[smem:$0x3F98] =	sst s0  }
0x9: {  	[smem:$0x3F99] =	sst s1  }
0xa: {  	[smem:$0x3F9A] =	sst s2  }
0xb: {  	[smem:$0x3F9B] =	sst s3  }
0xc: {  	[smem:$0x3F9C] =	sst s4  }
0xd: {  	[smem:$0x3F9D] =	sst s5  }
0xe: {  	[smem:$0x3F9E] =	sst s6  }
0xf: {  	[smem:$0x3F9F] =	sst s7  }
0x10: {  	[smem:$0x3FA0] =	sst s8  }
0x11: {  	[smem:$0x3FA1] =	sst s9;
	s0 =	simm.s32 @!p0 $0x0  }
0x12: {  	s1 =	sld [smem:$0x3F87];
	s0 =	simm.s32 @p0 $0x1  }
0x13: {  	[smem:$0x3FA2] =	sst s0;
	s0 =	simm.s32 @!p1 $0x0  }
0x14: {  	s2 =	sld [smem:$0x3F86];
	s0 =	simm.s32 @p1 $0x1  }
0x15: {  	[smem:$0x3FA3] =	sst s0;
	s0 =	simm.s32 @!p2 $0x0  }
0x16: {  	s3 =	sld [smem:$0x3FDB];
	s0 =	simm.s32 @p2 $0x1  }
0x17: {  	s4 =	simm.s32 $0x1BF5;
	[smem:$0x3FA5] =	sst s0  }
0x18: {  	s0 =	sld [smem:$0x3F88];
	_ =	swait.ge [sflag:s4], $0x0  }
0x19: {  	s7 =	sld [smem:$0x3F89]  }
0x1a: {  	s8 =	sadd.s32 $0xFFFFE003, lr  }
0x1b: {  	s9 =	sadd.s32 $0xFFFFFEF7, lr;
	s5 =	simm.s32 $0xFFFFFFFF;
	p2 =	slt.u32 s8, $0xFFFFF086  }
0x1c: {  	p1 =	slt.u32 s9, $0xF7A;
	s5 =	simm.s32 @!p2 $0x0  }
0x1d: {  	s5 =	simm.s32 @p1 $0x1;
	p0 =	seq.s32 s7, s2  }
0x1e: {  	s7 =	smul.u32 @!p0 $0xF7A, s2;
	p2 =	seq.s32 @!p0 s5, $0x0  }
0x1f: {  	s9 =	smul.u32 $0xF7A, s1;
	s8 =	simm.s32 @!p0 $0x1BF5;
	p2 =	por !p2, p0  }
0x20: {  	[sflag:s8] =	ssyncset.s32 @!p0 $0xFFFFF086;
	s6 =	sadd.s32 @!p0 s3, s7;
	s7 =	simm.s32 @!p0 $0x108  }
0x21: {  	s3 =	sadd.s32 s3, s9;
	s6 =	sadd.s32 @!p0 $0x88, s6;
	s7 =	simm.s32 @p2 $0x1082  }
0x22: {  	[simem:s7], [sflag:s8] =	dma.local @!p0 [hbm:s6], $0xF7A  }
0x23: {  	s9 =	sor.u32 $0xD0000000, s2;
	s6 =	simm.s32 $0x108;
	_ =	swait.ge @!p0 [sflag:s8], $0x0  }
0x24: {  	s3 =	sadd.s32 $0x88, s3;
	s6 =	simm.s32 @!p1 $0x1082;
	[sflag:s4] =	ssyncset.s32 $0xFFFFF086  }
0x25: {  	[simem:s6], [sflag:s4] =	dma.local [hbm:s3], $0xF7A  }
0x26: {  	[smem:$0x3F89] =	sst s1;
	(tag) =	ssettag s2;
	_ =	strace s9  }
0x27: {  	s1 =	sld [smem:$0x3F99]  }
0x28: {  	s2 =	sld [smem:$0x3F9A]  }
0x29: {  	s4 =	sld [smem:$0x3F9C]  }
0x2a: {  	p0 =	seq.s32 s5, $0x0;
	s5 =	sld [smem:$0x3F9D]  }
0x2b: {  	s6 =	sld [smem:$0x3F9E]  }
0x2c: {  	s7 =	sld [smem:$0x3F9F]  }
0x2d: {  	s3 =	simm.s32 $0x108;
	s8 =	sld [smem:$0x3FA0]  }
0x2e: {  	s3 =	simm.s32 @!p0 $0x1082;
	s9 =	sld [smem:$0x3FA1]  }
0x2f: {  	lr =	sadd.s32 s0, s3;
	s0 =	sld [smem:$0x3F98]  }
0x30: {  	s3 =	sld [smem:$0x3F9B]  }
0x31: {  	[smem:$0x3FA4] =	sst s10  }
0x32: {  	s10 =	sld [smem:$0x3FA2];
	_ =	sdelay $0x3  }
0x33: {  	p0 =	seq.s32 s10, $0x1;
	s10 =	sld [smem:$0x3FA4];
	_ =	sdelay $0x3  }
0x34: {  	[smem:$0x3FA4] =	sst s10  }
0x35: {  	s10 =	sld [smem:$0x3FA3];
	_ =	sdelay $0x3  }
0x36: {  	p1 =	seq.s32 s10, $0x1;
	s10 =	sld [smem:$0x3FA4];
	_ =	sdelay $0x3  }
0x37: {  	[smem:$0x3FA4] =	sst s10  }
0x38: {  	s10 =	sld [smem:$0x3FA5]  }
0x39: {  	_ = 	snop;
	(pc) =	sbr.ind lr, $3  }
0x3a: {  	_ = 	snop  }
0x3b: {  	_ = 	snop  }
0x3c: {  	p2 =	seq.s32 s10, $0x1;
	s10 =	sld [smem:$0x3FA4]  }
0x3d: {  	_ =	shalt  }
0x3e: {  	_ =	shalt  }
0x3f: {  	_ =	shalt  }
0x40: {  	_ =	shalt  }
0x41: {  	_ =	shalt  }
0x42: {  	_ =	shalt  }
0x43: {  	_ =	shalt  }
0x44: {  	_ =	shalt  }
0x45: {  	_ =	shalt  }
0x46: {  	_ =	shalt  }
0x47: {  	_ =	shalt  }
0x48: {  	_ =	shalt  }
0x49: {  	_ =	shalt  }
0x4a: {  	_ =	shalt  }
0x4b: {  	_ =	shalt  }
0x4c: {  	_ =	shalt  }
0x4d: {  	_ =	shalt  }
0x4e: {  	_ =	shalt  }
0x4f: {  	_ =	shalt  }
0x50: {  	_ =	shalt  }
0x51: {  	_ =	shalt  }
0x52: {  	_ =	shalt  }
0x53: {  	_ =	shalt  }
0x54: {  	_ =	shalt  }
0x55: {  	_ =	shalt  }
0x56: {  	_ =	shalt  }
0x57: {  	_ =	shalt  }
0x58: {  	_ =	shalt  }
0x59: {  	_ =	shalt  }
0x5a: {  	_ =	shalt  }
0x5b: {  	_ =	shalt  }
0x5c: {  	_ =	shalt  }
0x5d: {  	_ =	shalt  }
0x5e: {  	_ =	shalt  }
0x5f: {  	_ =	shalt  }
0x60: {  	_ =	shalt  }
0x61: {  	_ =	shalt  }
0x62: {  	_ =	shalt  }
0x63: {  	_ =	shalt  }
0x64: {  	_ =	shalt  }
0x65: {  	_ =	shalt  }
0x66: {  	_ =	shalt  }
0x67: {  	_ =	shalt  }
0x68: {  	_ =	shalt  }
0x69: {  	_ =	shalt  }
0x6a: {  	_ =	shalt  }
0x6b: {  	_ =	shalt  }
0x6c: {  	_ =	shalt  }
0x6d: {  	_ =	shalt  }
0x6e: {  	_ =	shalt  }
0x6f: {  	_ =	shalt  }
0x70: {  	_ =	shalt  }
0x71: {  	_ =	shalt  }
0x72: {  	_ =	shalt  }
0x73: {  	_ =	shalt  }
0x74: {  	_ =	shalt  }
0x75: {  	_ =	shalt  }
0x76: {  	_ =	shalt  }
0x77: {  	_ =	shalt  }
0x78: {  	_ =	shalt  }
0x79: {  	_ =	shalt  }
0x7a: {  	_ =	shalt  }
0x7b: {  	_ =	shalt  }
0x7c: {  	_ =	shalt  }
0x7d: {  	_ =	shalt  }
0x7e: {  	_ =	shalt  }
0x7f: {  	_ =	shalt  }
0x80: {  	_ =	shalt  }
0x81: {  	_ =	shalt  }
0x82: {  	_ =	shalt  }
0x83: {  	_ =	shalt  }
0x84: {  	_ =	shalt  }
0x85: {  	_ =	shalt  }
0x86: {  	_ =	shalt  }
0x87: {  	_ =	shalt  }
.Lfunc_end0:
.L_simem_size_0:
called_computation.2_lowered:
.L_overlay_start_0:
0x88: {  	s2 =	sld [smem:$0x3FD9]  }
0x89: {  	s3 =	sld [smem:$0x3FFE];
	_ =	sdelay $0x1  }
0x8a: {  	s1 =	srdreg.scid  }
0x8b: {  	s0 =	sand.u32 $0x1, s1  }
0x8c: {  	s17 =	sshll.u32 s0, $0xA;
	s2 =	sadd.s32 s3, s2  }
0x8d: {  	s2 =	sadd.s32 s2, s17  }
0x8e: {  	[smem:$0x3FB0] =	sst s2  }
0x8f: {  	_ = 	snop  }
0x90: {  	s2 =	sld [smem:$0x3FD0];
	(tm) =	ssettm $0x1  }
0x91: {  	s18 =	sld [smem:$0x3FFB];
	_ =	sdelay $0x3  }
0x92: {  	_ =	strace s18  }
0x93: {  	s3 =	sld [smem:$0x3FFC];
	_ =	sdelay $0x3  }
0x94: {  	_ =	strace s3  }
0x95: {  	s3 =	sld [smem:$0x3FFD];
	_ =	sdelay $0x3  }
0x96: {  	_ =	strace s3  }
0x97: {  	_ =	strace $0x8FFFFFFF  }
0x98: {  	s19 =	sld [smem:$0x3FDB];
	_ =	sdelay $0x1  }
0x99: {  	s4 =	simm.s32 $_scs_section_size  }
0x9a: {  	s5 =	simm.s32 $_size__tile_overlayer_lowered;
	s6 =	simm.s32 $_tile_overlayer_lowered  }
0x9b: {  	s22 =	simm.s32 $0x1BFF;
	s21 =	sshll.u32 s6, $0x1;
	s3 =	sadd.s32 s4, s19  }
0x9c: {  	s7 =	simm.s32 $0x0;
	s20 =	sshll.u32 s5, $0x1;
	s5 =	sadd.s32 s21, s3  }
0x9d: {  	[timem:s7], [sflag:s22] =	dma.local [hbm:s5], s20  }
0x9e: {  	_ =	swait.ge [sflag:s22], s20  }
0x9f: {  	s4 =	ssub.s32 $0x0, s20;
	[sflag:s22] =	ssyncset.done $0x0  }
0xa0: {  	[sflag:s22] =	ssyncadd.s32 s4;
	_ =	sdelay $0x1  }
0xa1: {  	s23 =	simm.s32 $0x1B8B  }
0xa2: {  	_ =	swait.ge [sflag:s23], $0x1  }
0xa3: {  	[sflag:s23] =	ssyncset.done $0x0  }
0xa4: {  	s25 =	simm.s32 $0x1B8E;
	s24 =	sld [smem:$0x3FFE];
	[sflag:s23] =	ssyncadd.s32 $0xFFFFFFFF  }
0xa5: {  	s26 =	simm.s32 $execute0_lowered;
	[smem:$0x3FD2] =	sst s25  }
0xa6: {  	s5 =	sshll.u32 s26, $0x1;
	_ =	strace $0x8000004C;
	[dreg:$0x1] =	wrdreg $0xFFFFFFFF  }
0xa7: {  	s28 =	simm.s32 $_size_execute0_lowered;
	s3 =	sadd.s32 s3, s5;
	[dreg:$0x0] =	wrdreg $0x0  }
0xa8: {  	s5 =	sshll.u32 s28, $0x1;
	[dreg:$0x2] =	wrdreg s3  }
0xa9: {  	[dreg:$0x3] =	wrdreg s5  }
0xaa: {  	[dreg:$0x4] =	wrdreg $0xC0  }
0xab: {  	_ =	task [dreg:s7], $0x5FFFF  }
0xac: {  	[dreg:$0x1] =	wrdreg $0xFFFFFFFF  }
0xad: {  	[dreg:$0x0] =	wrdreg $0x60  }
0xae: {  	[dreg:$0x2] =	wrdreg s2  }
0xaf: {  	[dreg:$0x3] =	wrdreg s24  }
0xb0: {  	[dreg:$0x4] =	wrdreg $0xC7000  }
0xb1: {  	[dreg:$0x5] =	wrdreg $0x9  }
0xb2: {  	_ =	task.clear_ibuf [dreg:s7], $0x6FFFF;
	_ =	strace $0x9000004C  }
0xb3: {  	s29 =	simm.s32 $0x9;
	_ =	strace $0x8000004E  }
0xb4: {  	_ =	swait.ge [sflag:s29], $0x1  }
0xb5: {  	[sflag:s29] =	ssyncadd.s32 $0xFFFFFFFF  }
0xb6: {  	_ =	strace $0x9000004E  }
0xb7: {  	_ =	sfence  }
0xb8: {  	s30 =	sld [smem:$0x0];
	_ =	sdelay $0x2  }
0xb9: {  	s31 =	sshll.u32 s1, $0xD;
	s1 =	sshrl.u32 s1, $0x2  }
0xba: {  	s3 =	sand.u32 $0x4000, s31;
	s1 =	sadd.s32 s1, s30  }
0xbb: {  	s0 =	sor.u32 s3, s0;
	s1 =	sshll.u32 s1, $0x11  }
0xbc: {  	s0 =	sor.u32 s1, s0  }
0xbd: {  	s0 =	sadd.s32 $0x8F2B, s0  }
0xbe: {  	[sflag:s0] =	ssyncadd.remote.s32 $0x1  }
0xbf: {  	_ =	sfence.sel $0xFFFF  }
0xc0: {  	[dreg:$0x0] =	wrdreg $0xFFFFFFFF;
	(pc) =	sbr.abs _section_cstart, $3  }
0xc1: {  	[dreg:$0x1] =	wrdreg $0xFFFFFFFF  }
0xc2: {  	_ =	task.clear_ibuf [dreg:s7], $0x2FFFF;
	_ =	strace $0x9FFFFFFF  }
0xc3: {  	(tm) =	ssettm $0x7FFFFFFF  }
tec
execute0_lowered:
.L_overlay_start_1:
0x0: {  	(tag) =	ssettag $0x1  }
0x1: {  	s0 =	srdreg.scid  }
0x2: {  	s15 =	stileid.u32;
	s1 =	rddreg [dreg:$0x0]  }
0x3: {  	s5 =	rddreg [dreg:$0x1];
	s7 =	smul.u32 $0x4F000, s15  }
0x4: {  	s16 =	simm.s32 $0x0;
	s0 =	sand.u32 $0x1, s0;
	s9 =	smul.u32 $0x13C00, s15  }
0x5: {  	s3 =	sshrl.u32 s15, $0x3;
	s6 =	sshll.u32 s15, $0x7;
	s2 =	smul.u32 $0x27800, s0  }
0x6: {  	[smem:$0x7FF] =	sst s16;
	p0 =	seq.s32 s15, $0xF;
	s4 =	smul.u32 $0x13C00, s3  }
0x7: {  	s3 =	rddreg [dreg:$0x2];
	s6 =	sand.u32 $0x380, s6;
	s11 =	ssub.s32 $0x2, s0  }
0x8: {  	_ =	strace $0x8000004D;
	s0 =	smul.u32 $0x138800, s0;
	s8 =	sshrl.u32 s11, $0x1  }
0x9: {  	s13 =	sshrl.u32 s7, $0x2;
	s10 =	sadd.s32 $0x5000, s9;
	s20 =	sadd.s32 $0x7800, s9  }
0xa: {  	s24 =	sadd.s32 $0xF000, s9;
	s2 =	sadd.s32 s2, s4;
	s4 =	sor.u32 s6, s4  }
0xb: {  	s7 =	sadd.s32 s13, s3;
	s14 =	sadd.s32 s9, s0;
	s19 =	sadd.s32 s0, s10  }
0xc: {  	s21 =	sadd.s32 s0, s20;
	s13 =	sadd.s32 $0xC800, s9;
	s25 =	sadd.s32 s0, s24  }
0xd: {  	s2 =	sor.u32 s6, s2;
	s4 =	sshrl.u32 s4, $0x3;
	s6 =	ssub.s32 s11, s8  }
0xe: {  	s11 =	sadd.s32 $0xA000, s9;
	s23 =	sadd.s32 s0, s13;
	s28 =	sadd.s32 $0x7800, s7  }
0xf: {  	s29 =	sadd.s32 $0xA000, s7;
	s30 =	sadd.s32 $0xC800, s7;
	s2 =	sshrl.u32 s2, $0x3  }
0x10: {  	s31 =	sadd.s32 $0xF000, s7;
	s4 =	sadd.s32 s4, s5;
	s2 =	sadd.s32 s2, s5  }
0x11: {  	s5 =	sadd.s32 $0x12800, s5;
	s12 =	sadd.s32 $0x3A00, s4;
	s4 =	sadd.s32 $0x2800, s9  }
0x12: {  	s9 =	sadd.s32 $0x11800, s9;
	s2 =	sadd.s32 $0x8A00, s2;
	[dreg:$0x5] =	wrdreg s12  }
0x13: {  	s17 =	sadd.s32 s0, s4;
	s12 =	sadd.s32 s0, s11;
	[dreg:$0x4] =	wrdreg s2  }
0x14: {  	s2 =	sshrl.u32 s14, $0x3;
	s8 =	sshrl.u32 s17, $0x3;
	s12 =	sshrl.u32 s12, $0x3  }
0x15: {  	s14 =	sadd.s32 s0, s9;
	s0 =	sshrl.u32 s0, $0x3;
	s17 =	sadd.s32 s4, s3  }
0x16: {  	s9 =	sadd.s32 s9, s3;
	s4 =	simm.s32 $0x80;
	s2 =	sadd.s32 s5, s2  }
0x17: {  	s18 =	sadd.s32 s5, s8;
	s22 =	sadd.s32 s5, s12;
	[dreg:$0x6] =	wrdreg s2  }
0x18: {  	s14 =	sshrl.u32 s14, $0x3;
	s0 =	sadd.s32 s5, s0;
	[dreg:$0x7] =	wrdreg s18  }
0x19: {  	s8 =	simm.s32 $0x4F00;
	s2 =	sshrl.u32 s19, $0x3;
	[dreg:$0xa] =	wrdreg s22  }
0x1a: {  	s26 =	sadd.s32 s5, s14;
	s14 =	sadd.s32 $0x2800, s7;
	s18 =	sadd.s32 s10, s3  }
0x1b: {  	s19 =	sadd.s32 s20, s3;
	s20 =	sadd.s32 s11, s3;
	[dreg:$0xd] =	wrdreg s26  }
0x1c: {  	s11 =	sadd.s32 s24, s3;
	s0 =	sadd.s32 $0x26E80, s0;
	[dreg:$0xe] =	wrdreg s14  }
0x1d: {  	s22 =	smax.u32 s6, $0x1;
	s6 =	simm.s32 $0x4;
	[dreg:$0xf] =	wrdreg s0  }
0x1e: {  	s10 =	simm.s32 $0x0;
	s2 =	sadd.s32 s5, s2;
	[dreg:$0x10] =	wrdreg s22  }
0x1f: {  	s24 =	sshrl.u32 s18, $0x3;
	s26 =	sshrl.u32 s20, $0x3;
	[dreg:$0x8] =	wrdreg s2  }
0x20: {  	s0 =	sadd.s32 $0x137400, s3;
	s2 =	sshrl.u32 s21, $0x3;
	[dreg:$0x12] =	wrdreg s24  }
0x21: {  	s21 =	sadd.s32 s13, s3;
	[dreg:$0x14] =	wrdreg s26;
	s2 =	sadd.s32 s5, s2  }
0x22: {  	[dreg:$0x9] =	wrdreg s2;
	s2 =	sshrl.u32 s23, $0x3;
	s23 =	sshrl.u32 s17, $0x3  }
0x23: {  	s24 =	sshrl.u32 @!p0 s11, $0x3;
	s2 =	sadd.s32 s5, s2;
	[dreg:$0x11] =	wrdreg s23  }
0x24: {  	s26 =	sadd.s32 $0x5000, s7;
	[dreg:$0xb] =	wrdreg s2;
	s2 =	sshrl.u32 s25, $0x3  }
0x25: {  	s23 =	sshrl.u32 s21, $0x3;
	s25 =	sshrl.u32 s19, $0x3;
	s2 =	sadd.s32 s5, s2  }
0x26: {  	[dreg:$0x13] =	wrdreg s25;
	s25 =	sshrl.u32 @!p0 s9, $0x3;
	s5 =	simm.s32 $0x400  }
0x27: {  	v0 =	vimm.f32 $0.0e+00;
	s9 =	simm.s32 $0x50;
	[dreg:$0xc] =	wrdreg s2;
	s2 =	sadd.s32 $0x11800, s7  }
.LBB2_1:
0x28: {  	s11 =	rddreg [dreg:$0x4]  }
0x29: {  	[tilespmem:s16], [sflag:$0x4] =	stream.strided.gather [hbm4b:s11+s4], $0x2780, s5, s4, $0x38;
	[tilespmem:$0x1FF80] =	vst v63  }
0x2a: {  	_ =	swait.ge [sflag:s6], $0x2780  }
0x2b: {  	[sflag:s6] =	ssyncset.done $0x0  }
0x2c: {  	s12 =	simm.s32 $0x2780;
	s22 =	rddreg [dreg:$0x5];
	[sflag:s6] =	ssyncadd.s32 $0xFFFFD880  }
0x2d: {  	[tilespmem:s12], [sflag:$0x4] =	stream.strided.gather [hbm4b:s22+s4], $0x2780, s5, s4, $0x38;
	[tilespmem:$0x1FF80] =	vst v63  }
0x2e: {  	_ =	swait.ge [sflag:s6], $0x2780  }
0x2f: {  	[sflag:s6] =	ssyncset.done $0x0  }
0x30: {  	s11 =	simm.s32 $0x0;
	s12 =	simm.s32 $0x200;
	[sflag:s6] =	ssyncadd.s32 $0xFFFFD880  }
.LBB2_2:
0x31: {  	p1 =	sne.s32 s12, $0x9E00;
	[tilespmem:s11+$0x4F70] =	vst v0  }
0x32: {  	[tilespmem:s11+$0x4F00] =	vst v0  }
0x33: {  	[tilespmem:s11+$0x4F10] =	vst v0  }
.Ltmp0:
0x34: {  	[tilespmem:s11+$0x4F20] =	vst v0;
	(pc) =	sbr.rel @p1 .LBB2_2-.Ltmp0, $4  }
0x35: {  	[tilespmem:s11+$0x4F30] =	vst v0  }
0x36: {  	[tilespmem:s11+$0x4F40] =	vst v0  }
0x37: {  	[tilespmem:s11+$0x4F50] =	vst v0  }
0x38: {  	[tilespmem:s11+$0x4F60] =	vst v0;
	s11 =	sshra.s32 s12, $0x2;
	s12 =	sadd.s32 $0x200, s12  }
0x39: {  	[tilespmem:s11+$0x4F70] =	vst v0  }
0x3a: {  	[tilespmem:s11+$0x4F00] =	vst v0  }
0x3b: {  	[tilespmem:s11+$0x4F10] =	vst v0  }
0x3c: {  	[tilespmem:s11+$0x4F20] =	vst v0  }
0x3d: {  	[tilespmem:s11+$0x4F30] =	vst v0  }
0x3e: {  	[tilespmem:s11+$0x4F40] =	vst v0  }
0x3f: {  	[tilespmem:s11+$0x4F50] =	vst v0  }
0x40: {  	[tilespmem:s11+$0x4F60] =	vst v0  }
0x41: {  	[spmem:s7] =	stream.linear.scatter [tilespmem:s8], [sflag:$0x4], $0x2800, $0x38;
	[tilespmem:$0x1FF80] =	vst v63  }
0x42: {  	_ =	swait.ge [sflag:s6], $0x2800  }
0x43: {  	[sflag:s6] =	ssyncset.done $0x0  }
0x44: {  	s15 =	rddreg [dreg:$0xe];
	[sflag:s6] =	ssyncadd.s32 $0xFFFFD800  }
0x45: {  	[spmem:s15] =	stream.linear.scatter [tilespmem:s8], [sflag:$0x4], $0x2800, $0x38;
	[tilespmem:$0x1FF80] =	vst v63  }
0x46: {  	_ =	swait.ge [sflag:s6], $0x2800  }
0x47: {  	[sflag:s6] =	ssyncset.done $0x0  }
0x48: {  	[sflag:s6] =	ssyncadd.s32 $0xFFFFD800  }
0x49: {  	[spmem:s26] =	stream.linear.scatter [tilespmem:s8], [sflag:$0x4], $0x2800, $0x38;
	[tilespmem:$0x1FF80] =	vst v63  }
0x4a: {  	_ =	swait.ge [sflag:s6], $0x2800  }
0x4b: {  	[sflag:s6] =	ssyncset.done $0x0  }
0x4c: {  	[sflag:s6] =	ssyncadd.s32 $0xFFFFD800  }
0x4d: {  	[spmem:s28] =	stream.linear.scatter [tilespmem:s8], [sflag:$0x4], $0x2800, $0x38;
	[tilespmem:$0x1FF80] =	vst v63  }
0x4e: {  	_ =	swait.ge [sflag:s6], $0x2800  }
0x4f: {  	[sflag:s6] =	ssyncset.done $0x0  }
0x50: {  	[sflag:s6] =	ssyncadd.s32 $0xFFFFD800  }
0x51: {  	[spmem:s29] =	stream.linear.scatter [tilespmem:s8], [sflag:$0x4], $0x2800, $0x38;
	[tilespmem:$0x1FF80] =	vst v63  }
0x52: {  	_ =	swait.ge [sflag:s6], $0x2800  }
0x53: {  	[sflag:s6] =	ssyncset.done $0x0  }
0x54: {  	[sflag:s6] =	ssyncadd.s32 $0xFFFFD800  }
0x55: {  	[spmem:s30] =	stream.linear.scatter [tilespmem:s8], [sflag:$0x4], $0x2800, $0x38;
	[tilespmem:$0x1FF80] =	vst v63  }
0x56: {  	_ =	swait.ge [sflag:s6], $0x2800  }
0x57: {  	[sflag:s6] =	ssyncset.done $0x0  }
0x58: {  	s11 =	simm.s32 @p0 $0x4F00;
	[sflag:s6] =	ssyncadd.s32 $0xFFFFD800  }
0x59: {  	[spmem:s0] =	stream.linear.scatter @p0 [tilespmem:s11], [sflag:$0x4], $0x1400, $0x38;
	[tilespmem:$0x1FF80] =	vst v63  }
0x5a: {  	s11 =	simm.s32 @p0 $0x4  }
0x5b: {  	_ =	swait.ge @p0 [sflag:s11], $0x1400  }
0x5c: {  	[sflag:s11] =	ssyncset.done @p0 $0x0  }
0x5d: {  	s12 =	simm.s32 @!p0 $0x4;
	[sflag:s11] =	ssyncadd.s32 @p0 $0xFFFFEC00;
	s11 =	simm.s32 @!p0 $0x4F00  }
0x5e: {  	[spmem:s31] =	stream.linear.scatter @!p0 [tilespmem:s11], [sflag:$0x4], $0x2800, $0x38;
	[tilespmem:$0x1FF80] =	vst v63  }
0x5f: {  	_ =	swait.ge @!p0 [sflag:s12], $0x2800  }
0x60: {  	[sflag:s12] =	ssyncset.done @!p0 $0x0  }
0x61: {  	[sflag:s12] =	ssyncadd.s32 @!p0 $0xFFFFD800  }
0x62: {  	[spmem:s2] =	stream.linear.scatter @!p0 [tilespmem:s11], [sflag:$0x4], $0x2400, $0x38;
	[tilespmem:$0x1FF80] =	vst v63  }
0x63: {  	p1 =	por $0x0, $0x0;
	s11 =	simm.s32 $0x2  }
0x64: {  	_ =	swait.ge @!p0 [sflag:s12], $0x2400;
	s11 =	smul.u32 @!p1 $0xAB, s11  }
0x65: {  	[sflag:s12] =	ssyncset.done @!p0 $0x0  }
0x66: {  	s17 =	simm.s32 $0x0;
	[sflag:s12] =	ssyncadd.s32 @!p0 $0xFFFFDC00;
	s11 =	sshrl.u32 @!p1 s11, $0x9  }
0x67: {  	s12 =	smul.u32 $0xAB, s17;
	[bflag:$0x0] =	sbarrier.arrive $0xFFFF;
	s11 =	sand.u32 @!p1 $0x7F, s11  }
0x68: {  	[tilespmem:s8], [sflag:$0x1] =	stream.indirect.gather [hbm4b:s1+s9], $0x80, s16, s9, $0xb8;
	[tilespmem:$0x1FF80] =	vst v63  }
0x69: {  	s16 =	simm.s32 $0x7700;
	s11 =	smul.u32 @!p1 $0x3, s11;
	s12 =	sshrl.u32 s12, $0x9  }
0x6a: {  	[tilespmem:s16], [sflag:$0x2] =	stream.indirect.gather [hbm4b:s1+s9], $0x80, s9, s9, $0xb8;
	[tilespmem:$0x1FF80] =	vst v63  }
0x6b: {  	s12 =	sand.u32 $0x7F, s12;
	s11 =	ssub.s32 @!p1 $0x2, s11  }
0x6c: {  	s12 =	smul.u32 $0x3, s12;
	s11 =	sand.u32 @!p1 $0xFF, s11  }
0x6d: {  	s13 =	smul.u32 @!p1 $0xA000, s11  }
0x6e: {  	s14 =	simm.s32 $0xA0;
	s12 =	ssub.s32 $0x0, s12  }
0x6f: {  	s11 =	sadd.s32 @!p1 $0x1, s11;
	s15 =	sand.u32 $0xFF, s12;
	s13 =	sshrl.u32 @!p1 s13, $0x2  }
0x70: {  	s12 =	simm.s32 @!p1 $0x50;
	s18 =	smul.u32 $0xA000, s15;
	s13 =	sadd.s32 @!p1 $0x4F00, s13  }
0x71: {  	[tilespmem:s13], [sflag:s11] =	stream.indirect.gather @!p1 [hbm4b:s1+s12], $0x80, s14, s12, $0xb8;
	[tilespmem:$0x1FF80] =	vst v63  }
0x72: {  	s19 =	simm.s32 $0x2780;
	s20 =	sadd.s32 $0x1, s15;
	s12 =	simm.s32 $0x3  }
0x73: {  	s14 =	simm.s32 $0x1;
	s21 =	sshrl.u32 s18, $0x2;
	p1 =	por $0x0, $0x0  }
0x74: {  	s13 =	simm.s32 $0xF0;
	_ =	swait.ge [sflag:s20], $0x2800;
	s17 =	smul.u32 @!p1 $0xAB, s12  }
0x75: {  	s11 =	simm.s32 $0x27D0;
	s22 =	smul.u32 $0xAB, s14;
	[sflag:s20] =	ssyncset.done $0x0  }
0x76: {  	s15 =	sadd.s32 $0x4F00, s21;
	[sflag:s20] =	ssyncadd.s32 $0xFFFFD800;
	s17 =	sshrl.u32 @!p1 s17, $0x9  }
0x77: {  	[spmem:s3] =	stream.indirect.scatter.add.f32 [tilespmem:s15], [sflag:$0x4], $0x80, s19, s9, $0xb8;
	[tilespmem:$0x1FF80] =	vst v63  }
0x78: {  	s16 =	sshrl.u32 s22, $0x9;
	s15 =	simm.s32 $0x4;
	_ =	swait.ge [sflag:s6], $0x2800  }
0x79: {  	s17 =	sand.u32 @!p1 $0x7F, s17;
	s16 =	sand.u32 $0x7F, s16;
	[sflag:s6] =	ssyncset.done $0x0  }
.LBB2_4:
0x7a: {  	s17 =	smul.u32 @!p1 $0x3, s17;
	[sflag:s6] =	ssyncadd.s32 $0xFFFFD800;
	s18 =	smov.u32 s15  }
0x7b: {  	s15 =	sadd.s32 $0x1, s15;
	s19 =	smov.u32 s13;
	s20 =	smov.u32 s11  }
0x7c: {  	p2 =	sne.s32 s15, $0x7F  }
0x7d: {  	s16 =	smul.u32 $0x3, s16;
	s17 =	ssub.s32 @!p1 s12, s17;
	s12 =	smov.u32 s18  }
0x7e: {  	s17 =	sand.u32 @!p1 $0xFF, s17  }
0x7f: {  	s14 =	ssub.s32 s14, s16;
	s18 =	smul.u32 @!p1 $0xA000, s17;
	s17 =	sadd.s32 @!p1 $0x1, s17  }
0x80: {  	s13 =	sadd.s32 $0x50, s13;
	s11 =	sadd.s32 $0x50, s11;
	s14 =	sand.u32 $0xFF, s14  }
0x81: {  	s21 =	smul.u32 $0xA000, s14;
	s16 =	sshrl.u32 @!p1 s18, $0x2;
	s18 =	simm.s32 @!p1 $0x50  }
0x82: {  	s22 =	sadd.s32 $0x1, s14;
	s14 =	sadd.s32 $0xFFFFFFFE, s12;
	s16 =	sadd.s32 @!p1 $0x4F00, s16  }
0x83: {  	[tilespmem:s16], [sflag:s17] =	stream.indirect.gather @!p1 [hbm4b:s1+s18], $0x80, s19, s18, $0xb8;
	[tilespmem:$0x1FF80] =	vst v63  }
0x84: {  	s16 =	sshrl.u32 s21, $0x2;
	s17 =	smul.u32 $0xAB, s14;
	_ =	swait.ge [sflag:s22], $0x2800  }
.Ltmp1:
0x85: {  	p1 =	sgt.u32 s14, $0x7A;
	[sflag:s22] =	ssyncset.done $0x0;
	(pc) =	sbr.rel @p2 .LBB2_4-.Ltmp1, $4  }
0x86: {  	s18 =	smul.u32 @!p1 $0xAB, s12;
	s16 =	sadd.s32 $0x4F00, s16;
	[sflag:s22] =	ssyncadd.s32 $0xFFFFD800  }
0x87: {  	[spmem:s3] =	stream.indirect.scatter.add.f32 [tilespmem:s16], [sflag:$0x4], $0x80, s20, s9, $0xb8;
	[tilespmem:$0x1FF80] =	vst v63  }
0x88: {  	s16 =	sshrl.u32 @!p1 s18, $0x9;
	s18 =	sshrl.u32 s17, $0x9;
	_ =	swait.ge [sflag:s6], $0x2800  }
0x89: {  	s17 =	sand.u32 @!p1 $0x7F, s16;
	s16 =	sand.u32 $0x7F, s18;
	[sflag:s6] =	ssyncset.done $0x0  }
0x8a: {  	s15 =	smul.u32 @!p1 $0x3, s17;
	_ =	sdelay $0x1  }
0x8b: {  	s12 =	ssub.s32 @!p1 s12, s15  }
0x8c: {  	s12 =	sand.u32 @!p1 $0xFF, s12  }
0x8d: {  	s15 =	smul.u32 @!p1 $0xA000, s12;
	_ =	sdelay $0x1  }
0x8e: {  	[sflag:s6] =	ssyncadd.s32 $0xFFFFD800;
	s16 =	smul.u32 $0x3, s16;
	s15 =	sshrl.u32 @!p1 s15, $0x2  }
0x8f: {  	s17 =	simm.s32 @!p1 $0x50;
	s12 =	sadd.s32 @!p1 $0x1, s12;
	s15 =	sadd.s32 @!p1 $0x4F00, s15  }
0x90: {  	[tilespmem:s15], [sflag:s12] =	stream.indirect.gather @!p1 [hbm4b:s1+s17], $0x80, s13, s17, $0xb8;
	[tilespmem:$0x1FF80] =	vst v63  }
0x91: {  	s17 =	ssub.s32 s14, s16  }
0x92: {  	s12 =	sand.u32 $0xFF, s17  }
0x93: {  	s18 =	smul.u32 $0xA000, s12;
	s12 =	sadd.s32 $0x1, s12  }
0x94: {  	_ =	swait.ge [sflag:s12], $0x2800  }
0x95: {  	s13 =	sshrl.u32 s18, $0x2;
	[sflag:s12] =	ssyncset.done $0x0  }
0x96: {  	[sflag:s12] =	ssyncadd.s32 $0xFFFFD800;
	s19 =	sadd.s32 $0x4F00, s13  }
0x97: {  	[spmem:s3] =	stream.indirect.scatter.add.f32 [tilespmem:s19], [sflag:$0x4], $0x80, s11, s9, $0xb8;
	[tilespmem:$0x1FF80] =	vst v63  }
0x98: {  	_ =	swait.ge [sflag:s6], $0x2800  }
0x99: {  	[sflag:s6] =	ssyncset.done $0x0  }
0x9a: {  	s20 =	stileid.u32;
	[sflag:s6] =	ssyncadd.s32 $0xFFFFD800  }
0x9b: {  	s11 =	sshll.u32 s20, $0x6;
	[bflag:$0x0] =	sbarrier.arrive $0xFFFF  }
0x9c: {  	s21 =	sshrl.u32 s7, $0x3;
	s11 =	sor.u32 $0x1C04, s11;
	s22 =	rddreg [dreg:$0x6]  }
0x9d: {  	[hbm:s22], [sflag:s11] =	dma.local [spmem:s21], $0x500  }
0x9e: {  	_ =	swait.ge [sflag:s6], $0x500  }
0x9f: {  	[sflag:s6] =	ssyncset.done $0x0;
	s13 =	rddreg [dreg:$0x7]  }
0xa0: {  	s14 =	rddreg [dreg:$0x11];
	[sflag:s6] =	ssyncadd.s32 $0xFFFFFB00  }
0xa1: {  	[hbm:s13], [sflag:s11] =	dma.local [spmem:s14], $0x500  }
0xa2: {  	_ =	swait.ge [sflag:s6], $0x500  }
0xa3: {  	[sflag:s6] =	ssyncset.done $0x0;
	s15 =	rddreg [dreg:$0x8]  }
0xa4: {  	s16 =	rddreg [dreg:$0x12];
	[sflag:s6] =	ssyncadd.s32 $0xFFFFFB00  }
0xa5: {  	[hbm:s15], [sflag:s11] =	dma.local [spmem:s16], $0x500  }
0xa6: {  	_ =	swait.ge [sflag:s6], $0x500  }
0xa7: {  	[sflag:s6] =	ssyncset.done $0x0;
	s17 =	rddreg [dreg:$0x9]  }
0xa8: {  	s18 =	rddreg [dreg:$0x13];
	[sflag:s6] =	ssyncadd.s32 $0xFFFFFB00  }
0xa9: {  	[hbm:s17], [sflag:s11] =	dma.local [spmem:s18], $0x500  }
0xaa: {  	_ =	swait.ge [sflag:s6], $0x500  }
0xab: {  	[sflag:s6] =	ssyncset.done $0x0;
	s19 =	rddreg [dreg:$0xa]  }
0xac: {  	s20 =	rddreg [dreg:$0x14];
	[sflag:s6] =	ssyncadd.s32 $0xFFFFFB00  }
0xad: {  	[hbm:s19], [sflag:s11] =	dma.local [spmem:s20], $0x500  }
0xae: {  	_ =	swait.ge [sflag:s6], $0x500  }
0xaf: {  	[sflag:s6] =	ssyncset.done $0x0  }
0xb0: {  	s21 =	rddreg [dreg:$0xb];
	[sflag:s6] =	ssyncadd.s32 $0xFFFFFB00  }
0xb1: {  	[hbm:s21], [sflag:s11] =	dma.local [spmem:s23], $0x500  }
0xb2: {  	_ =	swait.ge [sflag:s6], $0x500  }
0xb3: {  	[sflag:s6] =	ssyncset.done $0x0  }
0xb4: {  	s12 =	sshrl.u32 @p0 s0, $0x3;
	s13 =	rddreg [dreg:$0xf];
	[sflag:s6] =	ssyncadd.s32 $0xFFFFFB00  }
0xb5: {  	[hbm:s13], [sflag:s11] =	dma.local @p0 [spmem:s12], $0x280  }
0xb6: {  	s12 =	simm.s32 @p0 $0x4  }
0xb7: {  	_ =	swait.ge @p0 [sflag:s12], $0x280  }
0xb8: {  	[sflag:s12] =	ssyncset.done @p0 $0x0  }
0xb9: {  	[sflag:s12] =	ssyncadd.s32 @p0 $0xFFFFFD80;
	s12 =	rddreg [dreg:$0xc]  }
0xba: {  	[hbm:s12], [sflag:s11] =	dma.local @!p0 [spmem:s24], $0x500  }
0xbb: {  	s12 =	simm.s32 @!p0 $0x4  }
0xbc: {  	_ =	swait.ge @!p0 [sflag:s12], $0x500  }
0xbd: {  	[sflag:s12] =	ssyncset.done @!p0 $0x0  }
0xbe: {  	s13 =	rddreg [dreg:$0xd];
	[sflag:s12] =	ssyncadd.s32 @!p0 $0xFFFFFB00  }
0xbf: {  	[hbm:s13], [sflag:s11] =	dma.local @!p0 [spmem:s25], $0x480  }
0xc0: {  	_ =	swait.ge @!p0 [sflag:s12], $0x480  }
0xc1: {  	s10 =	sadd.s32 $0x1, s10;
	s22 =	rddreg [dreg:$0x10]  }
0xc2: {  	p1 =	sne.s32 s10, s22  }
.Ltmp2:
0xc3: {  	_ = 	snop;
	(pc) =	sbr.rel @p1 .LBB2_1-.Ltmp2, $3  }
0xc4: {  	_ =	sdelay $0x1  }
0xc5: {  	[sflag:s12] =	ssyncset.done @!p0 $0x0  }
0xc6: {  	s16 =	simm.s32 $0x0;
	[sflag:s12] =	ssyncadd.s32 @!p0 $0xFFFFFB80  }
0xc7: {  	_ =	sfence.sel $0x180000  }
0xc8: {  	[bflag:$0x0] =	sbarrier.arrive $0xFFFF  }
0xc9: {  	_ =	strace $0x9000004D  }
0xca: {  	s0 =	stileid.u32;
	[bflag:$0x2] =	sbarrier.arrive $0xFFFF  }
0xcb: {  	p0 =	sne.s32 s0, $0x0;
	s0 =	rddreg [dreg:$0x3]  }
0xcc: {  	s0 =	sadd.s32 @!p0 $0x100000, s0  }
0xcd: {  	[sflag:s0] =	ssyncadd.tile.s32 @!p0 $0x1;
	_ =	shalt  }
.Lfunc_end2:
_tile_overlayer_lowered:
.L_overlay_start_2:
0xce: {  	(tag) =	ssettag $0x2  }
0xcf: {  	s0 =	rddreg [dreg:$0x0];
	s2 =	stileid.u32  }
0xd0: {  	s1 =	rddreg [dreg:$0x1];
	p0 =	sne.s32 s2, $0x0  }
0xd1: {  	s3 =	rddreg [dreg:$0x2];
	[bflag:$0x3] =	sbarrier.arrive $0xFFFF;
	s2 =	simm.s32 @!p0 $0x1C04  }
0xd2: {  	[timem:s3], [sflag:s2] =	dma.local @!p0 [hbm:s0], s1  }
0xd3: {  	s0 =	simm.s32 @!p0 $0x4  }
0xd4: {  	_ =	swait.ge @!p0 [sflag:s0], s1  }
0xd5: {  	s1 =	ssub.s32 @!p0 $0x0, s1;
	[sflag:s0] =	ssyncset.done @!p0 $0x0  }
0xd6: {  	[sflag:s0] =	ssyncadd.s32 @!p0 s1  }
0xd7: {  	[bflag:$0x3] =	sbarrier.arrive $0xFFFF  }
0xd8: {  	_ =	shalt  }

// kernel: kernel.8.cloned.1.call-start
scs
__scs_entry_jumppad:
0x0: {  	(pc) =	sbr.rel $0x88, $3  }
0x1: {  	(tag) =	ssettag $0x0;
	lr =	simm.s32 $0x1  }
0x2: {  	[smem:$0x3F89] =	sst lr;
	_ =	strace $0xD0000000  }
0x3: {  	_ = 	snop  }
0x4: {  	_ = 	snop  }
0x5: {  	_ = 	snop  }
0x6: {  	_ = 	snop  }
0x7: {  	_ = 	snop  }
__scs_overlays_trampoline_lowered:
0x8: {  	[smem:$0x3F98] =	sst s0  }
0x9: {  	[smem:$0x3F99] =	sst s1  }
0xa: {  	[smem:$0x3F9A] =	sst s2  }
0xb: {  	[smem:$0x3F9B] =	sst s3  }
0xc: {  	[smem:$0x3F9C] =	sst s4  }
0xd: {  	[smem:$0x3F9D] =	sst s5  }
0xe: {  	[smem:$0x3F9E] =	sst s6  }
0xf: {  	[smem:$0x3F9F] =	sst s7  }
0x10: {  	[smem:$0x3FA0] =	sst s8  }
0x11: {  	[smem:$0x3FA1] =	sst s9;
	s0 =	simm.s32 @!p0 $0x0  }
0x12: {  	s1 =	sld [smem:$0x3F87];
	s0 =	simm.s32 @p0 $0x1  }
0x13: {  	[smem:$0x3FA2] =	sst s0;
	s0 =	simm.s32 @!p1 $0x0  }
0x14: {  	s2 =	sld [smem:$0x3F86];
	s0 =	simm.s32 @p1 $0x1  }
0x15: {  	[smem:$0x3FA3] =	sst s0;
	s0 =	simm.s32 @!p2 $0x0  }
0x16: {  	s3 =	sld [smem:$0x3FDB];
	s0 =	simm.s32 @p2 $0x1  }
0x17: {  	s4 =	simm.s32 $0x1BF5;
	[smem:$0x3FA5] =	sst s0  }
0x18: {  	s0 =	sld [smem:$0x3F88];
	_ =	swait.ge [sflag:s4], $0x0  }
0x19: {  	s7 =	sld [smem:$0x3F89]  }
0x1a: {  	s8 =	sadd.s32 $0xFFFFE003, lr  }
0x1b: {  	s9 =	sadd.s32 $0xFFFFFEF7, lr;
	s5 =	simm.s32 $0xFFFFFFFF;
	p2 =	slt.u32 s8, $0xFFFFF086  }
0x1c: {  	p1 =	slt.u32 s9, $0xF7A;
	s5 =	simm.s32 @!p2 $0x0  }
0x1d: {  	s5 =	simm.s32 @p1 $0x1;
	p0 =	seq.s32 s7, s2  }
0x1e: {  	s7 =	smul.u32 @!p0 $0xF7A, s2;
	p2 =	seq.s32 @!p0 s5, $0x0  }
0x1f: {  	s9 =	smul.u32 $0xF7A, s1;
	s8 =	simm.s32 @!p0 $0x1BF5;
	p2 =	por !p2, p0  }
0x20: {  	[sflag:s8] =	ssyncset.s32 @!p0 $0xFFFFF086;
	s6 =	sadd.s32 @!p0 s3, s7;
	s7 =	simm.s32 @!p0 $0x108  }
0x21: {  	s3 =	sadd.s32 s3, s9;
	s6 =	sadd.s32 @!p0 $0x88, s6;
	s7 =	simm.s32 @p2 $0x1082  }
0x22: {  	[simem:s7], [sflag:s8] =	dma.local @!p0 [hbm:s6], $0xF7A  }
0x23: {  	s9 =	sor.u32 $0xD0000000, s2;
	s6 =	simm.s32 $0x108;
	_ =	swait.ge @!p0 [sflag:s8], $0x0  }
0x24: {  	s3 =	sadd.s32 $0x88, s3;
	s6 =	simm.s32 @!p1 $0x1082;
	[sflag:s4] =	ssyncset.s32 $0xFFFFF086  }
0x25: {  	[simem:s6], [sflag:s4] =	dma.local [hbm:s3], $0xF7A  }
0x26: {  	[smem:$0x3F89] =	sst s1;
	(tag) =	ssettag s2;
	_ =	strace s9  }
0x27: {  	s1 =	sld [smem:$0x3F99]  }
0x28: {  	s2 =	sld [smem:$0x3F9A]  }
0x29: {  	s4 =	sld [smem:$0x3F9C]  }
0x2a: {  	p0 =	seq.s32 s5, $0x0;
	s5 =	sld [smem:$0x3F9D]  }
0x2b: {  	s6 =	sld [smem:$0x3F9E]  }
0x2c: {  	s7 =	sld [smem:$0x3F9F]  }
0x2d: {  	s3 =	simm.s32 $0x108;
	s8 =	sld [smem:$0x3FA0]  }
0x2e: {  	s3 =	simm.s32 @!p0 $0x1082;
	s9 =	sld [smem:$0x3FA1]  }
0x2f: {  	lr =	sadd.s32 s0, s3;
	s0 =	sld [smem:$0x3F98]  }
0x30: {  	s3 =	sld [smem:$0x3F9B]  }
0x31: {  	[smem:$0x3FA4] =	sst s10  }
0x32: {  	s10 =	sld [smem:$0x3FA2];
	_ =	sdelay $0x3  }
0x33: {  	p0 =	seq.s32 s10, $0x1;
	s10 =	sld [smem:$0x3FA4];
	_ =	sdelay $0x3  }
0x34: {  	[smem:$0x3FA4] =	sst s10  }
0x35: {  	s10 =	sld [smem:$0x3FA3];
	_ =	sdelay $0x3  }
0x36: {  	p1 =	seq.s32 s10, $0x1;
	s10 =	sld [smem:$0x3FA4];
	_ =	sdelay $0x3  }
0x37: {  	[smem:$0x3FA4] =	sst s10  }
0x38: {  	s10 =	sld [smem:$0x3FA5]  }
0x39: {  	_ = 	snop;
	(pc) =	sbr.ind lr, $3  }
0x3a: {  	_ = 	snop  }
0x3b: {  	_ = 	snop  }
0x3c: {  	p2 =	seq.s32 s10, $0x1;
	s10 =	sld [smem:$0x3FA4]  }
0x3d: {  	_ =	shalt  }
0x3e: {  	_ =	shalt  }
0x3f: {  	_ =	shalt  }
0x40: {  	_ =	shalt  }
0x41: {  	_ =	shalt  }
0x42: {  	_ =	shalt  }
0x43: {  	_ =	shalt  }
0x44: {  	_ =	shalt  }
0x45: {  	_ =	shalt  }
0x46: {  	_ =	shalt  }
0x47: {  	_ =	shalt  }
0x48: {  	_ =	shalt  }
0x49: {  	_ =	shalt  }
0x4a: {  	_ =	shalt  }
0x4b: {  	_ =	shalt  }
0x4c: {  	_ =	shalt  }
0x4d: {  	_ =	shalt  }
0x4e: {  	_ =	shalt  }
0x4f: {  	_ =	shalt  }
0x50: {  	_ =	shalt  }
0x51: {  	_ =	shalt  }
0x52: {  	_ =	shalt  }
0x53: {  	_ =	shalt  }
0x54: {  	_ =	shalt  }
0x55: {  	_ =	shalt  }
0x56: {  	_ =	shalt  }
0x57: {  	_ =	shalt  }
0x58: {  	_ =	shalt  }
0x59: {  	_ =	shalt  }
0x5a: {  	_ =	shalt  }
0x5b: {  	_ =	shalt  }
0x5c: {  	_ =	shalt  }
0x5d: {  	_ =	shalt  }
0x5e: {  	_ =	shalt  }
0x5f: {  	_ =	shalt  }
0x60: {  	_ =	shalt  }
0x61: {  	_ =	shalt  }
0x62: {  	_ =	shalt  }
0x63: {  	_ =	shalt  }
0x64: {  	_ =	shalt  }
0x65: {  	_ =	shalt  }
0x66: {  	_ =	shalt  }
0x67: {  	_ =	shalt  }
0x68: {  	_ =	shalt  }
0x69: {  	_ =	shalt  }
0x6a: {  	_ =	shalt  }
0x6b: {  	_ =	shalt  }
0x6c: {  	_ =	shalt  }
0x6d: {  	_ =	shalt  }
0x6e: {  	_ =	shalt  }
0x6f: {  	_ =	shalt  }
0x70: {  	_ =	shalt  }
0x71: {  	_ =	shalt  }
0x72: {  	_ =	shalt  }
0x73: {  	_ =	shalt  }
0x74: {  	_ =	shalt  }
0x75: {  	_ =	shalt  }
0x76: {  	_ =	shalt  }
0x77: {  	_ =	shalt  }
0x78: {  	_ =	shalt  }
0x79: {  	_ =	shalt  }
0x7a: {  	_ =	shalt  }
0x7b: {  	_ =	shalt  }
0x7c: {  	_ =	shalt  }
0x7d: {  	_ =	shalt  }
0x7e: {  	_ =	shalt  }
0x7f: {  	_ =	shalt  }
0x80: {  	_ =	shalt  }
0x81: {  	_ =	shalt  }
0x82: {  	_ =	shalt  }
0x83: {  	_ =	shalt  }
0x84: {  	_ =	shalt  }
0x85: {  	_ =	shalt  }
0x86: {  	_ =	shalt  }
0x87: {  	_ =	shalt  }
.Lfunc_end0:
.L_simem_size_0:
called_computation_lowered:
.L_overlay_start_0:
0x88: {  	s2 =	sld [smem:$0x3FD9]  }
0x89: {  	s3 =	sld [smem:$0x3FFE];
	_ =	sdelay $0x1  }
0x8a: {  	s1 =	srdreg.scid  }
0x8b: {  	s0 =	sand.u32 $0x1, s1  }
0x8c: {  	s17 =	sshll.u32 s0, $0xA;
	s2 =	sadd.s32 s3, s2  }
0x8d: {  	s2 =	sadd.s32 s2, s17  }
0x8e: {  	[smem:$0x3FB0] =	sst s2  }
0x8f: {  	_ = 	snop  }
0x90: {  	s2 =	sld [smem:$0x3FD0];
	(tm) =	ssettm $0x1  }
0x91: {  	s18 =	sld [smem:$0x3FFB];
	_ =	sdelay $0x3  }
0x92: {  	_ =	strace s18  }
0x93: {  	s3 =	sld [smem:$0x3FFC];
	_ =	sdelay $0x3  }
0x94: {  	_ =	strace s3  }
0x95: {  	s3 =	sld [smem:$0x3FFD];
	_ =	sdelay $0x3  }
0x96: {  	_ =	strace s3  }
0x97: {  	_ =	strace $0x8FFFFFFF  }
0x98: {  	s19 =	sld [smem:$0x3FDB];
	_ =	sdelay $0x1  }
0x99: {  	s4 =	simm.s32 $_scs_section_size  }
0x9a: {  	s5 =	simm.s32 $_size__tile_overlayer_lowered;
	s6 =	simm.s32 $_tile_overlayer_lowered  }
0x9b: {  	s22 =	simm.s32 $0x1BFF;
	s21 =	sshll.u32 s6, $0x1;
	s3 =	sadd.s32 s4, s19  }
0x9c: {  	s7 =	simm.s32 $0x0;
	s20 =	sshll.u32 s5, $0x1;
	s5 =	sadd.s32 s21, s3  }
0x9d: {  	[timem:s7], [sflag:s22] =	dma.local [hbm:s5], s20  }
0x9e: {  	_ =	swait.ge [sflag:s22], s20  }
0x9f: {  	s4 =	ssub.s32 $0x0, s20;
	[sflag:s22] =	ssyncset.done $0x0  }
0xa0: {  	[sflag:s22] =	ssyncadd.s32 s4;
	_ =	sdelay $0x1  }
0xa1: {  	s23 =	simm.s32 $0x1B8B  }
0xa2: {  	_ =	swait.ge [sflag:s23], $0x1  }
0xa3: {  	[sflag:s23] =	ssyncset.done $0x0  }
0xa4: {  	s25 =	simm.s32 $0x1B8E;
	s24 =	sld [smem:$0x3FFE];
	[sflag:s23] =	ssyncadd.s32 $0xFFFFFFFF  }
0xa5: {  	s26 =	simm.s32 $execute0_lowered;
	[smem:$0x3FD2] =	sst s25  }
0xa6: {  	s5 =	sshll.u32 s26, $0x1;
	_ =	strace $0x80000046;
	[dreg:$0x1] =	wrdreg $0xFFFFFFFF  }
0xa7: {  	s28 =	simm.s32 $_size_execute0_lowered;
	s3 =	sadd.s32 s3, s5;
	[dreg:$0x0] =	wrdreg $0x0  }
0xa8: {  	s5 =	sshll.u32 s28, $0x1;
	[dreg:$0x2] =	wrdreg s3  }
0xa9: {  	[dreg:$0x3] =	wrdreg s5  }
0xaa: {  	[dreg:$0x4] =	wrdreg $0xC0  }
0xab: {  	_ =	task [dreg:s7], $0x5FFFF  }
0xac: {  	[dreg:$0x1] =	wrdreg $0xFFFFFFFF  }
0xad: {  	[dreg:$0x0] =	wrdreg $0x60  }
0xae: {  	[dreg:$0x2] =	wrdreg s2  }
0xaf: {  	[dreg:$0x3] =	wrdreg s24  }
0xb0: {  	[dreg:$0x4] =	wrdreg $0xC7000  }
0xb1: {  	[dreg:$0x5] =	wrdreg $0x9  }
0xb2: {  	_ =	task.clear_ibuf [dreg:s7], $0x6FFFF;
	_ =	strace $0x90000046  }
0xb3: {  	s29 =	simm.s32 $0x9;
	_ =	strace $0x80000048  }
0xb4: {  	_ =	swait.ge [sflag:s29], $0x1  }
0xb5: {  	[sflag:s29] =	ssyncadd.s32 $0xFFFFFFFF  }
0xb6: {  	_ =	strace $0x90000048  }
0xb7: {  	_ =	sfence  }
0xb8: {  	s30 =	sld [smem:$0x0];
	_ =	sdelay $0x2  }
0xb9: {  	s31 =	sshll.u32 s1, $0xD;
	s1 =	sshrl.u32 s1, $0x2  }
0xba: {  	s3 =	sand.u32 $0x4000, s31;
	s1 =	sadd.s32 s1, s30  }
0xbb: {  	s0 =	sor.u32 s3, s0;
	s1 =	sshll.u32 s1, $0x11  }
0xbc: {  	s0 =	sor.u32 s1, s0  }
0xbd: {  	s0 =	sadd.s32 $0x8F2B, s0  }
0xbe: {  	[sflag:s0] =	ssyncadd.remote.s32 $0x1  }
0xbf: {  	_ =	sfence.sel $0xFFFF  }
0xc0: {  	[dreg:$0x0] =	wrdreg $0xFFFFFFFF;
	(pc) =	sbr.abs _section_cstart, $3  }
0xc1: {  	[dreg:$0x1] =	wrdreg $0xFFFFFFFF  }
0xc2: {  	_ =	task.clear_ibuf [dreg:s7], $0x2FFFF;
	_ =	strace $0x9FFFFFFF  }
0xc3: {  	(tm) =	ssettm $0x7FFFFFFF  }
tec
execute0_lowered:
.L_overlay_start_1:
0x0: {  	(tag) =	ssettag $0x1  }
0x1: {  	s0 =	srdreg.scid  }
0x2: {  	s15 =	stileid.u32;
	s1 =	rddreg [dreg:$0x0]  }
0x3: {  	s5 =	rddreg [dreg:$0x1];
	s7 =	smul.u32 $0x4F000, s15  }
0x4: {  	s16 =	simm.s32 $0x0;
	s0 =	sand.u32 $0x1, s0;
	s9 =	smul.u32 $0x13C00, s15  }
0x5: {  	s3 =	sshrl.u32 s15, $0x3;
	s6 =	sshll.u32 s15, $0x7;
	s2 =	smul.u32 $0x27800, s0  }
0x6: {  	[smem:$0x7FF] =	sst s16;
	p0 =	seq.s32 s15, $0xF;
	s4 =	smul.u32 $0x13C00, s3  }
0x7: {  	s3 =	rddreg [dreg:$0x2];
	s6 =	sand.u32 $0x380, s6;
	s11 =	ssub.s32 $0x2, s0  }
0x8: {  	_ =	strace $0x80000047;
	s0 =	smul.u32 $0x138800, s0;
	s8 =	sshrl.u32 s11, $0x1  }
0x9: {  	s13 =	sshrl.u32 s7, $0x2;
	s10 =	sadd.s32 $0x5000, s9;
	s20 =	sadd.s32 $0x7800, s9  }
0xa: {  	s24 =	sadd.s32 $0xF000, s9;
	s2 =	sadd.s32 s2, s4;
	s4 =	sor.u32 s6, s4  }
0xb: {  	s7 =	sadd.s32 s13, s3;
	s14 =	sadd.s32 s9, s0;
	s19 =	sadd.s32 s0, s10  }
0xc: {  	s21 =	sadd.s32 s0, s20;
	s13 =	sadd.s32 $0xC800, s9;
	s25 =	sadd.s32 s0, s24  }
0xd: {  	s2 =	sor.u32 s6, s2;
	s4 =	sshrl.u32 s4, $0x3;
	s6 =	ssub.s32 s11, s8  }
0xe: {  	s11 =	sadd.s32 $0xA000, s9;
	s23 =	sadd.s32 s0, s13;
	s28 =	sadd.s32 $0x7800, s7  }
0xf: {  	s29 =	sadd.s32 $0xA000, s7;
	s30 =	sadd.s32 $0xC800, s7;
	s2 =	sshrl.u32 s2, $0x3  }
0x10: {  	s31 =	sadd.s32 $0xF000, s7;
	s4 =	sadd.s32 s4, s5;
	s2 =	sadd.s32 s2, s5  }
0x11: {  	s5 =	sadd.s32 $0x12800, s5;
	s12 =	sadd.s32 $0x3A00, s4;
	s4 =	sadd.s32 $0x2800, s9  }
0x12: {  	s9 =	sadd.s32 $0x11800, s9;
	s2 =	sadd.s32 $0x8A00, s2;
	[dreg:$0x5] =	wrdreg s12  }
0x13: {  	s17 =	sadd.s32 s0, s4;
	s12 =	sadd.s32 s0, s11;
	[dreg:$0x4] =	wrdreg s2  }
0x14: {  	s2 =	sshrl.u32 s14, $0x3;
	s8 =	sshrl.u32 s17, $0x3;
	s12 =	sshrl.u32 s12, $0x3  }
0x15: {  	s14 =	sadd.s32 s0, s9;
	s0 =	sshrl.u32 s0, $0x3;
	s17 =	sadd.s32 s4, s3  }
0x16: {  	s9 =	sadd.s32 s9, s3;
	s4 =	simm.s32 $0x80;
	s2 =	sadd.s32 s5, s2  }
0x17: {  	s18 =	sadd.s32 s5, s8;
	s22 =	sadd.s32 s5, s12;
	[dreg:$0x6] =	wrdreg s2  }
0x18: {  	s14 =	sshrl.u32 s14, $0x3;
	s0 =	sadd.s32 s5, s0;
	[dreg:$0x7] =	wrdreg s18  }
0x19: {  	s8 =	simm.s32 $0x4F00;
	s2 =	sshrl.u32 s19, $0x3;
	[dreg:$0xa] =	wrdreg s22  }
0x1a: {  	s26 =	sadd.s32 s5, s14;
	s14 =	sadd.s32 $0x2800, s7;
	s18 =	sadd.s32 s10, s3  }
0x1b: {  	s19 =	sadd.s32 s20, s3;
	s20 =	sadd.s32 s11, s3;
	[dreg:$0xd] =	wrdreg s26  }
0x1c: {  	s11 =	sadd.s32 s24, s3;
	s0 =	sadd.s32 $0x26E80, s0;
	[dreg:$0xe] =	wrdreg s14  }
0x1d: {  	s22 =	smax.u32 s6, $0x1;
	s6 =	simm.s32 $0x4;
	[dreg:$0xf] =	wrdreg s0  }
0x1e: {  	s10 =	simm.s32 $0x0;
	s2 =	sadd.s32 s5, s2;
	[dreg:$0x10] =	wrdreg s22  }
0x1f: {  	s24 =	sshrl.u32 s18, $0x3;
	s26 =	sshrl.u32 s20, $0x3;
	[dreg:$0x8] =	wrdreg s2  }
0x20: {  	s0 =	sadd.s32 $0x137400, s3;
	s2 =	sshrl.u32 s21, $0x3;
	[dreg:$0x12] =	wrdreg s24  }
0x21: {  	s21 =	sadd.s32 s13, s3;
	[dreg:$0x14] =	wrdreg s26;
	s2 =	sadd.s32 s5, s2  }
0x22: {  	[dreg:$0x9] =	wrdreg s2;
	s2 =	sshrl.u32 s23, $0x3;
	s23 =	sshrl.u32 s17, $0x3  }
0x23: {  	s24 =	sshrl.u32 @!p0 s11, $0x3;
	s2 =	sadd.s32 s5, s2;
	[dreg:$0x11] =	wrdreg s23  }
0x24: {  	s26 =	sadd.s32 $0x5000, s7;
	[dreg:$0xb] =	wrdreg s2;
	s2 =	sshrl.u32 s25, $0x3  }
0x25: {  	s23 =	sshrl.u32 s21, $0x3;
	s25 =	sshrl.u32 s19, $0x3;
	s2 =	sadd.s32 s5, s2  }
0x26: {  	[dreg:$0x13] =	wrdreg s25;
	s25 =	sshrl.u32 @!p0 s9, $0x3;
	s5 =	simm.s32 $0x400  }
0x27: {  	v0 =	vimm.f32 $0.0e+00;
	s9 =	simm.s32 $0x50;
	[dreg:$0xc] =	wrdreg s2;
	s2 =	sadd.s32 $0x11800, s7  }
.LBB2_1:
0x28: {  	s11 =	rddreg [dreg:$0x4]  }
0x29: {  	[tilespmem:s16], [sflag:$0x4] =	stream.strided.gather [hbm4b:s11+s4], $0x2780, s5, s4, $0x38;
	[tilespmem:$0x1FF80] =	vst v63  }
0x2a: {  	_ =	swait.ge [sflag:s6], $0x2780  }
0x2b: {  	[sflag:s6] =	ssyncset.done $0x0  }
0x2c: {  	s12 =	simm.s32 $0x2780;
	s22 =	rddreg [dreg:$0x5];
	[sflag:s6] =	ssyncadd.s32 $0xFFFFD880  }
0x2d: {  	[tilespmem:s12], [sflag:$0x4] =	stream.strided.gather [hbm4b:s22+s4], $0x2780, s5, s4, $0x38;
	[tilespmem:$0x1FF80] =	vst v63  }
0x2e: {  	_ =	swait.ge [sflag:s6], $0x2780  }
0x2f: {  	[sflag:s6] =	ssyncset.done $0x0  }
0x30: {  	s11 =	simm.s32 $0x0;
	s12 =	simm.s32 $0x200;
	[sflag:s6] =	ssyncadd.s32 $0xFFFFD880  }
.LBB2_2:
0x31: {  	p1 =	sne.s32 s12, $0x9E00;
	[tilespmem:s11+$0x4F70] =	vst v0  }
0x32: {  	[tilespmem:s11+$0x4F00] =	vst v0  }
0x33: {  	[tilespmem:s11+$0x4F10] =	vst v0  }
.Ltmp0:
0x34: {  	[tilespmem:s11+$0x4F20] =	vst v0;
	(pc) =	sbr.rel @p1 .LBB2_2-.Ltmp0, $4  }
0x35: {  	[tilespmem:s11+$0x4F30] =	vst v0  }
0x36: {  	[tilespmem:s11+$0x4F40] =	vst v0  }
0x37: {  	[tilespmem:s11+$0x4F50] =	vst v0  }
0x38: {  	[tilespmem:s11+$0x4F60] =	vst v0;
	s11 =	sshra.s32 s12, $0x2;
	s12 =	sadd.s32 $0x200, s12  }
0x39: {  	[tilespmem:s11+$0x4F70] =	vst v0  }
0x3a: {  	[tilespmem:s11+$0x4F00] =	vst v0  }
0x3b: {  	[tilespmem:s11+$0x4F10] =	vst v0  }
0x3c: {  	[tilespmem:s11+$0x4F20] =	vst v0  }
0x3d: {  	[tilespmem:s11+$0x4F30] =	vst v0  }
0x3e: {  	[tilespmem:s11+$0x4F40] =	vst v0  }
0x3f: {  	[tilespmem:s11+$0x4F50] =	vst v0  }
0x40: {  	[tilespmem:s11+$0x4F60] =	vst v0  }
0x41: {  	[spmem:s7] =	stream.linear.scatter [tilespmem:s8], [sflag:$0x4], $0x2800, $0x38;
	[tilespmem:$0x1FF80] =	vst v63  }
0x42: {  	_ =	swait.ge [sflag:s6], $0x2800  }
0x43: {  	[sflag:s6] =	ssyncset.done $0x0  }
0x44: {  	s15 =	rddreg [dreg:$0xe];
	[sflag:s6] =	ssyncadd.s32 $0xFFFFD800  }
0x45: {  	[spmem:s15] =	stream.linear.scatter [tilespmem:s8], [sflag:$0x4], $0x2800, $0x38;
	[tilespmem:$0x1FF80] =	vst v63  }
0x46: {  	_ =	swait.ge [sflag:s6], $0x2800  }
0x47: {  	[sflag:s6] =	ssyncset.done $0x0  }
0x48: {  	[sflag:s6] =	ssyncadd.s32 $0xFFFFD800  }
0x49: {  	[spmem:s26] =	stream.linear.scatter [tilespmem:s8], [sflag:$0x4], $0x2800, $0x38;
	[tilespmem:$0x1FF80] =	vst v63  }
0x4a: {  	_ =	swait.ge [sflag:s6], $0x2800  }
0x4b: {  	[sflag:s6] =	ssyncset.done $0x0  }
0x4c: {  	[sflag:s6] =	ssyncadd.s32 $0xFFFFD800  }
0x4d: {  	[spmem:s28] =	stream.linear.scatter [tilespmem:s8], [sflag:$0x4], $0x2800, $0x38;
	[tilespmem:$0x1FF80] =	vst v63  }
0x4e: {  	_ =	swait.ge [sflag:s6], $0x2800  }
0x4f: {  	[sflag:s6] =	ssyncset.done $0x0  }
0x50: {  	[sflag:s6] =	ssyncadd.s32 $0xFFFFD800  }
0x51: {  	[spmem:s29] =	stream.linear.scatter [tilespmem:s8], [sflag:$0x4], $0x2800, $0x38;
	[tilespmem:$0x1FF80] =	vst v63  }
0x52: {  	_ =	swait.ge [sflag:s6], $0x2800  }
0x53: {  	[sflag:s6] =	ssyncset.done $0x0  }
0x54: {  	[sflag:s6] =	ssyncadd.s32 $0xFFFFD800  }
0x55: {  	[spmem:s30] =	stream.linear.scatter [tilespmem:s8], [sflag:$0x4], $0x2800, $0x38;
	[tilespmem:$0x1FF80] =	vst v63  }
0x56: {  	_ =	swait.ge [sflag:s6], $0x2800  }
0x57: {  	[sflag:s6] =	ssyncset.done $0x0  }
0x58: {  	s11 =	simm.s32 @p0 $0x4F00;
	[sflag:s6] =	ssyncadd.s32 $0xFFFFD800  }
0x59: {  	[spmem:s0] =	stream.linear.scatter @p0 [tilespmem:s11], [sflag:$0x4], $0x1400, $0x38;
	[tilespmem:$0x1FF80] =	vst v63  }
0x5a: {  	s11 =	simm.s32 @p0 $0x4  }
0x5b: {  	_ =	swait.ge @p0 [sflag:s11], $0x1400  }
0x5c: {  	[sflag:s11] =	ssyncset.done @p0 $0x0  }
0x5d: {  	s12 =	simm.s32 @!p0 $0x4;
	[sflag:s11] =	ssyncadd.s32 @p0 $0xFFFFEC00;
	s11 =	simm.s32 @!p0 $0x4F00  }
0x5e: {  	[spmem:s31] =	stream.linear.scatter @!p0 [tilespmem:s11], [sflag:$0x4], $0x2800, $0x38;
	[tilespmem:$0x1FF80] =	vst v63  }
0x5f: {  	_ =	swait.ge @!p0 [sflag:s12], $0x2800  }
0x60: {  	[sflag:s12] =	ssyncset.done @!p0 $0x0  }
0x61: {  	[sflag:s12] =	ssyncadd.s32 @!p0 $0xFFFFD800  }
0x62: {  	[spmem:s2] =	stream.linear.scatter @!p0 [tilespmem:s11], [sflag:$0x4], $0x2400, $0x38;
	[tilespmem:$0x1FF80] =	vst v63  }
0x63: {  	p1 =	por $0x0, $0x0;
	s11 =	simm.s32 $0x2  }
0x64: {  	_ =	swait.ge @!p0 [sflag:s12], $0x2400;
	s11 =	smul.u32 @!p1 $0xAB, s11  }
0x65: {  	[sflag:s12] =	ssyncset.done @!p0 $0x0  }
0x66: {  	s17 =	simm.s32 $0x0;
	[sflag:s12] =	ssyncadd.s32 @!p0 $0xFFFFDC00;
	s11 =	sshrl.u32 @!p1 s11, $0x9  }
0x67: {  	s12 =	smul.u32 $0xAB, s17;
	[bflag:$0x0] =	sbarrier.arrive $0xFFFF;
	s11 =	sand.u32 @!p1 $0x7F, s11  }
0x68: {  	[tilespmem:s8], [sflag:$0x1] =	stream.indirect.gather [hbm4b:s1+s9], $0x80, s16, s9, $0xb8;
	[tilespmem:$0x1FF80] =	vst v63  }
0x69: {  	s16 =	simm.s32 $0x7700;
	s11 =	smul.u32 @!p1 $0x3, s11;
	s12 =	sshrl.u32 s12, $0x9  }
0x6a: {  	[tilespmem:s16], [sflag:$0x2] =	stream.indirect.gather [hbm4b:s1+s9], $0x80, s9, s9, $0xb8;
	[tilespmem:$0x1FF80] =	vst v63  }
0x6b: {  	s12 =	sand.u32 $0x7F, s12;
	s11 =	ssub.s32 @!p1 $0x2, s11  }
0x6c: {  	s12 =	smul.u32 $0x3, s12;
	s11 =	sand.u32 @!p1 $0xFF, s11  }
0x6d: {  	s13 =	smul.u32 @!p1 $0xA000, s11  }
0x6e: {  	s14 =	simm.s32 $0xA0;
	s12 =	ssub.s32 $0x0, s12  }
0x6f: {  	s11 =	sadd.s32 @!p1 $0x1, s11;
	s15 =	sand.u32 $0xFF, s12;
	s13 =	sshrl.u32 @!p1 s13, $0x2  }
0x70: {  	s12 =	simm.s32 @!p1 $0x50;
	s18 =	smul.u32 $0xA000, s15;
	s13 =	sadd.s32 @!p1 $0x4F00, s13  }
0x71: {  	[tilespmem:s13], [sflag:s11] =	stream.indirect.gather @!p1 [hbm4b:s1+s12], $0x80, s14, s12, $0xb8;
	[tilespmem:$0x1FF80] =	vst v63  }
0x72: {  	s19 =	simm.s32 $0x2780;
	s20 =	sadd.s32 $0x1, s15;
	s12 =	simm.s32 $0x3  }
0x73: {  	s14 =	simm.s32 $0x1;
	s21 =	sshrl.u32 s18, $0x2;
	p1 =	por $0x0, $0x0  }
0x74: {  	s13 =	simm.s32 $0xF0;
	_ =	swait.ge [sflag:s20], $0x2800;
	s17 =	smul.u32 @!p1 $0xAB, s12  }
0x75: {  	s11 =	simm.s32 $0x27D0;
	s22 =	smul.u32 $0xAB, s14;
	[sflag:s20] =	ssyncset.done $0x0  }
0x76: {  	s15 =	sadd.s32 $0x4F00, s21;
	[sflag:s20] =	ssyncadd.s32 $0xFFFFD800;
	s17 =	sshrl.u32 @!p1 s17, $0x9  }
0x77: {  	[spmem:s3] =	stream.indirect.scatter.add.f32 [tilespmem:s15], [sflag:$0x4], $0x80, s19, s9, $0xb8;
	[tilespmem:$0x1FF80] =	vst v63  }
0x78: {  	s16 =	sshrl.u32 s22, $0x9;
	s15 =	simm.s32 $0x4;
	_ =	swait.ge [sflag:s6], $0x2800  }
0x79: {  	s17 =	sand.u32 @!p1 $0x7F, s17;
	s16 =	sand.u32 $0x7F, s16;
	[sflag:s6] =	ssyncset.done $0x0  }
.LBB2_4:
0x7a: {  	s17 =	smul.u32 @!p1 $0x3, s17;
	[sflag:s6] =	ssyncadd.s32 $0xFFFFD800;
	s18 =	smov.u32 s15  }
0x7b: {  	s15 =	sadd.s32 $0x1, s15;
	s19 =	smov.u32 s13;
	s20 =	smov.u32 s11  }
0x7c: {  	p2 =	sne.s32 s15, $0x7F  }
0x7d: {  	s16 =	smul.u32 $0x3, s16;
	s17 =	ssub.s32 @!p1 s12, s17;
	s12 =	smov.u32 s18  }
0x7e: {  	s17 =	sand.u32 @!p1 $0xFF, s17  }
0x7f: {  	s14 =	ssub.s32 s14, s16;
	s18 =	smul.u32 @!p1 $0xA000, s17;
	s17 =	sadd.s32 @!p1 $0x1, s17  }
0x80: {  	s13 =	sadd.s32 $0x50, s13;
	s11 =	sadd.s32 $0x50, s11;
	s14 =	sand.u32 $0xFF, s14  }
0x81: {  	s21 =	smul.u32 $0xA000, s14;
	s16 =	sshrl.u32 @!p1 s18, $0x2;
	s18 =	simm.s32 @!p1 $0x50  }
0x82: {  	s22 =	sadd.s32 $0x1, s14;
	s14 =	sadd.s32 $0xFFFFFFFE, s12;
	s16 =	sadd.s32 @!p1 $0x4F00, s16  }
0x83: {  	[tilespmem:s16], [sflag:s17] =	stream.indirect.gather @!p1 [hbm4b:s1+s18], $0x80, s19, s18, $0xb8;
	[tilespmem:$0x1FF80] =	vst v63  }
0x84: {  	s16 =	sshrl.u32 s21, $0x2;
	s17 =	smul.u32 $0xAB, s14;
	_ =	swait.ge [sflag:s22], $0x2800  }
.Ltmp1:
0x85: {  	p1 =	sgt.u32 s14, $0x7A;
	[sflag:s22] =	ssyncset.done $0x0;
	(pc) =	sbr.rel @p2 .LBB2_4-.Ltmp1, $4  }
0x86: {  	s18 =	smul.u32 @!p1 $0xAB, s12;
	s16 =	sadd.s32 $0x4F00, s16;
	[sflag:s22] =	ssyncadd.s32 $0xFFFFD800  }
0x87: {  	[spmem:s3] =	stream.indirect.scatter.add.f32 [tilespmem:s16], [sflag:$0x4], $0x80, s20, s9, $0xb8;
	[tilespmem:$0x1FF80] =	vst v63  }
0x88: {  	s16 =	sshrl.u32 @!p1 s18, $0x9;
	s18 =	sshrl.u32 s17, $0x9;
	_ =	swait.ge [sflag:s6], $0x2800  }
0x89: {  	s17 =	sand.u32 @!p1 $0x7F, s16;
	s16 =	sand.u32 $0x7F, s18;
	[sflag:s6] =	ssyncset.done $0x0  }
0x8a: {  	s15 =	smul.u32 @!p1 $0x3, s17;
	_ =	sdelay $0x1  }
0x8b: {  	s12 =	ssub.s32 @!p1 s12, s15  }
0x8c: {  	s12 =	sand.u32 @!p1 $0xFF, s12  }
0x8d: {  	s15 =	smul.u32 @!p1 $0xA000, s12;
	_ =	sdelay $0x1  }
0x8e: {  	[sflag:s6] =	ssyncadd.s32 $0xFFFFD800;
	s16 =	smul.u32 $0x3, s16;
	s15 =	sshrl.u32 @!p1 s15, $0x2  }
0x8f: {  	s17 =	simm.s32 @!p1 $0x50;
	s12 =	sadd.s32 @!p1 $0x1, s12;
	s15 =	sadd.s32 @!p1 $0x4F00, s15  }
0x90: {  	[tilespmem:s15], [sflag:s12] =	stream.indirect.gather @!p1 [hbm4b:s1+s17], $0x80, s13, s17, $0xb8;
	[tilespmem:$0x1FF80] =	vst v63  }
0x91: {  	s17 =	ssub.s32 s14, s16  }
0x92: {  	s12 =	sand.u32 $0xFF, s17  }
0x93: {  	s18 =	smul.u32 $0xA000, s12;
	s12 =	sadd.s32 $0x1, s12  }
0x94: {  	_ =	swait.ge [sflag:s12], $0x2800  }
0x95: {  	s13 =	sshrl.u32 s18, $0x2;
	[sflag:s12] =	ssyncset.done $0x0  }
0x96: {  	[sflag:s12] =	ssyncadd.s32 $0xFFFFD800;
	s19 =	sadd.s32 $0x4F00, s13  }
0x97: {  	[spmem:s3] =	stream.indirect.scatter.add.f32 [tilespmem:s19], [sflag:$0x4], $0x80, s11, s9, $0xb8;
	[tilespmem:$0x1FF80] =	vst v63  }
0x98: {  	_ =	swait.ge [sflag:s6], $0x2800  }
0x99: {  	[sflag:s6] =	ssyncset.done $0x0  }
0x9a: {  	s20 =	stileid.u32;
	[sflag:s6] =	ssyncadd.s32 $0xFFFFD800  }
0x9b: {  	s11 =	sshll.u32 s20, $0x6;
	[bflag:$0x0] =	sbarrier.arrive $0xFFFF  }
0x9c: {  	s21 =	sshrl.u32 s7, $0x3;
	s11 =	sor.u32 $0x1C04, s11;
	s22 =	rddreg [dreg:$0x6]  }
0x9d: {  	[hbm:s22], [sflag:s11] =	dma.local [spmem:s21], $0x500  }
0x9e: {  	_ =	swait.ge [sflag:s6], $0x500  }
0x9f: {  	[sflag:s6] =	ssyncset.done $0x0;
	s13 =	rddreg [dreg:$0x7]  }
0xa0: {  	s14 =	rddreg [dreg:$0x11];
	[sflag:s6] =	ssyncadd.s32 $0xFFFFFB00  }
0xa1: {  	[hbm:s13], [sflag:s11] =	dma.local [spmem:s14], $0x500  }
0xa2: {  	_ =	swait.ge [sflag:s6], $0x500  }
0xa3: {  	[sflag:s6] =	ssyncset.done $0x0;
	s15 =	rddreg [dreg:$0x8]  }
0xa4: {  	s16 =	rddreg [dreg:$0x12];
	[sflag:s6] =	ssyncadd.s32 $0xFFFFFB00  }
0xa5: {  	[hbm:s15], [sflag:s11] =	dma.local [spmem:s16], $0x500  }
0xa6: {  	_ =	swait.ge [sflag:s6], $0x500  }
0xa7: {  	[sflag:s6] =	ssyncset.done $0x0;
	s17 =	rddreg [dreg:$0x9]  }
0xa8: {  	s18 =	rddreg [dreg:$0x13];
	[sflag:s6] =	ssyncadd.s32 $0xFFFFFB00  }
0xa9: {  	[hbm:s17], [sflag:s11] =	dma.local [spmem:s18], $0x500  }
0xaa: {  	_ =	swait.ge [sflag:s6], $0x500  }
0xab: {  	[sflag:s6] =	ssyncset.done $0x0;
	s19 =	rddreg [dreg:$0xa]  }
0xac: {  	s20 =	rddreg [dreg:$0x14];
	[sflag:s6] =	ssyncadd.s32 $0xFFFFFB00  }
0xad: {  	[hbm:s19], [sflag:s11] =	dma.local [spmem:s20], $0x500  }
0xae: {  	_ =	swait.ge [sflag:s6], $0x500  }
0xaf: {  	[sflag:s6] =	ssyncset.done $0x0  }
0xb0: {  	s21 =	rddreg [dreg:$0xb];
	[sflag:s6] =	ssyncadd.s32 $0xFFFFFB00  }
0xb1: {  	[hbm:s21], [sflag:s11] =	dma.local [spmem:s23], $0x500  }
0xb2: {  	_ =	swait.ge [sflag:s6], $0x500  }
0xb3: {  	[sflag:s6] =	ssyncset.done $0x0  }
0xb4: {  	s12 =	sshrl.u32 @p0 s0, $0x3;
	s13 =	rddreg [dreg:$0xf];
	[sflag:s6] =	ssyncadd.s32 $0xFFFFFB00  }
0xb5: {  	[hbm:s13], [sflag:s11] =	dma.local @p0 [spmem:s12], $0x280  }
0xb6: {  	s12 =	simm.s32 @p0 $0x4  }
0xb7: {  	_ =	swait.ge @p0 [sflag:s12], $0x280  }
0xb8: {  	[sflag:s12] =	ssyncset.done @p0 $0x0  }
0xb9: {  	[sflag:s12] =	ssyncadd.s32 @p0 $0xFFFFFD80;
	s12 =	rddreg [dreg:$0xc]  }
0xba: {  	[hbm:s12], [sflag:s11] =	dma.local @!p0 [spmem:s24], $0x500  }
0xbb: {  	s12 =	simm.s32 @!p0 $0x4  }
0xbc: {  	_ =	swait.ge @!p0 [sflag:s12], $0x500  }
0xbd: {  	[sflag:s12] =	ssyncset.done @!p0 $0x0  }
0xbe: {  	s13 =	rddreg [dreg:$0xd];
	[sflag:s12] =	ssyncadd.s32 @!p0 $0xFFFFFB00  }
0xbf: {  	[hbm:s13], [sflag:s11] =	dma.local @!p0 [spmem:s25], $0x480  }
0xc0: {  	_ =	swait.ge @!p0 [sflag:s12], $0x480  }
0xc1: {  	s10 =	sadd.s32 $0x1, s10;
	s22 =	rddreg [dreg:$0x10]  }
0xc2: {  	p1 =	sne.s32 s10, s22  }
.Ltmp2:
0xc3: {  	_ = 	snop;
	(pc) =	sbr.rel @p1 .LBB2_1-.Ltmp2, $3  }
0xc4: {  	_ =	sdelay $0x1  }
0xc5: {  	[sflag:s12] =	ssyncset.done @!p0 $0x0  }
0xc6: {  	s16 =	simm.s32 $0x0;
	[sflag:s12] =	ssyncadd.s32 @!p0 $0xFFFFFB80  }
0xc7: {  	_ =	sfence.sel $0x180000  }
0xc8: {  	[bflag:$0x0] =	sbarrier.arrive $0xFFFF  }
0xc9: {  	_ =	strace $0x90000047  }
0xca: {  	s0 =	stileid.u32;
	[bflag:$0x2] =	sbarrier.arrive $0xFFFF  }
0xcb: {  	p0 =	sne.s32 s0, $0x0;
	s0 =	rddreg [dreg:$0x3]  }
0xcc: {  	s0 =	sadd.s32 @!p0 $0x100000, s0  }
0xcd: {  	[sflag:s0] =	ssyncadd.tile.s32 @!p0 $0x1;
	_ =	shalt  }
.Lfunc_end2:
_tile_overlayer_lowered:
.L_overlay_start_2:
0xce: {  	(tag) =	ssettag $0x2  }
0xcf: {  	s0 =	rddreg [dreg:$0x0];
	s2 =	stileid.u32  }
0xd0: {  	s1 =	rddreg [dreg:$0x1];
	p0 =	sne.s32 s2, $0x0  }
0xd1: {  	s3 =	rddreg [dreg:$0x2];
	[bflag:$0x3] =	sbarrier.arrive $0xFFFF;
	s2 =	simm.s32 @!p0 $0x1C04  }
0xd2: {  	[timem:s3], [sflag:s2] =	dma.local @!p0 [hbm:s0], s1  }
0xd3: {  	s0 =	simm.s32 @!p0 $0x4  }
0xd4: {  	_ =	swait.ge @!p0 [sflag:s0], s1  }
0xd5: {  	s1 =	ssub.s32 @!p0 $0x0, s1;
	[sflag:s0] =	ssyncset.done @!p0 $0x0  }
0xd6: {  	[sflag:s0] =	ssyncadd.s32 @!p0 s1  }
0xd7: {  	[bflag:$0x3] =	sbarrier.arrive $0xFFFF  }
0xd8: {  	_ =	shalt  }

</sc_bundles>
